<compile_context>
chip_gen: v7x
topology: tpu7x:2x2x1
jax: 0.10.2.dev20260603
libtpu: 0.0.44.dev20260713+nightly
codegen_flags: <defaults>
</compile_context>

<pallas_src>
import functools

import jax
import jax.numpy as jnp
from jax import lax
from jax.experimental import pallas as pl
from jax.experimental.pallas import tpu as pltpu
from jax.experimental.pallas import tpu_sc as plsc

N = 10000
E = 160000
D = 256
H = 128
EMBED = 256
C = 128
B = 1024

NC = 2
NS = 16
NW = NC * NS
L = 16

EPT = E // NW
EPT16 = 5008
NVEC = EPT16 // L
K = 128
CSIZE = EPT16 + K
SLOT_N = 10112
TRASH = B
ZROWS = 72
ACC_ROWS = NS * ZROWS
BPT = B // NS


def _sc_aggregate(x, src, dst, nodes, zacc, trash_tab):
    mesh = plsc.VectorSubcoreMesh(core_axis_name="c", subcore_axis_name="s",
                                  num_cores=NC, num_subcores=NS)

    @functools.partial(
        pl.kernel,
        out_type=(
            jax.ShapeDtypeStruct((NC * B, H), jnp.float32),
            jax.ShapeDtypeStruct((NC * B, H), jnp.float32),
            jax.ShapeDtypeStruct((NC * B,), jnp.float32),
            jax.ShapeDtypeStruct((B, D), jnp.float32),
        ),
        mesh=mesh,
        compiler_params=pltpu.CompilerParams(needs_layout_passes=False),
        scratch_types=[
            pltpu.VMEM((SLOT_N,), jnp.int32),
            pltpu.VMEM((B,), jnp.int32),
            pltpu.VMEM((EPT16,), jnp.int32),
            pltpu.VMEM((EPT16,), jnp.int32),
            pltpu.VMEM((CSIZE,), jnp.int32),
            pltpu.VMEM((CSIZE,), jnp.int32),
            pltpu.VMEM((K, H), jnp.float32),
            pltpu.VMEM((K, H), jnp.float32),
            pltpu.VMEM((K, H), jnp.float32),
            pltpu.VMEM((K, H), jnp.float32),
            pltpu.VMEM((BPT,), jnp.int32),
            pltpu.VMEM((BPT,), jnp.int32),
            pltpu.VMEM((BPT,), jnp.int32),
            pltpu.VMEM((K,), jnp.float32),
            pltpu.VMEM((K,), jnp.float32),
            pltpu.VMEM((80,), jnp.float32),
            pltpu.VMEM_SHARED((ACC_ROWS, H), jnp.float32),
            pltpu.VMEM_SHARED((ACC_ROWS, H), jnp.float32),
            pltpu.VMEM_SHARED((ACC_ROWS,), jnp.float32),
            pltpu.SemaphoreType.DMA,
            pltpu.SemaphoreType.DMA,
            pltpu.SemaphoreType.DMA,
            pltpu.SemaphoreType.DMA,
            pltpu.SemaphoreType.DMA,
            pltpu.SemaphoreType.DMA,
            pltpu.SemaphoreType.DMA,
            pltpu.SemaphoreType.DMA,
        ],
    )
    def sc(x_hbm, src_hbm, dst_hbm, nodes_hbm, zacc_hbm, trash_hbm,
           nlo_hbm, nhi_hbm, dpart_hbm, xb_hbm,
           slot_v, nodes_v, dstbuf, srcbuf, csrc, cslot,
           glo0, ghi0, glo1, ghi1,
           eidx, oidx, bidx, onesbuf, degbuf, zbuf,
           acc_lo, acc_hi, deg_sh,
           gsem0, gsem1, slsem, shsem, sdsem, xsem1, xsem2, xsem3):
        cid = lax.axis_index("c")
        sid = lax.axis_index("s")
        gwid = cid * NS + sid
        ebase = gwid * EPT

        iota16 = lax.iota(jnp.int32, L)
        glos = (glo0, glo1)
        ghis = (ghi0, ghi1)
        gsems = (gsem0, gsem1)

        c_zl = pltpu.async_copy(zacc_hbm, acc_lo.at[pl.ds(sid * ZROWS, ZROWS)],
                                xsem1)
        c_zh = pltpu.async_copy(zacc_hbm, acc_hi.at[pl.ds(sid * ZROWS, ZROWS)],
                                xsem2)
        c_st = pltpu.async_copy(trash_hbm, slot_v, xsem3)
        c_nd = pltpu.async_copy(nodes_hbm, nodes_v, gsem0)
        pad_dst = jnp.full((L,), N, jnp.int32)
        dstbuf[pl.ds(EPT16 - L, L)] = pad_dst
        c_ed = pltpu.async_copy(dst_hbm.at[pl.ds(ebase, EPT)],
                                dstbuf.at[pl.ds(0, EPT)], gsem1)
        c_es = pltpu.async_copy(src_hbm.at[pl.ds(ebase, EPT)],
                                srcbuf.at[pl.ds(0, EPT)], slsem)

        zero16 = jnp.zeros((L,), jnp.float32)
        for i in range(80 // L):
            zbuf[pl.ds(i * L, L)] = zero16
        one16 = jnp.ones((L,), jnp.float32)
        for i in range(K // L):
            onesbuf[pl.ds(i * L, L)] = one16
        c_zd = pltpu.async_copy(zbuf.at[pl.ds(0, ZROWS)],
                                deg_sh.at[pl.ds(sid * ZROWS, ZROWS)], shsem)

        c_st.wait()
        c_nd.wait()

        @plsc.parallel_loop(0, B // L, unroll=4)
        def sbuild(i):
            nv = nodes_v[pl.ds(i * L, L)]
            plsc.store_scatter(slot_v, [nv], iota16 + i * L)

        c_zl.wait()
        c_zh.wait()
        c_zd.wait()
        c_ed.wait()
        c_es.wait()

        plsc.subcore_barrier()

        @plsc.parallel_loop(0, NVEC, unroll=4, carry=jnp.int32(0))
        def cpass(i, cnt):
            dv = dstbuf[pl.ds(i * L, L)]
            sv = srcbuf[pl.ds(i * L, L)]
            slotv = plsc.load_gather(slot_v, [dv])
            m = slotv != TRASH
            plsc.store_compressed(csrc.at[pl.ds(cnt, L)], sv, mask=m)
            plsc.store_compressed(cslot.at[pl.ds(cnt, L)], slotv, mask=m)
            pc = plsc.all_reduce_population_count(m)
            return cnt + pc[0]
        count = cpass

        trash16 = jnp.full((L,), TRASH, jnp.int32)
        zero16i = jnp.zeros((L,), jnp.int32)
        for i in range(K // L):
            cslot[pl.ds(count + i * L, L)] = trash16
            csrc[pl.ds(count + i * L, L)] = zero16i

        nchunk = (count + (K - 1)) // K

        def issue_gathers(c, b):
            base = c * K
            gi = csrc.at[pl.ds(base, K)]
            pltpu.async_copy(x_hbm.at[gi, pl.ds(0, H)], glos[b], gsems[b])
            pltpu.async_copy(x_hbm.at[gi, pl.ds(H, H)], ghis[b], gsems[b])

        @pl.when(nchunk > 0)
        def _():
            issue_gathers(0, 0)

        def wait_scatters(c, b):
            si = cslot.at[pl.ds(c * K, K)]
            pltpu.make_async_copy(glos[b], acc_lo.at[si], slsem).wait()
            pltpu.make_async_copy(ghis[b], acc_hi.at[si], shsem).wait()
            pltpu.make_async_copy(onesbuf, deg_sh.at[si], sdsem).wait()

        def outer(jo, _):
            for b in range(2):
                c = jo * 2 + b

                @pl.when(c < nchunk)
                def _():
                    base = c * K
                    gi = csrc.at[pl.ds(base, K)]
                    si = cslot.at[pl.ds(base, K)]
                    pltpu.make_async_copy(x_hbm.at[gi, pl.ds(0, H)], glos[b],
                                          gsems[b]).wait()
                    pltpu.make_async_copy(x_hbm.at[gi, pl.ds(H, H)], ghis[b],
                                          gsems[b]).wait()

                    @pl.when(c >= 1)
                    def _():
                        wait_scatters(c - 1, 1 - b)

                    @pl.when(c + 1 < nchunk)
                    def _():
                        issue_gathers(c + 1, 1 - b)

                    pltpu.async_copy(glos[b], acc_lo.at[si], slsem, add=True)
                    pltpu.async_copy(ghis[b], acc_hi.at[si], shsem, add=True)
                    pltpu.async_copy(onesbuf, deg_sh.at[si], sdsem, add=True)
            return 0
        lax.fori_loop(0, (nchunk + 1) // 2, outer, 0)

        @pl.when(nchunk > 0)
        def _():
            last = nchunk - 1

            @pl.when(last % 2 == 0)
            def _():
                wait_scatters(last, 0)

            @pl.when(last % 2 == 1)
            def _():
                wait_scatters(last, 1)

        plsc.subcore_barrier()

        bbase = sid * BPT
        obase = cid * B + bbase
        for i in range(BPT // L):
            nv = nodes_v[pl.ds(bbase + i * L, L)]
            slotv = plsc.load_gather(slot_v, [nv])
            eidx[pl.ds(i * L, L)] = slotv
            bidx[pl.ds(i * L, L)] = nv
            oidx[pl.ds(i * L, L)] = iota16 + (obase + i * L)
        e1 = pltpu.async_copy(acc_lo.at[eidx], glo0.at[pl.ds(0, BPT)], gsem0)
        e2 = pltpu.async_copy(acc_hi.at[eidx], ghi0.at[pl.ds(0, BPT)], gsem1)
        e3 = pltpu.async_copy(deg_sh.at[eidx], degbuf.at[pl.ds(0, BPT)], sdsem)
        e1.wait()
        w1 = pltpu.async_copy(glo0.at[pl.ds(0, BPT)],
                              nlo_hbm.at[pl.ds(obase, BPT)], xsem1)
        e2.wait()
        w2 = pltpu.async_copy(ghi0.at[pl.ds(0, BPT)],
                              nhi_hbm.at[pl.ds(obase, BPT)], xsem2)
        e3.wait()
        w3 = pltpu.async_copy(degbuf.at[pl.ds(0, BPT)], dpart_hbm.at[oidx],
                              xsem3)

        @pl.when(cid == 0)
        def _():
            x1 = pltpu.async_copy(x_hbm.at[bidx, pl.ds(0, H)],
                                  glo1.at[pl.ds(0, BPT)], slsem)
            x2 = pltpu.async_copy(x_hbm.at[bidx, pl.ds(H, H)],
                                  ghi1.at[pl.ds(0, BPT)], shsem)
            x1.wait()
            w4 = pltpu.async_copy(glo1.at[pl.ds(0, BPT)],
                                  xb_hbm.at[pl.ds(bbase, BPT), pl.ds(0, H)],
                                  slsem)
            x2.wait()
            pltpu.sync_copy(ghi1.at[pl.ds(0, BPT)],
                            xb_hbm.at[pl.ds(bbase, BPT), pl.ds(H, H)])
            w4.wait()

        w1.wait()
        w2.wait()
        w3.wait()

    return sc(x, src, dst, nodes, zacc, trash_tab)


def _tc_body(nlo_ref, nhi_ref, dp_ref, xb_ref, wenc_ref, wcls_ref, out_ref):
    deg = dp_ref[0:B, 0:1] + dp_ref[B:2 * B, 0:1]
    inv = 1.0 / jnp.maximum(deg, 1.0)
    mean_lo = (nlo_ref[0:B, :] + nlo_ref[B:2 * B, :]) * inv
    mean_hi = (nhi_ref[0:B, :] + nhi_ref[B:2 * B, :]) * inv
    w1 = wenc_ref[:, 0:D]
    w2a = wenc_ref[:, D:D + H]
    w2b = wenc_ref[:, D + H:D + 2 * H]
    dn = (((1,), (1,)), ((), ()))
    mm = functools.partial(lax.dot_general, dimension_numbers=dn,
                           precision=lax.Precision.HIGHEST,
                           preferred_element_type=jnp.float32)
    h = mm(xb_ref[...], w1) + mm(mean_lo, w2a) + mm(mean_hi, w2b)
    h = jnp.maximum(h, 0.0)
    out_ref[...] = mm(h, wcls_ref[...])


def kernel(x, edge_index, nodes, W_enc, weight):
    src = edge_index[0]
    dst = edge_index[1]
    zacc = jnp.zeros((ZROWS, H), jnp.float32)
    trash_tab = jnp.full((SLOT_N,), TRASH, jnp.int32)
    nlo, nhi, dpart, xb = _sc_aggregate(x, src, dst, nodes, zacc, trash_tab)
    dpart = dpart.reshape(NC * B, 1)
    scores = pl.pallas_call(
        _tc_body,
        out_shape=jax.ShapeDtypeStruct((B, C), jnp.float32),
    )(nlo, nhi, dpart, xb, W_enc, weight)
    return scores

# --- scband reference (transcript-rebuilt; emitter-appended) ---
"""Pipeline reference for scband-supervised-graph-sage-87471303951131 (READ-ONLY COPY).

The authoritative reference and input builder live on the scoring server;
editing this copy changes nothing except your own understanding.
"""

import jax, jax.numpy as jnp
import numpy as np

N = 10000      # num nodes
E = 160000     # num edges
D = 256        # feature dim
EMBED = 256    # encoder embed dim
C = 128        # num classes
B = 1024       # batch of target nodes


def setup_inputs(seed: int = 0) -> dict:
    key = jax.random.key(seed)
    k1, k2, k3, k4, k5 = jax.random.split(key, 5)
    x = jax.random.normal(k1, (N, D), dtype=jnp.float32)
    edge_index = jax.random.randint(k2, (2, E), 0, N, dtype=jnp.int32)
    nodes = jax.random.randint(k3, (B,), 0, N, dtype=jnp.int32)
    # Encoder weight: projects concat(self_feat, neigh_mean) [2D] -> embed_dim, xavier-ish init
    W_enc = jax.random.normal(k4, (EMBED, 2 * D), dtype=jnp.float32) * np.sqrt(2.0 / (EMBED + 2 * D))
    # Classifier weight: [num_classes, embed_dim], xavier uniform-ish
    weight = jax.random.normal(k5, (C, EMBED), dtype=jnp.float32) * np.sqrt(2.0 / (C + EMBED))
    return {"x": x, "edge_index": edge_index, "nodes": nodes, "W_enc": W_enc, "weight": weight}


def reference(x, edge_index, nodes, W_enc, weight):
    # --- enc(nodes): GraphSAGE mean-aggregator encoder ---
    src = edge_index[0]
    dst = edge_index[1]
    # mean of neighbor features per destination node (gather + scatter-add)
    neigh_sum = jax.ops.segment_sum(x[src], dst, num_segments=N)
    deg = jax.ops.segment_sum(jnp.ones((E,), dtype=x.dtype), dst, num_segments=N)
    neigh_mean = neigh_sum / jnp.maximum(deg, 1.0)[:, None]
    # concat self features with aggregated neighbor features for the batch nodes
    combined = jnp.concatenate([x[nodes], neigh_mean[nodes]], axis=1)  # [B, 2D]
    embeds = jax.nn.relu(W_enc @ combined.T)  # [EMBED, B]
    # --- SupervisedGraphSage.forward ---
    scores = weight @ embeds  # [C, B]
    return scores.T  # [B, C]

if __name__ == "__main__":
    import jax
    _d = setup_inputs()
    print(jax.jit(kernel)(*tuple(_d.values())))

</pallas_src>

<mosaic_0001>
#map = affine_map<(d0, d1) -> (0, 0)>
#map1 = affine_map<(d0, d1) -> (0)>
module attributes {stable_mosaic.version = 14 : i64} {
  func.func @sc(%arg0: i32, %arg1: i32, %arg2: memref<10000x256xf32, #tpu.memory_space<hbm>>, %arg3: memref<160000xi32, #tpu.memory_space<hbm>>, %arg4: memref<160000xi32, #tpu.memory_space<hbm>>, %arg5: memref<1024xi32, #tpu.memory_space<hbm>>, %arg6: memref<72x128xf32, #tpu.memory_space<hbm>>, %arg7: memref<10112xi32, #tpu.memory_space<hbm>>, %arg8: memref<2048x128xf32, #tpu.memory_space<hbm>>, %arg9: memref<2048x128xf32, #tpu.memory_space<hbm>>, %arg10: memref<2048xf32, #tpu.memory_space<hbm>>, %arg11: memref<1024x256xf32, #tpu.memory_space<hbm>>, %arg12: memref<10112xi32, #tpu.memory_space<vmem>>, %arg13: memref<1024xi32, #tpu.memory_space<vmem>>, %arg14: memref<5008xi32, #tpu.memory_space<vmem>>, %arg15: memref<5008xi32, #tpu.memory_space<vmem>>, %arg16: memref<5136xi32, #tpu.memory_space<vmem>>, %arg17: memref<5136xi32, #tpu.memory_space<vmem>>, %arg18: memref<128x128xf32, #tpu.memory_space<vmem>>, %arg19: memref<128x128xf32, #tpu.memory_space<vmem>>, %arg20: memref<128x128xf32, #tpu.memory_space<vmem>>, %arg21: memref<128x128xf32, #tpu.memory_space<vmem>>, %arg22: memref<64xi32, #tpu.memory_space<vmem>>, %arg23: memref<64xi32, #tpu.memory_space<vmem>>, %arg24: memref<64xi32, #tpu.memory_space<vmem>>, %arg25: memref<128xf32, #tpu.memory_space<vmem>>, %arg26: memref<128xf32, #tpu.memory_space<vmem>>, %arg27: memref<80xf32, #tpu.memory_space<vmem>>, %arg28: memref<1152x128xf32, #tpu.memory_space<vmem_shared>>, %arg29: memref<1152x128xf32, #tpu.memory_space<vmem_shared>>, %arg30: memref<1152xf32, #tpu.memory_space<vmem_shared>>, %arg31: memref<!tpu.dma_semaphore, #tpu.memory_space<semaphore_mem>>, %arg32: memref<!tpu.dma_semaphore, #tpu.memory_space<semaphore_mem>>, %arg33: memref<!tpu.dma_semaphore, #tpu.memory_space<semaphore_mem>>, %arg34: memref<!tpu.dma_semaphore, #tpu.memory_space<semaphore_mem>>, %arg35: memref<!tpu.dma_semaphore, #tpu.memory_space<semaphore_mem>>, %arg36: memref<!tpu.dma_semaphore, #tpu.memory_space<semaphore_mem>>, %arg37: memref<!tpu.dma_semaphore, #tpu.memory_space<semaphore_mem>>, %arg38: memref<!tpu.dma_semaphore, #tpu.memory_space<semaphore_mem>>) attributes {dimension_semantics = [#tpu.dimension_semantics<core_parallel>, #tpu.dimension_semantics<subcore_parallel>], iteration_bounds = array<i64: 2, 16>, scalar_prefetch = 0 : i64, scratch_operands = 27 : i64, tpu.core_type = #tpu.core_type<sc_vector_subcore>, window_params = [{transform_indices = #map}, {transform_indices = #map1}, {transform_indices = #map1}, {transform_indices = #map1}, {transform_indices = #map}, {transform_indices = #map1}, {transform_indices = #map}, {transform_indices = #map}, {transform_indices = #map1}, {transform_indices = #map}]} {
    %mul3A = arith.constant 16 : i32
    %mul3A_0 = arith.muli %arg0, %mul3A : i32
    %add3A = arith.addi %mul3A_0, %arg1 : i32
    %mul3A_1 = arith.constant 5000 : i32
    %mul3A_2 = arith.muli %add3A, %mul3A_1 : i32
    %iota3A = tpu.iota {dimensions = array<i32: 0>} : vector<16xi32>
    %mul3A_3 = arith.constant 72 : i32
    %mul3A_4 = arith.muli %arg1, %mul3A_3 : i32
    %dma_start3A = arith.constant 0 : i32
    %dma_start3A_5 = tpu.memref_slice %arg28[%mul3A_4, %dma_start3A] : memref<1152x128xf32, #tpu.memory_space<vmem_shared>> -> memref<72x128xf32, #tpu.memory_space<vmem_shared>>
    tpu.enqueue_dma source(%arg6 : memref<72x128xf32, #tpu.memory_space<hbm>>) target(%dma_start3A_5 : memref<72x128xf32, #tpu.memory_space<vmem_shared>>) target_semaphore(%arg36 : memref<!tpu.dma_semaphore, #tpu.memory_space<semaphore_mem>>)
    %mul3A_6 = arith.constant 72 : i32
    %mul3A_7 = arith.muli %arg1, %mul3A_6 : i32
    %dma_start3A_8 = arith.constant 0 : i32
    %dma_start3A_9 = tpu.memref_slice %arg29[%mul3A_7, %dma_start3A_8] : memref<1152x128xf32, #tpu.memory_space<vmem_shared>> -> memref<72x128xf32, #tpu.memory_space<vmem_shared>>
    tpu.enqueue_dma source(%arg6 : memref<72x128xf32, #tpu.memory_space<hbm>>) target(%dma_start3A_9 : memref<72x128xf32, #tpu.memory_space<vmem_shared>>) target_semaphore(%arg37 : memref<!tpu.dma_semaphore, #tpu.memory_space<semaphore_mem>>)
    tpu.enqueue_dma source(%arg7 : memref<10112xi32, #tpu.memory_space<hbm>>) target(%arg12 : memref<10112xi32, #tpu.memory_space<vmem>>) target_semaphore(%arg38 : memref<!tpu.dma_semaphore, #tpu.memory_space<semaphore_mem>>)
    tpu.enqueue_dma source(%arg5 : memref<1024xi32, #tpu.memory_space<hbm>>) target(%arg13 : memref<1024xi32, #tpu.memory_space<vmem>>) target_semaphore(%arg31 : memref<!tpu.dma_semaphore, #tpu.memory_space<semaphore_mem>>)
    %broadcast_in_dim3A = arith.constant 10000 : i32
    %broadcast_in_dim3A_10 = vector.broadcast %broadcast_in_dim3A : i32 to vector<16xi32>
    %swap3A = arith.constant 4992 : index
    %swap3A_11 = tpu.vector_load %arg14[%swap3A] {strides = array<i32>} : memref<5008xi32, #tpu.memory_space<vmem>>, vector<16xi32>,
    tpu.vector_store %arg14[%swap3A], %broadcast_in_dim3A_10 {strides = array<i32>} : memref<5008xi32, #tpu.memory_space<vmem>>, vector<16xi32>,
    %dma_start3A_12 = arith.constant 0 : i32
    %dma_start3A_13 = tpu.memref_slice %arg14[%dma_start3A_12] : memref<5008xi32, #tpu.memory_space<vmem>> -> memref<5000xi32, #tpu.memory_space<vmem>>
    %dma_start3A_14 = tpu.memref_slice %arg4[%mul3A_2] : memref<160000xi32, #tpu.memory_space<hbm>> -> memref<5000xi32, #tpu.memory_space<hbm>>
    %dma_start3A_15 = arith.constant 0 : i32
    %dma_start3A_16 = tpu.memref_slice %arg14[%dma_start3A_15] : memref<5008xi32, #tpu.memory_space<vmem>> -> memref<5000xi32, #tpu.memory_space<vmem>>
    %dma_start3A_17 = tpu.memref_slice %arg4[%mul3A_2] : memref<160000xi32, #tpu.memory_space<hbm>> -> memref<5000xi32, #tpu.memory_space<hbm>>
    tpu.enqueue_dma source(%dma_start3A_17 : memref<5000xi32, #tpu.memory_space<hbm>>) target(%dma_start3A_16 : memref<5000xi32, #tpu.memory_space<vmem>>) target_semaphore(%arg32 : memref<!tpu.dma_semaphore, #tpu.memory_space<semaphore_mem>>)
    %dma_start3A_18 = arith.constant 0 : i32
    %dma_start3A_19 = tpu.memref_slice %arg15[%dma_start3A_18] : memref<5008xi32, #tpu.memory_space<vmem>> -> memref<5000xi32, #tpu.memory_space<vmem>>
    %dma_start3A_20 = tpu.memref_slice %arg3[%mul3A_2] : memref<160000xi32, #tpu.memory_space<hbm>> -> memref<5000xi32, #tpu.memory_space<hbm>>
    %dma_start3A_21 = arith.constant 0 : i32
    %dma_start3A_22 = tpu.memref_slice %arg15[%dma_start3A_21] : memref<5008xi32, #tpu.memory_space<vmem>> -> memref<5000xi32, #tpu.memory_space<vmem>>
    %dma_start3A_23 = tpu.memref_slice %arg3[%mul3A_2] : memref<160000xi32, #tpu.memory_space<hbm>> -> memref<5000xi32, #tpu.memory_space<hbm>>
    tpu.enqueue_dma source(%dma_start3A_23 : memref<5000xi32, #tpu.memory_space<hbm>>) target(%dma_start3A_22 : memref<5000xi32, #tpu.memory_space<vmem>>) target_semaphore(%arg33 : memref<!tpu.dma_semaphore, #tpu.memory_space<semaphore_mem>>)
    %broadcast_in_dim3A_24 = arith.constant 0.000000e+00 : f32
    %broadcast_in_dim3A_25 = vector.broadcast %broadcast_in_dim3A_24 : f32 to vector<16xf32>
    %swap3A_26 = arith.constant 0 : index
    %swap3A_27 = tpu.vector_load %arg27[%swap3A_26] {strides = array<i32>} : memref<80xf32, #tpu.memory_space<vmem>>, vector<16xf32>,
    tpu.vector_store %arg27[%swap3A_26], %broadcast_in_dim3A_25 {strides = array<i32>} : memref<80xf32, #tpu.memory_space<vmem>>, vector<16xf32>,
    %swap3A_28 = arith.constant 16 : index
    %swap3A_29 = tpu.vector_load %arg27[%swap3A_28] {strides = array<i32>} : memref<80xf32, #tpu.memory_space<vmem>>, vector<16xf32>,
    tpu.vector_store %arg27[%swap3A_28], %broadcast_in_dim3A_25 {strides = array<i32>} : memref<80xf32, #tpu.memory_space<vmem>>, vector<16xf32>,
    %swap3A_30 = arith.constant 32 : index
    %swap3A_31 = tpu.vector_load %arg27[%swap3A_30] {strides = array<i32>} : memref<80xf32, #tpu.memory_space<vmem>>, vector<16xf32>,
    tpu.vector_store %arg27[%swap3A_30], %broadcast_in_dim3A_25 {strides = array<i32>} : memref<80xf32, #tpu.memory_space<vmem>>, vector<16xf32>,
    %swap3A_32 = arith.constant 48 : index
    %swap3A_33 = tpu.vector_load %arg27[%swap3A_32] {strides = array<i32>} : memref<80xf32, #tpu.memory_space<vmem>>, vector<16xf32>,
    tpu.vector_store %arg27[%swap3A_32], %broadcast_in_dim3A_25 {strides = array<i32>} : memref<80xf32, #tpu.memory_space<vmem>>, vector<16xf32>,
    %swap3A_34 = arith.constant 64 : index
    %swap3A_35 = tpu.vector_load %arg27[%swap3A_34] {strides = array<i32>} : memref<80xf32, #tpu.memory_space<vmem>>, vector<16xf32>,
    tpu.vector_store %arg27[%swap3A_34], %broadcast_in_dim3A_25 {strides = array<i32>} : memref<80xf32, #tpu.memory_space<vmem>>, vector<16xf32>,
    %broadcast_in_dim3A_36 = arith.constant 1.000000e+00 : f32
    %broadcast_in_dim3A_37 = vector.broadcast %broadcast_in_dim3A_36 : f32 to vector<16xf32>
    %swap3A_38 = arith.constant 0 : index
    %swap3A_39 = tpu.vector_load %arg25[%swap3A_38] {strides = array<i32>} : memref<128xf32, #tpu.memory_space<vmem>>, vector<16xf32>,
    tpu.vector_store %arg25[%swap3A_38], %broadcast_in_dim3A_37 {strides = array<i32>} : memref<128xf32, #tpu.memory_space<vmem>>, vector<16xf32>,
    %swap3A_40 = arith.constant 16 : index
    %swap3A_41 = tpu.vector_load %arg25[%swap3A_40] {strides = array<i32>} : memref<128xf32, #tpu.memory_space<vmem>>, vector<16xf32>,
    tpu.vector_store %arg25[%swap3A_40], %broadcast_in_dim3A_37 {strides = array<i32>} : memref<128xf32, #tpu.memory_space<vmem>>, vector<16xf32>,
    %swap3A_42 = arith.constant 32 : index
    %swap3A_43 = tpu.vector_load %arg25[%swap3A_42] {strides = array<i32>} : memref<128xf32, #tpu.memory_space<vmem>>, vector<16xf32>,
    tpu.vector_store %arg25[%swap3A_42], %broadcast_in_dim3A_37 {strides = array<i32>} : memref<128xf32, #tpu.memory_space<vmem>>, vector<16xf32>,
    %swap3A_44 = arith.constant 48 : index
    %swap3A_45 = tpu.vector_load %arg25[%swap3A_44] {strides = array<i32>} : memref<128xf32, #tpu.memory_space<vmem>>, vector<16xf32>,
    tpu.vector_store %arg25[%swap3A_44], %broadcast_in_dim3A_37 {strides = array<i32>} : memref<128xf32, #tpu.memory_space<vmem>>, vector<16xf32>,
    %swap3A_46 = arith.constant 64 : index
    %swap3A_47 = tpu.vector_load %arg25[%swap3A_46] {strides = array<i32>} : memref<128xf32, #tpu.memory_space<vmem>>, vector<16xf32>,
    tpu.vector_store %arg25[%swap3A_46], %broadcast_in_dim3A_37 {strides = array<i32>} : memref<128xf32, #tpu.memory_space<vmem>>, vector<16xf32>,
    %swap3A_48 = arith.constant 80 : index
    %swap3A_49 = tpu.vector_load %arg25[%swap3A_48] {strides = array<i32>} : memref<128xf32, #tpu.memory_space<vmem>>, vector<16xf32>,
    tpu.vector_store %arg25[%swap3A_48], %broadcast_in_dim3A_37 {strides = array<i32>} : memref<128xf32, #tpu.memory_space<vmem>>, vector<16xf32>,
    %swap3A_50 = arith.constant 96 : index
    %swap3A_51 = tpu.vector_load %arg25[%swap3A_50] {strides = array<i32>} : memref<128xf32, #tpu.memory_space<vmem>>, vector<16xf32>,
    tpu.vector_store %arg25[%swap3A_50], %broadcast_in_dim3A_37 {strides = array<i32>} : memref<128xf32, #tpu.memory_space<vmem>>, vector<16xf32>,
    %swap3A_52 = arith.constant 112 : index
    %swap3A_53 = tpu.vector_load %arg25[%swap3A_52] {strides = array<i32>} : memref<128xf32, #tpu.memory_space<vmem>>, vector<16xf32>,
    tpu.vector_store %arg25[%swap3A_52], %broadcast_in_dim3A_37 {strides = array<i32>} : memref<128xf32, #tpu.memory_space<vmem>>, vector<16xf32>,
    %mul3A_54 = arith.constant 72 : i32
    %mul3A_55 = arith.muli %arg1, %mul3A_54 : i32
    %dma_start3A_56 = arith.constant 0 : i32
    %dma_start3A_57 = tpu.memref_slice %arg27[%dma_start3A_56] : memref<80xf32, #tpu.memory_space<vmem>> -> memref<72xf32, #tpu.memory_space<vmem>>
    %dma_start3A_58 = tpu.memref_slice %arg30[%mul3A_55] : memref<1152xf32, #tpu.memory_space<vmem_shared>> -> memref<72xf32, #tpu.memory_space<vmem_shared>>
    %dma_start3A_59 = tpu.memref_slice %arg30[%mul3A_55] : memref<1152xf32, #tpu.memory_space<vmem_shared>> -> memref<72xf32, #tpu.memory_space<vmem_shared>>
    %dma_start3A_60 = arith.constant 0 : i32
    %dma_start3A_61 = tpu.memref_slice %arg27[%dma_start3A_60] : memref<80xf32, #tpu.memory_space<vmem>> -> memref<72xf32, #tpu.memory_space<vmem>>
    tpu.enqueue_dma source(%dma_start3A_61 : memref<72xf32, #tpu.memory_space<vmem>>) target(%dma_start3A_59 : memref<72xf32, #tpu.memory_space<vmem_shared>>) target_semaphore(%arg34 : memref<!tpu.dma_semaphore, #tpu.memory_space<semaphore_mem>>)
    tpu.wait_dma2 semaphore(%arg38 : memref<!tpu.dma_semaphore, #tpu.memory_space<semaphore_mem>>) src(%arg7 : memref<10112xi32, #tpu.memory_space<hbm>>) dst(%arg12 : memref<10112xi32, #tpu.memory_space<vmem>>)
    tpu.wait_dma2 semaphore(%arg31 : memref<!tpu.dma_semaphore, #tpu.memory_space<semaphore_mem>>) src(%arg5 : memref<1024xi32, #tpu.memory_space<hbm>>) dst(%arg13 : memref<1024xi32, #tpu.memory_space<vmem>>)
    %parallel_loop3A = arith.constant 0 : i32
    %parallel_loop3A_62 = arith.constant 64 : i32
    %parallel_loop3A_63 = arith.constant 1 : i32
    scf.for %parallel_loop3A_368 = %parallel_loop3A to %parallel_loop3A_62 step %parallel_loop3A_63  : i32 {
      %parallel_loop3A_369 = arith.constant 16 : i32
      %parallel_loop3A_370 = arith.muli %parallel_loop3A_368, %parallel_loop3A_369 : i32
      %parallel_loop3A_371 = arith.index_cast %parallel_loop3A_370 : i32 to index
      %parallel_loop3A_372 = tpu.vector_load %arg13[%parallel_loop3A_371] {strides = array<i32>} : memref<1024xi32, #tpu.memory_space<vmem>>, vector<16xi32>,
      %parallel_loop3A_373 = arith.constant 16 : i32
      %parallel_loop3A_374 = arith.muli %parallel_loop3A_368, %parallel_loop3A_373 : i32
      %parallel_loop3A_375 = vector.broadcast %parallel_loop3A_374 : i32 to vector<16xi32>
      %parallel_loop3A_376 = arith.addi %iota3A, %parallel_loop3A_375 : vector<16xi32>
      tpu.vector_store_idx %arg12[%parallel_loop3A_372], %parallel_loop3A_376 : memref<10112xi32, #tpu.memory_space<vmem>>[vector<16xi32>], vector<16xi32>,
    } {sc.loop_unroll_factor = 4 : i64, sc.parallel_access}
    %dma_wait3A = arith.constant 0 : i32
    %dma_wait3A_64 = tpu.memref_slice %arg28[%mul3A_4, %dma_wait3A] : memref<1152x128xf32, #tpu.memory_space<vmem_shared>> -> memref<72x128xf32, #tpu.memory_space<vmem_shared>>
    tpu.wait_dma2 semaphore(%arg36 : memref<!tpu.dma_semaphore, #tpu.memory_space<semaphore_mem>>) src(%arg6 : memref<72x128xf32, #tpu.memory_space<hbm>>) dst(%dma_wait3A_64 : memref<72x128xf32, #tpu.memory_space<vmem_shared>>)
    %dma_wait3A_65 = arith.constant 0 : i32
    %dma_wait3A_66 = tpu.memref_slice %arg29[%mul3A_7, %dma_wait3A_65] : memref<1152x128xf32, #tpu.memory_space<vmem_shared>> -> memref<72x128xf32, #tpu.memory_space<vmem_shared>>
    tpu.wait_dma2 semaphore(%arg37 : memref<!tpu.dma_semaphore, #tpu.memory_space<semaphore_mem>>) src(%arg6 : memref<72x128xf32, #tpu.memory_space<hbm>>) dst(%dma_wait3A_66 : memref<72x128xf32, #tpu.memory_space<vmem_shared>>)
    %dma_wait3A_67 = arith.constant 0 : i32
    %dma_wait3A_68 = tpu.memref_slice %arg27[%dma_wait3A_67] : memref<80xf32, #tpu.memory_space<vmem>> -> memref<72xf32, #tpu.memory_space<vmem>>
    %dma_wait3A_69 = tpu.memref_slice %arg30[%mul3A_55] : memref<1152xf32, #tpu.memory_space<vmem_shared>> -> memref<72xf32, #tpu.memory_space<vmem_shared>>
    %dma_wait3A_70 = tpu.memref_slice %arg30[%mul3A_55] : memref<1152xf32, #tpu.memory_space<vmem_shared>> -> memref<72xf32, #tpu.memory_space<vmem_shared>>
    %dma_wait3A_71 = arith.constant 0 : i32
    %dma_wait3A_72 = tpu.memref_slice %arg27[%dma_wait3A_71] : memref<80xf32, #tpu.memory_space<vmem>> -> memref<72xf32, #tpu.memory_space<vmem>>
    tpu.wait_dma2 semaphore(%arg34 : memref<!tpu.dma_semaphore, #tpu.memory_space<semaphore_mem>>) src(%dma_wait3A_72 : memref<72xf32, #tpu.memory_space<vmem>>) dst(%dma_wait3A_70 : memref<72xf32, #tpu.memory_space<vmem_shared>>)
    %dma_wait3A_73 = arith.constant 0 : i32
    %dma_wait3A_74 = tpu.memref_slice %arg14[%dma_wait3A_73] : memref<5008xi32, #tpu.memory_space<vmem>> -> memref<5000xi32, #tpu.memory_space<vmem>>
    %dma_wait3A_75 = tpu.memref_slice %arg4[%mul3A_2] : memref<160000xi32, #tpu.memory_space<hbm>> -> memref<5000xi32, #tpu.memory_space<hbm>>
    %dma_wait3A_76 = arith.constant 0 : i32
    %dma_wait3A_77 = tpu.memref_slice %arg14[%dma_wait3A_76] : memref<5008xi32, #tpu.memory_space<vmem>> -> memref<5000xi32, #tpu.memory_space<vmem>>
    %dma_wait3A_78 = tpu.memref_slice %arg4[%mul3A_2] : memref<160000xi32, #tpu.memory_space<hbm>> -> memref<5000xi32, #tpu.memory_space<hbm>>
    tpu.wait_dma2 semaphore(%arg32 : memref<!tpu.dma_semaphore, #tpu.memory_space<semaphore_mem>>) src(%dma_wait3A_78 : memref<5000xi32, #tpu.memory_space<hbm>>) dst(%dma_wait3A_77 : memref<5000xi32, #tpu.memory_space<vmem>>)
    %dma_wait3A_79 = arith.constant 0 : i32
    %dma_wait3A_80 = tpu.memref_slice %arg15[%dma_wait3A_79] : memref<5008xi32, #tpu.memory_space<vmem>> -> memref<5000xi32, #tpu.memory_space<vmem>>
    %dma_wait3A_81 = tpu.memref_slice %arg3[%mul3A_2] : memref<160000xi32, #tpu.memory_space<hbm>> -> memref<5000xi32, #tpu.memory_space<hbm>>
    %dma_wait3A_82 = arith.constant 0 : i32
    %dma_wait3A_83 = tpu.memref_slice %arg15[%dma_wait3A_82] : memref<5008xi32, #tpu.memory_space<vmem>> -> memref<5000xi32, #tpu.memory_space<vmem>>
    %dma_wait3A_84 = tpu.memref_slice %arg3[%mul3A_2] : memref<160000xi32, #tpu.memory_space<hbm>> -> memref<5000xi32, #tpu.memory_space<hbm>>
    tpu.wait_dma2 semaphore(%arg33 : memref<!tpu.dma_semaphore, #tpu.memory_space<semaphore_mem>>) src(%dma_wait3A_84 : memref<5000xi32, #tpu.memory_space<hbm>>) dst(%dma_wait3A_83 : memref<5000xi32, #tpu.memory_space<vmem>>)
    %barrier3A = arith.constant 0 : index
    tpu.barrier barrier_id(%barrier3A)
    %parallel_loop3A_85 = arith.constant 0 : i32
    %parallel_loop3A_86 = arith.constant 313 : i32
    %parallel_loop3A_87 = arith.constant 1 : i32
    %parallel_loop3A_88 = arith.constant 0 : i32
    %parallel_loop3A_89 = scf.for %parallel_loop3A_368 = %parallel_loop3A_85 to %parallel_loop3A_86 step %parallel_loop3A_87 iter_args(%parallel_loop3A_369 = %parallel_loop3A_88) -> (i32)  : i32 {
      %parallel_loop3A_370 = arith.constant 16 : i32
      %parallel_loop3A_371 = arith.muli %parallel_loop3A_368, %parallel_loop3A_370 : i32
      %parallel_loop3A_372 = arith.index_cast %parallel_loop3A_371 : i32 to index
      %parallel_loop3A_373 = tpu.vector_load %arg14[%parallel_loop3A_372] {strides = array<i32>} : memref<5008xi32, #tpu.memory_space<vmem>>, vector<16xi32>,
      %parallel_loop3A_374 = arith.constant 16 : i32
      %parallel_loop3A_375 = arith.muli %parallel_loop3A_368, %parallel_loop3A_374 : i32
      %parallel_loop3A_376 = arith.index_cast %parallel_loop3A_375 : i32 to index
      %parallel_loop3A_377 = tpu.vector_load %arg15[%parallel_loop3A_376] {strides = array<i32>} : memref<5008xi32, #tpu.memory_space<vmem>>, vector<16xi32>,
      %parallel_loop3A_378 = tpu.vector_load_idx %arg12[%parallel_loop3A_373] : memref<10112xi32, #tpu.memory_space<vmem>>[vector<16xi32>], vector<16xi32>,
      %parallel_loop3A_379 = arith.constant 1024 : i32
      %parallel_loop3A_380 = vector.broadcast %parallel_loop3A_379 : i32 to vector<16xi32>
      %parallel_loop3A_381 = arith.cmpi ne, %parallel_loop3A_378, %parallel_loop3A_380 : vector<16xi32>
      %parallel_loop3A_382 = arith.index_cast %parallel_loop3A_369 : i32 to index
      %parallel_loop3A_383 = tpu.vector_load %arg16[%parallel_loop3A_382] masked %parallel_loop3A_381 {strides = array<i32>} : memref<5136xi32, #tpu.memory_space<vmem>>, vector<16xi32>, vector<16xi1>
      tpu.vector_store %arg16[%parallel_loop3A_382], %parallel_loop3A_377 masked %parallel_loop3A_381 {strides = array<i32>} : memref<5136xi32, #tpu.memory_space<vmem>>, vector<16xi32>, vector<16xi1>
      %parallel_loop3A_384 = arith.index_cast %parallel_loop3A_369 : i32 to index
      %parallel_loop3A_385 = tpu.vector_load %arg17[%parallel_loop3A_384] masked %parallel_loop3A_381 {strides = array<i32>} : memref<5136xi32, #tpu.memory_space<vmem>>, vector<16xi32>, vector<16xi1>
      tpu.vector_store %arg17[%parallel_loop3A_384], %parallel_loop3A_378 masked %parallel_loop3A_381 {strides = array<i32>} : memref<5136xi32, #tpu.memory_space<vmem>>, vector<16xi32>, vector<16xi1>
      %parallel_loop3A_386 = tpu.all_reduce %parallel_loop3A_381 {dim = 0 : i64, kind = #tpu.reduction_kind<sum>} : vector<16xi1> -> vector<16xi32>
      %parallel_loop3A_387 = vector.extract_strided_slice %parallel_loop3A_386 {offsets = [0], sizes = [1], strides = [1]} : vector<16xi32> to vector<1xi32>
      %parallel_loop3A_388 = vector.extract %parallel_loop3A_387[0] : i32 from vector<1xi32>
      %parallel_loop3A_389 = arith.addi %parallel_loop3A_369, %parallel_loop3A_388 : i32
      scf.yield %parallel_loop3A_389 : i32
    } {sc.loop_unroll_factor = 4 : i64, sc.parallel_access}
    %broadcast_in_dim3A_90 = arith.constant 1024 : i32
    %broadcast_in_dim3A_91 = vector.broadcast %broadcast_in_dim3A_90 : i32 to vector<16xi32>
    %broadcast_in_dim3A_92 = arith.constant 0 : i32
    %broadcast_in_dim3A_93 = vector.broadcast %broadcast_in_dim3A_92 : i32 to vector<16xi32>
    %add3A_94 = arith.constant 0 : i32
    %add3A_95 = arith.addi %parallel_loop3A_89, %add3A_94 : i32
    %swap3A_96 = arith.index_cast %add3A_95 : i32 to index
    %swap3A_97 = tpu.vector_load %arg17[%swap3A_96] {strides = array<i32>} : memref<5136xi32, #tpu.memory_space<vmem>>, vector<16xi32>,
    tpu.vector_store %arg17[%swap3A_96], %broadcast_in_dim3A_91 {strides = array<i32>} : memref<5136xi32, #tpu.memory_space<vmem>>, vector<16xi32>,
    %add3A_98 = arith.constant 0 : i32
    %add3A_99 = arith.addi %parallel_loop3A_89, %add3A_98 : i32
    %swap3A_100 = arith.index_cast %add3A_99 : i32 to index
    %swap3A_101 = tpu.vector_load %arg16[%swap3A_100] {strides = array<i32>} : memref<5136xi32, #tpu.memory_space<vmem>>, vector<16xi32>,
    tpu.vector_store %arg16[%swap3A_100], %broadcast_in_dim3A_93 {strides = array<i32>} : memref<5136xi32, #tpu.memory_space<vmem>>, vector<16xi32>,
    %add3A_102 = arith.constant 16 : i32
    %add3A_103 = arith.addi %parallel_loop3A_89, %add3A_102 : i32
    %swap3A_104 = arith.index_cast %add3A_103 : i32 to index
    %swap3A_105 = tpu.vector_load %arg17[%swap3A_104] {strides = array<i32>} : memref<5136xi32, #tpu.memory_space<vmem>>, vector<16xi32>,
    tpu.vector_store %arg17[%swap3A_104], %broadcast_in_dim3A_91 {strides = array<i32>} : memref<5136xi32, #tpu.memory_space<vmem>>, vector<16xi32>,
    %add3A_106 = arith.constant 16 : i32
    %add3A_107 = arith.addi %parallel_loop3A_89, %add3A_106 : i32
    %swap3A_108 = arith.index_cast %add3A_107 : i32 to index
    %swap3A_109 = tpu.vector_load %arg16[%swap3A_108] {strides = array<i32>} : memref<5136xi32, #tpu.memory_space<vmem>>, vector<16xi32>,
    tpu.vector_store %arg16[%swap3A_108], %broadcast_in_dim3A_93 {strides = array<i32>} : memref<5136xi32, #tpu.memory_space<vmem>>, vector<16xi32>,
    %add3A_110 = arith.constant 32 : i32
    %add3A_111 = arith.addi %parallel_loop3A_89, %add3A_110 : i32
    %swap3A_112 = arith.index_cast %add3A_111 : i32 to index
    %swap3A_113 = tpu.vector_load %arg17[%swap3A_112] {strides = array<i32>} : memref<5136xi32, #tpu.memory_space<vmem>>, vector<16xi32>,
    tpu.vector_store %arg17[%swap3A_112], %broadcast_in_dim3A_91 {strides = array<i32>} : memref<5136xi32, #tpu.memory_space<vmem>>, vector<16xi32>,
    %add3A_114 = arith.constant 32 : i32
    %add3A_115 = arith.addi %parallel_loop3A_89, %add3A_114 : i32
    %swap3A_116 = arith.index_cast %add3A_115 : i32 to index
    %swap3A_117 = tpu.vector_load %arg16[%swap3A_116] {strides = array<i32>} : memref<5136xi32, #tpu.memory_space<vmem>>, vector<16xi32>,
    tpu.vector_store %arg16[%swap3A_116], %broadcast_in_dim3A_93 {strides = array<i32>} : memref<5136xi32, #tpu.memory_space<vmem>>, vector<16xi32>,
    %add3A_118 = arith.constant 48 : i32
    %add3A_119 = arith.addi %parallel_loop3A_89, %add3A_118 : i32
    %swap3A_120 = arith.index_cast %add3A_119 : i32 to index
    %swap3A_121 = tpu.vector_load %arg17[%swap3A_120] {strides = array<i32>} : memref<5136xi32, #tpu.memory_space<vmem>>, vector<16xi32>,
    tpu.vector_store %arg17[%swap3A_120], %broadcast_in_dim3A_91 {strides = array<i32>} : memref<5136xi32, #tpu.memory_space<vmem>>, vector<16xi32>,
    %add3A_122 = arith.constant 48 : i32
    %add3A_123 = arith.addi %parallel_loop3A_89, %add3A_122 : i32
    %swap3A_124 = arith.index_cast %add3A_123 : i32 to index
    %swap3A_125 = tpu.vector_load %arg16[%swap3A_124] {strides = array<i32>} : memref<5136xi32, #tpu.memory_space<vmem>>, vector<16xi32>,
    tpu.vector_store %arg16[%swap3A_124], %broadcast_in_dim3A_93 {strides = array<i32>} : memref<5136xi32, #tpu.memory_space<vmem>>, vector<16xi32>,
    %add3A_126 = arith.constant 64 : i32
    %add3A_127 = arith.addi %parallel_loop3A_89, %add3A_126 : i32
    %swap3A_128 = arith.index_cast %add3A_127 : i32 to index
    %swap3A_129 = tpu.vector_load %arg17[%swap3A_128] {strides = array<i32>} : memref<5136xi32, #tpu.memory_space<vmem>>, vector<16xi32>,
    tpu.vector_store %arg17[%swap3A_128], %broadcast_in_dim3A_91 {strides = array<i32>} : memref<5136xi32, #tpu.memory_space<vmem>>, vector<16xi32>,
    %add3A_130 = arith.constant 64 : i32
    %add3A_131 = arith.addi %parallel_loop3A_89, %add3A_130 : i32
    %swap3A_132 = arith.index_cast %add3A_131 : i32 to index
    %swap3A_133 = tpu.vector_load %arg16[%swap3A_132] {strides = array<i32>} : memref<5136xi32, #tpu.memory_space<vmem>>, vector<16xi32>,
    tpu.vector_store %arg16[%swap3A_132], %broadcast_in_dim3A_93 {strides = array<i32>} : memref<5136xi32, #tpu.memory_space<vmem>>, vector<16xi32>,
    %add3A_134 = arith.constant 80 : i32
    %add3A_135 = arith.addi %parallel_loop3A_89, %add3A_134 : i32
    %swap3A_136 = arith.index_cast %add3A_135 : i32 to index
    %swap3A_137 = tpu.vector_load %arg17[%swap3A_136] {strides = array<i32>} : memref<5136xi32, #tpu.memory_space<vmem>>, vector<16xi32>,
    tpu.vector_store %arg17[%swap3A_136], %broadcast_in_dim3A_91 {strides = array<i32>} : memref<5136xi32, #tpu.memory_space<vmem>>, vector<16xi32>,
    %add3A_138 = arith.constant 80 : i32
    %add3A_139 = arith.addi %parallel_loop3A_89, %add3A_138 : i32
    %swap3A_140 = arith.index_cast %add3A_139 : i32 to index
    %swap3A_141 = tpu.vector_load %arg16[%swap3A_140] {strides = array<i32>} : memref<5136xi32, #tpu.memory_space<vmem>>, vector<16xi32>,
    tpu.vector_store %arg16[%swap3A_140], %broadcast_in_dim3A_93 {strides = array<i32>} : memref<5136xi32, #tpu.memory_space<vmem>>, vector<16xi32>,
    %add3A_142 = arith.constant 96 : i32
    %add3A_143 = arith.addi %parallel_loop3A_89, %add3A_142 : i32
    %swap3A_144 = arith.index_cast %add3A_143 : i32 to index
    %swap3A_145 = tpu.vector_load %arg17[%swap3A_144] {strides = array<i32>} : memref<5136xi32, #tpu.memory_space<vmem>>, vector<16xi32>,
    tpu.vector_store %arg17[%swap3A_144], %broadcast_in_dim3A_91 {strides = array<i32>} : memref<5136xi32, #tpu.memory_space<vmem>>, vector<16xi32>,
    %add3A_146 = arith.constant 96 : i32
    %add3A_147 = arith.addi %parallel_loop3A_89, %add3A_146 : i32
    %swap3A_148 = arith.index_cast %add3A_147 : i32 to index
    %swap3A_149 = tpu.vector_load %arg16[%swap3A_148] {strides = array<i32>} : memref<5136xi32, #tpu.memory_space<vmem>>, vector<16xi32>,
    tpu.vector_store %arg16[%swap3A_148], %broadcast_in_dim3A_93 {strides = array<i32>} : memref<5136xi32, #tpu.memory_space<vmem>>, vector<16xi32>,
    %add3A_150 = arith.constant 112 : i32
    %add3A_151 = arith.addi %parallel_loop3A_89, %add3A_150 : i32
    %swap3A_152 = arith.index_cast %add3A_151 : i32 to index
    %swap3A_153 = tpu.vector_load %arg17[%swap3A_152] {strides = array<i32>} : memref<5136xi32, #tpu.memory_space<vmem>>, vector<16xi32>,
    tpu.vector_store %arg17[%swap3A_152], %broadcast_in_dim3A_91 {strides = array<i32>} : memref<5136xi32, #tpu.memory_space<vmem>>, vector<16xi32>,
    %add3A_154 = arith.constant 112 : i32
    %add3A_155 = arith.addi %parallel_loop3A_89, %add3A_154 : i32
    %swap3A_156 = arith.index_cast %add3A_155 : i32 to index
    %swap3A_157 = tpu.vector_load %arg16[%swap3A_156] {strides = array<i32>} : memref<5136xi32, #tpu.memory_space<vmem>>, vector<16xi32>,
    tpu.vector_store %arg16[%swap3A_156], %broadcast_in_dim3A_93 {strides = array<i32>} : memref<5136xi32, #tpu.memory_space<vmem>>, vector<16xi32>,
    %add3A_158 = arith.constant 127 : i32
    %add3A_159 = arith.addi %parallel_loop3A_89, %add3A_158 : i32
    %jit3A = arith.constant 128 : i32
    %div3A = arith.divsi %add3A_159, %jit3A : i32
    %sign3A = arith.constant 0 : i32
    %sign3A_160 = arith.cmpi sgt, %add3A_159, %sign3A : i32
    %sign3A_161 = arith.extui %sign3A_160 : i1 to i32
    %sign3A_162 = arith.constant 0 : i32
    %sign3A_163 = arith.cmpi slt, %add3A_159, %sign3A_162 : i32
    %sign3A_164 = arith.extui %sign3A_163 : i1 to i32
    %sign3A_165 = arith.subi %sign3A_161, %sign3A_164 : i32
    %sign3A_166 = arith.constant 0 : i32
    %sign3A_167 = arith.cmpi sgt, %jit3A, %sign3A_166 : i32
    %sign3A_168 = arith.extui %sign3A_167 : i1 to i32
    %sign3A_169 = arith.constant 0 : i32
    %sign3A_170 = arith.cmpi slt, %jit3A, %sign3A_169 : i32
    %sign3A_171 = arith.extui %sign3A_170 : i1 to i32
    %sign3A_172 = arith.subi %sign3A_168, %sign3A_171 : i32
    %ne3A = arith.cmpi ne, %sign3A_165, %sign3A_172 : i32
    %rem3A = arith.remsi %add3A_159, %jit3A : i32
    %ne3A_173 = arith.constant 0 : i32
    %ne3A_174 = arith.cmpi ne, %rem3A, %ne3A_173 : i32
    %and3A = arith.andi %ne3A, %ne3A_174 : i1
    %sub3A = arith.constant 1 : i32
    %sub3A_175 = arith.subi %div3A, %sub3A : i32
    %select_n3A = arith.select %and3A, %sub3A_175, %div3A : i32
    %gt3A = arith.constant 0 : i32
    %gt3A_176 = arith.cmpi sgt, %select_n3A, %gt3A : i32
    %convert_element_type3A = arith.extui %gt3A_176 : i1 to i32
    %cond3A = arith.constant 0 : i32
    %cond3A_177 = arith.cmpi ne, %convert_element_type3A, %cond3A : i32
    scf.if %cond3A_177 {
      %dma_start3A_368 = arith.constant 0 : i32
      %dma_start3A_369 = tpu.memref_slice %arg16[%dma_start3A_368] : memref<5136xi32, #tpu.memory_space<vmem>> -> memref<128xi32, #tpu.memory_space<vmem>>
      %dma_start3A_370 = arith.constant 0 : i32
      %dma_start3A_371 = arith.constant 0 : i32
      %dma_start3A_372 = tpu.memref_slice %arg2[%dma_start3A_370, %dma_start3A_371] : memref<10000x256xf32, #tpu.memory_space<hbm>> -> memref<10000x128xf32, #tpu.memory_space<hbm>>
      tpu.enqueue_indirect_dma source(%dma_start3A_372 : memref<10000x128xf32, #tpu.memory_space<hbm>>) target(%arg18 : memref<128x128xf32, #tpu.memory_space<vmem>>) offsets(%dma_start3A_369 : memref<128xi32, #tpu.memory_space<vmem>>) semaphore(%arg31 : memref<!tpu.dma_semaphore, #tpu.memory_space<semaphore_mem>>)
      %dma_start3A_373 = arith.constant 0 : i32
      %dma_start3A_374 = tpu.memref_slice %arg16[%dma_start3A_373] : memref<5136xi32, #tpu.memory_space<vmem>> -> memref<128xi32, #tpu.memory_space<vmem>>
      %dma_start3A_375 = arith.constant 0 : i32
      %dma_start3A_376 = arith.constant 128 : i32
      %dma_start3A_377 = tpu.memref_slice %arg2[%dma_start3A_375, %dma_start3A_376] : memref<10000x256xf32, #tpu.memory_space<hbm>> -> memref<10000x128xf32, #tpu.memory_space<hbm>>
      tpu.enqueue_indirect_dma source(%dma_start3A_377 : memref<10000x128xf32, #tpu.memory_space<hbm>>) target(%arg19 : memref<128x128xf32, #tpu.memory_space<vmem>>) offsets(%dma_start3A_374 : memref<128xi32, #tpu.memory_space<vmem>>) semaphore(%arg31 : memref<!tpu.dma_semaphore, #tpu.memory_space<semaphore_mem>>)
    } else {
    }
    %add3A_178 = arith.constant 1 : i32
    %add3A_179 = arith.addi %select_n3A, %add3A_178 : i32
    %jit3A_180 = arith.constant 2 : i32
    %div3A_181 = arith.divsi %add3A_179, %jit3A_180 : i32
    %sign3A_182 = arith.constant 0 : i32
    %sign3A_183 = arith.cmpi sgt, %add3A_179, %sign3A_182 : i32
    %sign3A_184 = arith.extui %sign3A_183 : i1 to i32
    %sign3A_185 = arith.constant 0 : i32
    %sign3A_186 = arith.cmpi slt, %add3A_179, %sign3A_185 : i32
    %sign3A_187 = arith.extui %sign3A_186 : i1 to i32
    %sign3A_188 = arith.subi %sign3A_184, %sign3A_187 : i32
    %sign3A_189 = arith.constant 0 : i32
    %sign3A_190 = arith.cmpi sgt, %jit3A_180, %sign3A_189 : i32
    %sign3A_191 = arith.extui %sign3A_190 : i1 to i32
    %sign3A_192 = arith.constant 0 : i32
    %sign3A_193 = arith.cmpi slt, %jit3A_180, %sign3A_192 : i32
    %sign3A_194 = arith.extui %sign3A_193 : i1 to i32
    %sign3A_195 = arith.subi %sign3A_191, %sign3A_194 : i32
    %ne3A_196 = arith.cmpi ne, %sign3A_188, %sign3A_195 : i32
    %rem3A_197 = arith.remsi %add3A_179, %jit3A_180 : i32
    %ne3A_198 = arith.constant 0 : i32
    %ne3A_199 = arith.cmpi ne, %rem3A_197, %ne3A_198 : i32
    %and3A_200 = arith.andi %ne3A_196, %ne3A_199 : i1
    %sub3A_201 = arith.constant 1 : i32
    %sub3A_202 = arith.subi %div3A_181, %sub3A_201 : i32
    %select_n3A_203 = arith.select %and3A_200, %sub3A_202, %div3A_181 : i32
    %while3A = arith.constant 0 : i32
    %while3A_204 = arith.constant 0 : i32
    %while3A_205 = arith.subi %select_n3A_203, %while3A : i32
    %while3A_206 = arith.addi %while3A, %while3A_205 : i32
    %while3A_207 = arith.constant 1 : i32
    %while3A_208 = arith.divsi %while3A_205, %while3A_207 : i32
    %while3A_209 = arith.muli %while3A_208, %while3A_207 : i32
    %while3A_210 = arith.addi %while3A, %while3A_209 : i32
    %while3A_211 = arith.constant 1 : i32
    %while3A_212 = scf.for %while3A_368 = %while3A to %while3A_210 step %while3A_211 iter_args(%while3A_369 = %while3A_204) -> (i32)  : i32 {
      %mul3A_370 = arith.constant 2 : i32
      %mul3A_371 = arith.muli %while3A_368, %mul3A_370 : i32
      %add3A_372 = arith.constant 0 : i32
      %add3A_373 = arith.addi %mul3A_371, %add3A_372 : i32
      %lt3A = arith.cmpi slt, %add3A_373, %select_n3A : i32
      %convert_element_type3A_374 = arith.extui %lt3A : i1 to i32
      %cond3A_375 = arith.constant 0 : i32
      %cond3A_376 = arith.cmpi ne, %convert_element_type3A_374, %cond3A_375 : i32
      scf.if %cond3A_376 {
        %mul3A_386 = arith.constant 128 : i32
        %mul3A_387 = arith.muli %add3A_373, %mul3A_386 : i32
        %dma_wait3A_388 = tpu.memref_slice %arg16[%mul3A_387] : memref<5136xi32, #tpu.memory_space<vmem>> -> memref<128xi32, #tpu.memory_space<vmem>>
        %dma_wait3A_389 = arith.constant 0 : i32
        %dma_wait3A_390 = arith.constant 0 : i32
        %dma_wait3A_391 = tpu.memref_slice %arg2[%dma_wait3A_389, %dma_wait3A_390] : memref<10000x256xf32, #tpu.memory_space<hbm>> -> memref<10000x128xf32, #tpu.memory_space<hbm>>
        tpu.wait_indirect_dma semaphore(%arg31 : memref<!tpu.dma_semaphore, #tpu.memory_space<semaphore_mem>>) src(%dma_wait3A_391 : memref<10000x128xf32, #tpu.memory_space<hbm>>) dst(%arg18 : memref<128x128xf32, #tpu.memory_space<vmem>>)
        %dma_wait3A_392 = tpu.memref_slice %arg16[%mul3A_387] : memref<5136xi32, #tpu.memory_space<vmem>> -> memref<128xi32, #tpu.memory_space<vmem>>
        %dma_wait3A_393 = arith.constant 0 : i32
        %dma_wait3A_394 = arith.constant 128 : i32
        %dma_wait3A_395 = tpu.memref_slice %arg2[%dma_wait3A_393, %dma_wait3A_394] : memref<10000x256xf32, #tpu.memory_space<hbm>> -> memref<10000x128xf32, #tpu.memory_space<hbm>>
        tpu.wait_indirect_dma semaphore(%arg31 : memref<!tpu.dma_semaphore, #tpu.memory_space<semaphore_mem>>) src(%dma_wait3A_395 : memref<10000x128xf32, #tpu.memory_space<hbm>>) dst(%arg19 : memref<128x128xf32, #tpu.memory_space<vmem>>)
        %ge3A = arith.constant 1 : i32
        %ge3A_396 = arith.cmpi sge, %add3A_373, %ge3A : i32
        %convert_element_type3A_397 = arith.extui %ge3A_396 : i1 to i32
        %cond3A_398 = arith.constant 0 : i32
        %cond3A_399 = arith.cmpi ne, %convert_element_type3A_397, %cond3A_398 : i32
        scf.if %cond3A_399 {
          %sub3A_417 = arith.constant 1 : i32
          %sub3A_418 = arith.subi %add3A_373, %sub3A_417 : i32
          %mul3A_419 = arith.constant 128 : i32
          %mul3A_420 = arith.muli %sub3A_418, %mul3A_419 : i32
          %dma_wait3A_421 = tpu.memref_slice %arg17[%mul3A_420] : memref<5136xi32, #tpu.memory_space<vmem>> -> memref<128xi32, #tpu.memory_space<vmem>>
          %dma_wait3A_422 = arith.constant 0 : i32
          %dma_wait3A_423 = arith.constant 0 : i32
          %dma_wait3A_424 = tpu.memref_slice %arg28[%dma_wait3A_422, %dma_wait3A_423] : memref<1152x128xf32, #tpu.memory_space<vmem_shared>> -> memref<1152x128xf32, #tpu.memory_space<vmem_shared>>
          tpu.wait_indirect_dma semaphore(%arg33 : memref<!tpu.dma_semaphore, #tpu.memory_space<semaphore_mem>>) src(%arg20 : memref<128x128xf32, #tpu.memory_space<vmem>>) dst(%dma_wait3A_424 : memref<1152x128xf32, #tpu.memory_space<vmem_shared>>)
          %dma_wait3A_425 = tpu.memref_slice %arg17[%mul3A_420] : memref<5136xi32, #tpu.memory_space<vmem>> -> memref<128xi32, #tpu.memory_space<vmem>>
          %dma_wait3A_426 = arith.constant 0 : i32
          %dma_wait3A_427 = arith.constant 0 : i32
          %dma_wait3A_428 = tpu.memref_slice %arg29[%dma_wait3A_426, %dma_wait3A_427] : memref<1152x128xf32, #tpu.memory_space<vmem_shared>> -> memref<1152x128xf32, #tpu.memory_space<vmem_shared>>
          tpu.wait_indirect_dma semaphore(%arg34 : memref<!tpu.dma_semaphore, #tpu.memory_space<semaphore_mem>>) src(%arg21 : memref<128x128xf32, #tpu.memory_space<vmem>>) dst(%dma_wait3A_428 : memref<1152x128xf32, #tpu.memory_space<vmem_shared>>)
          %dma_wait3A_429 = tpu.memref_slice %arg17[%mul3A_420] : memref<5136xi32, #tpu.memory_space<vmem>> -> memref<128xi32, #tpu.memory_space<vmem>>
          %dma_wait3A_430 = arith.constant 0 : i32
          %dma_wait3A_431 = tpu.memref_slice %arg30[%dma_wait3A_430] : memref<1152xf32, #tpu.memory_space<vmem_shared>> -> memref<1152xf32, #tpu.memory_space<vmem_shared>>
          tpu.wait_indirect_dma semaphore(%arg35 : memref<!tpu.dma_semaphore, #tpu.memory_space<semaphore_mem>>) src(%arg25 : memref<128xf32, #tpu.memory_space<vmem>>) dst(%dma_wait3A_431 : memref<1152xf32, #tpu.memory_space<vmem_shared>>)
        } else {
        }
        %add3A_400 = arith.constant 1 : i32
        %add3A_401 = arith.addi %add3A_373, %add3A_400 : i32
        %lt3A_402 = arith.cmpi slt, %add3A_401, %select_n3A : i32
        %convert_element_type3A_403 = arith.extui %lt3A_402 : i1 to i32
        %cond3A_404 = arith.constant 0 : i32
        %cond3A_405 = arith.cmpi ne, %convert_element_type3A_403, %cond3A_404 : i32
        scf.if %cond3A_405 {
          %add3A_417 = arith.constant 1 : i32
          %add3A_418 = arith.addi %add3A_373, %add3A_417 : i32
          %mul3A_419 = arith.constant 128 : i32
          %mul3A_420 = arith.muli %add3A_418, %mul3A_419 : i32
          %dma_start3A_421 = tpu.memref_slice %arg16[%mul3A_420] : memref<5136xi32, #tpu.memory_space<vmem>> -> memref<128xi32, #tpu.memory_space<vmem>>
          %dma_start3A_422 = arith.constant 0 : i32
          %dma_start3A_423 = arith.constant 0 : i32
          %dma_start3A_424 = tpu.memref_slice %arg2[%dma_start3A_422, %dma_start3A_423] : memref<10000x256xf32, #tpu.memory_space<hbm>> -> memref<10000x128xf32, #tpu.memory_space<hbm>>
          tpu.enqueue_indirect_dma source(%dma_start3A_424 : memref<10000x128xf32, #tpu.memory_space<hbm>>) target(%arg20 : memref<128x128xf32, #tpu.memory_space<vmem>>) offsets(%dma_start3A_421 : memref<128xi32, #tpu.memory_space<vmem>>) semaphore(%arg32 : memref<!tpu.dma_semaphore, #tpu.memory_space<semaphore_mem>>)
          %dma_start3A_425 = tpu.memref_slice %arg16[%mul3A_420] : memref<5136xi32, #tpu.memory_space<vmem>> -> memref<128xi32, #tpu.memory_space<vmem>>
          %dma_start3A_426 = arith.constant 0 : i32
          %dma_start3A_427 = arith.constant 128 : i32
          %dma_start3A_428 = tpu.memref_slice %arg2[%dma_start3A_426, %dma_start3A_427] : memref<10000x256xf32, #tpu.memory_space<hbm>> -> memref<10000x128xf32, #tpu.memory_space<hbm>>
          tpu.enqueue_indirect_dma source(%dma_start3A_428 : memref<10000x128xf32, #tpu.memory_space<hbm>>) target(%arg21 : memref<128x128xf32, #tpu.memory_space<vmem>>) offsets(%dma_start3A_425 : memref<128xi32, #tpu.memory_space<vmem>>) semaphore(%arg32 : memref<!tpu.dma_semaphore, #tpu.memory_space<semaphore_mem>>)
        } else {
        }
        %dma_start3A_406 = tpu.memref_slice %arg17[%mul3A_387] : memref<5136xi32, #tpu.memory_space<vmem>> -> memref<128xi32, #tpu.memory_space<vmem>>
        %dma_start3A_407 = arith.constant 0 : i32
        %dma_start3A_408 = arith.constant 0 : i32
        %dma_start3A_409 = tpu.memref_slice %arg28[%dma_start3A_407, %dma_start3A_408] : memref<1152x128xf32, #tpu.memory_space<vmem_shared>> -> memref<1152x128xf32, #tpu.memory_space<vmem_shared>>
        tpu.enqueue_indirect_dma source(%arg18 : memref<128x128xf32, #tpu.memory_space<vmem>>) target(%dma_start3A_409 : memref<1152x128xf32, #tpu.memory_space<vmem_shared>>) offsets(%dma_start3A_406 : memref<128xi32, #tpu.memory_space<vmem>>) semaphore(%arg33 : memref<!tpu.dma_semaphore, #tpu.memory_space<semaphore_mem>>) {add = true}
        %dma_start3A_410 = tpu.memref_slice %arg17[%mul3A_387] : memref<5136xi32, #tpu.memory_space<vmem>> -> memref<128xi32, #tpu.memory_space<vmem>>
        %dma_start3A_411 = arith.constant 0 : i32
        %dma_start3A_412 = arith.constant 0 : i32
        %dma_start3A_413 = tpu.memref_slice %arg29[%dma_start3A_411, %dma_start3A_412] : memref<1152x128xf32, #tpu.memory_space<vmem_shared>> -> memref<1152x128xf32, #tpu.memory_space<vmem_shared>>
        tpu.enqueue_indirect_dma source(%arg19 : memref<128x128xf32, #tpu.memory_space<vmem>>) target(%dma_start3A_413 : memref<1152x128xf32, #tpu.memory_space<vmem_shared>>) offsets(%dma_start3A_410 : memref<128xi32, #tpu.memory_space<vmem>>) semaphore(%arg34 : memref<!tpu.dma_semaphore, #tpu.memory_space<semaphore_mem>>) {add = true}
        %dma_start3A_414 = tpu.memref_slice %arg17[%mul3A_387] : memref<5136xi32, #tpu.memory_space<vmem>> -> memref<128xi32, #tpu.memory_space<vmem>>
        %dma_start3A_415 = arith.constant 0 : i32
        %dma_start3A_416 = tpu.memref_slice %arg30[%dma_start3A_415] : memref<1152xf32, #tpu.memory_space<vmem_shared>> -> memref<1152xf32, #tpu.memory_space<vmem_shared>>
        tpu.enqueue_indirect_dma source(%arg25 : memref<128xf32, #tpu.memory_space<vmem>>) target(%dma_start3A_416 : memref<1152xf32, #tpu.memory_space<vmem_shared>>) offsets(%dma_start3A_414 : memref<128xi32, #tpu.memory_space<vmem>>) semaphore(%arg35 : memref<!tpu.dma_semaphore, #tpu.memory_space<semaphore_mem>>) {add = true}
      } else {
      }
      %mul3A_377 = arith.constant 2 : i32
      %mul3A_378 = arith.muli %while3A_368, %mul3A_377 : i32
      %add3A_379 = arith.constant 1 : i32
      %add3A_380 = arith.addi %mul3A_378, %add3A_379 : i32
      %lt3A_381 = arith.cmpi slt, %add3A_380, %select_n3A : i32
      %convert_element_type3A_382 = arith.extui %lt3A_381 : i1 to i32
      %cond3A_383 = arith.constant 0 : i32
      %cond3A_384 = arith.cmpi ne, %convert_element_type3A_382, %cond3A_383 : i32
      scf.if %cond3A_384 {
        %mul3A_386 = arith.constant 128 : i32
        %mul3A_387 = arith.muli %add3A_380, %mul3A_386 : i32
        %dma_wait3A_388 = tpu.memref_slice %arg16[%mul3A_387] : memref<5136xi32, #tpu.memory_space<vmem>> -> memref<128xi32, #tpu.memory_space<vmem>>
        %dma_wait3A_389 = arith.constant 0 : i32
        %dma_wait3A_390 = arith.constant 0 : i32
        %dma_wait3A_391 = tpu.memref_slice %arg2[%dma_wait3A_389, %dma_wait3A_390] : memref<10000x256xf32, #tpu.memory_space<hbm>> -> memref<10000x128xf32, #tpu.memory_space<hbm>>
        tpu.wait_indirect_dma semaphore(%arg32 : memref<!tpu.dma_semaphore, #tpu.memory_space<semaphore_mem>>) src(%dma_wait3A_391 : memref<10000x128xf32, #tpu.memory_space<hbm>>) dst(%arg20 : memref<128x128xf32, #tpu.memory_space<vmem>>)
        %dma_wait3A_392 = tpu.memref_slice %arg16[%mul3A_387] : memref<5136xi32, #tpu.memory_space<vmem>> -> memref<128xi32, #tpu.memory_space<vmem>>
        %dma_wait3A_393 = arith.constant 0 : i32
        %dma_wait3A_394 = arith.constant 128 : i32
        %dma_wait3A_395 = tpu.memref_slice %arg2[%dma_wait3A_393, %dma_wait3A_394] : memref<10000x256xf32, #tpu.memory_space<hbm>> -> memref<10000x128xf32, #tpu.memory_space<hbm>>
        tpu.wait_indirect_dma semaphore(%arg32 : memref<!tpu.dma_semaphore, #tpu.memory_space<semaphore_mem>>) src(%dma_wait3A_395 : memref<10000x128xf32, #tpu.memory_space<hbm>>) dst(%arg21 : memref<128x128xf32, #tpu.memory_space<vmem>>)
        %ge3A = arith.constant 1 : i32
        %ge3A_396 = arith.cmpi sge, %add3A_380, %ge3A : i32
        %convert_element_type3A_397 = arith.extui %ge3A_396 : i1 to i32
        %cond3A_398 = arith.constant 0 : i32
        %cond3A_399 = arith.cmpi ne, %convert_element_type3A_397, %cond3A_398 : i32
        scf.if %cond3A_399 {
          %sub3A_417 = arith.constant 1 : i32
          %sub3A_418 = arith.subi %add3A_380, %sub3A_417 : i32
          %mul3A_419 = arith.constant 128 : i32
          %mul3A_420 = arith.muli %sub3A_418, %mul3A_419 : i32
          %dma_wait3A_421 = tpu.memref_slice %arg17[%mul3A_420] : memref<5136xi32, #tpu.memory_space<vmem>> -> memref<128xi32, #tpu.memory_space<vmem>>
          %dma_wait3A_422 = arith.constant 0 : i32
          %dma_wait3A_423 = arith.constant 0 : i32
          %dma_wait3A_424 = tpu.memref_slice %arg28[%dma_wait3A_422, %dma_wait3A_423] : memref<1152x128xf32, #tpu.memory_space<vmem_shared>> -> memref<1152x128xf32, #tpu.memory_space<vmem_shared>>
          tpu.wait_indirect_dma semaphore(%arg33 : memref<!tpu.dma_semaphore, #tpu.memory_space<semaphore_mem>>) src(%arg18 : memref<128x128xf32, #tpu.memory_space<vmem>>) dst(%dma_wait3A_424 : memref<1152x128xf32, #tpu.memory_space<vmem_shared>>)
          %dma_wait3A_425 = tpu.memref_slice %arg17[%mul3A_420] : memref<5136xi32, #tpu.memory_space<vmem>> -> memref<128xi32, #tpu.memory_space<vmem>>
          %dma_wait3A_426 = arith.constant 0 : i32
          %dma_wait3A_427 = arith.constant 0 : i32
          %dma_wait3A_428 = tpu.memref_slice %arg29[%dma_wait3A_426, %dma_wait3A_427] : memref<1152x128xf32, #tpu.memory_space<vmem_shared>> -> memref<1152x128xf32, #tpu.memory_space<vmem_shared>>
          tpu.wait_indirect_dma semaphore(%arg34 : memref<!tpu.dma_semaphore, #tpu.memory_space<semaphore_mem>>) src(%arg19 : memref<128x128xf32, #tpu.memory_space<vmem>>) dst(%dma_wait3A_428 : memref<1152x128xf32, #tpu.memory_space<vmem_shared>>)
          %dma_wait3A_429 = tpu.memref_slice %arg17[%mul3A_420] : memref<5136xi32, #tpu.memory_space<vmem>> -> memref<128xi32, #tpu.memory_space<vmem>>
          %dma_wait3A_430 = arith.constant 0 : i32
          %dma_wait3A_431 = tpu.memref_slice %arg30[%dma_wait3A_430] : memref<1152xf32, #tpu.memory_space<vmem_shared>> -> memref<1152xf32, #tpu.memory_space<vmem_shared>>
          tpu.wait_indirect_dma semaphore(%arg35 : memref<!tpu.dma_semaphore, #tpu.memory_space<semaphore_mem>>) src(%arg25 : memref<128xf32, #tpu.memory_space<vmem>>) dst(%dma_wait3A_431 : memref<1152xf32, #tpu.memory_space<vmem_shared>>)
        } else {
        }
        %add3A_400 = arith.constant 1 : i32
        %add3A_401 = arith.addi %add3A_380, %add3A_400 : i32
        %lt3A_402 = arith.cmpi slt, %add3A_401, %select_n3A : i32
        %convert_element_type3A_403 = arith.extui %lt3A_402 : i1 to i32
        %cond3A_404 = arith.constant 0 : i32
        %cond3A_405 = arith.cmpi ne, %convert_element_type3A_403, %cond3A_404 : i32
        scf.if %cond3A_405 {
          %add3A_417 = arith.constant 1 : i32
          %add3A_418 = arith.addi %add3A_380, %add3A_417 : i32
          %mul3A_419 = arith.constant 128 : i32
          %mul3A_420 = arith.muli %add3A_418, %mul3A_419 : i32
          %dma_start3A_421 = tpu.memref_slice %arg16[%mul3A_420] : memref<5136xi32, #tpu.memory_space<vmem>> -> memref<128xi32, #tpu.memory_space<vmem>>
          %dma_start3A_422 = arith.constant 0 : i32
          %dma_start3A_423 = arith.constant 0 : i32
          %dma_start3A_424 = tpu.memref_slice %arg2[%dma_start3A_422, %dma_start3A_423] : memref<10000x256xf32, #tpu.memory_space<hbm>> -> memref<10000x128xf32, #tpu.memory_space<hbm>>
          tpu.enqueue_indirect_dma source(%dma_start3A_424 : memref<10000x128xf32, #tpu.memory_space<hbm>>) target(%arg18 : memref<128x128xf32, #tpu.memory_space<vmem>>) offsets(%dma_start3A_421 : memref<128xi32, #tpu.memory_space<vmem>>) semaphore(%arg31 : memref<!tpu.dma_semaphore, #tpu.memory_space<semaphore_mem>>)
          %dma_start3A_425 = tpu.memref_slice %arg16[%mul3A_420] : memref<5136xi32, #tpu.memory_space<vmem>> -> memref<128xi32, #tpu.memory_space<vmem>>
          %dma_start3A_426 = arith.constant 0 : i32
          %dma_start3A_427 = arith.constant 128 : i32
          %dma_start3A_428 = tpu.memref_slice %arg2[%dma_start3A_426, %dma_start3A_427] : memref<10000x256xf32, #tpu.memory_space<hbm>> -> memref<10000x128xf32, #tpu.memory_space<hbm>>
          tpu.enqueue_indirect_dma source(%dma_start3A_428 : memref<10000x128xf32, #tpu.memory_space<hbm>>) target(%arg19 : memref<128x128xf32, #tpu.memory_space<vmem>>) offsets(%dma_start3A_425 : memref<128xi32, #tpu.memory_space<vmem>>) semaphore(%arg31 : memref<!tpu.dma_semaphore, #tpu.memory_space<semaphore_mem>>)
        } else {
        }
        %dma_start3A_406 = tpu.memref_slice %arg17[%mul3A_387] : memref<5136xi32, #tpu.memory_space<vmem>> -> memref<128xi32, #tpu.memory_space<vmem>>
        %dma_start3A_407 = arith.constant 0 : i32
        %dma_start3A_408 = arith.constant 0 : i32
        %dma_start3A_409 = tpu.memref_slice %arg28[%dma_start3A_407, %dma_start3A_408] : memref<1152x128xf32, #tpu.memory_space<vmem_shared>> -> memref<1152x128xf32, #tpu.memory_space<vmem_shared>>
        tpu.enqueue_indirect_dma source(%arg20 : memref<128x128xf32, #tpu.memory_space<vmem>>) target(%dma_start3A_409 : memref<1152x128xf32, #tpu.memory_space<vmem_shared>>) offsets(%dma_start3A_406 : memref<128xi32, #tpu.memory_space<vmem>>) semaphore(%arg33 : memref<!tpu.dma_semaphore, #tpu.memory_space<semaphore_mem>>) {add = true}
        %dma_start3A_410 = tpu.memref_slice %arg17[%mul3A_387] : memref<5136xi32, #tpu.memory_space<vmem>> -> memref<128xi32, #tpu.memory_space<vmem>>
        %dma_start3A_411 = arith.constant 0 : i32
        %dma_start3A_412 = arith.constant 0 : i32
        %dma_start3A_413 = tpu.memref_slice %arg29[%dma_start3A_411, %dma_start3A_412] : memref<1152x128xf32, #tpu.memory_space<vmem_shared>> -> memref<1152x128xf32, #tpu.memory_space<vmem_shared>>
        tpu.enqueue_indirect_dma source(%arg21 : memref<128x128xf32, #tpu.memory_space<vmem>>) target(%dma_start3A_413 : memref<1152x128xf32, #tpu.memory_space<vmem_shared>>) offsets(%dma_start3A_410 : memref<128xi32, #tpu.memory_space<vmem>>) semaphore(%arg34 : memref<!tpu.dma_semaphore, #tpu.memory_space<semaphore_mem>>) {add = true}
        %dma_start3A_414 = tpu.memref_slice %arg17[%mul3A_387] : memref<5136xi32, #tpu.memory_space<vmem>> -> memref<128xi32, #tpu.memory_space<vmem>>
        %dma_start3A_415 = arith.constant 0 : i32
        %dma_start3A_416 = tpu.memref_slice %arg30[%dma_start3A_415] : memref<1152xf32, #tpu.memory_space<vmem_shared>> -> memref<1152xf32, #tpu.memory_space<vmem_shared>>
        tpu.enqueue_indirect_dma source(%arg25 : memref<128xf32, #tpu.memory_space<vmem>>) target(%dma_start3A_416 : memref<1152xf32, #tpu.memory_space<vmem_shared>>) offsets(%dma_start3A_414 : memref<128xi32, #tpu.memory_space<vmem>>) semaphore(%arg35 : memref<!tpu.dma_semaphore, #tpu.memory_space<semaphore_mem>>) {add = true}
      } else {
      }
      %while3A_385 = arith.constant 0 : i32
      scf.yield %while3A_385 : i32
    }
    %while3A_213 = arith.constant 1 : i32
    %while3A_214 = scf.for %while3A_368 = %while3A_210 to %while3A_206 step %while3A_213 iter_args(%while3A_369 = %while3A_212) -> (i32)  : i32 {
      %mul3A_370 = arith.constant 2 : i32
      %mul3A_371 = arith.muli %while3A_368, %mul3A_370 : i32
      %add3A_372 = arith.constant 0 : i32
      %add3A_373 = arith.addi %mul3A_371, %add3A_372 : i32
      %lt3A = arith.cmpi slt, %add3A_373, %select_n3A : i32
      %convert_element_type3A_374 = arith.extui %lt3A : i1 to i32
      %cond3A_375 = arith.constant 0 : i32
      %cond3A_376 = arith.cmpi ne, %convert_element_type3A_374, %cond3A_375 : i32
      scf.if %cond3A_376 {
        %mul3A_386 = arith.constant 128 : i32
        %mul3A_387 = arith.muli %add3A_373, %mul3A_386 : i32
        %dma_wait3A_388 = tpu.memref_slice %arg16[%mul3A_387] : memref<5136xi32, #tpu.memory_space<vmem>> -> memref<128xi32, #tpu.memory_space<vmem>>
        %dma_wait3A_389 = arith.constant 0 : i32
        %dma_wait3A_390 = arith.constant 0 : i32
        %dma_wait3A_391 = tpu.memref_slice %arg2[%dma_wait3A_389, %dma_wait3A_390] : memref<10000x256xf32, #tpu.memory_space<hbm>> -> memref<10000x128xf32, #tpu.memory_space<hbm>>
        tpu.wait_indirect_dma semaphore(%arg31 : memref<!tpu.dma_semaphore, #tpu.memory_space<semaphore_mem>>) src(%dma_wait3A_391 : memref<10000x128xf32, #tpu.memory_space<hbm>>) dst(%arg18 : memref<128x128xf32, #tpu.memory_space<vmem>>)
        %dma_wait3A_392 = tpu.memref_slice %arg16[%mul3A_387] : memref<5136xi32, #tpu.memory_space<vmem>> -> memref<128xi32, #tpu.memory_space<vmem>>
        %dma_wait3A_393 = arith.constant 0 : i32
        %dma_wait3A_394 = arith.constant 128 : i32
        %dma_wait3A_395 = tpu.memref_slice %arg2[%dma_wait3A_393, %dma_wait3A_394] : memref<10000x256xf32, #tpu.memory_space<hbm>> -> memref<10000x128xf32, #tpu.memory_space<hbm>>
        tpu.wait_indirect_dma semaphore(%arg31 : memref<!tpu.dma_semaphore, #tpu.memory_space<semaphore_mem>>) src(%dma_wait3A_395 : memref<10000x128xf32, #tpu.memory_space<hbm>>) dst(%arg19 : memref<128x128xf32, #tpu.memory_space<vmem>>)
        %ge3A = arith.constant 1 : i32
        %ge3A_396 = arith.cmpi sge, %add3A_373, %ge3A : i32
        %convert_element_type3A_397 = arith.extui %ge3A_396 : i1 to i32
        %cond3A_398 = arith.constant 0 : i32
        %cond3A_399 = arith.cmpi ne, %convert_element_type3A_397, %cond3A_398 : i32
        scf.if %cond3A_399 {
          %sub3A_417 = arith.constant 1 : i32
          %sub3A_418 = arith.subi %add3A_373, %sub3A_417 : i32
          %mul3A_419 = arith.constant 128 : i32
          %mul3A_420 = arith.muli %sub3A_418, %mul3A_419 : i32
          %dma_wait3A_421 = tpu.memref_slice %arg17[%mul3A_420] : memref<5136xi32, #tpu.memory_space<vmem>> -> memref<128xi32, #tpu.memory_space<vmem>>
          %dma_wait3A_422 = arith.constant 0 : i32
          %dma_wait3A_423 = arith.constant 0 : i32
          %dma_wait3A_424 = tpu.memref_slice %arg28[%dma_wait3A_422, %dma_wait3A_423] : memref<1152x128xf32, #tpu.memory_space<vmem_shared>> -> memref<1152x128xf32, #tpu.memory_space<vmem_shared>>
          tpu.wait_indirect_dma semaphore(%arg33 : memref<!tpu.dma_semaphore, #tpu.memory_space<semaphore_mem>>) src(%arg20 : memref<128x128xf32, #tpu.memory_space<vmem>>) dst(%dma_wait3A_424 : memref<1152x128xf32, #tpu.memory_space<vmem_shared>>)
          %dma_wait3A_425 = tpu.memref_slice %arg17[%mul3A_420] : memref<5136xi32, #tpu.memory_space<vmem>> -> memref<128xi32, #tpu.memory_space<vmem>>
          %dma_wait3A_426 = arith.constant 0 : i32
          %dma_wait3A_427 = arith.constant 0 : i32
          %dma_wait3A_428 = tpu.memref_slice %arg29[%dma_wait3A_426, %dma_wait3A_427] : memref<1152x128xf32, #tpu.memory_space<vmem_shared>> -> memref<1152x128xf32, #tpu.memory_space<vmem_shared>>
          tpu.wait_indirect_dma semaphore(%arg34 : memref<!tpu.dma_semaphore, #tpu.memory_space<semaphore_mem>>) src(%arg21 : memref<128x128xf32, #tpu.memory_space<vmem>>) dst(%dma_wait3A_428 : memref<1152x128xf32, #tpu.memory_space<vmem_shared>>)
          %dma_wait3A_429 = tpu.memref_slice %arg17[%mul3A_420] : memref<5136xi32, #tpu.memory_space<vmem>> -> memref<128xi32, #tpu.memory_space<vmem>>
          %dma_wait3A_430 = arith.constant 0 : i32
          %dma_wait3A_431 = tpu.memref_slice %arg30[%dma_wait3A_430] : memref<1152xf32, #tpu.memory_space<vmem_shared>> -> memref<1152xf32, #tpu.memory_space<vmem_shared>>
          tpu.wait_indirect_dma semaphore(%arg35 : memref<!tpu.dma_semaphore, #tpu.memory_space<semaphore_mem>>) src(%arg25 : memref<128xf32, #tpu.memory_space<vmem>>) dst(%dma_wait3A_431 : memref<1152xf32, #tpu.memory_space<vmem_shared>>)
        } else {
        }
        %add3A_400 = arith.constant 1 : i32
        %add3A_401 = arith.addi %add3A_373, %add3A_400 : i32
        %lt3A_402 = arith.cmpi slt, %add3A_401, %select_n3A : i32
        %convert_element_type3A_403 = arith.extui %lt3A_402 : i1 to i32
        %cond3A_404 = arith.constant 0 : i32
        %cond3A_405 = arith.cmpi ne, %convert_element_type3A_403, %cond3A_404 : i32
        scf.if %cond3A_405 {
          %add3A_417 = arith.constant 1 : i32
          %add3A_418 = arith.addi %add3A_373, %add3A_417 : i32
          %mul3A_419 = arith.constant 128 : i32
          %mul3A_420 = arith.muli %add3A_418, %mul3A_419 : i32
          %dma_start3A_421 = tpu.memref_slice %arg16[%mul3A_420] : memref<5136xi32, #tpu.memory_space<vmem>> -> memref<128xi32, #tpu.memory_space<vmem>>
          %dma_start3A_422 = arith.constant 0 : i32
          %dma_start3A_423 = arith.constant 0 : i32
          %dma_start3A_424 = tpu.memref_slice %arg2[%dma_start3A_422, %dma_start3A_423] : memref<10000x256xf32, #tpu.memory_space<hbm>> -> memref<10000x128xf32, #tpu.memory_space<hbm>>
          tpu.enqueue_indirect_dma source(%dma_start3A_424 : memref<10000x128xf32, #tpu.memory_space<hbm>>) target(%arg20 : memref<128x128xf32, #tpu.memory_space<vmem>>) offsets(%dma_start3A_421 : memref<128xi32, #tpu.memory_space<vmem>>) semaphore(%arg32 : memref<!tpu.dma_semaphore, #tpu.memory_space<semaphore_mem>>)
          %dma_start3A_425 = tpu.memref_slice %arg16[%mul3A_420] : memref<5136xi32, #tpu.memory_space<vmem>> -> memref<128xi32, #tpu.memory_space<vmem>>
          %dma_start3A_426 = arith.constant 0 : i32
          %dma_start3A_427 = arith.constant 128 : i32
          %dma_start3A_428 = tpu.memref_slice %arg2[%dma_start3A_426, %dma_start3A_427] : memref<10000x256xf32, #tpu.memory_space<hbm>> -> memref<10000x128xf32, #tpu.memory_space<hbm>>
          tpu.enqueue_indirect_dma source(%dma_start3A_428 : memref<10000x128xf32, #tpu.memory_space<hbm>>) target(%arg21 : memref<128x128xf32, #tpu.memory_space<vmem>>) offsets(%dma_start3A_425 : memref<128xi32, #tpu.memory_space<vmem>>) semaphore(%arg32 : memref<!tpu.dma_semaphore, #tpu.memory_space<semaphore_mem>>)
        } else {
        }
        %dma_start3A_406 = tpu.memref_slice %arg17[%mul3A_387] : memref<5136xi32, #tpu.memory_space<vmem>> -> memref<128xi32, #tpu.memory_space<vmem>>
        %dma_start3A_407 = arith.constant 0 : i32
        %dma_start3A_408 = arith.constant 0 : i32
        %dma_start3A_409 = tpu.memref_slice %arg28[%dma_start3A_407, %dma_start3A_408] : memref<1152x128xf32, #tpu.memory_space<vmem_shared>> -> memref<1152x128xf32, #tpu.memory_space<vmem_shared>>
        tpu.enqueue_indirect_dma source(%arg18 : memref<128x128xf32, #tpu.memory_space<vmem>>) target(%dma_start3A_409 : memref<1152x128xf32, #tpu.memory_space<vmem_shared>>) offsets(%dma_start3A_406 : memref<128xi32, #tpu.memory_space<vmem>>) semaphore(%arg33 : memref<!tpu.dma_semaphore, #tpu.memory_space<semaphore_mem>>) {add = true}
        %dma_start3A_410 = tpu.memref_slice %arg17[%mul3A_387] : memref<5136xi32, #tpu.memory_space<vmem>> -> memref<128xi32, #tpu.memory_space<vmem>>
        %dma_start3A_411 = arith.constant 0 : i32
        %dma_start3A_412 = arith.constant 0 : i32
        %dma_start3A_413 = tpu.memref_slice %arg29[%dma_start3A_411, %dma_start3A_412] : memref<1152x128xf32, #tpu.memory_space<vmem_shared>> -> memref<1152x128xf32, #tpu.memory_space<vmem_shared>>
        tpu.enqueue_indirect_dma source(%arg19 : memref<128x128xf32, #tpu.memory_space<vmem>>) target(%dma_start3A_413 : memref<1152x128xf32, #tpu.memory_space<vmem_shared>>) offsets(%dma_start3A_410 : memref<128xi32, #tpu.memory_space<vmem>>) semaphore(%arg34 : memref<!tpu.dma_semaphore, #tpu.memory_space<semaphore_mem>>) {add = true}
        %dma_start3A_414 = tpu.memref_slice %arg17[%mul3A_387] : memref<5136xi32, #tpu.memory_space<vmem>> -> memref<128xi32, #tpu.memory_space<vmem>>
        %dma_start3A_415 = arith.constant 0 : i32
        %dma_start3A_416 = tpu.memref_slice %arg30[%dma_start3A_415] : memref<1152xf32, #tpu.memory_space<vmem_shared>> -> memref<1152xf32, #tpu.memory_space<vmem_shared>>
        tpu.enqueue_indirect_dma source(%arg25 : memref<128xf32, #tpu.memory_space<vmem>>) target(%dma_start3A_416 : memref<1152xf32, #tpu.memory_space<vmem_shared>>) offsets(%dma_start3A_414 : memref<128xi32, #tpu.memory_space<vmem>>) semaphore(%arg35 : memref<!tpu.dma_semaphore, #tpu.memory_space<semaphore_mem>>) {add = true}
      } else {
      }
      %mul3A_377 = arith.constant 2 : i32
      %mul3A_378 = arith.muli %while3A_368, %mul3A_377 : i32
      %add3A_379 = arith.constant 1 : i32
      %add3A_380 = arith.addi %mul3A_378, %add3A_379 : i32
      %lt3A_381 = arith.cmpi slt, %add3A_380, %select_n3A : i32
      %convert_element_type3A_382 = arith.extui %lt3A_381 : i1 to i32
      %cond3A_383 = arith.constant 0 : i32
      %cond3A_384 = arith.cmpi ne, %convert_element_type3A_382, %cond3A_383 : i32
      scf.if %cond3A_384 {
        %mul3A_386 = arith.constant 128 : i32
        %mul3A_387 = arith.muli %add3A_380, %mul3A_386 : i32
        %dma_wait3A_388 = tpu.memref_slice %arg16[%mul3A_387] : memref<5136xi32, #tpu.memory_space<vmem>> -> memref<128xi32, #tpu.memory_space<vmem>>
        %dma_wait3A_389 = arith.constant 0 : i32
        %dma_wait3A_390 = arith.constant 0 : i32
        %dma_wait3A_391 = tpu.memref_slice %arg2[%dma_wait3A_389, %dma_wait3A_390] : memref<10000x256xf32, #tpu.memory_space<hbm>> -> memref<10000x128xf32, #tpu.memory_space<hbm>>
        tpu.wait_indirect_dma semaphore(%arg32 : memref<!tpu.dma_semaphore, #tpu.memory_space<semaphore_mem>>) src(%dma_wait3A_391 : memref<10000x128xf32, #tpu.memory_space<hbm>>) dst(%arg20 : memref<128x128xf32, #tpu.memory_space<vmem>>)
        %dma_wait3A_392 = tpu.memref_slice %arg16[%mul3A_387] : memref<5136xi32, #tpu.memory_space<vmem>> -> memref<128xi32, #tpu.memory_space<vmem>>
        %dma_wait3A_393 = arith.constant 0 : i32
        %dma_wait3A_394 = arith.constant 128 : i32
        %dma_wait3A_395 = tpu.memref_slice %arg2[%dma_wait3A_393, %dma_wait3A_394] : memref<10000x256xf32, #tpu.memory_space<hbm>> -> memref<10000x128xf32, #tpu.memory_space<hbm>>
        tpu.wait_indirect_dma semaphore(%arg32 : memref<!tpu.dma_semaphore, #tpu.memory_space<semaphore_mem>>) src(%dma_wait3A_395 : memref<10000x128xf32, #tpu.memory_space<hbm>>) dst(%arg21 : memref<128x128xf32, #tpu.memory_space<vmem>>)
        %ge3A = arith.constant 1 : i32
        %ge3A_396 = arith.cmpi sge, %add3A_380, %ge3A : i32
        %convert_element_type3A_397 = arith.extui %ge3A_396 : i1 to i32
        %cond3A_398 = arith.constant 0 : i32
        %cond3A_399 = arith.cmpi ne, %convert_element_type3A_397, %cond3A_398 : i32
        scf.if %cond3A_399 {
          %sub3A_417 = arith.constant 1 : i32
          %sub3A_418 = arith.subi %add3A_380, %sub3A_417 : i32
          %mul3A_419 = arith.constant 128 : i32
          %mul3A_420 = arith.muli %sub3A_418, %mul3A_419 : i32
          %dma_wait3A_421 = tpu.memref_slice %arg17[%mul3A_420] : memref<5136xi32, #tpu.memory_space<vmem>> -> memref<128xi32, #tpu.memory_space<vmem>>
          %dma_wait3A_422 = arith.constant 0 : i32
          %dma_wait3A_423 = arith.constant 0 : i32
          %dma_wait3A_424 = tpu.memref_slice %arg28[%dma_wait3A_422, %dma_wait3A_423] : memref<1152x128xf32, #tpu.memory_space<vmem_shared>> -> memref<1152x128xf32, #tpu.memory_space<vmem_shared>>
          tpu.wait_indirect_dma semaphore(%arg33 : memref<!tpu.dma_semaphore, #tpu.memory_space<semaphore_mem>>) src(%arg18 : memref<128x128xf32, #tpu.memory_space<vmem>>) dst(%dma_wait3A_424 : memref<1152x128xf32, #tpu.memory_space<vmem_shared>>)
          %dma_wait3A_425 = tpu.memref_slice %arg17[%mul3A_420] : memref<5136xi32, #tpu.memory_space<vmem>> -> memref<128xi32, #tpu.memory_space<vmem>>
          %dma_wait3A_426 = arith.constant 0 : i32
          %dma_wait3A_427 = arith.constant 0 : i32
          %dma_wait3A_428 = tpu.memref_slice %arg29[%dma_wait3A_426, %dma_wait3A_427] : memref<1152x128xf32, #tpu.memory_space<vmem_shared>> -> memref<1152x128xf32, #tpu.memory_space<vmem_shared>>
          tpu.wait_indirect_dma semaphore(%arg34 : memref<!tpu.dma_semaphore, #tpu.memory_space<semaphore_mem>>) src(%arg19 : memref<128x128xf32, #tpu.memory_space<vmem>>) dst(%dma_wait3A_428 : memref<1152x128xf32, #tpu.memory_space<vmem_shared>>)
          %dma_wait3A_429 = tpu.memref_slice %arg17[%mul3A_420] : memref<5136xi32, #tpu.memory_space<vmem>> -> memref<128xi32, #tpu.memory_space<vmem>>
          %dma_wait3A_430 = arith.constant 0 : i32
          %dma_wait3A_431 = tpu.memref_slice %arg30[%dma_wait3A_430] : memref<1152xf32, #tpu.memory_space<vmem_shared>> -> memref<1152xf32, #tpu.memory_space<vmem_shared>>
          tpu.wait_indirect_dma semaphore(%arg35 : memref<!tpu.dma_semaphore, #tpu.memory_space<semaphore_mem>>) src(%arg25 : memref<128xf32, #tpu.memory_space<vmem>>) dst(%dma_wait3A_431 : memref<1152xf32, #tpu.memory_space<vmem_shared>>)
        } else {
        }
        %add3A_400 = arith.constant 1 : i32
        %add3A_401 = arith.addi %add3A_380, %add3A_400 : i32
        %lt3A_402 = arith.cmpi slt, %add3A_401, %select_n3A : i32
        %convert_element_type3A_403 = arith.extui %lt3A_402 : i1 to i32
        %cond3A_404 = arith.constant 0 : i32
        %cond3A_405 = arith.cmpi ne, %convert_element_type3A_403, %cond3A_404 : i32
        scf.if %cond3A_405 {
          %add3A_417 = arith.constant 1 : i32
          %add3A_418 = arith.addi %add3A_380, %add3A_417 : i32
          %mul3A_419 = arith.constant 128 : i32
          %mul3A_420 = arith.muli %add3A_418, %mul3A_419 : i32
          %dma_start3A_421 = tpu.memref_slice %arg16[%mul3A_420] : memref<5136xi32, #tpu.memory_space<vmem>> -> memref<128xi32, #tpu.memory_space<vmem>>
          %dma_start3A_422 = arith.constant 0 : i32
          %dma_start3A_423 = arith.constant 0 : i32
          %dma_start3A_424 = tpu.memref_slice %arg2[%dma_start3A_422, %dma_start3A_423] : memref<10000x256xf32, #tpu.memory_space<hbm>> -> memref<10000x128xf32, #tpu.memory_space<hbm>>
          tpu.enqueue_indirect_dma source(%dma_start3A_424 : memref<10000x128xf32, #tpu.memory_space<hbm>>) target(%arg18 : memref<128x128xf32, #tpu.memory_space<vmem>>) offsets(%dma_start3A_421 : memref<128xi32, #tpu.memory_space<vmem>>) semaphore(%arg31 : memref<!tpu.dma_semaphore, #tpu.memory_space<semaphore_mem>>)
          %dma_start3A_425 = tpu.memref_slice %arg16[%mul3A_420] : memref<5136xi32, #tpu.memory_space<vmem>> -> memref<128xi32, #tpu.memory_space<vmem>>
          %dma_start3A_426 = arith.constant 0 : i32
          %dma_start3A_427 = arith.constant 128 : i32
          %dma_start3A_428 = tpu.memref_slice %arg2[%dma_start3A_426, %dma_start3A_427] : memref<10000x256xf32, #tpu.memory_space<hbm>> -> memref<10000x128xf32, #tpu.memory_space<hbm>>
          tpu.enqueue_indirect_dma source(%dma_start3A_428 : memref<10000x128xf32, #tpu.memory_space<hbm>>) target(%arg19 : memref<128x128xf32, #tpu.memory_space<vmem>>) offsets(%dma_start3A_425 : memref<128xi32, #tpu.memory_space<vmem>>) semaphore(%arg31 : memref<!tpu.dma_semaphore, #tpu.memory_space<semaphore_mem>>)
        } else {
        }
        %dma_start3A_406 = tpu.memref_slice %arg17[%mul3A_387] : memref<5136xi32, #tpu.memory_space<vmem>> -> memref<128xi32, #tpu.memory_space<vmem>>
        %dma_start3A_407 = arith.constant 0 : i32
        %dma_start3A_408 = arith.constant 0 : i32
        %dma_start3A_409 = tpu.memref_slice %arg28[%dma_start3A_407, %dma_start3A_408] : memref<1152x128xf32, #tpu.memory_space<vmem_shared>> -> memref<1152x128xf32, #tpu.memory_space<vmem_shared>>
        tpu.enqueue_indirect_dma source(%arg20 : memref<128x128xf32, #tpu.memory_space<vmem>>) target(%dma_start3A_409 : memref<1152x128xf32, #tpu.memory_space<vmem_shared>>) offsets(%dma_start3A_406 : memref<128xi32, #tpu.memory_space<vmem>>) semaphore(%arg33 : memref<!tpu.dma_semaphore, #tpu.memory_space<semaphore_mem>>) {add = true}
        %dma_start3A_410 = tpu.memref_slice %arg17[%mul3A_387] : memref<5136xi32, #tpu.memory_space<vmem>> -> memref<128xi32, #tpu.memory_space<vmem>>
        %dma_start3A_411 = arith.constant 0 : i32
        %dma_start3A_412 = arith.constant 0 : i32
        %dma_start3A_413 = tpu.memref_slice %arg29[%dma_start3A_411, %dma_start3A_412] : memref<1152x128xf32, #tpu.memory_space<vmem_shared>> -> memref<1152x128xf32, #tpu.memory_space<vmem_shared>>
        tpu.enqueue_indirect_dma source(%arg21 : memref<128x128xf32, #tpu.memory_space<vmem>>) target(%dma_start3A_413 : memref<1152x128xf32, #tpu.memory_space<vmem_shared>>) offsets(%dma_start3A_410 : memref<128xi32, #tpu.memory_space<vmem>>) semaphore(%arg34 : memref<!tpu.dma_semaphore, #tpu.memory_space<semaphore_mem>>) {add = true}
        %dma_start3A_414 = tpu.memref_slice %arg17[%mul3A_387] : memref<5136xi32, #tpu.memory_space<vmem>> -> memref<128xi32, #tpu.memory_space<vmem>>
        %dma_start3A_415 = arith.constant 0 : i32
        %dma_start3A_416 = tpu.memref_slice %arg30[%dma_start3A_415] : memref<1152xf32, #tpu.memory_space<vmem_shared>> -> memref<1152xf32, #tpu.memory_space<vmem_shared>>
        tpu.enqueue_indirect_dma source(%arg25 : memref<128xf32, #tpu.memory_space<vmem>>) target(%dma_start3A_416 : memref<1152xf32, #tpu.memory_space<vmem_shared>>) offsets(%dma_start3A_414 : memref<128xi32, #tpu.memory_space<vmem>>) semaphore(%arg35 : memref<!tpu.dma_semaphore, #tpu.memory_space<semaphore_mem>>) {add = true}
      } else {
      }
      %while3A_385 = arith.constant 0 : i32
      scf.yield %while3A_385 : i32
    }
    %gt3A_215 = arith.constant 0 : i32
    %gt3A_216 = arith.cmpi sgt, %select_n3A, %gt3A_215 : i32
    %convert_element_type3A_217 = arith.extui %gt3A_216 : i1 to i32
    %cond3A_218 = arith.constant 0 : i32
    %cond3A_219 = arith.cmpi ne, %convert_element_type3A_217, %cond3A_218 : i32
    scf.if %cond3A_219 {
      %sub3A_368 = arith.constant 1 : i32
      %sub3A_369 = arith.subi %select_n3A, %sub3A_368 : i32
      %jit3A_370 = arith.constant 2 : i32
      %eq3A_371 = arith.constant 0 : i32
      %eq3A_372 = arith.cmpi eq, %jit3A_370, %eq3A_371 : i32
      %jit3A_373 = arith.constant 1 : i32
      %select_n3A_374 = arith.select %eq3A_372, %jit3A_373, %jit3A_370 : i32
      %rem3A_375 = arith.remsi %sub3A_369, %select_n3A_374 : i32
      %ne3A_376 = arith.constant 0 : i32
      %ne3A_377 = arith.cmpi ne, %rem3A_375, %ne3A_376 : i32
      %lt3A = arith.constant 0 : i32
      %lt3A_378 = arith.cmpi slt, %rem3A_375, %lt3A : i32
      %lt3A_379 = arith.constant 0 : i32
      %lt3A_380 = arith.cmpi slt, %select_n3A_374, %lt3A_379 : i32
      %ne3A_381 = arith.xori %lt3A_378, %lt3A_380 : i1
      %and3A_382 = arith.andi %ne3A_381, %ne3A_377 : i1
      %add3A_383 = arith.addi %rem3A_375, %select_n3A_374 : i32
      %select_n3A_384 = arith.select %and3A_382, %add3A_383, %rem3A_375 : i32
      %eq3A_385 = arith.constant 0 : i32
      %eq3A_386 = arith.cmpi eq, %select_n3A_384, %eq3A_385 : i32
      %convert_element_type3A_387 = arith.extui %eq3A_386 : i1 to i32
      %cond3A_388 = arith.constant 0 : i32
      %cond3A_389 = arith.cmpi ne, %convert_element_type3A_387, %cond3A_388 : i32
      scf.if %cond3A_389 {
        %mul3A_411 = arith.constant 128 : i32
        %mul3A_412 = arith.muli %sub3A_369, %mul3A_411 : i32
        %dma_wait3A_413 = tpu.memref_slice %arg17[%mul3A_412] : memref<5136xi32, #tpu.memory_space<vmem>> -> memref<128xi32, #tpu.memory_space<vmem>>
        %dma_wait3A_414 = arith.constant 0 : i32
        %dma_wait3A_415 = arith.constant 0 : i32
        %dma_wait3A_416 = tpu.memref_slice %arg28[%dma_wait3A_414, %dma_wait3A_415] : memref<1152x128xf32, #tpu.memory_space<vmem_shared>> -> memref<1152x128xf32, #tpu.memory_space<vmem_shared>>
        tpu.wait_indirect_dma semaphore(%arg33 : memref<!tpu.dma_semaphore, #tpu.memory_space<semaphore_mem>>) src(%arg18 : memref<128x128xf32, #tpu.memory_space<vmem>>) dst(%dma_wait3A_416 : memref<1152x128xf32, #tpu.memory_space<vmem_shared>>)
        %dma_wait3A_417 = tpu.memref_slice %arg17[%mul3A_412] : memref<5136xi32, #tpu.memory_space<vmem>> -> memref<128xi32, #tpu.memory_space<vmem>>
        %dma_wait3A_418 = arith.constant 0 : i32
        %dma_wait3A_419 = arith.constant 0 : i32
        %dma_wait3A_420 = tpu.memref_slice %arg29[%dma_wait3A_418, %dma_wait3A_419] : memref<1152x128xf32, #tpu.memory_space<vmem_shared>> -> memref<1152x128xf32, #tpu.memory_space<vmem_shared>>
        tpu.wait_indirect_dma semaphore(%arg34 : memref<!tpu.dma_semaphore, #tpu.memory_space<semaphore_mem>>) src(%arg19 : memref<128x128xf32, #tpu.memory_space<vmem>>) dst(%dma_wait3A_420 : memref<1152x128xf32, #tpu.memory_space<vmem_shared>>)
        %dma_wait3A_421 = tpu.memref_slice %arg17[%mul3A_412] : memref<5136xi32, #tpu.memory_space<vmem>> -> memref<128xi32, #tpu.memory_space<vmem>>
        %dma_wait3A_422 = arith.constant 0 : i32
        %dma_wait3A_423 = tpu.memref_slice %arg30[%dma_wait3A_422] : memref<1152xf32, #tpu.memory_space<vmem_shared>> -> memref<1152xf32, #tpu.memory_space<vmem_shared>>
        tpu.wait_indirect_dma semaphore(%arg35 : memref<!tpu.dma_semaphore, #tpu.memory_space<semaphore_mem>>) src(%arg25 : memref<128xf32, #tpu.memory_space<vmem>>) dst(%dma_wait3A_423 : memref<1152xf32, #tpu.memory_space<vmem_shared>>)
      } else {
      }
      %jit3A_390 = arith.constant 2 : i32
      %eq3A_391 = arith.constant 0 : i32
      %eq3A_392 = arith.cmpi eq, %jit3A_390, %eq3A_391 : i32
      %jit3A_393 = arith.constant 1 : i32
      %select_n3A_394 = arith.select %eq3A_392, %jit3A_393, %jit3A_390 : i32
      %rem3A_395 = arith.remsi %sub3A_369, %select_n3A_394 : i32
      %ne3A_396 = arith.constant 0 : i32
      %ne3A_397 = arith.cmpi ne, %rem3A_395, %ne3A_396 : i32
      %lt3A_398 = arith.constant 0 : i32
      %lt3A_399 = arith.cmpi slt, %rem3A_395, %lt3A_398 : i32
      %lt3A_400 = arith.constant 0 : i32
      %lt3A_401 = arith.cmpi slt, %select_n3A_394, %lt3A_400 : i32
      %ne3A_402 = arith.xori %lt3A_399, %lt3A_401 : i1
      %and3A_403 = arith.andi %ne3A_402, %ne3A_397 : i1
      %add3A_404 = arith.addi %rem3A_395, %select_n3A_394 : i32
      %select_n3A_405 = arith.select %and3A_403, %add3A_404, %rem3A_395 : i32
      %eq3A_406 = arith.constant 1 : i32
      %eq3A_407 = arith.cmpi eq, %select_n3A_405, %eq3A_406 : i32
      %convert_element_type3A_408 = arith.extui %eq3A_407 : i1 to i32
      %cond3A_409 = arith.constant 0 : i32
      %cond3A_410 = arith.cmpi ne, %convert_element_type3A_408, %cond3A_409 : i32
      scf.if %cond3A_410 {
        %mul3A_411 = arith.constant 128 : i32
        %mul3A_412 = arith.muli %sub3A_369, %mul3A_411 : i32
        %dma_wait3A_413 = tpu.memref_slice %arg17[%mul3A_412] : memref<5136xi32, #tpu.memory_space<vmem>> -> memref<128xi32, #tpu.memory_space<vmem>>
        %dma_wait3A_414 = arith.constant 0 : i32
        %dma_wait3A_415 = arith.constant 0 : i32
        %dma_wait3A_416 = tpu.memref_slice %arg28[%dma_wait3A_414, %dma_wait3A_415] : memref<1152x128xf32, #tpu.memory_space<vmem_shared>> -> memref<1152x128xf32, #tpu.memory_space<vmem_shared>>
        tpu.wait_indirect_dma semaphore(%arg33 : memref<!tpu.dma_semaphore, #tpu.memory_space<semaphore_mem>>) src(%arg20 : memref<128x128xf32, #tpu.memory_space<vmem>>) dst(%dma_wait3A_416 : memref<1152x128xf32, #tpu.memory_space<vmem_shared>>)
        %dma_wait3A_417 = tpu.memref_slice %arg17[%mul3A_412] : memref<5136xi32, #tpu.memory_space<vmem>> -> memref<128xi32, #tpu.memory_space<vmem>>
        %dma_wait3A_418 = arith.constant 0 : i32
        %dma_wait3A_419 = arith.constant 0 : i32
        %dma_wait3A_420 = tpu.memref_slice %arg29[%dma_wait3A_418, %dma_wait3A_419] : memref<1152x128xf32, #tpu.memory_space<vmem_shared>> -> memref<1152x128xf32, #tpu.memory_space<vmem_shared>>
        tpu.wait_indirect_dma semaphore(%arg34 : memref<!tpu.dma_semaphore, #tpu.memory_space<semaphore_mem>>) src(%arg21 : memref<128x128xf32, #tpu.memory_space<vmem>>) dst(%dma_wait3A_420 : memref<1152x128xf32, #tpu.memory_space<vmem_shared>>)
        %dma_wait3A_421 = tpu.memref_slice %arg17[%mul3A_412] : memref<5136xi32, #tpu.memory_space<vmem>> -> memref<128xi32, #tpu.memory_space<vmem>>
        %dma_wait3A_422 = arith.constant 0 : i32
        %dma_wait3A_423 = tpu.memref_slice %arg30[%dma_wait3A_422] : memref<1152xf32, #tpu.memory_space<vmem_shared>> -> memref<1152xf32, #tpu.memory_space<vmem_shared>>
        tpu.wait_indirect_dma semaphore(%arg35 : memref<!tpu.dma_semaphore, #tpu.memory_space<semaphore_mem>>) src(%arg25 : memref<128xf32, #tpu.memory_space<vmem>>) dst(%dma_wait3A_423 : memref<1152xf32, #tpu.memory_space<vmem_shared>>)
      } else {
      }
    } else {
    }
    %barrier3A_220 = arith.constant 0 : index
    tpu.barrier barrier_id(%barrier3A_220)
    %mul3A_221 = arith.constant 64 : i32
    %mul3A_222 = arith.muli %arg1, %mul3A_221 : i32
    %mul3A_223 = arith.constant 1024 : i32
    %mul3A_224 = arith.muli %arg0, %mul3A_223 : i32
    %add3A_225 = arith.addi %mul3A_224, %mul3A_222 : i32
    %add3A_226 = arith.constant 0 : i32
    %add3A_227 = arith.addi %mul3A_222, %add3A_226 : i32
    %get3A = arith.index_cast %add3A_227 : i32 to index
    %get3A_228 = tpu.vector_load %arg13[%get3A] {strides = array<i32>} : memref<1024xi32, #tpu.memory_space<vmem>>, vector<16xi32>,
    %gather3A = tpu.vector_load_idx %arg12[%get3A_228] : memref<10112xi32, #tpu.memory_space<vmem>>[vector<16xi32>], vector<16xi32>,
    %swap3A_229 = arith.constant 0 : index
    %swap3A_230 = tpu.vector_load %arg22[%swap3A_229] {strides = array<i32>} : memref<64xi32, #tpu.memory_space<vmem>>, vector<16xi32>,
    tpu.vector_store %arg22[%swap3A_229], %gather3A {strides = array<i32>} : memref<64xi32, #tpu.memory_space<vmem>>, vector<16xi32>,
    %swap3A_231 = arith.constant 0 : index
    %swap3A_232 = tpu.vector_load %arg24[%swap3A_231] {strides = array<i32>} : memref<64xi32, #tpu.memory_space<vmem>>, vector<16xi32>,
    tpu.vector_store %arg24[%swap3A_231], %get3A_228 {strides = array<i32>} : memref<64xi32, #tpu.memory_space<vmem>>, vector<16xi32>,
    %add3A_233 = arith.constant 0 : i32
    %add3A_234 = arith.addi %add3A_225, %add3A_233 : i32
    %add3A_235 = vector.broadcast %add3A_234 : i32 to vector<16xi32>
    %add3A_236 = arith.addi %iota3A, %add3A_235 : vector<16xi32>
    %swap3A_237 = arith.constant 0 : index
    %swap3A_238 = tpu.vector_load %arg23[%swap3A_237] {strides = array<i32>} : memref<64xi32, #tpu.memory_space<vmem>>, vector<16xi32>,
    tpu.vector_store %arg23[%swap3A_237], %add3A_236 {strides = array<i32>} : memref<64xi32, #tpu.memory_space<vmem>>, vector<16xi32>,
    %add3A_239 = arith.constant 16 : i32
    %add3A_240 = arith.addi %mul3A_222, %add3A_239 : i32
    %get3A_241 = arith.index_cast %add3A_240 : i32 to index
    %get3A_242 = tpu.vector_load %arg13[%get3A_241] {strides = array<i32>} : memref<1024xi32, #tpu.memory_space<vmem>>, vector<16xi32>,
    %gather3A_243 = tpu.vector_load_idx %arg12[%get3A_242] : memref<10112xi32, #tpu.memory_space<vmem>>[vector<16xi32>], vector<16xi32>,
    %swap3A_244 = arith.constant 16 : index
    %swap3A_245 = tpu.vector_load %arg22[%swap3A_244] {strides = array<i32>} : memref<64xi32, #tpu.memory_space<vmem>>, vector<16xi32>,
    tpu.vector_store %arg22[%swap3A_244], %gather3A_243 {strides = array<i32>} : memref<64xi32, #tpu.memory_space<vmem>>, vector<16xi32>,
    %swap3A_246 = arith.constant 16 : index
    %swap3A_247 = tpu.vector_load %arg24[%swap3A_246] {strides = array<i32>} : memref<64xi32, #tpu.memory_space<vmem>>, vector<16xi32>,
    tpu.vector_store %arg24[%swap3A_246], %get3A_242 {strides = array<i32>} : memref<64xi32, #tpu.memory_space<vmem>>, vector<16xi32>,
    %add3A_248 = arith.constant 16 : i32
    %add3A_249 = arith.addi %add3A_225, %add3A_248 : i32
    %add3A_250 = vector.broadcast %add3A_249 : i32 to vector<16xi32>
    %add3A_251 = arith.addi %iota3A, %add3A_250 : vector<16xi32>
    %swap3A_252 = arith.constant 16 : index
    %swap3A_253 = tpu.vector_load %arg23[%swap3A_252] {strides = array<i32>} : memref<64xi32, #tpu.memory_space<vmem>>, vector<16xi32>,
    tpu.vector_store %arg23[%swap3A_252], %add3A_251 {strides = array<i32>} : memref<64xi32, #tpu.memory_space<vmem>>, vector<16xi32>,
    %add3A_254 = arith.constant 32 : i32
    %add3A_255 = arith.addi %mul3A_222, %add3A_254 : i32
    %get3A_256 = arith.index_cast %add3A_255 : i32 to index
    %get3A_257 = tpu.vector_load %arg13[%get3A_256] {strides = array<i32>} : memref<1024xi32, #tpu.memory_space<vmem>>, vector<16xi32>,
    %gather3A_258 = tpu.vector_load_idx %arg12[%get3A_257] : memref<10112xi32, #tpu.memory_space<vmem>>[vector<16xi32>], vector<16xi32>,
    %swap3A_259 = arith.constant 32 : index
    %swap3A_260 = tpu.vector_load %arg22[%swap3A_259] {strides = array<i32>} : memref<64xi32, #tpu.memory_space<vmem>>, vector<16xi32>,
    tpu.vector_store %arg22[%swap3A_259], %gather3A_258 {strides = array<i32>} : memref<64xi32, #tpu.memory_space<vmem>>, vector<16xi32>,
    %swap3A_261 = arith.constant 32 : index
    %swap3A_262 = tpu.vector_load %arg24[%swap3A_261] {strides = array<i32>} : memref<64xi32, #tpu.memory_space<vmem>>, vector<16xi32>,
    tpu.vector_store %arg24[%swap3A_261], %get3A_257 {strides = array<i32>} : memref<64xi32, #tpu.memory_space<vmem>>, vector<16xi32>,
    %add3A_263 = arith.constant 32 : i32
    %add3A_264 = arith.addi %add3A_225, %add3A_263 : i32
    %add3A_265 = vector.broadcast %add3A_264 : i32 to vector<16xi32>
    %add3A_266 = arith.addi %iota3A, %add3A_265 : vector<16xi32>
    %swap3A_267 = arith.constant 32 : index
    %swap3A_268 = tpu.vector_load %arg23[%swap3A_267] {strides = array<i32>} : memref<64xi32, #tpu.memory_space<vmem>>, vector<16xi32>,
    tpu.vector_store %arg23[%swap3A_267], %add3A_266 {strides = array<i32>} : memref<64xi32, #tpu.memory_space<vmem>>, vector<16xi32>,
    %add3A_269 = arith.constant 48 : i32
    %add3A_270 = arith.addi %mul3A_222, %add3A_269 : i32
    %get3A_271 = arith.index_cast %add3A_270 : i32 to index
    %get3A_272 = tpu.vector_load %arg13[%get3A_271] {strides = array<i32>} : memref<1024xi32, #tpu.memory_space<vmem>>, vector<16xi32>,
    %gather3A_273 = tpu.vector_load_idx %arg12[%get3A_272] : memref<10112xi32, #tpu.memory_space<vmem>>[vector<16xi32>], vector<16xi32>,
    %swap3A_274 = arith.constant 48 : index
    %swap3A_275 = tpu.vector_load %arg22[%swap3A_274] {strides = array<i32>} : memref<64xi32, #tpu.memory_space<vmem>>, vector<16xi32>,
    tpu.vector_store %arg22[%swap3A_274], %gather3A_273 {strides = array<i32>} : memref<64xi32, #tpu.memory_space<vmem>>, vector<16xi32>,
    %swap3A_276 = arith.constant 48 : index
    %swap3A_277 = tpu.vector_load %arg24[%swap3A_276] {strides = array<i32>} : memref<64xi32, #tpu.memory_space<vmem>>, vector<16xi32>,
    tpu.vector_store %arg24[%swap3A_276], %get3A_272 {strides = array<i32>} : memref<64xi32, #tpu.memory_space<vmem>>, vector<16xi32>,
    %add3A_278 = arith.constant 48 : i32
    %add3A_279 = arith.addi %add3A_225, %add3A_278 : i32
    %add3A_280 = vector.broadcast %add3A_279 : i32 to vector<16xi32>
    %add3A_281 = arith.addi %iota3A, %add3A_280 : vector<16xi32>
    %swap3A_282 = arith.constant 48 : index
    %swap3A_283 = tpu.vector_load %arg23[%swap3A_282] {strides = array<i32>} : memref<64xi32, #tpu.memory_space<vmem>>, vector<16xi32>,
    tpu.vector_store %arg23[%swap3A_282], %add3A_281 {strides = array<i32>} : memref<64xi32, #tpu.memory_space<vmem>>, vector<16xi32>,
    %dma_start3A_284 = arith.constant 0 : i32
    %dma_start3A_285 = arith.constant 0 : i32
    %dma_start3A_286 = tpu.memref_slice %arg18[%dma_start3A_284, %dma_start3A_285] : memref<128x128xf32, #tpu.memory_space<vmem>> -> memref<64x128xf32, #tpu.memory_space<vmem>>
    %dma_start3A_287 = arith.constant 0 : i32
    %dma_start3A_288 = arith.constant 0 : i32
    %dma_start3A_289 = tpu.memref_slice %arg28[%dma_start3A_287, %dma_start3A_288] : memref<1152x128xf32, #tpu.memory_space<vmem_shared>> -> memref<1152x128xf32, #tpu.memory_space<vmem_shared>>
    tpu.enqueue_indirect_dma source(%dma_start3A_289 : memref<1152x128xf32, #tpu.memory_space<vmem_shared>>) target(%dma_start3A_286 : memref<64x128xf32, #tpu.memory_space<vmem>>) offsets(%arg22 : memref<64xi32, #tpu.memory_space<vmem>>) semaphore(%arg31 : memref<!tpu.dma_semaphore, #tpu.memory_space<semaphore_mem>>)
    %dma_start3A_290 = arith.constant 0 : i32
    %dma_start3A_291 = arith.constant 0 : i32
    %dma_start3A_292 = tpu.memref_slice %arg19[%dma_start3A_290, %dma_start3A_291] : memref<128x128xf32, #tpu.memory_space<vmem>> -> memref<64x128xf32, #tpu.memory_space<vmem>>
    %dma_start3A_293 = arith.constant 0 : i32
    %dma_start3A_294 = arith.constant 0 : i32
    %dma_start3A_295 = tpu.memref_slice %arg29[%dma_start3A_293, %dma_start3A_294] : memref<1152x128xf32, #tpu.memory_space<vmem_shared>> -> memref<1152x128xf32, #tpu.memory_space<vmem_shared>>
    tpu.enqueue_indirect_dma source(%dma_start3A_295 : memref<1152x128xf32, #tpu.memory_space<vmem_shared>>) target(%dma_start3A_292 : memref<64x128xf32, #tpu.memory_space<vmem>>) offsets(%arg22 : memref<64xi32, #tpu.memory_space<vmem>>) semaphore(%arg32 : memref<!tpu.dma_semaphore, #tpu.memory_space<semaphore_mem>>)
    %dma_start3A_296 = arith.constant 0 : i32
    %dma_start3A_297 = tpu.memref_slice %arg26[%dma_start3A_296] : memref<128xf32, #tpu.memory_space<vmem>> -> memref<64xf32, #tpu.memory_space<vmem>>
    %dma_start3A_298 = arith.constant 0 : i32
    %dma_start3A_299 = tpu.memref_slice %arg30[%dma_start3A_298] : memref<1152xf32, #tpu.memory_space<vmem_shared>> -> memref<1152xf32, #tpu.memory_space<vmem_shared>>
    tpu.enqueue_indirect_dma source(%dma_start3A_299 : memref<1152xf32, #tpu.memory_space<vmem_shared>>) target(%dma_start3A_297 : memref<64xf32, #tpu.memory_space<vmem>>) offsets(%arg22 : memref<64xi32, #tpu.memory_space<vmem>>) semaphore(%arg35 : memref<!tpu.dma_semaphore, #tpu.memory_space<semaphore_mem>>)
    %dma_wait3A_300 = arith.constant 0 : i32
    %dma_wait3A_301 = arith.constant 0 : i32
    %dma_wait3A_302 = tpu.memref_slice %arg18[%dma_wait3A_300, %dma_wait3A_301] : memref<128x128xf32, #tpu.memory_space<vmem>> -> memref<64x128xf32, #tpu.memory_space<vmem>>
    %dma_wait3A_303 = arith.constant 0 : i32
    %dma_wait3A_304 = arith.constant 0 : i32
    %dma_wait3A_305 = tpu.memref_slice %arg28[%dma_wait3A_303, %dma_wait3A_304] : memref<1152x128xf32, #tpu.memory_space<vmem_shared>> -> memref<1152x128xf32, #tpu.memory_space<vmem_shared>>
    tpu.wait_indirect_dma semaphore(%arg31 : memref<!tpu.dma_semaphore, #tpu.memory_space<semaphore_mem>>) src(%dma_wait3A_305 : memref<1152x128xf32, #tpu.memory_space<vmem_shared>>) dst(%dma_wait3A_302 : memref<64x128xf32, #tpu.memory_space<vmem>>)
    %dma_start3A_306 = arith.constant 0 : i32
    %dma_start3A_307 = arith.constant 0 : i32
    %dma_start3A_308 = tpu.memref_slice %arg18[%dma_start3A_306, %dma_start3A_307] : memref<128x128xf32, #tpu.memory_space<vmem>> -> memref<64x128xf32, #tpu.memory_space<vmem>>
    %dma_start3A_309 = arith.constant 0 : i32
    %dma_start3A_310 = tpu.memref_slice %arg8[%add3A_225, %dma_start3A_309] : memref<2048x128xf32, #tpu.memory_space<hbm>> -> memref<64x128xf32, #tpu.memory_space<hbm>>
    %dma_start3A_311 = arith.constant 0 : i32
    %dma_start3A_312 = tpu.memref_slice %arg8[%add3A_225, %dma_start3A_311] : memref<2048x128xf32, #tpu.memory_space<hbm>> -> memref<64x128xf32, #tpu.memory_space<hbm>>
    %dma_start3A_313 = arith.constant 0 : i32
    %dma_start3A_314 = arith.constant 0 : i32
    %dma_start3A_315 = tpu.memref_slice %arg18[%dma_start3A_313, %dma_start3A_314] : memref<128x128xf32, #tpu.memory_space<vmem>> -> memref<64x128xf32, #tpu.memory_space<vmem>>
    tpu.enqueue_dma source(%dma_start3A_315 : memref<64x128xf32, #tpu.memory_space<vmem>>) target(%dma_start3A_312 : memref<64x128xf32, #tpu.memory_space<hbm>>) target_semaphore(%arg36 : memref<!tpu.dma_semaphore, #tpu.memory_space<semaphore_mem>>)
    %dma_wait3A_316 = arith.constant 0 : i32
    %dma_wait3A_317 = arith.constant 0 : i32
    %dma_wait3A_318 = tpu.memref_slice %arg19[%dma_wait3A_316, %dma_wait3A_317] : memref<128x128xf32, #tpu.memory_space<vmem>> -> memref<64x128xf32, #tpu.memory_space<vmem>>
    %dma_wait3A_319 = arith.constant 0 : i32
    %dma_wait3A_320 = arith.constant 0 : i32
    %dma_wait3A_321 = tpu.memref_slice %arg29[%dma_wait3A_319, %dma_wait3A_320] : memref<1152x128xf32, #tpu.memory_space<vmem_shared>> -> memref<1152x128xf32, #tpu.memory_space<vmem_shared>>
    tpu.wait_indirect_dma semaphore(%arg32 : memref<!tpu.dma_semaphore, #tpu.memory_space<semaphore_mem>>) src(%dma_wait3A_321 : memref<1152x128xf32, #tpu.memory_space<vmem_shared>>) dst(%dma_wait3A_318 : memref<64x128xf32, #tpu.memory_space<vmem>>)
    %dma_start3A_322 = arith.constant 0 : i32
    %dma_start3A_323 = arith.constant 0 : i32
    %dma_start3A_324 = tpu.memref_slice %arg19[%dma_start3A_322, %dma_start3A_323] : memref<128x128xf32, #tpu.memory_space<vmem>> -> memref<64x128xf32, #tpu.memory_space<vmem>>
    %dma_start3A_325 = arith.constant 0 : i32
    %dma_start3A_326 = tpu.memref_slice %arg9[%add3A_225, %dma_start3A_325] : memref<2048x128xf32, #tpu.memory_space<hbm>> -> memref<64x128xf32, #tpu.memory_space<hbm>>
    %dma_start3A_327 = arith.constant 0 : i32
    %dma_start3A_328 = tpu.memref_slice %arg9[%add3A_225, %dma_start3A_327] : memref<2048x128xf32, #tpu.memory_space<hbm>> -> memref<64x128xf32, #tpu.memory_space<hbm>>
    %dma_start3A_329 = arith.constant 0 : i32
    %dma_start3A_330 = arith.constant 0 : i32
    %dma_start3A_331 = tpu.memref_slice %arg19[%dma_start3A_329, %dma_start3A_330] : memref<128x128xf32, #tpu.memory_space<vmem>> -> memref<64x128xf32, #tpu.memory_space<vmem>>
    tpu.enqueue_dma source(%dma_start3A_331 : memref<64x128xf32, #tpu.memory_space<vmem>>) target(%dma_start3A_328 : memref<64x128xf32, #tpu.memory_space<hbm>>) target_semaphore(%arg37 : memref<!tpu.dma_semaphore, #tpu.memory_space<semaphore_mem>>)
    %dma_wait3A_332 = arith.constant 0 : i32
    %dma_wait3A_333 = tpu.memref_slice %arg26[%dma_wait3A_332] : memref<128xf32, #tpu.memory_space<vmem>> -> memref<64xf32, #tpu.memory_space<vmem>>
    %dma_wait3A_334 = arith.constant 0 : i32
    %dma_wait3A_335 = tpu.memref_slice %arg30[%dma_wait3A_334] : memref<1152xf32, #tpu.memory_space<vmem_shared>> -> memref<1152xf32, #tpu.memory_space<vmem_shared>>
    tpu.wait_indirect_dma semaphore(%arg35 : memref<!tpu.dma_semaphore, #tpu.memory_space<semaphore_mem>>) src(%dma_wait3A_335 : memref<1152xf32, #tpu.memory_space<vmem_shared>>) dst(%dma_wait3A_333 : memref<64xf32, #tpu.memory_space<vmem>>)
    %dma_start3A_336 = arith.constant 0 : i32
    %dma_start3A_337 = tpu.memref_slice %arg26[%dma_start3A_336] : memref<128xf32, #tpu.memory_space<vmem>> -> memref<64xf32, #tpu.memory_space<vmem>>
    %dma_start3A_338 = arith.constant 0 : i32
    %dma_start3A_339 = tpu.memref_slice %arg10[%dma_start3A_338] : memref<2048xf32, #tpu.memory_space<hbm>> -> memref<2048xf32, #tpu.memory_space<hbm>>
    tpu.enqueue_indirect_dma source(%dma_start3A_337 : memref<64xf32, #tpu.memory_space<vmem>>) target(%dma_start3A_339 : memref<2048xf32, #tpu.memory_space<hbm>>) offsets(%arg23 : memref<64xi32, #tpu.memory_space<vmem>>) semaphore(%arg38 : memref<!tpu.dma_semaphore, #tpu.memory_space<semaphore_mem>>)
    %eq3A = arith.constant 0 : i32
    %eq3A_340 = arith.cmpi eq, %arg0, %eq3A : i32
    %convert_element_type3A_341 = arith.extui %eq3A_340 : i1 to i32
    %cond3A_342 = arith.constant 0 : i32
    %cond3A_343 = arith.cmpi ne, %convert_element_type3A_341, %cond3A_342 : i32
    scf.if %cond3A_343 {
      %dma_start3A_368 = arith.constant 0 : i32
      %dma_start3A_369 = arith.constant 0 : i32
      %dma_start3A_370 = tpu.memref_slice %arg20[%dma_start3A_368, %dma_start3A_369] : memref<128x128xf32, #tpu.memory_space<vmem>> -> memref<64x128xf32, #tpu.memory_space<vmem>>
      %dma_start3A_371 = arith.constant 0 : i32
      %dma_start3A_372 = arith.constant 0 : i32
      %dma_start3A_373 = tpu.memref_slice %arg2[%dma_start3A_371, %dma_start3A_372] : memref<10000x256xf32, #tpu.memory_space<hbm>> -> memref<10000x128xf32, #tpu.memory_space<hbm>>
      tpu.enqueue_indirect_dma source(%dma_start3A_373 : memref<10000x128xf32, #tpu.memory_space<hbm>>) target(%dma_start3A_370 : memref<64x128xf32, #tpu.memory_space<vmem>>) offsets(%arg24 : memref<64xi32, #tpu.memory_space<vmem>>) semaphore(%arg33 : memref<!tpu.dma_semaphore, #tpu.memory_space<semaphore_mem>>)
      %dma_start3A_374 = arith.constant 0 : i32
      %dma_start3A_375 = arith.constant 0 : i32
      %dma_start3A_376 = tpu.memref_slice %arg21[%dma_start3A_374, %dma_start3A_375] : memref<128x128xf32, #tpu.memory_space<vmem>> -> memref<64x128xf32, #tpu.memory_space<vmem>>
      %dma_start3A_377 = arith.constant 0 : i32
      %dma_start3A_378 = arith.constant 128 : i32
      %dma_start3A_379 = tpu.memref_slice %arg2[%dma_start3A_377, %dma_start3A_378] : memref<10000x256xf32, #tpu.memory_space<hbm>> -> memref<10000x128xf32, #tpu.memory_space<hbm>>
      tpu.enqueue_indirect_dma source(%dma_start3A_379 : memref<10000x128xf32, #tpu.memory_space<hbm>>) target(%dma_start3A_376 : memref<64x128xf32, #tpu.memory_space<vmem>>) offsets(%arg24 : memref<64xi32, #tpu.memory_space<vmem>>) semaphore(%arg34 : memref<!tpu.dma_semaphore, #tpu.memory_space<semaphore_mem>>)
      %dma_wait3A_380 = arith.constant 0 : i32
      %dma_wait3A_381 = arith.constant 0 : i32
      %dma_wait3A_382 = tpu.memref_slice %arg20[%dma_wait3A_380, %dma_wait3A_381] : memref<128x128xf32, #tpu.memory_space<vmem>> -> memref<64x128xf32, #tpu.memory_space<vmem>>
      %dma_wait3A_383 = arith.constant 0 : i32
      %dma_wait3A_384 = arith.constant 0 : i32
      %dma_wait3A_385 = tpu.memref_slice %arg2[%dma_wait3A_383, %dma_wait3A_384] : memref<10000x256xf32, #tpu.memory_space<hbm>> -> memref<10000x128xf32, #tpu.memory_space<hbm>>
      tpu.wait_indirect_dma semaphore(%arg33 : memref<!tpu.dma_semaphore, #tpu.memory_space<semaphore_mem>>) src(%dma_wait3A_385 : memref<10000x128xf32, #tpu.memory_space<hbm>>) dst(%dma_wait3A_382 : memref<64x128xf32, #tpu.memory_space<vmem>>)
      %dma_start3A_386 = arith.constant 0 : i32
      %dma_start3A_387 = arith.constant 0 : i32
      %dma_start3A_388 = tpu.memref_slice %arg20[%dma_start3A_386, %dma_start3A_387] : memref<128x128xf32, #tpu.memory_space<vmem>> -> memref<64x128xf32, #tpu.memory_space<vmem>>
      %dma_start3A_389 = arith.constant 0 : i32
      %dma_start3A_390 = tpu.memref_slice %arg11[%mul3A_222, %dma_start3A_389] : memref<1024x256xf32, #tpu.memory_space<hbm>> -> memref<64x128xf32, #tpu.memory_space<hbm>>
      %dma_start3A_391 = arith.constant 0 : i32
      %dma_start3A_392 = tpu.memref_slice %arg11[%mul3A_222, %dma_start3A_391] : memref<1024x256xf32, #tpu.memory_space<hbm>> -> memref<64x128xf32, #tpu.memory_space<hbm>>
      %dma_start3A_393 = arith.constant 0 : i32
      %dma_start3A_394 = arith.constant 0 : i32
      %dma_start3A_395 = tpu.memref_slice %arg20[%dma_start3A_393, %dma_start3A_394] : memref<128x128xf32, #tpu.memory_space<vmem>> -> memref<64x128xf32, #tpu.memory_space<vmem>>
      tpu.enqueue_dma source(%dma_start3A_395 : memref<64x128xf32, #tpu.memory_space<vmem>>) target(%dma_start3A_392 : memref<64x128xf32, #tpu.memory_space<hbm>>) target_semaphore(%arg33 : memref<!tpu.dma_semaphore, #tpu.memory_space<semaphore_mem>>)
      %dma_wait3A_396 = arith.constant 0 : i32
      %dma_wait3A_397 = arith.constant 0 : i32
      %dma_wait3A_398 = tpu.memref_slice %arg21[%dma_wait3A_396, %dma_wait3A_397] : memref<128x128xf32, #tpu.memory_space<vmem>> -> memref<64x128xf32, #tpu.memory_space<vmem>>
      %dma_wait3A_399 = arith.constant 0 : i32
      %dma_wait3A_400 = arith.constant 128 : i32
      %dma_wait3A_401 = tpu.memref_slice %arg2[%dma_wait3A_399, %dma_wait3A_400] : memref<10000x256xf32, #tpu.memory_space<hbm>> -> memref<10000x128xf32, #tpu.memory_space<hbm>>
      tpu.wait_indirect_dma semaphore(%arg34 : memref<!tpu.dma_semaphore, #tpu.memory_space<semaphore_mem>>) src(%dma_wait3A_401 : memref<10000x128xf32, #tpu.memory_space<hbm>>) dst(%dma_wait3A_398 : memref<64x128xf32, #tpu.memory_space<vmem>>)
      "tpu.region"() ({
        %run_scoped3A = tpu.sem_alloc : memref<!tpu.dma_semaphore, #tpu.memory_space<semaphore_mem>>
        %dma_start3A_412 = arith.constant 0 : i32
        %dma_start3A_413 = arith.constant 0 : i32
        %dma_start3A_414 = tpu.memref_slice %arg21[%dma_start3A_412, %dma_start3A_413] : memref<128x128xf32, #tpu.memory_space<vmem>> -> memref<64x128xf32, #tpu.memory_space<vmem>>
        %dma_start3A_415 = arith.constant 128 : i32
        %dma_start3A_416 = tpu.memref_slice %arg11[%mul3A_222, %dma_start3A_415] : memref<1024x256xf32, #tpu.memory_space<hbm>> -> memref<64x128xf32, #tpu.memory_space<hbm>>
        %dma_start3A_417 = arith.constant 128 : i32
        %dma_start3A_418 = tpu.memref_slice %arg11[%mul3A_222, %dma_start3A_417] : memref<1024x256xf32, #tpu.memory_space<hbm>> -> memref<64x128xf32, #tpu.memory_space<hbm>>
        %dma_start3A_419 = arith.constant 0 : i32
        %dma_start3A_420 = arith.constant 0 : i32
        %dma_start3A_421 = tpu.memref_slice %arg21[%dma_start3A_419, %dma_start3A_420] : memref<128x128xf32, #tpu.memory_space<vmem>> -> memref<64x128xf32, #tpu.memory_space<vmem>>
        tpu.enqueue_dma source(%dma_start3A_421 : memref<64x128xf32, #tpu.memory_space<vmem>>) target(%dma_start3A_418 : memref<64x128xf32, #tpu.memory_space<hbm>>) target_semaphore(%run_scoped3A : memref<!tpu.dma_semaphore, #tpu.memory_space<semaphore_mem>>)
        %dma_wait3A_422 = arith.constant 0 : i32
        %dma_wait3A_423 = arith.constant 0 : i32
        %dma_wait3A_424 = tpu.memref_slice %arg21[%dma_wait3A_422, %dma_wait3A_423] : memref<128x128xf32, #tpu.memory_space<vmem>> -> memref<64x128xf32, #tpu.memory_space<vmem>>
        %dma_wait3A_425 = arith.constant 128 : i32
        %dma_wait3A_426 = tpu.memref_slice %arg11[%mul3A_222, %dma_wait3A_425] : memref<1024x256xf32, #tpu.memory_space<hbm>> -> memref<64x128xf32, #tpu.memory_space<hbm>>
        %dma_wait3A_427 = arith.constant 128 : i32
        %dma_wait3A_428 = tpu.memref_slice %arg11[%mul3A_222, %dma_wait3A_427] : memref<1024x256xf32, #tpu.memory_space<hbm>> -> memref<64x128xf32, #tpu.memory_space<hbm>>
        %dma_wait3A_429 = arith.constant 0 : i32
        %dma_wait3A_430 = arith.constant 0 : i32
        %dma_wait3A_431 = tpu.memref_slice %arg21[%dma_wait3A_429, %dma_wait3A_430] : memref<128x128xf32, #tpu.memory_space<vmem>> -> memref<64x128xf32, #tpu.memory_space<vmem>>
        tpu.wait_dma2 semaphore(%run_scoped3A : memref<!tpu.dma_semaphore, #tpu.memory_space<semaphore_mem>>) src(%dma_wait3A_431 : memref<64x128xf32, #tpu.memory_space<vmem>>) dst(%dma_wait3A_428 : memref<64x128xf32, #tpu.memory_space<hbm>>)
        tpu.yield
      }) : () -> ()
      %dma_wait3A_402 = arith.constant 0 : i32
      %dma_wait3A_403 = arith.constant 0 : i32
      %dma_wait3A_404 = tpu.memref_slice %arg20[%dma_wait3A_402, %dma_wait3A_403] : memref<128x128xf32, #tpu.memory_space<vmem>> -> memref<64x128xf32, #tpu.memory_space<vmem>>
      %dma_wait3A_405 = arith.constant 0 : i32
      %dma_wait3A_406 = tpu.memref_slice %arg11[%mul3A_222, %dma_wait3A_405] : memref<1024x256xf32, #tpu.memory_space<hbm>> -> memref<64x128xf32, #tpu.memory_space<hbm>>
      %dma_wait3A_407 = arith.constant 0 : i32
      %dma_wait3A_408 = tpu.memref_slice %arg11[%mul3A_222, %dma_wait3A_407] : memref<1024x256xf32, #tpu.memory_space<hbm>> -> memref<64x128xf32, #tpu.memory_space<hbm>>
      %dma_wait3A_409 = arith.constant 0 : i32
      %dma_wait3A_410 = arith.constant 0 : i32
      %dma_wait3A_411 = tpu.memref_slice %arg20[%dma_wait3A_409, %dma_wait3A_410] : memref<128x128xf32, #tpu.memory_space<vmem>> -> memref<64x128xf32, #tpu.memory_space<vmem>>
      tpu.wait_dma2 semaphore(%arg33 : memref<!tpu.dma_semaphore, #tpu.memory_space<semaphore_mem>>) src(%dma_wait3A_411 : memref<64x128xf32, #tpu.memory_space<vmem>>) dst(%dma_wait3A_408 : memref<64x128xf32, #tpu.memory_space<hbm>>)
    } else {
    }
    %dma_wait3A_344 = arith.constant 0 : i32
    %dma_wait3A_345 = arith.constant 0 : i32
    %dma_wait3A_346 = tpu.memref_slice %arg18[%dma_wait3A_344, %dma_wait3A_345] : memref<128x128xf32, #tpu.memory_space<vmem>> -> memref<64x128xf32, #tpu.memory_space<vmem>>
    %dma_wait3A_347 = arith.constant 0 : i32
    %dma_wait3A_348 = tpu.memref_slice %arg8[%add3A_225, %dma_wait3A_347] : memref<2048x128xf32, #tpu.memory_space<hbm>> -> memref<64x128xf32, #tpu.memory_space<hbm>>
    %dma_wait3A_349 = arith.constant 0 : i32
    %dma_wait3A_350 = tpu.memref_slice %arg8[%add3A_225, %dma_wait3A_349] : memref<2048x128xf32, #tpu.memory_space<hbm>> -> memref<64x128xf32, #tpu.memory_space<hbm>>
    %dma_wait3A_351 = arith.constant 0 : i32
    %dma_wait3A_352 = arith.constant 0 : i32
    %dma_wait3A_353 = tpu.memref_slice %arg18[%dma_wait3A_351, %dma_wait3A_352] : memref<128x128xf32, #tpu.memory_space<vmem>> -> memref<64x128xf32, #tpu.memory_space<vmem>>
    tpu.wait_dma2 semaphore(%arg36 : memref<!tpu.dma_semaphore, #tpu.memory_space<semaphore_mem>>) src(%dma_wait3A_353 : memref<64x128xf32, #tpu.memory_space<vmem>>) dst(%dma_wait3A_350 : memref<64x128xf32, #tpu.memory_space<hbm>>)
    %dma_wait3A_354 = arith.constant 0 : i32
    %dma_wait3A_355 = arith.constant 0 : i32
    %dma_wait3A_356 = tpu.memref_slice %arg19[%dma_wait3A_354, %dma_wait3A_355] : memref<128x128xf32, #tpu.memory_space<vmem>> -> memref<64x128xf32, #tpu.memory_space<vmem>>
    %dma_wait3A_357 = arith.constant 0 : i32
    %dma_wait3A_358 = tpu.memref_slice %arg9[%add3A_225, %dma_wait3A_357] : memref<2048x128xf32, #tpu.memory_space<hbm>> -> memref<64x128xf32, #tpu.memory_space<hbm>>
    %dma_wait3A_359 = arith.constant 0 : i32
    %dma_wait3A_360 = tpu.memref_slice %arg9[%add3A_225, %dma_wait3A_359] : memref<2048x128xf32, #tpu.memory_space<hbm>> -> memref<64x128xf32, #tpu.memory_space<hbm>>
    %dma_wait3A_361 = arith.constant 0 : i32
    %dma_wait3A_362 = arith.constant 0 : i32
    %dma_wait3A_363 = tpu.memref_slice %arg19[%dma_wait3A_361, %dma_wait3A_362] : memref<128x128xf32, #tpu.memory_space<vmem>> -> memref<64x128xf32, #tpu.memory_space<vmem>>
    tpu.wait_dma2 semaphore(%arg37 : memref<!tpu.dma_semaphore, #tpu.memory_space<semaphore_mem>>) src(%dma_wait3A_363 : memref<64x128xf32, #tpu.memory_space<vmem>>) dst(%dma_wait3A_360 : memref<64x128xf32, #tpu.memory_space<hbm>>)
    %dma_wait3A_364 = arith.constant 0 : i32
    %dma_wait3A_365 = tpu.memref_slice %arg26[%dma_wait3A_364] : memref<128xf32, #tpu.memory_space<vmem>> -> memref<64xf32, #tpu.memory_space<vmem>>
    %dma_wait3A_366 = arith.constant 0 : i32
    %dma_wait3A_367 = tpu.memref_slice %arg10[%dma_wait3A_366] : memref<2048xf32, #tpu.memory_space<hbm>> -> memref<2048xf32, #tpu.memory_space<hbm>>
    tpu.wait_indirect_dma semaphore(%arg38 : memref<!tpu.dma_semaphore, #tpu.memory_space<semaphore_mem>>) src(%dma_wait3A_365 : memref<64xf32, #tpu.memory_space<vmem>>) dst(%dma_wait3A_367 : memref<2048xf32, #tpu.memory_space<hbm>>)
    return
  }
}

module attributes {stable_mosaic.version = 14 : i64} {
  func.func @_tc_body(%arg0: memref<2048x128xf32, #tpu.memory_space<vmem>>, %arg1: memref<2048x128xf32, #tpu.memory_space<vmem>>, %arg2: memref<2048x1xf32, #tpu.memory_space<vmem>>, %arg3: memref<1024x256xf32, #tpu.memory_space<vmem>>, %arg4: memref<256x512xf32, #tpu.memory_space<vmem>>, %arg5: memref<128x256xf32, #tpu.memory_space<vmem>>, %arg6: memref<1024x128xf32, #tpu.memory_space<vmem>>) attributes {dimension_semantics = [], scalar_prefetch = 0 : i64, scratch_operands = 0 : i64, tpu.core_type = #tpu.core_type<tc>} {
    %get3A = arith.constant 0 : index
    %get3A_0 = arith.constant 0 : index
    %get3A_1 = vector.load %arg2[%get3A, %get3A_0] : memref<2048x1xf32, #tpu.memory_space<vmem>>, vector<1024x1xf32>
    %get3A_2 = arith.constant 1024 : index
    %get3A_3 = arith.constant 0 : index
    %get3A_4 = vector.load %arg2[%get3A_2, %get3A_3] : memref<2048x1xf32, #tpu.memory_space<vmem>>, vector<1024x1xf32>
    %add3A = arith.addf %get3A_1, %get3A_4 : vector<1024x1xf32>
    %max3A = arith.constant 1.000000e+00 : f32
    %max3A_5 = vector.broadcast %max3A : f32 to vector<1024x1xf32>
    %max3A_6 = arith.maximumf %add3A, %max3A_5 : vector<1024x1xf32>
    %div3A = arith.constant 1.000000e+00 : f32
    %div3A_7 = vector.broadcast %div3A : f32 to vector<1024x1xf32>
    %div3A_8 = arith.divf %div3A_7, %max3A_6 : vector<1024x1xf32>
    %get3A_9 = arith.constant 0 : index
    %get3A_10 = arith.constant 0 : index
    %get3A_11 = vector.load %arg0[%get3A_9, %get3A_10] : memref<2048x128xf32, #tpu.memory_space<vmem>>, vector<1024x128xf32>
    %get3A_12 = arith.constant 1024 : index
    %get3A_13 = arith.constant 0 : index
    %get3A_14 = vector.load %arg0[%get3A_12, %get3A_13] : memref<2048x128xf32, #tpu.memory_space<vmem>>, vector<1024x128xf32>
    %add3A_15 = arith.addf %get3A_11, %get3A_14 : vector<1024x128xf32>
    %mul3A = vector.broadcast %div3A_8 : vector<1024x1xf32> to vector<1024x128xf32>
    %mul3A_16 = arith.mulf %add3A_15, %mul3A : vector<1024x128xf32>
    %get3A_17 = arith.constant 0 : index
    %get3A_18 = arith.constant 0 : index
    %get3A_19 = vector.load %arg1[%get3A_17, %get3A_18] : memref<2048x128xf32, #tpu.memory_space<vmem>>, vector<1024x128xf32>
    %get3A_20 = arith.constant 1024 : index
    %get3A_21 = arith.constant 0 : index
    %get3A_22 = vector.load %arg1[%get3A_20, %get3A_21] : memref<2048x128xf32, #tpu.memory_space<vmem>>, vector<1024x128xf32>
    %add3A_23 = arith.addf %get3A_19, %get3A_22 : vector<1024x128xf32>
    %mul3A_24 = vector.broadcast %div3A_8 : vector<1024x1xf32> to vector<1024x128xf32>
    %mul3A_25 = arith.mulf %add3A_23, %mul3A_24 : vector<1024x128xf32>
    %get3A_26 = arith.constant 0 : index
    %get3A_27 = arith.constant 0 : index
    %get3A_28 = vector.load %arg4[%get3A_26, %get3A_27] : memref<256x512xf32, #tpu.memory_space<vmem>>, vector<256x256xf32>
    %get3A_29 = arith.constant 0 : index
    %get3A_30 = arith.constant 256 : index
    %get3A_31 = vector.load %arg4[%get3A_29, %get3A_30] : memref<256x512xf32, #tpu.memory_space<vmem>>, vector<256x128xf32>
    %get3A_32 = arith.constant 0 : index
    %get3A_33 = arith.constant 384 : index
    %get3A_34 = vector.load %arg4[%get3A_32, %get3A_33] : memref<256x512xf32, #tpu.memory_space<vmem>>, vector<256x128xf32>
    %get3A_35 = arith.constant 0 : index
    %get3A_36 = arith.constant 0 : index
    %get3A_37 = vector.load %arg3[%get3A_35, %get3A_36] : memref<1024x256xf32, #tpu.memory_space<vmem>>, vector<1024x256xf32>
    %dot_general3A = arith.constant dense<0.000000e+00> : vector<1024x256xf32>
    %dot_general3A_38 = tpu.matmul %get3A_37, %get3A_28, %dot_general3A {dimension_numbers = #tpu.dot_dimension_numbers<[1], [1], [0], [0], [0, 0, 1, 0], [], []>, precision = #tpu.contract_precision<fp32>, transpose_lhs_hint = false} : vector<1024x256xf32>, vector<256x256xf32>, vector<1024x256xf32> -> vector<1024x256xf32>
    %dot_general3A_39 = arith.constant dense<0.000000e+00> : vector<1024x256xf32>
    %dot_general3A_40 = tpu.matmul %mul3A_16, %get3A_31, %dot_general3A_39 {dimension_numbers = #tpu.dot_dimension_numbers<[1], [1], [0], [0], [0, 0, 1, 0], [], []>, precision = #tpu.contract_precision<fp32>, transpose_lhs_hint = false} : vector<1024x128xf32>, vector<256x128xf32>, vector<1024x256xf32> -> vector<1024x256xf32>
    %add3A_41 = arith.addf %dot_general3A_38, %dot_general3A_40 : vector<1024x256xf32>
    %dot_general3A_42 = arith.constant dense<0.000000e+00> : vector<1024x256xf32>
    %dot_general3A_43 = tpu.matmul %mul3A_25, %get3A_34, %dot_general3A_42 {dimension_numbers = #tpu.dot_dimension_numbers<[1], [1], [0], [0], [0, 0, 1, 0], [], []>, precision = #tpu.contract_precision<fp32>, transpose_lhs_hint = false} : vector<1024x128xf32>, vector<256x128xf32>, vector<1024x256xf32> -> vector<1024x256xf32>
    %add3A_44 = arith.addf %add3A_41, %dot_general3A_43 : vector<1024x256xf32>
    %max3A_45 = arith.constant 0.000000e+00 : f32
    %max3A_46 = vector.broadcast %max3A_45 : f32 to vector<1024x256xf32>
    %max3A_47 = arith.maximumf %add3A_44, %max3A_46 : vector<1024x256xf32>
    %get3A_48 = arith.constant 0 : index
    %get3A_49 = arith.constant 0 : index
    %get3A_50 = vector.load %arg5[%get3A_48, %get3A_49] : memref<128x256xf32, #tpu.memory_space<vmem>>, vector<128x256xf32>
    %dot_general3A_51 = arith.constant dense<0.000000e+00> : vector<1024x128xf32>
    %dot_general3A_52 = tpu.matmul %max3A_47, %get3A_50, %dot_general3A_51 {dimension_numbers = #tpu.dot_dimension_numbers<[1], [1], [0], [0], [0, 0, 1, 0], [], []>, precision = #tpu.contract_precision<fp32>, transpose_lhs_hint = false} : vector<1024x256xf32>, vector<128x256xf32>, vector<1024x128xf32> -> vector<1024x128xf32>
    %swap3A = arith.constant 0 : index
    %swap3A_53 = arith.constant 0 : index
    %swap3A_54 = vector.load %arg6[%swap3A, %swap3A_53] : memref<1024x128xf32, #tpu.memory_space<vmem>>, vector<1024x128xf32>
    tpu.vector_store %arg6[%swap3A, %swap3A_53], %dot_general3A_52 {strides = array<i32>} : memref<1024x128xf32, #tpu.memory_space<vmem>>, vector<1024x128xf32>,
    return
  }
}

</mosaic_0001>

<sc_bundles>
// kernel: kernel.4.cloned.1.call-start
scs
__scs_entry_jumppad:
0x0: {  	(pc) =	sbr.rel $0x88, $3  }
0x1: {  	(tag) =	ssettag $0x0;
	lr =	simm.s32 $0x1  }
0x2: {  	[smem:$0x3F9C] =	sst lr;
	_ =	strace $0xD0000000  }
0x3: {  	_ = 	snop  }
0x4: {  	_ = 	snop  }
0x5: {  	_ = 	snop  }
0x6: {  	_ = 	snop  }
0x7: {  	_ = 	snop  }
__scs_overlays_trampoline_lowered:
0x8: {  	[smem:$0x3FAB] =	sst s0  }
0x9: {  	[smem:$0x3FAC] =	sst s1  }
0xa: {  	[smem:$0x3FAD] =	sst s2  }
0xb: {  	[smem:$0x3FAE] =	sst s3  }
0xc: {  	[smem:$0x3FAF] =	sst s4  }
0xd: {  	[smem:$0x3FB0] =	sst s5  }
0xe: {  	[smem:$0x3FB1] =	sst s6  }
0xf: {  	[smem:$0x3FB2] =	sst s7  }
0x10: {  	[smem:$0x3FB3] =	sst s8  }
0x11: {  	[smem:$0x3FB4] =	sst s9;
	s0 =	simm.s32 @!p0 $0x0  }
0x12: {  	s1 =	sld [smem:$0x3F9A];
	s0 =	simm.s32 @p0 $0x1  }
0x13: {  	[smem:$0x3FB5] =	sst s0;
	s0 =	simm.s32 @!p1 $0x0  }
0x14: {  	s2 =	sld [smem:$0x3F99];
	s0 =	simm.s32 @p1 $0x1  }
0x15: {  	[smem:$0x3FB6] =	sst s0;
	s0 =	simm.s32 @!p2 $0x0  }
0x16: {  	s3 =	sld [smem:$0x3FDB];
	s0 =	simm.s32 @p2 $0x1  }
0x17: {  	s4 =	simm.s32 $0x1BF5;
	[smem:$0x3FB8] =	sst s0  }
0x18: {  	s0 =	sld [smem:$0x3F9B];
	_ =	swait.ge [sflag:s4], $0x0  }
0x19: {  	s7 =	sld [smem:$0x3F9C]  }
0x1a: {  	s8 =	sadd.s32 $0xFFFFE003, lr  }
0x1b: {  	s9 =	sadd.s32 $0xFFFFFEF7, lr;
	s5 =	simm.s32 $0xFFFFFFFF;
	p2 =	slt.u32 s8, $0xFFFFF086  }
0x1c: {  	p1 =	slt.u32 s9, $0xF7A;
	s5 =	simm.s32 @!p2 $0x0  }
0x1d: {  	s5 =	simm.s32 @p1 $0x1;
	p0 =	seq.s32 s7, s2  }
0x1e: {  	s7 =	smul.u32 @!p0 $0xF7A, s2;
	p2 =	seq.s32 @!p0 s5, $0x0  }
0x1f: {  	s9 =	smul.u32 $0xF7A, s1;
	s8 =	simm.s32 @!p0 $0x1BF5;
	p2 =	por !p2, p0  }
0x20: {  	[sflag:s8] =	ssyncset.s32 @!p0 $0xFFFFF086;
	s6 =	sadd.s32 @!p0 s3, s7;
	s7 =	simm.s32 @!p0 $0x108  }
0x21: {  	s3 =	sadd.s32 s3, s9;
	s6 =	sadd.s32 @!p0 $0x88, s6;
	s7 =	simm.s32 @p2 $0x1082  }
0x22: {  	[simem:s7], [sflag:s8] =	dma.local @!p0 [hbm:s6], $0xF7A  }
0x23: {  	s9 =	sor.u32 $0xD0000000, s2;
	s6 =	simm.s32 $0x108;
	_ =	swait.ge @!p0 [sflag:s8], $0x0  }
0x24: {  	s3 =	sadd.s32 $0x88, s3;
	s6 =	simm.s32 @!p1 $0x1082;
	[sflag:s4] =	ssyncset.s32 $0xFFFFF086  }
0x25: {  	[simem:s6], [sflag:s4] =	dma.local [hbm:s3], $0xF7A  }
0x26: {  	[smem:$0x3F9C] =	sst s1;
	(tag) =	ssettag s2;
	_ =	strace s9  }
0x27: {  	s1 =	sld [smem:$0x3FAC]  }
0x28: {  	s2 =	sld [smem:$0x3FAD]  }
0x29: {  	s4 =	sld [smem:$0x3FAF]  }
0x2a: {  	p0 =	seq.s32 s5, $0x0;
	s5 =	sld [smem:$0x3FB0]  }
0x2b: {  	s6 =	sld [smem:$0x3FB1]  }
0x2c: {  	s7 =	sld [smem:$0x3FB2]  }
0x2d: {  	s3 =	simm.s32 $0x108;
	s8 =	sld [smem:$0x3FB3]  }
0x2e: {  	s3 =	simm.s32 @!p0 $0x1082;
	s9 =	sld [smem:$0x3FB4]  }
0x2f: {  	lr =	sadd.s32 s0, s3;
	s0 =	sld [smem:$0x3FAB]  }
0x30: {  	s3 =	sld [smem:$0x3FAE]  }
0x31: {  	[smem:$0x3FB7] =	sst s10  }
0x32: {  	s10 =	sld [smem:$0x3FB5];
	_ =	sdelay $0x3  }
0x33: {  	p0 =	seq.s32 s10, $0x1;
	s10 =	sld [smem:$0x3FB7];
	_ =	sdelay $0x3  }
0x34: {  	[smem:$0x3FB7] =	sst s10  }
0x35: {  	s10 =	sld [smem:$0x3FB6];
	_ =	sdelay $0x3  }
0x36: {  	p1 =	seq.s32 s10, $0x1;
	s10 =	sld [smem:$0x3FB7];
	_ =	sdelay $0x3  }
0x37: {  	[smem:$0x3FB7] =	sst s10  }
0x38: {  	s10 =	sld [smem:$0x3FB8]  }
0x39: {  	_ = 	snop;
	(pc) =	sbr.ind lr, $3  }
0x3a: {  	_ = 	snop  }
0x3b: {  	_ = 	snop  }
0x3c: {  	p2 =	seq.s32 s10, $0x1;
	s10 =	sld [smem:$0x3FB7]  }
0x3d: {  	_ =	shalt  }
0x3e: {  	_ =	shalt  }
0x3f: {  	_ =	shalt  }
0x40: {  	_ =	shalt  }
0x41: {  	_ =	shalt  }
0x42: {  	_ =	shalt  }
0x43: {  	_ =	shalt  }
0x44: {  	_ =	shalt  }
0x45: {  	_ =	shalt  }
0x46: {  	_ =	shalt  }
0x47: {  	_ =	shalt  }
0x48: {  	_ =	shalt  }
0x49: {  	_ =	shalt  }
0x4a: {  	_ =	shalt  }
0x4b: {  	_ =	shalt  }
0x4c: {  	_ =	shalt  }
0x4d: {  	_ =	shalt  }
0x4e: {  	_ =	shalt  }
0x4f: {  	_ =	shalt  }
0x50: {  	_ =	shalt  }
0x51: {  	_ =	shalt  }
0x52: {  	_ =	shalt  }
0x53: {  	_ =	shalt  }
0x54: {  	_ =	shalt  }
0x55: {  	_ =	shalt  }
0x56: {  	_ =	shalt  }
0x57: {  	_ =	shalt  }
0x58: {  	_ =	shalt  }
0x59: {  	_ =	shalt  }
0x5a: {  	_ =	shalt  }
0x5b: {  	_ =	shalt  }
0x5c: {  	_ =	shalt  }
0x5d: {  	_ =	shalt  }
0x5e: {  	_ =	shalt  }
0x5f: {  	_ =	shalt  }
0x60: {  	_ =	shalt  }
0x61: {  	_ =	shalt  }
0x62: {  	_ =	shalt  }
0x63: {  	_ =	shalt  }
0x64: {  	_ =	shalt  }
0x65: {  	_ =	shalt  }
0x66: {  	_ =	shalt  }
0x67: {  	_ =	shalt  }
0x68: {  	_ =	shalt  }
0x69: {  	_ =	shalt  }
0x6a: {  	_ =	shalt  }
0x6b: {  	_ =	shalt  }
0x6c: {  	_ =	shalt  }
0x6d: {  	_ =	shalt  }
0x6e: {  	_ =	shalt  }
0x6f: {  	_ =	shalt  }
0x70: {  	_ =	shalt  }
0x71: {  	_ =	shalt  }
0x72: {  	_ =	shalt  }
0x73: {  	_ =	shalt  }
0x74: {  	_ =	shalt  }
0x75: {  	_ =	shalt  }
0x76: {  	_ =	shalt  }
0x77: {  	_ =	shalt  }
0x78: {  	_ =	shalt  }
0x79: {  	_ =	shalt  }
0x7a: {  	_ =	shalt  }
0x7b: {  	_ =	shalt  }
0x7c: {  	_ =	shalt  }
0x7d: {  	_ =	shalt  }
0x7e: {  	_ =	shalt  }
0x7f: {  	_ =	shalt  }
0x80: {  	_ =	shalt  }
0x81: {  	_ =	shalt  }
0x82: {  	_ =	shalt  }
0x83: {  	_ =	shalt  }
0x84: {  	_ =	shalt  }
0x85: {  	_ =	shalt  }
0x86: {  	_ =	shalt  }
0x87: {  	_ =	shalt  }
.Lfunc_end0:
.L_simem_size_0:
called_computation_lowered:
.L_overlay_start_0:
0x88: {  	s2 =	sld [smem:$0x3FD9]  }
0x89: {  	s3 =	sld [smem:$0x3FFE];
	_ =	sdelay $0x1  }
0x8a: {  	s1 =	srdreg.scid  }
0x8b: {  	s0 =	sand.u32 $0x1, s1  }
0x8c: {  	s17 =	sshll.u32 s0, $0xA;
	s2 =	sadd.s32 s3, s2  }
0x8d: {  	s2 =	sadd.s32 s2, s17  }
0x8e: {  	[smem:$0x3FC3] =	sst s2  }
0x8f: {  	_ = 	snop  }
0x90: {  	s2 =	sld [smem:$0x3FC9]  }
0x91: {  	s18 =	sld [smem:$0x3FC7]  }
0x92: {  	s4 =	sld [smem:$0x3FD0];
	(tm) =	ssettm $0x1  }
0x93: {  	s5 =	sld [smem:$0x3FFB];
	_ =	sdelay $0x3  }
0x94: {  	_ =	strace s5  }
0x95: {  	s5 =	sld [smem:$0x3FFC];
	_ =	sdelay $0x3  }
0x96: {  	_ =	strace s5  }
0x97: {  	s5 =	sld [smem:$0x3FFD];
	_ =	sdelay $0x3  }
0x98: {  	_ =	strace s5  }
0x99: {  	_ =	strace $0x8FFFFFFF  }
0x9a: {  	s19 =	sld [smem:$0x3FDB];
	_ =	sdelay $0x1  }
0x9b: {  	s6 =	simm.s32 $_scs_section_size  }
0x9c: {  	s7 =	simm.s32 $_size__tile_overlayer_lowered;
	s8 =	simm.s32 $_tile_overlayer_lowered  }
0x9d: {  	s22 =	simm.s32 $0x1BFF;
	s21 =	sshll.u32 s8, $0x1;
	s5 =	sadd.s32 s6, s19  }
0x9e: {  	s9 =	simm.s32 $0x0;
	s20 =	sshll.u32 s7, $0x1;
	s7 =	sadd.s32 s21, s5  }
0x9f: {  	[timem:s9], [sflag:s22] =	dma.local [hbm:s7], s20  }
0xa0: {  	_ =	swait.ge [sflag:s22], s20  }
0xa1: {  	s6 =	ssub.s32 $0x0, s20;
	[sflag:s22] =	ssyncset.done $0x0  }
0xa2: {  	[sflag:s22] =	ssyncadd.s32 s6;
	_ =	sdelay $0x1  }
0xa3: {  	s23 =	simm.s32 $0x1B8B  }
0xa4: {  	_ =	swait.ge [sflag:s23], $0x1  }
0xa5: {  	[sflag:s23] =	ssyncset.done $0x0  }
0xa6: {  	s25 =	simm.s32 $0x1B8E;
	s24 =	sld [smem:$0x3FFE];
	[sflag:s23] =	ssyncadd.s32 $0xFFFFFFFF  }
0xa7: {  	s26 =	simm.s32 $execute0_lowered;
	[smem:$0x3FD2] =	sst s25  }
0xa8: {  	s7 =	sshll.u32 s26, $0x1;
	_ =	strace $0x80000046;
	[dreg:$0x1] =	wrdreg $0xFFFFFFFF  }
0xa9: {  	s28 =	simm.s32 $_size_execute0_lowered;
	s5 =	sadd.s32 s5, s7;
	[dreg:$0x0] =	wrdreg $0x0  }
0xaa: {  	s7 =	sshll.u32 s28, $0x1;
	[dreg:$0x2] =	wrdreg s5  }
0xab: {  	[dreg:$0x3] =	wrdreg s7  }
0xac: {  	[dreg:$0x4] =	wrdreg $0xC0  }
0xad: {  	_ =	task [dreg:s9], $0x5FFFF  }
0xae: {  	[dreg:$0x1] =	wrdreg $0xFFFFFFFF  }
0xaf: {  	[dreg:$0x0] =	wrdreg $0x60  }
0xb0: {  	[dreg:$0x2] =	wrdreg s2  }
0xb1: {  	[dreg:$0x3] =	wrdreg s24  }
0xb2: {  	[dreg:$0x4] =	wrdreg s18  }
0xb3: {  	[dreg:$0x5] =	wrdreg s4  }
0xb4: {  	[dreg:$0x6] =	wrdreg $0x17F800  }
0xb5: {  	[dreg:$0x7] =	wrdreg $0x1A3800  }
0xb6: {  	[dreg:$0x8] =	wrdreg $0x1C7800  }
0xb7: {  	[dreg:$0x9] =	wrdreg $0x9  }
0xb8: {  	_ =	task.clear_ibuf [dreg:s9], $0xAFFFF;
	_ =	strace $0x90000046  }
0xb9: {  	s29 =	simm.s32 $0x9;
	_ =	strace $0x80000048  }
0xba: {  	_ =	swait.ge [sflag:s29], $0x1  }
0xbb: {  	[sflag:s29] =	ssyncadd.s32 $0xFFFFFFFF  }
0xbc: {  	_ =	strace $0x90000048  }
0xbd: {  	_ =	sfence  }
0xbe: {  	s30 =	sld [smem:$0x0];
	_ =	sdelay $0x2  }
0xbf: {  	s31 =	sshll.u32 s1, $0xD;
	s1 =	sshrl.u32 s1, $0x2  }
0xc0: {  	s3 =	sand.u32 $0x4000, s31;
	s1 =	sadd.s32 s1, s30  }
0xc1: {  	s0 =	sor.u32 s3, s0;
	s1 =	sshll.u32 s1, $0x11  }
0xc2: {  	s0 =	sor.u32 s1, s0  }
0xc3: {  	s0 =	sadd.s32 $0x8F2B, s0  }
0xc4: {  	[sflag:s0] =	ssyncadd.remote.s32 $0x1  }
0xc5: {  	_ =	sfence.sel $0xFFFF  }
0xc6: {  	[dreg:$0x0] =	wrdreg $0xFFFFFFFF;
	(pc) =	sbr.abs _section_cstart, $3  }
0xc7: {  	[dreg:$0x1] =	wrdreg $0xFFFFFFFF  }
0xc8: {  	_ =	task.clear_ibuf [dreg:s9], $0x2FFFF;
	_ =	strace $0x9FFFFFFF  }
0xc9: {  	(tm) =	ssettm $0x7FFFFFFF  }
tec
execute0_lowered:
.L_overlay_start_1:
0x0: {  	(tag) =	ssettag $0x1  }
0x1: {  	s0 =	rddreg [dreg:$0x0]  }
0x2: {  	s1 =	rddreg [dreg:$0x1]  }
0x3: {  	s4 =	rddreg [dreg:$0x4]  }
0x4: {  	s5 =	rddreg [dreg:$0x5]  }
0x5: {  	s6 =	rddreg [dreg:$0x6]  }
0x6: {  	s2 =	srdreg.scid;
	s8 =	simm.s32 $0x0;
	s14 =	stileid.u32  }
0x7: {  	s30 =	simm.s32 $0x1;
	s29 =	simm.s32 $0x6;
	s31 =	simm.s32 $0x15B80  }
0x8: {  	s2 =	sand.u32 $0x1, s2;
	s9 =	sshll.u32 s14, $0x6;
	[smem:$0x7FF] =	sst s8  }
0x9: {  	s10 =	sadd.s32 $0xAA00, s1;
	s25 =	sadd.s32 $0xB000, s1;
	s11 =	smul.u32 $0x2400, s14  }
0xa: {  	s12 =	sshll.u32 s14, $0xB;
	s16 =	sadd.s32 $0x80, s0;
	s3 =	sshll.u32 s2, $0x4  }
0xb: {  	s7 =	sshll.u32 s2, $0xA;
	_ =	strace $0x80000047;
	[dreg:$0x8] =	wrdreg s10  }
0xc: {  	[dreg:$0x9] =	wrdreg s25;
	s26 =	ssub.s32 $0x2, s2;
	s18 =	sor.u32 $0x1C06, s9  }
0xd: {  	p0 =	sne.s32 s2, $0x0;
	s2 =	simm.s32 $0x2;
	s3 =	sor.u32 s14, s3  }
0xe: {  	s15 =	sor.u32 s9, s7;
	s13 =	sshrl.u32 s26, $0x1;
	s14 =	smul.u32 $0x120, s14  }
0xf: {  	s28 =	sadd.s32 s11, s4;
	[dreg:$0xa] =	wrdreg s18;
	s11 =	sadd.s32 s11, s5  }
0x10: {  	s3 =	smul.u32 $0x271, s3;
	s7 =	sshll.u32 s15, $0x4;
	s10 =	ssub.s32 s26, s13  }
0x11: {  	s17 =	sor.u32 $0x10, s15;
	s26 =	sshrl.u32 s28, $0x3;
	s28 =	sshrl.u32 s11, $0x3  }
0x12: {  	s18 =	sor.u32 $0x20, s15;
	s13 =	simm.s32 $0x13C80;
	s11 =	simm.s32 $0x15C00  }
0x13: {  	s7 =	sadd.s32 s7, s1;
	s19 =	sshrl.u32 s14, $0x2;
	[dreg:$0x13] =	wrdreg s26  }
0x14: {  	v0 =	vlaneseq.u32;
	s25 =	smax.u32 s10, $0x1;
	[dreg:$0x14] =	wrdreg s28;
	s10 =	simm.s32 $0xBC80  }
0x15: {  	s14 =	simm.s32 $0x17E00;
	v2 =	vor.u32 s17, v0;
	s17 =	simm.s32 $0x0;
	s3 =	sadd.s32 s3, s1  }
0x16: {  	v5 =	vimm.s32 $0x2710;
	s1 =	sadd.s32 s12, s1;
	s21 =	sadd.s32 s19, s6;
	[dreg:$0x12] =	wrdreg s25  }
0x17: {  	v6 =	vimm.f32 $0.0e+00;
	v7 =	vimm.f32 $1.000000000e+00;
	v8 =	vimm.s32 $0x400;
	s22 =	sadd.s32 $0xB200, s7;
	s23 =	sadd.s32 $0x13200, s7;
	[dreg:$0xd] =	wrdreg s21  }
0x18: {  	v9 =	vimm.s32 $0x0;
	v10 =	vimm.s32 $0x7;
	v11 =	vimm.s32 $0x1;
	s7 =	simm.s32 $0x4;
	s12 =	simm.s32 $0xFC80;
	[dreg:$0xe] =	wrdreg s22  }
0x19: {  	vm0 =	vmmov $0x1;
	v13 =	vimm.s32 $0x2;
	v14 =	vimm.s32 $0x3;
	s19 =	simm.s32 $0x15A80;
	s20 =	sadd.s32 $0xA00, s3;
	[dreg:$0xf] =	wrdreg s23  }
.Ltmp0:
0x1a: {  	v15 =	vimm.s32 $0x4;
	v16 =	vimm.s32 $0x5;
	v17 =	vimm.s32 $0x6;
	s3 =	sadd.s32 $0x5A00, s3;
	[dreg:$0xb] =	wrdreg s20;
	(pc) =	sbr.rel .LBB2_1-.Ltmp0, $4  }
0x1b: {  	v18 =	vimm.s32 $0x8;
	v19 =	vimm.s32 $0x9;
	v20 =	vimm.s32 $0xA;
	s24 =	sadd.s32 $0x1B200, s1;
	s1 =	sadd.s32 $0x1B280, s1;
	[dreg:$0xc] =	wrdreg s3  }
0x1c: {  	v21 =	vimm.s32 $0xB;
	v22 =	vimm.s32 $0xC;
	v23 =	vimm.s32 $0xD;
	s21 =	sor.u32 $0x30, s15;
	s23 =	simm.s32 $0x8;
	[dreg:$0x10] =	wrdreg s24  }
0x1d: {  	v24 =	vimm.s32 $0xE;
	v25 =	vimm.s32 $0xF;
	v1 =	vor.u32 s15, v0;
	s15 =	simm.s32 $0x80;
	[dreg:$0x11] =	wrdreg s1;
	s3 =	simm.s32 $0x3  }
0x1e: {  	v12 =	vmul.u32 $0x8, v0;
	v3 =	vor.u32 s18, v0;
	s24 =	simm.s32 $0x7C80;
	s20 =	simm.s32 $0x15B00;
	s1 =	simm.s32 $0x5;
	v4 =	vor.u32 s21, v0  }
.LBB2_20:
0x1f: {  	_ =	swait.ge [sflag:s29], $0x2000  }
0x20: {  	[sflag:s29] =	ssyncset.done $0x0  }
0x21: {  	s18 =	simm.s32 $0x7;
	[sflag:s29] =	ssyncadd.s32 $0xFFFFE000  }
0x22: {  	_ =	swait.ge [sflag:s18], $0x2000  }
0x23: {  	[sflag:s18] =	ssyncset.done $0x0  }
0x24: {  	s23 =	simm.s32 $0x8;
	[sflag:s18] =	ssyncadd.s32 $0xFFFFE000  }
0x25: {  	_ =	swait.ge [sflag:s23], $0x40  }
0x26: {  	s17 =	sadd.s32 $0x1, s17;
	s28 =	rddreg [dreg:$0x12]  }
0x27: {  	p1 =	sne.s32 s17, s28  }
.Ltmp1:
0x28: {  	_ = 	snop;
	(pc) =	sbr.rel @!p1 .LBB2_21-.Ltmp1, $3  }
0x29: {  	_ =	sdelay $0x1  }
0x2a: {  	[sflag:s23] =	ssyncset.done $0x0  }
0x2b: {  	[sflag:s23] =	ssyncadd.s32 $0xFFFFFFC0  }
.LBB2_1:
0x2c: {  	s21 =	rddreg [dreg:$0x8]  }
0x2d: {  	s18 =	rddreg [dreg:$0xa]  }
0x2e: {  	s22 =	rddreg [dreg:$0x13]  }
0x2f: {  	[spmem:s22], [sflag:s18] =	dma.local [hbm:s21], $0x480  }
0x30: {  	s25 =	sor.u32 $0x1C07, s9;
	s22 =	rddreg [dreg:$0x14]  }
0x31: {  	[spmem:s22], [sflag:s25] =	dma.local [hbm:s21], $0x480  }
0x32: {  	s18 =	rddreg [dreg:$0x3]  }
0x33: {  	[tilespmem:s8], [sflag:$0x8] =	stream.linear.gather [hbm4b:s18+s8], $0x2780, $0x38;
	[tilespmem:$0x1C7C8] =	vst v63  }
0x34: {  	s28 =	simm.s32 $0x2780;
	s26 =	rddreg [dreg:$0x2]  }
0x35: {  	[tilespmem:s28], [sflag:$0x1] =	stream.linear.gather [hbm4b:s26+s8], $0x400, $0x38;
	[tilespmem:$0x1C7C8] =	vst v63  }
0x36: {  	s25 =	simm.s32 $0x2B80;
	s22 =	rddreg [dreg:$0xb];
	[tilespmem:$0x3F00] =	vst v5  }
0x37: {  	[tilespmem:s25], [sflag:$0x2] =	stream.linear.gather [hbm4b:s22+s8], $0x1388, $0x38;
	[tilespmem:$0x1C7C8] =	vst v63  }
0x38: {  	s26 =	rddreg [dreg:$0xc];
	s28 =	simm.s32 $0x3F80  }
0x39: {  	[tilespmem:s28], [sflag:$0x3] =	stream.linear.gather [hbm4b:s26+s8], $0x1388, $0x38;
	[tilespmem:$0x1C7C8] =	vst v63  }
0x3a: {  	[tilespmem:$0x17F00] =	vst v6  }
0x3b: {  	[tilespmem:$0x17F10] =	vst v6  }
0x3c: {  	[tilespmem:$0x17F20] =	vst v6  }
0x3d: {  	[tilespmem:$0x17F30] =	vst v6  }
0x3e: {  	[tilespmem:$0x17F40] =	vst v6  }
0x3f: {  	[tilespmem:$0x17E00] =	vst v7  }
0x40: {  	[tilespmem:$0x17E10] =	vst v7  }
0x41: {  	[tilespmem:$0x17E20] =	vst v7  }
0x42: {  	[tilespmem:$0x17E30] =	vst v7  }
0x43: {  	[tilespmem:$0x17E40] =	vst v7  }
0x44: {  	[tilespmem:$0x17E50] =	vst v7  }
0x45: {  	[tilespmem:$0x17E60] =	vst v7  }
0x46: {  	s21 =	rddreg [dreg:$0xd];
	s22 =	simm.s32 $0x17F00;
	[tilespmem:$0x17E70] =	vst v7  }
0x47: {  	[spmem:s21] =	stream.linear.scatter [tilespmem:s22], [sflag:$0x4], $0x48, $0x38;
	[tilespmem:$0x1C7C8] =	vst v63  }
0x48: {  	_ =	swait.ge [sflag:s23], $0x2780  }
0x49: {  	[sflag:s23] =	ssyncset.done $0x0  }
0x4a: {  	[sflag:s23] =	ssyncadd.s32 $0xFFFFD880  }
0x4b: {  	_ =	swait.ge [sflag:s30], $0x400  }
0x4c: {  	[sflag:s30] =	ssyncset.done $0x0  }
0x4d: {  	s23 =	simm.s32 $0x27A0;
	[sflag:s30] =	ssyncadd.s32 $0xFFFFFC00  }
0x4e: {  	v26 =	vld [tilespmem:s23+$0x10]  }
0x4f: {  	v27 =	vld [tilespmem:s23+$0xFFFFFFF0]  }
0x50: {  	v28 =	vld [tilespmem:s23+$0x0]  }
0x51: {  	v29 =	vld [tilespmem:s23+$0xFFFFFFE0];
	_ =	sdelay $0x2  }
0x52: {  	v30 =	vor.u32 s8, v0;
	s25 =	simm.s32 $0x10;
	s26 =	simm.s32 $0x20;
	s28 =	simm.s32 $0x30  }
0x53: {  	s18 =	simm.s32 $0x0;
	v32 =	vor.u32 s25, v0;
	v31 =	vor.u32 s26, v0;
	v33 =	vor.u32 s28, v0;
	s21 =	simm.s32 $0x27E0;
	s22 =	simm.s32 $0x0  }
.LBB2_2:
0x54: {  	s18 =	sadd.s32 $0x4, s18;
	[tilespmem:v26+s8+$0x0] =	vst.idx.msk $0xffff, v33;
	v26 =	vld [tilespmem:s21+$0x10]  }
0x55: {  	p1 =	slt.u32 s18, $0x3C;
	[tilespmem:v27+s8+$0x0] =	vst.idx.msk $0xffff, v32;
	v27 =	vld [tilespmem:s21+$0xFFFFFFF0]  }
0x56: {  	[tilespmem:v28+s8+$0x0] =	vst.idx.msk $0xffff, v31;
	v28 =	vld [tilespmem:s21+$0x0]  }
.Ltmp2:
0x57: {  	[tilespmem:v29+s8+$0x0] =	vst.idx.msk $0xffff, v30;
	v29 =	vld [tilespmem:s21+$0xFFFFFFE0];
	(pc) =	sbr.rel @p1 .LBB2_2-.Ltmp2, $4  }
0x58: {  	_ = 	snop  }
0x59: {  	s22 =	sadd.s32 $0x40, s22  }
0x5a: {  	s23 =	sadd.s32 $0x10, s22;
	s25 =	sadd.s32 $0x20, s22;
	s26 =	sadd.s32 $0x30, s22;
	v30 =	vor.u32 s22, v0  }
0x5b: {  	v32 =	vor.u32 s23, v0;
	v31 =	vor.u32 s25, v0;
	v33 =	vor.u32 s26, v0;
	s21 =	sadd.s32 $0x40, s21  }
0x5c: {  	_ =	sdelay $0x3  }
0x5d: {  	[tilespmem:v26+s8+$0x0] =	vst.idx.msk $0xffff, v33  }
0x5e: {  	[tilespmem:v27+s8+$0x0] =	vst.idx.msk $0xffff, v32  }
0x5f: {  	[tilespmem:v28+s8+$0x0] =	vst.idx.msk $0xffff, v31  }
0x60: {  	[tilespmem:v29+s8+$0x0] =	vst.idx.msk $0xffff, v30  }
0x61: {  	_ =	swait.ge [sflag:s29], $0x480  }
0x62: {  	[sflag:s29] =	ssyncset.done $0x0  }
0x63: {  	s18 =	simm.s32 $0x7;
	[sflag:s29] =	ssyncadd.s32 $0xFFFFFB80  }
0x64: {  	_ =	swait.ge [sflag:s18], $0x480  }
0x65: {  	[sflag:s18] =	ssyncset.done $0x0  }
0x66: {  	[sflag:s18] =	ssyncadd.s32 $0xFFFFFB80  }
0x67: {  	_ =	swait.ge [sflag:s7], $0x48  }
0x68: {  	[sflag:s7] =	ssyncset.done $0x0  }
0x69: {  	[sflag:s7] =	ssyncadd.s32 $0xFFFFFFB8  }
0x6a: {  	_ =	swait.ge [sflag:s2], $0x1388  }
0x6b: {  	[sflag:s2] =	ssyncset.done $0x0  }
0x6c: {  	[sflag:s2] =	ssyncadd.s32 $0xFFFFEC78  }
0x6d: {  	_ =	swait.ge [sflag:s3], $0x1388  }
0x6e: {  	[sflag:s3] =	ssyncset.done $0x0  }
0x6f: {  	[sflag:s3] =	ssyncadd.s32 $0xFFFFEC78  }
0x70: {  	s22 =	simm.s32 $0x2BA0;
	[bflag:$0x0] =	sbarrier.arrive $0xFFFF  }
0x71: {  	v26 =	vld [tilespmem:s22+$0xFFFFFFE0]  }
0x72: {  	v27 =	vld [tilespmem:s22+$0xFFFFFFF0]  }
0x73: {  	v28 =	vld [tilespmem:s22+$0x0];
	_ =	sdelay $0x2  }
0x74: {  	v29 =	vld [tilespmem:s22+$0x10];
	_ =	sdelay $0x2  }
0x75: {  	v35 =	vld.idx.msk [tilespmem:v26+s8+$0x0], $0xffff  }
0x76: {  	v27 =	vld.idx.msk [tilespmem:v27+s8+$0x0], $0xffff  }
0x77: {  	v28 =	vld.idx.msk [tilespmem:v28+s8+$0x0], $0xffff;
	_ =	sdelay $0x2  }
0x78: {  	s23 =	simm.s32 $0x2BE0;
	v29 =	vld.idx.msk [tilespmem:v29+s8+$0x0], $0xffff;
	vm2 =	vne.s32 v35, $0x400  }
0x79: {  	v26 =	vld [tilespmem:s23+$0xFFFFFFE0];
	vm3 =	vne.s32 v27, $0x400;
	v30 =	vmpcnt.ones.xlane vm2  }
0x7a: {  	v31 =	vld [tilespmem:s23+$0xFFFFFFF0];
	vm5 =	vne.s32 v28, $0x400;
	v34 =	vmpcnt.ones.xlane vm3  }
0x7b: {  	v57 =	vld [tilespmem:s23+$0x0];
	v36 =	vmpcnt.ones.xlane vm5;
	(v2sf) =	vpush v30, $0x0  }
0x7c: {  	v58 =	vld [tilespmem:s23+$0x10];
	(v2sf) =	vpush v34, $0x0  }
0x7d: {  	vm6 =	vne.s32 v29, $0x400;
	(v2sf) =	vpush v36, $0x0  }
0x7e: {  	s21 =	simm.s32 $0x3FA0;
	v37 =	vmpcnt.ones.xlane vm6  }
0x7f: {  	s25 =	simm.s32 $0x2C20;
	v39 =	vld [tilespmem:s21+$0xFFFFFFE0]  }
0x80: {  	v59 =	vld [tilespmem:s25+$0xFFFFFFE0];
	(v2sf) =	vpush v37, $0x0  }
0x81: {  	v30 =	vld.idx.msk [tilespmem:v26+s8+$0x0], $0xffff  }
0x82: {  	v26 =	vld.idx.msk [tilespmem:v31+s8+$0x0], $0xffff  }
0x83: {  	v31 =	vld.idx.msk [tilespmem:v57+s8+$0x0], $0xffff  }
0x84: {  	v34 =	vld.idx.msk [tilespmem:v58+s8+$0x0], $0xffff  }
0x85: {  	v60 =	vld [tilespmem:s25+$0xFFFFFFF0]  }
0x86: {  	v61 =	vld [tilespmem:s25+$0x0];
	vm8 =	vne.s32 v30, $0x400  }
0x87: {  	s18 =	simm.s32 $0x3FE0;
	v40 =	vld [tilespmem:s25+$0x10];
	vm1 =	vne.s32 v26, $0x400;
	v42 =	vmpcnt.ones.xlane vm8  }
0x88: {  	v33 =	vld [tilespmem:s18+$0xFFFFFFE0];
	vm7 =	vmmov vm2;
	vm2 =	vne.s32 v31, $0x400;
	v44 =	vmpcnt.ones.xlane vm1  }
0x89: {  	v41 =	vld [tilespmem:s21+$0xFFFFFFF0];
	v62 =	vmpcnt.ones.xlane vm2;
	vm4 =	vne.s32 v34, $0x400;
	(v2sf) =	vpush v42, $0x0  }
0x8a: {  	v43 =	vld [tilespmem:s21+$0x0];
	s22 =	simm.s32 $0x0;
	v63 =	vmpcnt.ones.xlane vm4;
	s23 =	spop (v2sf);
	(v2sf) =	vpush v44, $0x0  }
0x8b: {  	v38 =	vld [tilespmem:s21+$0x10];
	[tilespmem:s22+$0x5380] =	vst.msk vm7, v39;
	s26 =	spop (v2sf);
	(v2sf) =	vpush v62, $0x0  }
0x8c: {  	v32 =	vld.idx.msk [tilespmem:v59+s8+$0x0], $0xffff;
	[tilespmem:s22+$0x6800] =	vst.msk vm7, v35;
	s22 =	spop (v2sf);
	(v2sf) =	vpush v63, $0x0  }
0x8d: {  	vm3 =	vmmov vm3;
	v35 =	vld.idx.msk [tilespmem:v60+s8+$0x0], $0xffff;
	s25 =	sadd.s32 $0x0, s23  }
0x8e: {  	s21 =	simm.s32 $0x8;
	vm5 =	vmmov vm5;
	v36 =	vld.idx.msk [tilespmem:v61+s8+$0x0], $0xffff;
	s23 =	simm.s32 $0x2C60;
	[tilespmem:s25+$0x5380] =	vst.msk vm3, v41;
	s26 =	sadd.s32 s25, s26  }
0x8f: {  	vm7 =	vmmov vm6;
	v37 =	vld.idx.msk [tilespmem:v40+s8+$0x0], $0xffff;
	vm6 =	vmmov vm8;
	[tilespmem:s26+$0x5380] =	vst.msk vm5, v43;
	s28 =	sadd.s32 s26, s22;
	s29 =	spop (v2sf);
	s22 =	simm.s32 $0x3FE0  }
.LBB2_4:
0x90: {  	v39 =	vld [tilespmem:s23+$0xFFFFFFE0];
	s21 =	sadd.s32 $0x4, s21;
	[tilespmem:s28+$0x5380] =	vst.msk vm7, v38;
	s29 =	sadd.s32 s28, s29  }
0x91: {  	v40 =	vld [tilespmem:s23+$0xFFFFFFF0];
	p1 =	slt.u32 s21, $0x134;
	[tilespmem:s28+$0x6800] =	vst.msk vm7, v29;
	v29 =	vmov v34;
	vm7 =	vmmov vm4  }
0x92: {  	vm8 =	vne.s32 v32, $0x400;
	v41 =	vld [tilespmem:s23+$0x0];
	[tilespmem:s26+$0x6800] =	vst.msk vm5, v28;
	v28 =	vmov v31;
	vm5 =	vmmov vm2  }
0x93: {  	s18 =	sadd.s32 $0x40, s18;
	v38 =	vmpcnt.ones.xlane vm8;
	v42 =	vld [tilespmem:s23+$0x10];
	[tilespmem:s25+$0x6800] =	vst.msk vm3, v27;
	v27 =	vmovc v26;
	v26 =	vmovc v35;
	vm3 =	vmmov vm1;
	vm1 =	vne.s32 v35, $0x400  }
0x94: {  	vm2 =	vne.s32 v36, $0x400;
	v31 =	vmov v36;
	v35 =	vmpcnt.ones.xlane vm1;
	[tilespmem:s29+$0x5380] =	vst.msk vm6, v33;
	v33 =	vld [tilespmem:s18+$0xFFFFFFE0]  }
0x95: {  	v36 =	vmpcnt.ones.xlane vm2;
	vm4 =	vne.s32 v37, $0x400;
	v34 =	vmovc v37;
	(v2sf) =	vpush v38, $0x0;
	[tilespmem:s29+$0x6800] =	vst.msk vm6, v30;
	v43 =	vld [tilespmem:s22+$0xFFFFFFF0];
	v30 =	vmovc v32  }
0x96: {  	v37 =	vmpcnt.ones.xlane vm4;
	vm6 =	vmmov vm8;
	(v2sf) =	vpush v35, $0x0;
	v44 =	vld [tilespmem:s22+$0x0]  }
.Ltmp3:
0x97: {  	(v2sf) =	vpush v36, $0x0;
	v38 =	vld [tilespmem:s22+$0x10];
	s22 =	smov.u32 s18;
	(pc) =	sbr.rel @p1 .LBB2_4-.Ltmp3, $4  }
0x98: {  	v32 =	vld.idx.msk [tilespmem:v39+s8+$0x0], $0xffff;
	(v2sf) =	vpush v37, $0x0;
	s25 =	spop (v2sf)  }
0x99: {  	v35 =	vld.idx.msk [tilespmem:v40+s8+$0x0], $0xffff;
	s25 =	sadd.s32 s29, s25;
	s26 =	spop (v2sf)  }
0x9a: {  	v36 =	vld.idx.msk [tilespmem:v41+s8+$0x0], $0xffff;
	[tilespmem:s25+$0x5380] =	vst.msk vm3, v43;
	s26 =	sadd.s32 s25, s26;
	s28 =	spop (v2sf)  }
0x9b: {  	s23 =	sadd.s32 $0x40, s23;
	v37 =	vld.idx.msk [tilespmem:v42+s8+$0x0], $0xffff;
	[tilespmem:s26+$0x5380] =	vst.msk vm5, v44;
	s28 =	sadd.s32 s26, s28;
	s29 =	spop (v2sf)  }
0x9c: {  	_ = 	snop  }
0x9d: {  	vm10 =	vne.s32 v32, $0x400  }
0x9e: {  	v39 =	vmpcnt.ones.xlane vm10;
	vm9 =	vne.s32 v35, $0x400  }
0x9f: {  	v40 =	vmpcnt.ones.xlane vm9  }
0xa0: {  	vm8 =	vne.s32 v36, $0x400;
	(v2sf) =	vpush v39, $0x0  }
0xa1: {  	v59 =	vmpcnt.ones.xlane vm8;
	(v2sf) =	vpush v40, $0x0;
	_ =	sdelay $0x1  }
0xa2: {  	[tilespmem:s28+$0x5380] =	vst.msk vm7, v38;
	(v2sf) =	vpush v59, $0x0  }
0xa3: {  	v60 =	vld [tilespmem:s22+$0xFFFFFFF0];
	[tilespmem:s26+$0x6800] =	vst.msk vm5, v28  }
0xa4: {  	v61 =	vld [tilespmem:s22+$0x0];
	[tilespmem:s25+$0x6800] =	vst.msk vm3, v27  }
0xa5: {  	s21 =	sadd.s32 s28, s29;
	[tilespmem:s28+$0x6800] =	vst.msk vm7, v29  }
0xa6: {  	v27 =	vld [tilespmem:s22+$0x10];
	[tilespmem:s21+$0x5380] =	vst.msk vm6, v33;
	s26 =	spop (v2sf)  }
0xa7: {  	vm1 =	vmmov vm1;
	[tilespmem:s21+$0x6800] =	vst.msk vm6, v30;
	s21 =	sadd.s32 s21, s26;
	s28 =	spop (v2sf)  }
0xa8: {  	vm2 =	vmmov vm2;
	s18 =	sadd.s32 $0x40, s18;
	[tilespmem:s21+$0x5380] =	vst.msk vm1, v60;
	s22 =	sadd.s32 s21, s28  }
0xa9: {  	v62 =	vld [tilespmem:s18+$0xFFFFFFE0];
	s23 =	spop (v2sf);
	[tilespmem:s22+$0x5380] =	vst.msk vm2, v61  }
0xaa: {  	vm3 =	vmmov vm4;
	s23 =	sadd.s32 s22, s23;
	[tilespmem:s21+$0x6800] =	vst.msk vm1, v26  }
0xab: {  	[tilespmem:s23+$0x5380] =	vst.msk vm3, v27;
	v27 =	vld [tilespmem:s18+$0xFFFFFFF0]  }
0xac: {  	v63 =	vld [tilespmem:s18+$0x0];
	s29 =	spop (v2sf);
	[tilespmem:s22+$0x6800] =	vst.msk vm2, v31  }
0xad: {  	vm2 =	vmmov vm10;
	s25 =	sadd.s32 s23, s29;
	[tilespmem:s23+$0x6800] =	vst.msk vm3, v34  }
0xae: {  	v26 =	vld [tilespmem:s18+$0x10];
	[tilespmem:s25+$0x5380] =	vst.msk vm2, v62;
	s26 =	spop (v2sf)  }
0xaf: {  	vm1 =	vmmov vm9;
	[tilespmem:s25+$0x6800] =	vst.msk vm2, v32;
	s18 =	sadd.s32 s25, s26;
	s28 =	spop (v2sf)  }
0xb0: {  	vm3 =	vmmov vm8;
	[tilespmem:s18+$0x5380] =	vst.msk vm1, v27;
	s21 =	sadd.s32 s18, s28  }
0xb1: {  	vm2 =	vne.s32 v37, $0x400;
	s29 =	spop (v2sf);
	[tilespmem:s21+$0x5380] =	vst.msk vm3, v63  }
0xb2: {  	vm15 =	vmmov vm2;
	s22 =	sadd.s32 s21, s29;
	[tilespmem:s18+$0x6800] =	vst.msk vm1, v35  }
0xb3: {  	[tilespmem:s22+$0x5380] =	vst.msk vm15, v26  }
0xb4: {  	[tilespmem:s21+$0x6800] =	vst.msk vm3, v36  }
0xb5: {  	[tilespmem:s22+$0x6800] =	vst.msk vm15, v37  }
0xb6: {  	v26 =	vld [tilespmem:$0x3F00];
	_ =	sdelay $0x7  }
0xb7: {  	v26 =	vld.idx.msk [tilespmem:v26+s8+$0x0], $0xffff;
	_ =	sdelay $0x3  }
0xb8: {  	v27 =	vmpcnt.ones.xlane vm2  }
0xb9: {  	vm1 =	vne.s32 v26, $0x400  }
0xba: {  	(v2sf) =	vpush v27, $0x0;
	v27 =	vmpcnt.ones.xlane vm1;
	_ =	sdelay $0x1  }
0xbb: {  	(v2sf) =	vpush v27, $0x0;
	_ =	sdelay $0x9  }
0xbc: {  	v27 =	vld [tilespmem:$0x5300];
	_ =	sdelay $0x2  }
0xbd: {  	s23 =	spop (v2sf)  }
0xbe: {  	s18 =	sadd.s32 s22, s23  }
0xbf: {  	[tilespmem:s18+$0x5380] =	vst.msk vm1, v27;
	s25 =	spop (v2sf)  }
0xc0: {  	[tilespmem:s18+$0x6800] =	vst.msk vm1, v26;
	s21 =	sadd.s32 s18, s25  }
0xc1: {  	[tilespmem:s21+$0x6800] =	vst v8  }
0xc2: {  	[tilespmem:s21+$0x5380] =	vst v9  }
0xc3: {  	[tilespmem:s21+$0x6810] =	vst v8  }
0xc4: {  	[tilespmem:s21+$0x5390] =	vst v9;
	s18 =	sadd.s32 $0x7F, s21  }
0xc5: {  	[tilespmem:s21+$0x6820] =	vst v8;
	s26 =	sand.u32 $0x7F, s18  }
0xc6: {  	[tilespmem:s21+$0x53A0] =	vst v9;
	s28 =	sshra.s32 s18, $0x1F;
	p1 =	slt.s32 s18, $0x1;
	p2 =	sne.s32 s26, $0x0  }
0xc7: {  	[tilespmem:s21+$0x6830] =	vst v8;
	s29 =	sshrl.u32 s28, $0x19;
	p1 =	por !p1, !p2  }
0xc8: {  	s22 =	simm.s32 $0x1;
	[tilespmem:s21+$0x53B0] =	vst v9;
	s18 =	sadd.s32 s29, s18;
	p1 =	por !p1, !p1  }
0xc9: {  	[tilespmem:s21+$0x6840] =	vst v8;
	s18 =	sshra.s32 s18, $0x7;
	s22 =	simm.s32 @!p1 $0x0  }
0xca: {  	[tilespmem:s21+$0x53C0] =	vst v9;
	s18 =	ssub.s32 s18, s22  }
0xcb: {  	[tilespmem:s21+$0x6850] =	vst v8;
	p1 =	slt.s32 s18, $0x1  }
.Ltmp4:
0xcc: {  	[tilespmem:s21+$0x53D0] =	vst v9;
	(pc) =	sbr.rel @p1 .LBB2_7-.Ltmp4, $4  }
0xcd: {  	[tilespmem:s21+$0x6860] =	vst v8  }
0xce: {  	[tilespmem:s21+$0x53E0] =	vst v9  }
0xcf: {  	[tilespmem:s21+$0x6870] =	vst v8  }
0xd0: {  	[tilespmem:s21+$0x53F0] =	vst v9  }
0xd1: {  	v26 =	vld [tilespmem:$0x5380];
	_ =	sdelay $0x4  }
0xd2: {  	v27 =	vshll.u32 v26, $0x1  }
0xd3: {  	v26 =	vand.u32 $0x7, v26;
	v27 =	vand.u32 $0xFFFFFFF0, v27  }
0xd4: {  	v26 =	vor.u32 v26, v27  }
0xd5: {  	v27 =	vperm.xlane v26, v9;
	_ =	sdelay $0x1  }
0xd6: {  	v28 =	vperm.xlane v26, v11;
	v27 =	vadd.s32 v12, v27;
	_ =	sdelay $0x1  }
0xd7: {  	v29 =	vperm.xlane v26, v13;
	v28 =	vadd.s32 v12, v28;
	_ =	sdelay $0x1  }
0xd8: {  	v30 =	vperm.xlane v26, v14;
	v29 =	vadd.s32 v12, v29  }
0xd9: {  	[tilespmem:s24], [sflag:$0x1] =	stream.indirect_vreg.gather [hbm4b:s0+s8], $0x80, v27, vm0, $0xb8;
	[tilespmem:$0x1C7C8] =	vst v63  }
0xda: {  	s21 =	simm.s32 $0x7D00;
	v56 =	vperm.xlane v26, v15;
	v27 =	vadd.s32 v12, v30  }
0xdb: {  	[tilespmem:s21], [sflag:$0x1] =	stream.indirect_vreg.gather [hbm4b:s0+s8], $0x80, v28, vm0, $0xb8;
	[tilespmem:$0x1C7C8] =	vst v63  }
0xdc: {  	s29 =	simm.s32 $0x7D80;
	v58 =	vperm.xlane v26, v16;
	v57 =	vadd.s32 v12, v56  }
0xdd: {  	[tilespmem:s29], [sflag:$0x1] =	stream.indirect_vreg.gather [hbm4b:s0+s8], $0x80, v29, vm0, $0xb8;
	[tilespmem:$0x1C7C8] =	vst v63  }
0xde: {  	s22 =	simm.s32 $0x7E00;
	v60 =	vperm.xlane v26, v17;
	v59 =	vadd.s32 v12, v58  }
0xdf: {  	[tilespmem:s22], [sflag:$0x1] =	stream.indirect_vreg.gather [hbm4b:s0+s8], $0x80, v27, vm0, $0xb8;
	[tilespmem:$0x1C7C8] =	vst v63  }
0xe0: {  	s23 =	simm.s32 $0x7E80;
	v61 =	vperm.xlane v26, v10;
	v27 =	vadd.s32 v12, v60  }
0xe1: {  	[tilespmem:s23], [sflag:$0x1] =	stream.indirect_vreg.gather [hbm4b:s0+s8], $0x80, v57, vm0, $0xb8;
	[tilespmem:$0x1C7C8] =	vst v63  }
0xe2: {  	s25 =	simm.s32 $0x7F00;
	v63 =	vperm.xlane v26, v18;
	v62 =	vadd.s32 v12, v61  }
0xe3: {  	[tilespmem:s25], [sflag:$0x1] =	stream.indirect_vreg.gather [hbm4b:s0+s8], $0x80, v59, vm0, $0xb8;
	[tilespmem:$0x1C7C8] =	vst v63  }
0xe4: {  	s26 =	simm.s32 $0x7F80;
	v34 =	vperm.xlane v26, v19;
	v33 =	vadd.s32 v12, v63  }
0xe5: {  	[tilespmem:s26], [sflag:$0x1] =	stream.indirect_vreg.gather [hbm4b:s0+s8], $0x80, v27, vm0, $0xb8;
	[tilespmem:$0x1C7C8] =	vst v63  }
0xe6: {  	s28 =	simm.s32 $0x8000;
	v35 =	vperm.xlane v26, v20;
	v27 =	vadd.s32 v12, v34  }
0xe7: {  	[tilespmem:s28], [sflag:$0x1] =	stream.indirect_vreg.gather [hbm4b:s0+s8], $0x80, v62, vm0, $0xb8;
	[tilespmem:$0x1C7C8] =	vst v63  }
0xe8: {  	v37 =	vperm.xlane v26, v21;
	v36 =	vadd.s32 v12, v35;
	s29 =	simm.s32 $0x8080  }
0xe9: {  	[tilespmem:s29], [sflag:$0x1] =	stream.indirect_vreg.gather [hbm4b:s0+s8], $0x80, v33, vm0, $0xb8;
	[tilespmem:$0x1C7C8] =	vst v63  }
0xea: {  	v39 =	vperm.xlane v26, v22;
	v38 =	vadd.s32 v12, v37;
	s22 =	simm.s32 $0x8100  }
0xeb: {  	[tilespmem:s22], [sflag:$0x1] =	stream.indirect_vreg.gather [hbm4b:s0+s8], $0x80, v27, vm0, $0xb8;
	[tilespmem:$0x1C7C8] =	vst v63  }
0xec: {  	v40 =	vperm.xlane v26, v23;
	s23 =	simm.s32 $0x8180;
	v27 =	vadd.s32 v12, v39  }
0xed: {  	[tilespmem:s23], [sflag:$0x1] =	stream.indirect_vreg.gather [hbm4b:s0+s8], $0x80, v36, vm0, $0xb8;
	[tilespmem:$0x1C7C8] =	vst v63  }
0xee: {  	v42 =	vperm.xlane v26, v24;
	v41 =	vadd.s32 v12, v40;
	s25 =	simm.s32 $0x8200  }
0xef: {  	[tilespmem:s25], [sflag:$0x1] =	stream.indirect_vreg.gather [hbm4b:s0+s8], $0x80, v38, vm0, $0xb8;
	[tilespmem:$0x1C7C8] =	vst v63  }
0xf0: {  	v26 =	vperm.xlane v26, v25;
	v43 =	vadd.s32 v12, v42;
	s26 =	simm.s32 $0x8280  }
0xf1: {  	[tilespmem:s26], [sflag:$0x1] =	stream.indirect_vreg.gather [hbm4b:s0+s8], $0x80, v27, vm0, $0xb8;
	[tilespmem:$0x1C7C8] =	vst v63  }
0xf2: {  	v26 =	vadd.s32 v12, v26;
	s28 =	simm.s32 $0x8300  }
0xf3: {  	[tilespmem:s28], [sflag:$0x1] =	stream.indirect_vreg.gather [hbm4b:s0+s8], $0x80, v41, vm0, $0xb8;
	[tilespmem:$0x1C7C8] =	vst v63  }
0xf4: {  	s29 =	simm.s32 $0x8380  }
0xf5: {  	[tilespmem:s29], [sflag:$0x1] =	stream.indirect_vreg.gather [hbm4b:s0+s8], $0x80, v43, vm0, $0xb8;
	[tilespmem:$0x1C7C8] =	vst v63  }
0xf6: {  	s22 =	simm.s32 $0x8400  }
0xf7: {  	[tilespmem:s22], [sflag:$0x1] =	stream.indirect_vreg.gather [hbm4b:s0+s8], $0x80, v26, vm0, $0xb8;
	[tilespmem:$0x1C7C8] =	vst v63  }
0xf8: {  	v26 =	vld [tilespmem:$0x5390];
	_ =	sdelay $0x4  }
0xf9: {  	v27 =	vshll.u32 v26, $0x1  }
0xfa: {  	v26 =	vand.u32 $0x7, v26;
	v27 =	vand.u32 $0xFFFFFFF0, v27  }
0xfb: {  	v26 =	vor.u32 v26, v27  }
0xfc: {  	v27 =	vperm.xlane v26, v9;
	_ =	sdelay $0x1  }
0xfd: {  	v44 =	vperm.xlane v26, v11;
	v27 =	vadd.s32 v12, v27;
	_ =	sdelay $0x1  }
0xfe: {  	v45 =	vperm.xlane v26, v13;
	v28 =	vadd.s32 v12, v44;
	_ =	sdelay $0x1  }
0xff: {  	s23 =	simm.s32 $0x8480;
	v46 =	vperm.xlane v26, v14;
	v29 =	vadd.s32 v12, v45  }
0x100: {  	[tilespmem:s23], [sflag:$0x1] =	stream.indirect_vreg.gather [hbm4b:s0+s8], $0x80, v27, vm0, $0xb8;
	[tilespmem:$0x1C7C8] =	vst v63  }
0x101: {  	s25 =	simm.s32 $0x8500;
	v47 =	vperm.xlane v26, v15;
	v27 =	vadd.s32 v12, v46  }
0x102: {  	[tilespmem:s25], [sflag:$0x1] =	stream.indirect_vreg.gather [hbm4b:s0+s8], $0x80, v28, vm0, $0xb8;
	[tilespmem:$0x1C7C8] =	vst v63  }
0x103: {  	s26 =	simm.s32 $0x8580;
	v49 =	vperm.xlane v26, v16;
	v48 =	vadd.s32 v12, v47  }
0x104: {  	[tilespmem:s26], [sflag:$0x1] =	stream.indirect_vreg.gather [hbm4b:s0+s8], $0x80, v29, vm0, $0xb8;
	[tilespmem:$0x1C7C8] =	vst v63  }
0x105: {  	s28 =	simm.s32 $0x8600;
	v51 =	vperm.xlane v26, v17;
	v50 =	vadd.s32 v12, v49  }
0x106: {  	[tilespmem:s28], [sflag:$0x1] =	stream.indirect_vreg.gather [hbm4b:s0+s8], $0x80, v27, vm0, $0xb8;
	[tilespmem:$0x1C7C8] =	vst v63  }
0x107: {  	s29 =	simm.s32 $0x8680;
	v52 =	vperm.xlane v26, v10;
	v27 =	vadd.s32 v12, v51  }
0x108: {  	[tilespmem:s29], [sflag:$0x1] =	stream.indirect_vreg.gather [hbm4b:s0+s8], $0x80, v48, vm0, $0xb8;
	[tilespmem:$0x1C7C8] =	vst v63  }
0x109: {  	s22 =	simm.s32 $0x8700;
	v54 =	vperm.xlane v26, v18;
	v53 =	vadd.s32 v12, v52  }
0x10a: {  	[tilespmem:s22], [sflag:$0x1] =	stream.indirect_vreg.gather [hbm4b:s0+s8], $0x80, v50, vm0, $0xb8;
	[tilespmem:$0x1C7C8] =	vst v63  }
0x10b: {  	v56 =	vperm.xlane v26, v19;
	v55 =	vadd.s32 v12, v54;
	s23 =	simm.s32 $0x8780  }
0x10c: {  	[tilespmem:s23], [sflag:$0x1] =	stream.indirect_vreg.gather [hbm4b:s0+s8], $0x80, v27, vm0, $0xb8;
	[tilespmem:$0x1C7C8] =	vst v63  }
0x10d: {  	v57 =	vperm.xlane v26, v20;
	s25 =	simm.s32 $0x8800;
	v27 =	vadd.s32 v12, v56  }
0x10e: {  	[tilespmem:s25], [sflag:$0x1] =	stream.indirect_vreg.gather [hbm4b:s0+s8], $0x80, v53, vm0, $0xb8;
	[tilespmem:$0x1C7C8] =	vst v63  }
0x10f: {  	v59 =	vperm.xlane v26, v21;
	v58 =	vadd.s32 v12, v57;
	s26 =	simm.s32 $0x8880  }
0x110: {  	[tilespmem:s26], [sflag:$0x1] =	stream.indirect_vreg.gather [hbm4b:s0+s8], $0x80, v55, vm0, $0xb8;
	[tilespmem:$0x1C7C8] =	vst v63  }
0x111: {  	v61 =	vperm.xlane v26, v22;
	v60 =	vadd.s32 v12, v59;
	s28 =	simm.s32 $0x8900  }
0x112: {  	[tilespmem:s28], [sflag:$0x1] =	stream.indirect_vreg.gather [hbm4b:s0+s8], $0x80, v27, vm0, $0xb8;
	[tilespmem:$0x1C7C8] =	vst v63  }
0x113: {  	v62 =	vperm.xlane v26, v23;
	s29 =	simm.s32 $0x8980;
	v27 =	vadd.s32 v12, v61  }
0x114: {  	[tilespmem:s29], [sflag:$0x1] =	stream.indirect_vreg.gather [hbm4b:s0+s8], $0x80, v58, vm0, $0xb8;
	[tilespmem:$0x1C7C8] =	vst v63  }
0x115: {  	v33 =	vperm.xlane v26, v24;
	v63 =	vadd.s32 v12, v62;
	s22 =	simm.s32 $0x8A00  }
0x116: {  	[tilespmem:s22], [sflag:$0x1] =	stream.indirect_vreg.gather [hbm4b:s0+s8], $0x80, v60, vm0, $0xb8;
	[tilespmem:$0x1C7C8] =	vst v63  }
0x117: {  	v26 =	vperm.xlane v26, v25;
	v34 =	vadd.s32 v12, v33;
	s23 =	simm.s32 $0x8A80  }
0x118: {  	[tilespmem:s23], [sflag:$0x1] =	stream.indirect_vreg.gather [hbm4b:s0+s8], $0x80, v27, vm0, $0xb8;
	[tilespmem:$0x1C7C8] =	vst v63  }
0x119: {  	v26 =	vadd.s32 v12, v26;
	s25 =	simm.s32 $0x8B00  }
0x11a: {  	[tilespmem:s25], [sflag:$0x1] =	stream.indirect_vreg.gather [hbm4b:s0+s8], $0x80, v63, vm0, $0xb8;
	[tilespmem:$0x1C7C8] =	vst v63  }
0x11b: {  	s26 =	simm.s32 $0x8B80  }
0x11c: {  	[tilespmem:s26], [sflag:$0x1] =	stream.indirect_vreg.gather [hbm4b:s0+s8], $0x80, v34, vm0, $0xb8;
	[tilespmem:$0x1C7C8] =	vst v63  }
0x11d: {  	s28 =	simm.s32 $0x8C00  }
0x11e: {  	[tilespmem:s28], [sflag:$0x1] =	stream.indirect_vreg.gather [hbm4b:s0+s8], $0x80, v26, vm0, $0xb8;
	[tilespmem:$0x1C7C8] =	vst v63  }
0x11f: {  	v26 =	vld [tilespmem:$0x53A0];
	_ =	sdelay $0x4  }
0x120: {  	v27 =	vshll.u32 v26, $0x1  }
0x121: {  	v26 =	vand.u32 $0x7, v26;
	v27 =	vand.u32 $0xFFFFFFF0, v27  }
0x122: {  	v26 =	vor.u32 v26, v27  }
0x123: {  	v27 =	vperm.xlane v26, v9;
	_ =	sdelay $0x1  }
0x124: {  	v35 =	vperm.xlane v26, v11;
	v27 =	vadd.s32 v12, v27;
	_ =	sdelay $0x1  }
0x125: {  	v36 =	vperm.xlane v26, v13;
	v28 =	vadd.s32 v12, v35;
	_ =	sdelay $0x1  }
0x126: {  	s29 =	simm.s32 $0x8C80;
	v37 =	vperm.xlane v26, v14;
	v29 =	vadd.s32 v12, v36  }
0x127: {  	[tilespmem:s29], [sflag:$0x1] =	stream.indirect_vreg.gather [hbm4b:s0+s8], $0x80, v27, vm0, $0xb8;
	[tilespmem:$0x1C7C8] =	vst v63  }
0x128: {  	s22 =	simm.s32 $0x8D00;
	v38 =	vperm.xlane v26, v15;
	v27 =	vadd.s32 v12, v37  }
0x129: {  	[tilespmem:s22], [sflag:$0x1] =	stream.indirect_vreg.gather [hbm4b:s0+s8], $0x80, v28, vm0, $0xb8;
	[tilespmem:$0x1C7C8] =	vst v63  }
0x12a: {  	s23 =	simm.s32 $0x8D80;
	v40 =	vperm.xlane v26, v16;
	v39 =	vadd.s32 v12, v38  }
0x12b: {  	[tilespmem:s23], [sflag:$0x1] =	stream.indirect_vreg.gather [hbm4b:s0+s8], $0x80, v29, vm0, $0xb8;
	[tilespmem:$0x1C7C8] =	vst v63  }
0x12c: {  	s25 =	simm.s32 $0x8E00;
	v42 =	vperm.xlane v26, v17;
	v41 =	vadd.s32 v12, v40  }
0x12d: {  	[tilespmem:s25], [sflag:$0x1] =	stream.indirect_vreg.gather [hbm4b:s0+s8], $0x80, v27, vm0, $0xb8;
	[tilespmem:$0x1C7C8] =	vst v63  }
0x12e: {  	s26 =	simm.s32 $0x8E80;
	v43 =	vperm.xlane v26, v10;
	v27 =	vadd.s32 v12, v42  }
0x12f: {  	[tilespmem:s26], [sflag:$0x1] =	stream.indirect_vreg.gather [hbm4b:s0+s8], $0x80, v39, vm0, $0xb8;
	[tilespmem:$0x1C7C8] =	vst v63  }
0x130: {  	s28 =	simm.s32 $0x8F00;
	v45 =	vperm.xlane v26, v18;
	v44 =	vadd.s32 v12, v43  }
0x131: {  	[tilespmem:s28], [sflag:$0x1] =	stream.indirect_vreg.gather [hbm4b:s0+s8], $0x80, v41, vm0, $0xb8;
	[tilespmem:$0x1C7C8] =	vst v63  }
0x132: {  	v47 =	vperm.xlane v26, v19;
	v46 =	vadd.s32 v12, v45;
	s29 =	simm.s32 $0x8F80  }
0x133: {  	[tilespmem:s29], [sflag:$0x1] =	stream.indirect_vreg.gather [hbm4b:s0+s8], $0x80, v27, vm0, $0xb8;
	[tilespmem:$0x1C7C8] =	vst v63  }
0x134: {  	v48 =	vperm.xlane v26, v20;
	s22 =	simm.s32 $0x9000;
	v27 =	vadd.s32 v12, v47  }
0x135: {  	[tilespmem:s22], [sflag:$0x1] =	stream.indirect_vreg.gather [hbm4b:s0+s8], $0x80, v44, vm0, $0xb8;
	[tilespmem:$0x1C7C8] =	vst v63  }
0x136: {  	v50 =	vperm.xlane v26, v21;
	v49 =	vadd.s32 v12, v48;
	s23 =	simm.s32 $0x9080  }
0x137: {  	[tilespmem:s23], [sflag:$0x1] =	stream.indirect_vreg.gather [hbm4b:s0+s8], $0x80, v46, vm0, $0xb8;
	[tilespmem:$0x1C7C8] =	vst v63  }
0x138: {  	v52 =	vperm.xlane v26, v22;
	v51 =	vadd.s32 v12, v50;
	s25 =	simm.s32 $0x9100  }
0x139: {  	[tilespmem:s25], [sflag:$0x1] =	stream.indirect_vreg.gather [hbm4b:s0+s8], $0x80, v27, vm0, $0xb8;
	[tilespmem:$0x1C7C8] =	vst v63  }
0x13a: {  	v53 =	vperm.xlane v26, v23;
	s26 =	simm.s32 $0x9180;
	v27 =	vadd.s32 v12, v52  }
0x13b: {  	[tilespmem:s26], [sflag:$0x1] =	stream.indirect_vreg.gather [hbm4b:s0+s8], $0x80, v49, vm0, $0xb8;
	[tilespmem:$0x1C7C8] =	vst v63  }
0x13c: {  	v55 =	vperm.xlane v26, v24;
	v54 =	vadd.s32 v12, v53;
	s28 =	simm.s32 $0x9200  }
0x13d: {  	[tilespmem:s28], [sflag:$0x1] =	stream.indirect_vreg.gather [hbm4b:s0+s8], $0x80, v51, vm0, $0xb8;
	[tilespmem:$0x1C7C8] =	vst v63  }
0x13e: {  	v26 =	vperm.xlane v26, v25;
	v56 =	vadd.s32 v12, v55;
	s29 =	simm.s32 $0x9280  }
0x13f: {  	[tilespmem:s29], [sflag:$0x1] =	stream.indirect_vreg.gather [hbm4b:s0+s8], $0x80, v27, vm0, $0xb8;
	[tilespmem:$0x1C7C8] =	vst v63  }
0x140: {  	v26 =	vadd.s32 v12, v26;
	s22 =	simm.s32 $0x9300  }
0x141: {  	[tilespmem:s22], [sflag:$0x1] =	stream.indirect_vreg.gather [hbm4b:s0+s8], $0x80, v54, vm0, $0xb8;
	[tilespmem:$0x1C7C8] =	vst v63  }
0x142: {  	s23 =	simm.s32 $0x9380  }
0x143: {  	[tilespmem:s23], [sflag:$0x1] =	stream.indirect_vreg.gather [hbm4b:s0+s8], $0x80, v56, vm0, $0xb8;
	[tilespmem:$0x1C7C8] =	vst v63  }
0x144: {  	s25 =	simm.s32 $0x9400  }
0x145: {  	[tilespmem:s25], [sflag:$0x1] =	stream.indirect_vreg.gather [hbm4b:s0+s8], $0x80, v26, vm0, $0xb8;
	[tilespmem:$0x1C7C8] =	vst v63  }
0x146: {  	v26 =	vld [tilespmem:$0x53B0];
	_ =	sdelay $0x4  }
0x147: {  	v27 =	vshll.u32 v26, $0x1  }
0x148: {  	v26 =	vand.u32 $0x7, v26;
	v27 =	vand.u32 $0xFFFFFFF0, v27  }
0x149: {  	v26 =	vor.u32 v26, v27  }
0x14a: {  	v27 =	vperm.xlane v26, v9;
	_ =	sdelay $0x1  }
0x14b: {  	v57 =	vperm.xlane v26, v11;
	v27 =	vadd.s32 v12, v27;
	_ =	sdelay $0x1  }
0x14c: {  	v58 =	vperm.xlane v26, v13;
	v28 =	vadd.s32 v12, v57;
	_ =	sdelay $0x1  }
0x14d: {  	s26 =	simm.s32 $0x9480;
	v59 =	vperm.xlane v26, v14;
	v29 =	vadd.s32 v12, v58  }
0x14e: {  	[tilespmem:s26], [sflag:$0x1] =	stream.indirect_vreg.gather [hbm4b:s0+s8], $0x80, v27, vm0, $0xb8;
	[tilespmem:$0x1C7C8] =	vst v63  }
0x14f: {  	s28 =	simm.s32 $0x9500;
	v60 =	vperm.xlane v26, v15;
	v27 =	vadd.s32 v12, v59  }
0x150: {  	[tilespmem:s28], [sflag:$0x1] =	stream.indirect_vreg.gather [hbm4b:s0+s8], $0x80, v28, vm0, $0xb8;
	[tilespmem:$0x1C7C8] =	vst v63  }
0x151: {  	s29 =	simm.s32 $0x9580;
	v62 =	vperm.xlane v26, v16;
	v61 =	vadd.s32 v12, v60  }
0x152: {  	[tilespmem:s29], [sflag:$0x1] =	stream.indirect_vreg.gather [hbm4b:s0+s8], $0x80, v29, vm0, $0xb8;
	[tilespmem:$0x1C7C8] =	vst v63  }
0x153: {  	s22 =	simm.s32 $0x9600;
	v33 =	vperm.xlane v26, v17;
	v63 =	vadd.s32 v12, v62  }
0x154: {  	[tilespmem:s22], [sflag:$0x1] =	stream.indirect_vreg.gather [hbm4b:s0+s8], $0x80, v27, vm0, $0xb8;
	[tilespmem:$0x1C7C8] =	vst v63  }
0x155: {  	s23 =	simm.s32 $0x9680;
	v34 =	vperm.xlane v26, v10;
	v27 =	vadd.s32 v12, v33  }
0x156: {  	[tilespmem:s23], [sflag:$0x1] =	stream.indirect_vreg.gather [hbm4b:s0+s8], $0x80, v61, vm0, $0xb8;
	[tilespmem:$0x1C7C8] =	vst v63  }
0x157: {  	s25 =	simm.s32 $0x9700;
	v36 =	vperm.xlane v26, v18;
	v35 =	vadd.s32 v12, v34  }
0x158: {  	[tilespmem:s25], [sflag:$0x1] =	stream.indirect_vreg.gather [hbm4b:s0+s8], $0x80, v63, vm0, $0xb8;
	[tilespmem:$0x1C7C8] =	vst v63  }
0x159: {  	v38 =	vperm.xlane v26, v19;
	v37 =	vadd.s32 v12, v36;
	s26 =	simm.s32 $0x9780  }
0x15a: {  	[tilespmem:s26], [sflag:$0x1] =	stream.indirect_vreg.gather [hbm4b:s0+s8], $0x80, v27, vm0, $0xb8;
	[tilespmem:$0x1C7C8] =	vst v63  }
0x15b: {  	v39 =	vperm.xlane v26, v20;
	s28 =	simm.s32 $0x9800;
	v27 =	vadd.s32 v12, v38  }
0x15c: {  	[tilespmem:s28], [sflag:$0x1] =	stream.indirect_vreg.gather [hbm4b:s0+s8], $0x80, v35, vm0, $0xb8;
	[tilespmem:$0x1C7C8] =	vst v63  }
0x15d: {  	v41 =	vperm.xlane v26, v21;
	v40 =	vadd.s32 v12, v39;
	s29 =	simm.s32 $0x9880  }
0x15e: {  	[tilespmem:s29], [sflag:$0x1] =	stream.indirect_vreg.gather [hbm4b:s0+s8], $0x80, v37, vm0, $0xb8;
	[tilespmem:$0x1C7C8] =	vst v63  }
0x15f: {  	v43 =	vperm.xlane v26, v22;
	v42 =	vadd.s32 v12, v41;
	s22 =	simm.s32 $0x9900  }
0x160: {  	[tilespmem:s22], [sflag:$0x1] =	stream.indirect_vreg.gather [hbm4b:s0+s8], $0x80, v27, vm0, $0xb8;
	[tilespmem:$0x1C7C8] =	vst v63  }
0x161: {  	v44 =	vperm.xlane v26, v23;
	s23 =	simm.s32 $0x9980;
	v27 =	vadd.s32 v12, v43  }
0x162: {  	[tilespmem:s23], [sflag:$0x1] =	stream.indirect_vreg.gather [hbm4b:s0+s8], $0x80, v40, vm0, $0xb8;
	[tilespmem:$0x1C7C8] =	vst v63  }
0x163: {  	v46 =	vperm.xlane v26, v24;
	v45 =	vadd.s32 v12, v44;
	s25 =	simm.s32 $0x9A00  }
0x164: {  	[tilespmem:s25], [sflag:$0x1] =	stream.indirect_vreg.gather [hbm4b:s0+s8], $0x80, v42, vm0, $0xb8;
	[tilespmem:$0x1C7C8] =	vst v63  }
0x165: {  	v26 =	vperm.xlane v26, v25;
	v47 =	vadd.s32 v12, v46;
	s26 =	simm.s32 $0x9A80  }
0x166: {  	[tilespmem:s26], [sflag:$0x1] =	stream.indirect_vreg.gather [hbm4b:s0+s8], $0x80, v27, vm0, $0xb8;
	[tilespmem:$0x1C7C8] =	vst v63  }
0x167: {  	v26 =	vadd.s32 v12, v26;
	s28 =	simm.s32 $0x9B00  }
0x168: {  	[tilespmem:s28], [sflag:$0x1] =	stream.indirect_vreg.gather [hbm4b:s0+s8], $0x80, v45, vm0, $0xb8;
	[tilespmem:$0x1C7C8] =	vst v63  }
0x169: {  	s29 =	simm.s32 $0x9B80  }
0x16a: {  	[tilespmem:s29], [sflag:$0x1] =	stream.indirect_vreg.gather [hbm4b:s0+s8], $0x80, v47, vm0, $0xb8;
	[tilespmem:$0x1C7C8] =	vst v63  }
0x16b: {  	s22 =	simm.s32 $0x9C00  }
0x16c: {  	[tilespmem:s22], [sflag:$0x1] =	stream.indirect_vreg.gather [hbm4b:s0+s8], $0x80, v26, vm0, $0xb8;
	[tilespmem:$0x1C7C8] =	vst v63  }
0x16d: {  	v26 =	vld [tilespmem:$0x53C0];
	_ =	sdelay $0x4  }
0x16e: {  	v27 =	vshll.u32 v26, $0x1  }
0x16f: {  	v26 =	vand.u32 $0x7, v26;
	v27 =	vand.u32 $0xFFFFFFF0, v27  }
0x170: {  	v26 =	vor.u32 v26, v27  }
0x171: {  	v27 =	vperm.xlane v26, v9;
	_ =	sdelay $0x1  }
0x172: {  	v48 =	vperm.xlane v26, v11;
	v27 =	vadd.s32 v12, v27;
	_ =	sdelay $0x1  }
0x173: {  	v49 =	vperm.xlane v26, v13;
	v28 =	vadd.s32 v12, v48;
	_ =	sdelay $0x1  }
0x174: {  	s23 =	simm.s32 $0x9C80;
	v50 =	vperm.xlane v26, v14;
	v29 =	vadd.s32 v12, v49  }
0x175: {  	[tilespmem:s23], [sflag:$0x1] =	stream.indirect_vreg.gather [hbm4b:s0+s8], $0x80, v27, vm0, $0xb8;
	[tilespmem:$0x1C7C8] =	vst v63  }
0x176: {  	s25 =	simm.s32 $0x9D00;
	v51 =	vperm.xlane v26, v15;
	v27 =	vadd.s32 v12, v50  }
0x177: {  	[tilespmem:s25], [sflag:$0x1] =	stream.indirect_vreg.gather [hbm4b:s0+s8], $0x80, v28, vm0, $0xb8;
	[tilespmem:$0x1C7C8] =	vst v63  }
0x178: {  	s26 =	simm.s32 $0x9D80;
	v53 =	vperm.xlane v26, v16;
	v52 =	vadd.s32 v12, v51  }
0x179: {  	[tilespmem:s26], [sflag:$0x1] =	stream.indirect_vreg.gather [hbm4b:s0+s8], $0x80, v29, vm0, $0xb8;
	[tilespmem:$0x1C7C8] =	vst v63  }
0x17a: {  	s28 =	simm.s32 $0x9E00;
	v55 =	vperm.xlane v26, v17;
	v54 =	vadd.s32 v12, v53  }
0x17b: {  	[tilespmem:s28], [sflag:$0x1] =	stream.indirect_vreg.gather [hbm4b:s0+s8], $0x80, v27, vm0, $0xb8;
	[tilespmem:$0x1C7C8] =	vst v63  }
0x17c: {  	s29 =	simm.s32 $0x9E80;
	v56 =	vperm.xlane v26, v10;
	v27 =	vadd.s32 v12, v55  }
0x17d: {  	[tilespmem:s29], [sflag:$0x1] =	stream.indirect_vreg.gather [hbm4b:s0+s8], $0x80, v52, vm0, $0xb8;
	[tilespmem:$0x1C7C8] =	vst v63  }
0x17e: {  	s22 =	simm.s32 $0x9F00;
	v58 =	vperm.xlane v26, v18;
	v57 =	vadd.s32 v12, v56  }
0x17f: {  	[tilespmem:s22], [sflag:$0x1] =	stream.indirect_vreg.gather [hbm4b:s0+s8], $0x80, v54, vm0, $0xb8;
	[tilespmem:$0x1C7C8] =	vst v63  }
0x180: {  	v60 =	vperm.xlane v26, v19;
	v59 =	vadd.s32 v12, v58;
	s23 =	simm.s32 $0x9F80  }
0x181: {  	[tilespmem:s23], [sflag:$0x1] =	stream.indirect_vreg.gather [hbm4b:s0+s8], $0x80, v27, vm0, $0xb8;
	[tilespmem:$0x1C7C8] =	vst v63  }
0x182: {  	v61 =	vperm.xlane v26, v20;
	s25 =	simm.s32 $0xA000;
	v27 =	vadd.s32 v12, v60  }
0x183: {  	[tilespmem:s25], [sflag:$0x1] =	stream.indirect_vreg.gather [hbm4b:s0+s8], $0x80, v57, vm0, $0xb8;
	[tilespmem:$0x1C7C8] =	vst v63  }
0x184: {  	v63 =	vperm.xlane v26, v21;
	v62 =	vadd.s32 v12, v61;
	s26 =	simm.s32 $0xA080  }
0x185: {  	[tilespmem:s26], [sflag:$0x1] =	stream.indirect_vreg.gather [hbm4b:s0+s8], $0x80, v59, vm0, $0xb8;
	[tilespmem:$0x1C7C8] =	vst v63  }
0x186: {  	v34 =	vperm.xlane v26, v22;
	v33 =	vadd.s32 v12, v63;
	s28 =	simm.s32 $0xA100  }
0x187: {  	[tilespmem:s28], [sflag:$0x1] =	stream.indirect_vreg.gather [hbm4b:s0+s8], $0x80, v27, vm0, $0xb8;
	[tilespmem:$0x1C7C8] =	vst v63  }
0x188: {  	v35 =	vperm.xlane v26, v23;
	s29 =	simm.s32 $0xA180;
	v27 =	vadd.s32 v12, v34  }
0x189: {  	[tilespmem:s29], [sflag:$0x1] =	stream.indirect_vreg.gather [hbm4b:s0+s8], $0x80, v62, vm0, $0xb8;
	[tilespmem:$0x1C7C8] =	vst v63  }
0x18a: {  	v37 =	vperm.xlane v26, v24;
	v36 =	vadd.s32 v12, v35;
	s22 =	simm.s32 $0xA200  }
0x18b: {  	[tilespmem:s22], [sflag:$0x1] =	stream.indirect_vreg.gather [hbm4b:s0+s8], $0x80, v33, vm0, $0xb8;
	[tilespmem:$0x1C7C8] =	vst v63  }
0x18c: {  	v26 =	vperm.xlane v26, v25;
	v38 =	vadd.s32 v12, v37;
	s23 =	simm.s32 $0xA280  }
0x18d: {  	[tilespmem:s23], [sflag:$0x1] =	stream.indirect_vreg.gather [hbm4b:s0+s8], $0x80, v27, vm0, $0xb8;
	[tilespmem:$0x1C7C8] =	vst v63  }
0x18e: {  	v26 =	vadd.s32 v12, v26;
	s25 =	simm.s32 $0xA300  }
0x18f: {  	[tilespmem:s25], [sflag:$0x1] =	stream.indirect_vreg.gather [hbm4b:s0+s8], $0x80, v36, vm0, $0xb8;
	[tilespmem:$0x1C7C8] =	vst v63  }
0x190: {  	s26 =	simm.s32 $0xA380  }
0x191: {  	[tilespmem:s26], [sflag:$0x1] =	stream.indirect_vreg.gather [hbm4b:s0+s8], $0x80, v38, vm0, $0xb8;
	[tilespmem:$0x1C7C8] =	vst v63  }
0x192: {  	s28 =	simm.s32 $0xA400  }
0x193: {  	[tilespmem:s28], [sflag:$0x1] =	stream.indirect_vreg.gather [hbm4b:s0+s8], $0x80, v26, vm0, $0xb8;
	[tilespmem:$0x1C7C8] =	vst v63  }
0x194: {  	v26 =	vld [tilespmem:$0x53D0];
	_ =	sdelay $0x4  }
0x195: {  	v27 =	vshll.u32 v26, $0x1  }
0x196: {  	v26 =	vand.u32 $0x7, v26;
	v27 =	vand.u32 $0xFFFFFFF0, v27  }
0x197: {  	v26 =	vor.u32 v26, v27  }
0x198: {  	v27 =	vperm.xlane v26, v9;
	_ =	sdelay $0x1  }
0x199: {  	v39 =	vperm.xlane v26, v11;
	v27 =	vadd.s32 v12, v27;
	_ =	sdelay $0x1  }
0x19a: {  	v40 =	vperm.xlane v26, v13;
	v28 =	vadd.s32 v12, v39;
	_ =	sdelay $0x1  }
0x19b: {  	s29 =	simm.s32 $0xA480;
	v41 =	vperm.xlane v26, v14;
	v29 =	vadd.s32 v12, v40  }
0x19c: {  	[tilespmem:s29], [sflag:$0x1] =	stream.indirect_vreg.gather [hbm4b:s0+s8], $0x80, v27, vm0, $0xb8;
	[tilespmem:$0x1C7C8] =	vst v63  }
0x19d: {  	s22 =	simm.s32 $0xA500;
	v42 =	vperm.xlane v26, v15;
	v27 =	vadd.s32 v12, v41  }
0x19e: {  	[tilespmem:s22], [sflag:$0x1] =	stream.indirect_vreg.gather [hbm4b:s0+s8], $0x80, v28, vm0, $0xb8;
	[tilespmem:$0x1C7C8] =	vst v63  }
0x19f: {  	s23 =	simm.s32 $0xA580;
	v44 =	vperm.xlane v26, v16;
	v43 =	vadd.s32 v12, v42  }
0x1a0: {  	[tilespmem:s23], [sflag:$0x1] =	stream.indirect_vreg.gather [hbm4b:s0+s8], $0x80, v29, vm0, $0xb8;
	[tilespmem:$0x1C7C8] =	vst v63  }
0x1a1: {  	s25 =	simm.s32 $0xA600;
	v46 =	vperm.xlane v26, v17;
	v45 =	vadd.s32 v12, v44  }
0x1a2: {  	[tilespmem:s25], [sflag:$0x1] =	stream.indirect_vreg.gather [hbm4b:s0+s8], $0x80, v27, vm0, $0xb8;
	[tilespmem:$0x1C7C8] =	vst v63  }
0x1a3: {  	s26 =	simm.s32 $0xA680;
	v47 =	vperm.xlane v26, v10;
	v27 =	vadd.s32 v12, v46  }
0x1a4: {  	[tilespmem:s26], [sflag:$0x1] =	stream.indirect_vreg.gather [hbm4b:s0+s8], $0x80, v43, vm0, $0xb8;
	[tilespmem:$0x1C7C8] =	vst v63  }
0x1a5: {  	s28 =	simm.s32 $0xA700;
	v49 =	vperm.xlane v26, v18;
	v48 =	vadd.s32 v12, v47  }
0x1a6: {  	[tilespmem:s28], [sflag:$0x1] =	stream.indirect_vreg.gather [hbm4b:s0+s8], $0x80, v45, vm0, $0xb8;
	[tilespmem:$0x1C7C8] =	vst v63  }
0x1a7: {  	v51 =	vperm.xlane v26, v19;
	v50 =	vadd.s32 v12, v49;
	s29 =	simm.s32 $0xA780  }
0x1a8: {  	[tilespmem:s29], [sflag:$0x1] =	stream.indirect_vreg.gather [hbm4b:s0+s8], $0x80, v27, vm0, $0xb8;
	[tilespmem:$0x1C7C8] =	vst v63  }
0x1a9: {  	v52 =	vperm.xlane v26, v20;
	s22 =	simm.s32 $0xA800;
	v27 =	vadd.s32 v12, v51  }
0x1aa: {  	[tilespmem:s22], [sflag:$0x1] =	stream.indirect_vreg.gather [hbm4b:s0+s8], $0x80, v48, vm0, $0xb8;
	[tilespmem:$0x1C7C8] =	vst v63  }
0x1ab: {  	v54 =	vperm.xlane v26, v21;
	v53 =	vadd.s32 v12, v52;
	s23 =	simm.s32 $0xA880  }
0x1ac: {  	[tilespmem:s23], [sflag:$0x1] =	stream.indirect_vreg.gather [hbm4b:s0+s8], $0x80, v50, vm0, $0xb8;
	[tilespmem:$0x1C7C8] =	vst v63  }
0x1ad: {  	v56 =	vperm.xlane v26, v22;
	v55 =	vadd.s32 v12, v54;
	s25 =	simm.s32 $0xA900  }
0x1ae: {  	[tilespmem:s25], [sflag:$0x1] =	stream.indirect_vreg.gather [hbm4b:s0+s8], $0x80, v27, vm0, $0xb8;
	[tilespmem:$0x1C7C8] =	vst v63  }
0x1af: {  	v57 =	vperm.xlane v26, v23;
	s26 =	simm.s32 $0xA980;
	v27 =	vadd.s32 v12, v56  }
0x1b0: {  	[tilespmem:s26], [sflag:$0x1] =	stream.indirect_vreg.gather [hbm4b:s0+s8], $0x80, v53, vm0, $0xb8;
	[tilespmem:$0x1C7C8] =	vst v63  }
0x1b1: {  	v59 =	vperm.xlane v26, v24;
	v58 =	vadd.s32 v12, v57;
	s28 =	simm.s32 $0xAA00  }
0x1b2: {  	[tilespmem:s28], [sflag:$0x1] =	stream.indirect_vreg.gather [hbm4b:s0+s8], $0x80, v55, vm0, $0xb8;
	[tilespmem:$0x1C7C8] =	vst v63  }
0x1b3: {  	v26 =	vperm.xlane v26, v25;
	v60 =	vadd.s32 v12, v59;
	s29 =	simm.s32 $0xAA80  }
0x1b4: {  	[tilespmem:s29], [sflag:$0x1] =	stream.indirect_vreg.gather [hbm4b:s0+s8], $0x80, v27, vm0, $0xb8;
	[tilespmem:$0x1C7C8] =	vst v63  }
0x1b5: {  	v26 =	vadd.s32 v12, v26;
	s22 =	simm.s32 $0xAB00  }
0x1b6: {  	[tilespmem:s22], [sflag:$0x1] =	stream.indirect_vreg.gather [hbm4b:s0+s8], $0x80, v58, vm0, $0xb8;
	[tilespmem:$0x1C7C8] =	vst v63  }
0x1b7: {  	s23 =	simm.s32 $0xAB80  }
0x1b8: {  	[tilespmem:s23], [sflag:$0x1] =	stream.indirect_vreg.gather [hbm4b:s0+s8], $0x80, v60, vm0, $0xb8;
	[tilespmem:$0x1C7C8] =	vst v63  }
0x1b9: {  	s25 =	simm.s32 $0xAC00  }
0x1ba: {  	[tilespmem:s25], [sflag:$0x1] =	stream.indirect_vreg.gather [hbm4b:s0+s8], $0x80, v26, vm0, $0xb8;
	[tilespmem:$0x1C7C8] =	vst v63  }
0x1bb: {  	v26 =	vld [tilespmem:$0x53E0];
	_ =	sdelay $0x4  }
0x1bc: {  	v27 =	vshll.u32 v26, $0x1  }
0x1bd: {  	v26 =	vand.u32 $0x7, v26;
	v27 =	vand.u32 $0xFFFFFFF0, v27  }
0x1be: {  	v26 =	vor.u32 v26, v27  }
0x1bf: {  	v27 =	vperm.xlane v26, v9;
	_ =	sdelay $0x1  }
0x1c0: {  	v61 =	vperm.xlane v26, v11;
	v27 =	vadd.s32 v12, v27;
	_ =	sdelay $0x1  }
0x1c1: {  	v62 =	vperm.xlane v26, v13;
	v28 =	vadd.s32 v12, v61;
	_ =	sdelay $0x1  }
0x1c2: {  	s26 =	simm.s32 $0xAC80;
	v63 =	vperm.xlane v26, v14;
	v29 =	vadd.s32 v12, v62  }
0x1c3: {  	[tilespmem:s26], [sflag:$0x1] =	stream.indirect_vreg.gather [hbm4b:s0+s8], $0x80, v27, vm0, $0xb8;
	[tilespmem:$0x1C7C8] =	vst v63  }
0x1c4: {  	s28 =	simm.s32 $0xAD00;
	v33 =	vperm.xlane v26, v15;
	v27 =	vadd.s32 v12, v63  }
0x1c5: {  	[tilespmem:s28], [sflag:$0x1] =	stream.indirect_vreg.gather [hbm4b:s0+s8], $0x80, v28, vm0, $0xb8;
	[tilespmem:$0x1C7C8] =	vst v63  }
0x1c6: {  	s29 =	simm.s32 $0xAD80;
	v35 =	vperm.xlane v26, v16;
	v34 =	vadd.s32 v12, v33  }
0x1c7: {  	[tilespmem:s29], [sflag:$0x1] =	stream.indirect_vreg.gather [hbm4b:s0+s8], $0x80, v29, vm0, $0xb8;
	[tilespmem:$0x1C7C8] =	vst v63  }
0x1c8: {  	s22 =	simm.s32 $0xAE00;
	v37 =	vperm.xlane v26, v17;
	v36 =	vadd.s32 v12, v35  }
0x1c9: {  	[tilespmem:s22], [sflag:$0x1] =	stream.indirect_vreg.gather [hbm4b:s0+s8], $0x80, v27, vm0, $0xb8;
	[tilespmem:$0x1C7C8] =	vst v63  }
0x1ca: {  	s23 =	simm.s32 $0xAE80;
	v38 =	vperm.xlane v26, v10;
	v27 =	vadd.s32 v12, v37  }
0x1cb: {  	[tilespmem:s23], [sflag:$0x1] =	stream.indirect_vreg.gather [hbm4b:s0+s8], $0x80, v34, vm0, $0xb8;
	[tilespmem:$0x1C7C8] =	vst v63  }
0x1cc: {  	s25 =	simm.s32 $0xAF00;
	v40 =	vperm.xlane v26, v18;
	v39 =	vadd.s32 v12, v38  }
0x1cd: {  	[tilespmem:s25], [sflag:$0x1] =	stream.indirect_vreg.gather [hbm4b:s0+s8], $0x80, v36, vm0, $0xb8;
	[tilespmem:$0x1C7C8] =	vst v63  }
0x1ce: {  	v42 =	vperm.xlane v26, v19;
	v41 =	vadd.s32 v12, v40;
	s26 =	simm.s32 $0xAF80  }
0x1cf: {  	[tilespmem:s26], [sflag:$0x1] =	stream.indirect_vreg.gather [hbm4b:s0+s8], $0x80, v27, vm0, $0xb8;
	[tilespmem:$0x1C7C8] =	vst v63  }
0x1d0: {  	v43 =	vperm.xlane v26, v20;
	s28 =	simm.s32 $0xB000;
	v27 =	vadd.s32 v12, v42  }
0x1d1: {  	[tilespmem:s28], [sflag:$0x1] =	stream.indirect_vreg.gather [hbm4b:s0+s8], $0x80, v39, vm0, $0xb8;
	[tilespmem:$0x1C7C8] =	vst v63  }
0x1d2: {  	v45 =	vperm.xlane v26, v21;
	v44 =	vadd.s32 v12, v43;
	s29 =	simm.s32 $0xB080  }
0x1d3: {  	[tilespmem:s29], [sflag:$0x1] =	stream.indirect_vreg.gather [hbm4b:s0+s8], $0x80, v41, vm0, $0xb8;
	[tilespmem:$0x1C7C8] =	vst v63  }
0x1d4: {  	v47 =	vperm.xlane v26, v22;
	v46 =	vadd.s32 v12, v45;
	s22 =	simm.s32 $0xB100  }
0x1d5: {  	[tilespmem:s22], [sflag:$0x1] =	stream.indirect_vreg.gather [hbm4b:s0+s8], $0x80, v27, vm0, $0xb8;
	[tilespmem:$0x1C7C8] =	vst v63  }
0x1d6: {  	v48 =	vperm.xlane v26, v23;
	s23 =	simm.s32 $0xB180;
	v27 =	vadd.s32 v12, v47  }
0x1d7: {  	[tilespmem:s23], [sflag:$0x1] =	stream.indirect_vreg.gather [hbm4b:s0+s8], $0x80, v44, vm0, $0xb8;
	[tilespmem:$0x1C7C8] =	vst v63  }
0x1d8: {  	v50 =	vperm.xlane v26, v24;
	v49 =	vadd.s32 v12, v48;
	s25 =	simm.s32 $0xB200  }
0x1d9: {  	[tilespmem:s25], [sflag:$0x1] =	stream.indirect_vreg.gather [hbm4b:s0+s8], $0x80, v46, vm0, $0xb8;
	[tilespmem:$0x1C7C8] =	vst v63  }
0x1da: {  	v26 =	vperm.xlane v26, v25;
	v51 =	vadd.s32 v12, v50;
	s26 =	simm.s32 $0xB280  }
0x1db: {  	[tilespmem:s26], [sflag:$0x1] =	stream.indirect_vreg.gather [hbm4b:s0+s8], $0x80, v27, vm0, $0xb8;
	[tilespmem:$0x1C7C8] =	vst v63  }
0x1dc: {  	v26 =	vadd.s32 v12, v26;
	s28 =	simm.s32 $0xB300  }
0x1dd: {  	[tilespmem:s28], [sflag:$0x1] =	stream.indirect_vreg.gather [hbm4b:s0+s8], $0x80, v49, vm0, $0xb8;
	[tilespmem:$0x1C7C8] =	vst v63  }
0x1de: {  	s29 =	simm.s32 $0xB380  }
0x1df: {  	[tilespmem:s29], [sflag:$0x1] =	stream.indirect_vreg.gather [hbm4b:s0+s8], $0x80, v51, vm0, $0xb8;
	[tilespmem:$0x1C7C8] =	vst v63  }
0x1e0: {  	s22 =	simm.s32 $0xB400  }
0x1e1: {  	[tilespmem:s22], [sflag:$0x1] =	stream.indirect_vreg.gather [hbm4b:s0+s8], $0x80, v26, vm0, $0xb8;
	[tilespmem:$0x1C7C8] =	vst v63  }
0x1e2: {  	v26 =	vld [tilespmem:$0x53F0];
	_ =	sdelay $0x4  }
0x1e3: {  	v27 =	vshll.u32 v26, $0x1  }
0x1e4: {  	v26 =	vand.u32 $0x7, v26;
	v27 =	vand.u32 $0xFFFFFFF0, v27  }
0x1e5: {  	v26 =	vor.u32 v26, v27  }
0x1e6: {  	v27 =	vperm.xlane v26, v9;
	_ =	sdelay $0x1  }
0x1e7: {  	v52 =	vperm.xlane v26, v11;
	v27 =	vadd.s32 v12, v27;
	_ =	sdelay $0x1  }
0x1e8: {  	v53 =	vperm.xlane v26, v13;
	v28 =	vadd.s32 v12, v52;
	_ =	sdelay $0x1  }
0x1e9: {  	s23 =	simm.s32 $0xB480;
	v54 =	vperm.xlane v26, v14;
	v29 =	vadd.s32 v12, v53  }
0x1ea: {  	[tilespmem:s23], [sflag:$0x1] =	stream.indirect_vreg.gather [hbm4b:s0+s8], $0x80, v27, vm0, $0xb8;
	[tilespmem:$0x1C7C8] =	vst v63  }
0x1eb: {  	s25 =	simm.s32 $0xB500;
	v55 =	vperm.xlane v26, v15;
	v27 =	vadd.s32 v12, v54  }
0x1ec: {  	[tilespmem:s25], [sflag:$0x1] =	stream.indirect_vreg.gather [hbm4b:s0+s8], $0x80, v28, vm0, $0xb8;
	[tilespmem:$0x1C7C8] =	vst v63  }
0x1ed: {  	s26 =	simm.s32 $0xB580;
	v57 =	vperm.xlane v26, v16;
	v56 =	vadd.s32 v12, v55  }
0x1ee: {  	[tilespmem:s26], [sflag:$0x1] =	stream.indirect_vreg.gather [hbm4b:s0+s8], $0x80, v29, vm0, $0xb8;
	[tilespmem:$0x1C7C8] =	vst v63  }
0x1ef: {  	s28 =	simm.s32 $0xB600;
	v59 =	vperm.xlane v26, v17;
	v58 =	vadd.s32 v12, v57  }
0x1f0: {  	[tilespmem:s28], [sflag:$0x1] =	stream.indirect_vreg.gather [hbm4b:s0+s8], $0x80, v27, vm0, $0xb8;
	[tilespmem:$0x1C7C8] =	vst v63  }
0x1f1: {  	s29 =	simm.s32 $0xB680;
	v60 =	vperm.xlane v26, v10;
	v27 =	vadd.s32 v12, v59  }
0x1f2: {  	[tilespmem:s29], [sflag:$0x1] =	stream.indirect_vreg.gather [hbm4b:s0+s8], $0x80, v56, vm0, $0xb8;
	[tilespmem:$0x1C7C8] =	vst v63  }
0x1f3: {  	s22 =	simm.s32 $0xB700;
	v62 =	vperm.xlane v26, v18;
	v61 =	vadd.s32 v12, v60  }
0x1f4: {  	[tilespmem:s22], [sflag:$0x1] =	stream.indirect_vreg.gather [hbm4b:s0+s8], $0x80, v58, vm0, $0xb8;
	[tilespmem:$0x1C7C8] =	vst v63  }
0x1f5: {  	v33 =	vperm.xlane v26, v19;
	v63 =	vadd.s32 v12, v62;
	s23 =	simm.s32 $0xB780  }
0x1f6: {  	[tilespmem:s23], [sflag:$0x1] =	stream.indirect_vreg.gather [hbm4b:s0+s8], $0x80, v27, vm0, $0xb8;
	[tilespmem:$0x1C7C8] =	vst v63  }
0x1f7: {  	v34 =	vperm.xlane v26, v20;
	s25 =	simm.s32 $0xB800;
	v27 =	vadd.s32 v12, v33  }
0x1f8: {  	[tilespmem:s25], [sflag:$0x1] =	stream.indirect_vreg.gather [hbm4b:s0+s8], $0x80, v61, vm0, $0xb8;
	[tilespmem:$0x1C7C8] =	vst v63  }
0x1f9: {  	v36 =	vperm.xlane v26, v21;
	v35 =	vadd.s32 v12, v34;
	s26 =	simm.s32 $0xB880  }
0x1fa: {  	[tilespmem:s26], [sflag:$0x1] =	stream.indirect_vreg.gather [hbm4b:s0+s8], $0x80, v63, vm0, $0xb8;
	[tilespmem:$0x1C7C8] =	vst v63  }
0x1fb: {  	v38 =	vperm.xlane v26, v22;
	v37 =	vadd.s32 v12, v36;
	s28 =	simm.s32 $0xB900  }
0x1fc: {  	[tilespmem:s28], [sflag:$0x1] =	stream.indirect_vreg.gather [hbm4b:s0+s8], $0x80, v27, vm0, $0xb8;
	[tilespmem:$0x1C7C8] =	vst v63  }
0x1fd: {  	v39 =	vperm.xlane v26, v23;
	s29 =	simm.s32 $0xB980;
	v27 =	vadd.s32 v12, v38  }
0x1fe: {  	[tilespmem:s29], [sflag:$0x1] =	stream.indirect_vreg.gather [hbm4b:s0+s8], $0x80, v35, vm0, $0xb8;
	[tilespmem:$0x1C7C8] =	vst v63  }
0x1ff: {  	v41 =	vperm.xlane v26, v24;
	v40 =	vadd.s32 v12, v39;
	s22 =	simm.s32 $0xBA00  }
0x200: {  	[tilespmem:s22], [sflag:$0x1] =	stream.indirect_vreg.gather [hbm4b:s0+s8], $0x80, v37, vm0, $0xb8;
	[tilespmem:$0x1C7C8] =	vst v63  }
0x201: {  	v26 =	vperm.xlane v26, v25;
	v42 =	vadd.s32 v12, v41;
	s23 =	simm.s32 $0xBA80  }
0x202: {  	[tilespmem:s23], [sflag:$0x1] =	stream.indirect_vreg.gather [hbm4b:s0+s8], $0x80, v27, vm0, $0xb8;
	[tilespmem:$0x1C7C8] =	vst v63  }
0x203: {  	v26 =	vadd.s32 v12, v26;
	s25 =	simm.s32 $0xBB00  }
0x204: {  	[tilespmem:s25], [sflag:$0x1] =	stream.indirect_vreg.gather [hbm4b:s0+s8], $0x80, v40, vm0, $0xb8;
	[tilespmem:$0x1C7C8] =	vst v63  }
0x205: {  	s26 =	simm.s32 $0xBB80  }
0x206: {  	[tilespmem:s26], [sflag:$0x1] =	stream.indirect_vreg.gather [hbm4b:s0+s8], $0x80, v42, vm0, $0xb8;
	[tilespmem:$0x1C7C8] =	vst v63  }
0x207: {  	s28 =	simm.s32 $0xBC00  }
0x208: {  	[tilespmem:s28], [sflag:$0x1] =	stream.indirect_vreg.gather [hbm4b:s0+s8], $0x80, v26, vm0, $0xb8;
	[tilespmem:$0x1C7C8] =	vst v63  }
0x209: {  	v26 =	vld [tilespmem:$0x5380];
	_ =	sdelay $0x4  }
0x20a: {  	v27 =	vshll.u32 v26, $0x1  }
0x20b: {  	v26 =	vand.u32 $0x7, v26;
	v27 =	vand.u32 $0xFFFFFFF0, v27  }
0x20c: {  	v26 =	vor.u32 v26, v27  }
0x20d: {  	v27 =	vperm.xlane v26, v9;
	_ =	sdelay $0x1  }
0x20e: {  	v43 =	vperm.xlane v26, v11;
	v27 =	vadd.s32 v12, v27;
	_ =	sdelay $0x1  }
0x20f: {  	v44 =	vperm.xlane v26, v13;
	v28 =	vadd.s32 v12, v43;
	_ =	sdelay $0x1  }
0x210: {  	v45 =	vperm.xlane v26, v14;
	v29 =	vadd.s32 v12, v44  }
0x211: {  	[tilespmem:s10], [sflag:$0x1] =	stream.indirect_vreg.gather [hbm4b:s16+s8], $0x80, v27, vm0, $0xb8;
	[tilespmem:$0x1C7C8] =	vst v63  }
0x212: {  	s29 =	simm.s32 $0xBD00;
	v46 =	vperm.xlane v26, v15;
	v27 =	vadd.s32 v12, v45  }
0x213: {  	[tilespmem:s29], [sflag:$0x1] =	stream.indirect_vreg.gather [hbm4b:s16+s8], $0x80, v28, vm0, $0xb8;
	[tilespmem:$0x1C7C8] =	vst v63  }
0x214: {  	s22 =	simm.s32 $0xBD80;
	v48 =	vperm.xlane v26, v16;
	v47 =	vadd.s32 v12, v46  }
0x215: {  	[tilespmem:s22], [sflag:$0x1] =	stream.indirect_vreg.gather [hbm4b:s16+s8], $0x80, v29, vm0, $0xb8;
	[tilespmem:$0x1C7C8] =	vst v63  }
0x216: {  	s23 =	simm.s32 $0xBE00;
	v50 =	vperm.xlane v26, v17;
	v49 =	vadd.s32 v12, v48  }
0x217: {  	[tilespmem:s23], [sflag:$0x1] =	stream.indirect_vreg.gather [hbm4b:s16+s8], $0x80, v27, vm0, $0xb8;
	[tilespmem:$0x1C7C8] =	vst v63  }
0x218: {  	s25 =	simm.s32 $0xBE80;
	v51 =	vperm.xlane v26, v10;
	v27 =	vadd.s32 v12, v50  }
0x219: {  	[tilespmem:s25], [sflag:$0x1] =	stream.indirect_vreg.gather [hbm4b:s16+s8], $0x80, v47, vm0, $0xb8;
	[tilespmem:$0x1C7C8] =	vst v63  }
0x21a: {  	s26 =	simm.s32 $0xBF00;
	v53 =	vperm.xlane v26, v18;
	v52 =	vadd.s32 v12, v51  }
0x21b: {  	[tilespmem:s26], [sflag:$0x1] =	stream.indirect_vreg.gather [hbm4b:s16+s8], $0x80, v49, vm0, $0xb8;
	[tilespmem:$0x1C7C8] =	vst v63  }
0x21c: {  	s28 =	simm.s32 $0xBF80;
	v55 =	vperm.xlane v26, v19;
	v54 =	vadd.s32 v12, v53  }
0x21d: {  	[tilespmem:s28], [sflag:$0x1] =	stream.indirect_vreg.gather [hbm4b:s16+s8], $0x80, v27, vm0, $0xb8;
	[tilespmem:$0x1C7C8] =	vst v63  }
0x21e: {  	v56 =	vperm.xlane v26, v20;
	s29 =	simm.s32 $0xC000;
	v27 =	vadd.s32 v12, v55  }
0x21f: {  	[tilespmem:s29], [sflag:$0x1] =	stream.indirect_vreg.gather [hbm4b:s16+s8], $0x80, v52, vm0, $0xb8;
	[tilespmem:$0x1C7C8] =	vst v63  }
0x220: {  	v58 =	vperm.xlane v26, v21;
	v57 =	vadd.s32 v12, v56;
	s22 =	simm.s32 $0xC080  }
0x221: {  	[tilespmem:s22], [sflag:$0x1] =	stream.indirect_vreg.gather [hbm4b:s16+s8], $0x80, v54, vm0, $0xb8;
	[tilespmem:$0x1C7C8] =	vst v63  }
0x222: {  	v60 =	vperm.xlane v26, v22;
	v59 =	vadd.s32 v12, v58;
	s23 =	simm.s32 $0xC100  }
0x223: {  	[tilespmem:s23], [sflag:$0x1] =	stream.indirect_vreg.gather [hbm4b:s16+s8], $0x80, v27, vm0, $0xb8;
	[tilespmem:$0x1C7C8] =	vst v63  }
0x224: {  	v61 =	vperm.xlane v26, v23;
	s25 =	simm.s32 $0xC180;
	v27 =	vadd.s32 v12, v60  }
0x225: {  	[tilespmem:s25], [sflag:$0x1] =	stream.indirect_vreg.gather [hbm4b:s16+s8], $0x80, v57, vm0, $0xb8;
	[tilespmem:$0x1C7C8] =	vst v63  }
0x226: {  	v63 =	vperm.xlane v26, v24;
	v62 =	vadd.s32 v12, v61;
	s26 =	simm.s32 $0xC200  }
0x227: {  	[tilespmem:s26], [sflag:$0x1] =	stream.indirect_vreg.gather [hbm4b:s16+s8], $0x80, v59, vm0, $0xb8;
	[tilespmem:$0x1C7C8] =	vst v63  }
0x228: {  	v26 =	vperm.xlane v26, v25;
	v33 =	vadd.s32 v12, v63;
	s28 =	simm.s32 $0xC280  }
0x229: {  	[tilespmem:s28], [sflag:$0x1] =	stream.indirect_vreg.gather [hbm4b:s16+s8], $0x80, v27, vm0, $0xb8;
	[tilespmem:$0x1C7C8] =	vst v63  }
0x22a: {  	v26 =	vadd.s32 v12, v26;
	s29 =	simm.s32 $0xC300  }
0x22b: {  	[tilespmem:s29], [sflag:$0x1] =	stream.indirect_vreg.gather [hbm4b:s16+s8], $0x80, v62, vm0, $0xb8;
	[tilespmem:$0x1C7C8] =	vst v63  }
0x22c: {  	s22 =	simm.s32 $0xC380  }
0x22d: {  	[tilespmem:s22], [sflag:$0x1] =	stream.indirect_vreg.gather [hbm4b:s16+s8], $0x80, v33, vm0, $0xb8;
	[tilespmem:$0x1C7C8] =	vst v63  }
0x22e: {  	s23 =	simm.s32 $0xC400  }
0x22f: {  	[tilespmem:s23], [sflag:$0x1] =	stream.indirect_vreg.gather [hbm4b:s16+s8], $0x80, v26, vm0, $0xb8;
	[tilespmem:$0x1C7C8] =	vst v63  }
0x230: {  	v26 =	vld [tilespmem:$0x5390];
	_ =	sdelay $0x4  }
0x231: {  	v27 =	vshll.u32 v26, $0x1  }
0x232: {  	v26 =	vand.u32 $0x7, v26;
	v27 =	vand.u32 $0xFFFFFFF0, v27  }
0x233: {  	v26 =	vor.u32 v26, v27  }
0x234: {  	v27 =	vperm.xlane v26, v9;
	_ =	sdelay $0x1  }
0x235: {  	v34 =	vperm.xlane v26, v11;
	v27 =	vadd.s32 v12, v27;
	_ =	sdelay $0x1  }
0x236: {  	v35 =	vperm.xlane v26, v13;
	v28 =	vadd.s32 v12, v34;
	_ =	sdelay $0x1  }
0x237: {  	s25 =	simm.s32 $0xC480;
	v36 =	vperm.xlane v26, v14;
	v29 =	vadd.s32 v12, v35  }
0x238: {  	[tilespmem:s25], [sflag:$0x1] =	stream.indirect_vreg.gather [hbm4b:s16+s8], $0x80, v27, vm0, $0xb8;
	[tilespmem:$0x1C7C8] =	vst v63  }
0x239: {  	s26 =	simm.s32 $0xC500;
	v37 =	vperm.xlane v26, v15;
	v27 =	vadd.s32 v12, v36  }
0x23a: {  	[tilespmem:s26], [sflag:$0x1] =	stream.indirect_vreg.gather [hbm4b:s16+s8], $0x80, v28, vm0, $0xb8;
	[tilespmem:$0x1C7C8] =	vst v63  }
0x23b: {  	s28 =	simm.s32 $0xC580;
	v39 =	vperm.xlane v26, v16;
	v38 =	vadd.s32 v12, v37  }
0x23c: {  	[tilespmem:s28], [sflag:$0x1] =	stream.indirect_vreg.gather [hbm4b:s16+s8], $0x80, v29, vm0, $0xb8;
	[tilespmem:$0x1C7C8] =	vst v63  }
0x23d: {  	s29 =	simm.s32 $0xC600;
	v41 =	vperm.xlane v26, v17;
	v40 =	vadd.s32 v12, v39  }
0x23e: {  	[tilespmem:s29], [sflag:$0x1] =	stream.indirect_vreg.gather [hbm4b:s16+s8], $0x80, v27, vm0, $0xb8;
	[tilespmem:$0x1C7C8] =	vst v63  }
0x23f: {  	s22 =	simm.s32 $0xC680;
	v42 =	vperm.xlane v26, v10;
	v27 =	vadd.s32 v12, v41  }
0x240: {  	[tilespmem:s22], [sflag:$0x1] =	stream.indirect_vreg.gather [hbm4b:s16+s8], $0x80, v38, vm0, $0xb8;
	[tilespmem:$0x1C7C8] =	vst v63  }
0x241: {  	s23 =	simm.s32 $0xC700;
	v44 =	vperm.xlane v26, v18;
	v43 =	vadd.s32 v12, v42  }
0x242: {  	[tilespmem:s23], [sflag:$0x1] =	stream.indirect_vreg.gather [hbm4b:s16+s8], $0x80, v40, vm0, $0xb8;
	[tilespmem:$0x1C7C8] =	vst v63  }
0x243: {  	v46 =	vperm.xlane v26, v19;
	v45 =	vadd.s32 v12, v44;
	s25 =	simm.s32 $0xC780  }
0x244: {  	[tilespmem:s25], [sflag:$0x1] =	stream.indirect_vreg.gather [hbm4b:s16+s8], $0x80, v27, vm0, $0xb8;
	[tilespmem:$0x1C7C8] =	vst v63  }
0x245: {  	v47 =	vperm.xlane v26, v20;
	s26 =	simm.s32 $0xC800;
	v27 =	vadd.s32 v12, v46  }
0x246: {  	[tilespmem:s26], [sflag:$0x1] =	stream.indirect_vreg.gather [hbm4b:s16+s8], $0x80, v43, vm0, $0xb8;
	[tilespmem:$0x1C7C8] =	vst v63  }
0x247: {  	v49 =	vperm.xlane v26, v21;
	v48 =	vadd.s32 v12, v47;
	s28 =	simm.s32 $0xC880  }
0x248: {  	[tilespmem:s28], [sflag:$0x1] =	stream.indirect_vreg.gather [hbm4b:s16+s8], $0x80, v45, vm0, $0xb8;
	[tilespmem:$0x1C7C8] =	vst v63  }
0x249: {  	v51 =	vperm.xlane v26, v22;
	v50 =	vadd.s32 v12, v49;
	s29 =	simm.s32 $0xC900  }
0x24a: {  	[tilespmem:s29], [sflag:$0x1] =	stream.indirect_vreg.gather [hbm4b:s16+s8], $0x80, v27, vm0, $0xb8;
	[tilespmem:$0x1C7C8] =	vst v63  }
0x24b: {  	v52 =	vperm.xlane v26, v23;
	s22 =	simm.s32 $0xC980;
	v27 =	vadd.s32 v12, v51  }
0x24c: {  	[tilespmem:s22], [sflag:$0x1] =	stream.indirect_vreg.gather [hbm4b:s16+s8], $0x80, v48, vm0, $0xb8;
	[tilespmem:$0x1C7C8] =	vst v63  }
0x24d: {  	v54 =	vperm.xlane v26, v24;
	v53 =	vadd.s32 v12, v52;
	s23 =	simm.s32 $0xCA00  }
0x24e: {  	[tilespmem:s23], [sflag:$0x1] =	stream.indirect_vreg.gather [hbm4b:s16+s8], $0x80, v50, vm0, $0xb8;
	[tilespmem:$0x1C7C8] =	vst v63  }
0x24f: {  	v26 =	vperm.xlane v26, v25;
	v55 =	vadd.s32 v12, v54;
	s25 =	simm.s32 $0xCA80  }
0x250: {  	[tilespmem:s25], [sflag:$0x1] =	stream.indirect_vreg.gather [hbm4b:s16+s8], $0x80, v27, vm0, $0xb8;
	[tilespmem:$0x1C7C8] =	vst v63  }
0x251: {  	v26 =	vadd.s32 v12, v26;
	s26 =	simm.s32 $0xCB00  }
0x252: {  	[tilespmem:s26], [sflag:$0x1] =	stream.indirect_vreg.gather [hbm4b:s16+s8], $0x80, v53, vm0, $0xb8;
	[tilespmem:$0x1C7C8] =	vst v63  }
0x253: {  	s28 =	simm.s32 $0xCB80  }
0x254: {  	[tilespmem:s28], [sflag:$0x1] =	stream.indirect_vreg.gather [hbm4b:s16+s8], $0x80, v55, vm0, $0xb8;
	[tilespmem:$0x1C7C8] =	vst v63  }
0x255: {  	s29 =	simm.s32 $0xCC00  }
0x256: {  	[tilespmem:s29], [sflag:$0x1] =	stream.indirect_vreg.gather [hbm4b:s16+s8], $0x80, v26, vm0, $0xb8;
	[tilespmem:$0x1C7C8] =	vst v63  }
0x257: {  	v26 =	vld [tilespmem:$0x53A0];
	_ =	sdelay $0x4  }
0x258: {  	v27 =	vshll.u32 v26, $0x1  }
0x259: {  	v26 =	vand.u32 $0x7, v26;
	v27 =	vand.u32 $0xFFFFFFF0, v27  }
0x25a: {  	v26 =	vor.u32 v26, v27  }
0x25b: {  	v27 =	vperm.xlane v26, v9;
	_ =	sdelay $0x1  }
0x25c: {  	v56 =	vperm.xlane v26, v11;
	v27 =	vadd.s32 v12, v27;
	_ =	sdelay $0x1  }
0x25d: {  	v57 =	vperm.xlane v26, v13;
	v28 =	vadd.s32 v12, v56;
	_ =	sdelay $0x1  }
0x25e: {  	s22 =	simm.s32 $0xCC80;
	v58 =	vperm.xlane v26, v14;
	v29 =	vadd.s32 v12, v57  }
0x25f: {  	[tilespmem:s22], [sflag:$0x1] =	stream.indirect_vreg.gather [hbm4b:s16+s8], $0x80, v27, vm0, $0xb8;
	[tilespmem:$0x1C7C8] =	vst v63  }
0x260: {  	s23 =	simm.s32 $0xCD00;
	v59 =	vperm.xlane v26, v15;
	v27 =	vadd.s32 v12, v58  }
0x261: {  	[tilespmem:s23], [sflag:$0x1] =	stream.indirect_vreg.gather [hbm4b:s16+s8], $0x80, v28, vm0, $0xb8;
	[tilespmem:$0x1C7C8] =	vst v63  }
0x262: {  	s25 =	simm.s32 $0xCD80;
	v61 =	vperm.xlane v26, v16;
	v60 =	vadd.s32 v12, v59  }
0x263: {  	[tilespmem:s25], [sflag:$0x1] =	stream.indirect_vreg.gather [hbm4b:s16+s8], $0x80, v29, vm0, $0xb8;
	[tilespmem:$0x1C7C8] =	vst v63  }
0x264: {  	s26 =	simm.s32 $0xCE00;
	v63 =	vperm.xlane v26, v17;
	v62 =	vadd.s32 v12, v61  }
0x265: {  	[tilespmem:s26], [sflag:$0x1] =	stream.indirect_vreg.gather [hbm4b:s16+s8], $0x80, v27, vm0, $0xb8;
	[tilespmem:$0x1C7C8] =	vst v63  }
0x266: {  	s28 =	simm.s32 $0xCE80;
	v33 =	vperm.xlane v26, v10;
	v27 =	vadd.s32 v12, v63  }
0x267: {  	[tilespmem:s28], [sflag:$0x1] =	stream.indirect_vreg.gather [hbm4b:s16+s8], $0x80, v60, vm0, $0xb8;
	[tilespmem:$0x1C7C8] =	vst v63  }
0x268: {  	s29 =	simm.s32 $0xCF00;
	v35 =	vperm.xlane v26, v18;
	v34 =	vadd.s32 v12, v33  }
0x269: {  	[tilespmem:s29], [sflag:$0x1] =	stream.indirect_vreg.gather [hbm4b:s16+s8], $0x80, v62, vm0, $0xb8;
	[tilespmem:$0x1C7C8] =	vst v63  }
0x26a: {  	v37 =	vperm.xlane v26, v19;
	v36 =	vadd.s32 v12, v35;
	s22 =	simm.s32 $0xCF80  }
0x26b: {  	[tilespmem:s22], [sflag:$0x1] =	stream.indirect_vreg.gather [hbm4b:s16+s8], $0x80, v27, vm0, $0xb8;
	[tilespmem:$0x1C7C8] =	vst v63  }
0x26c: {  	v38 =	vperm.xlane v26, v20;
	s23 =	simm.s32 $0xD000;
	v27 =	vadd.s32 v12, v37  }
0x26d: {  	[tilespmem:s23], [sflag:$0x1] =	stream.indirect_vreg.gather [hbm4b:s16+s8], $0x80, v34, vm0, $0xb8;
	[tilespmem:$0x1C7C8] =	vst v63  }
0x26e: {  	v40 =	vperm.xlane v26, v21;
	v39 =	vadd.s32 v12, v38;
	s25 =	simm.s32 $0xD080  }
0x26f: {  	[tilespmem:s25], [sflag:$0x1] =	stream.indirect_vreg.gather [hbm4b:s16+s8], $0x80, v36, vm0, $0xb8;
	[tilespmem:$0x1C7C8] =	vst v63  }
0x270: {  	v42 =	vperm.xlane v26, v22;
	v41 =	vadd.s32 v12, v40;
	s26 =	simm.s32 $0xD100  }
0x271: {  	[tilespmem:s26], [sflag:$0x1] =	stream.indirect_vreg.gather [hbm4b:s16+s8], $0x80, v27, vm0, $0xb8;
	[tilespmem:$0x1C7C8] =	vst v63  }
0x272: {  	v43 =	vperm.xlane v26, v23;
	s28 =	simm.s32 $0xD180;
	v27 =	vadd.s32 v12, v42  }
0x273: {  	[tilespmem:s28], [sflag:$0x1] =	stream.indirect_vreg.gather [hbm4b:s16+s8], $0x80, v39, vm0, $0xb8;
	[tilespmem:$0x1C7C8] =	vst v63  }
0x274: {  	v45 =	vperm.xlane v26, v24;
	v44 =	vadd.s32 v12, v43;
	s29 =	simm.s32 $0xD200  }
0x275: {  	[tilespmem:s29], [sflag:$0x1] =	stream.indirect_vreg.gather [hbm4b:s16+s8], $0x80, v41, vm0, $0xb8;
	[tilespmem:$0x1C7C8] =	vst v63  }
0x276: {  	v26 =	vperm.xlane v26, v25;
	v46 =	vadd.s32 v12, v45;
	s22 =	simm.s32 $0xD280  }
0x277: {  	[tilespmem:s22], [sflag:$0x1] =	stream.indirect_vreg.gather [hbm4b:s16+s8], $0x80, v27, vm0, $0xb8;
	[tilespmem:$0x1C7C8] =	vst v63  }
0x278: {  	v26 =	vadd.s32 v12, v26;
	s23 =	simm.s32 $0xD300  }
0x279: {  	[tilespmem:s23], [sflag:$0x1] =	stream.indirect_vreg.gather [hbm4b:s16+s8], $0x80, v44, vm0, $0xb8;
	[tilespmem:$0x1C7C8] =	vst v63  }
0x27a: {  	s25 =	simm.s32 $0xD380  }
0x27b: {  	[tilespmem:s25], [sflag:$0x1] =	stream.indirect_vreg.gather [hbm4b:s16+s8], $0x80, v46, vm0, $0xb8;
	[tilespmem:$0x1C7C8] =	vst v63  }
0x27c: {  	s26 =	simm.s32 $0xD400  }
0x27d: {  	[tilespmem:s26], [sflag:$0x1] =	stream.indirect_vreg.gather [hbm4b:s16+s8], $0x80, v26, vm0, $0xb8;
	[tilespmem:$0x1C7C8] =	vst v63  }
0x27e: {  	v26 =	vld [tilespmem:$0x53B0];
	_ =	sdelay $0x4  }
0x27f: {  	v27 =	vshll.u32 v26, $0x1  }
0x280: {  	v26 =	vand.u32 $0x7, v26;
	v27 =	vand.u32 $0xFFFFFFF0, v27  }
0x281: {  	v26 =	vor.u32 v26, v27  }
0x282: {  	v27 =	vperm.xlane v26, v9;
	_ =	sdelay $0x1  }
0x283: {  	v47 =	vperm.xlane v26, v11;
	v27 =	vadd.s32 v12, v27;
	_ =	sdelay $0x1  }
0x284: {  	v48 =	vperm.xlane v26, v13;
	v28 =	vadd.s32 v12, v47;
	_ =	sdelay $0x1  }
0x285: {  	s28 =	simm.s32 $0xD480;
	v49 =	vperm.xlane v26, v14;
	v29 =	vadd.s32 v12, v48  }
0x286: {  	[tilespmem:s28], [sflag:$0x1] =	stream.indirect_vreg.gather [hbm4b:s16+s8], $0x80, v27, vm0, $0xb8;
	[tilespmem:$0x1C7C8] =	vst v63  }
0x287: {  	s29 =	simm.s32 $0xD500;
	v50 =	vperm.xlane v26, v15;
	v27 =	vadd.s32 v12, v49  }
0x288: {  	[tilespmem:s29], [sflag:$0x1] =	stream.indirect_vreg.gather [hbm4b:s16+s8], $0x80, v28, vm0, $0xb8;
	[tilespmem:$0x1C7C8] =	vst v63  }
0x289: {  	s22 =	simm.s32 $0xD580;
	v52 =	vperm.xlane v26, v16;
	v51 =	vadd.s32 v12, v50  }
0x28a: {  	[tilespmem:s22], [sflag:$0x1] =	stream.indirect_vreg.gather [hbm4b:s16+s8], $0x80, v29, vm0, $0xb8;
	[tilespmem:$0x1C7C8] =	vst v63  }
0x28b: {  	s23 =	simm.s32 $0xD600;
	v54 =	vperm.xlane v26, v17;
	v53 =	vadd.s32 v12, v52  }
0x28c: {  	[tilespmem:s23], [sflag:$0x1] =	stream.indirect_vreg.gather [hbm4b:s16+s8], $0x80, v27, vm0, $0xb8;
	[tilespmem:$0x1C7C8] =	vst v63  }
0x28d: {  	s25 =	simm.s32 $0xD680;
	v55 =	vperm.xlane v26, v10;
	v27 =	vadd.s32 v12, v54  }
0x28e: {  	[tilespmem:s25], [sflag:$0x1] =	stream.indirect_vreg.gather [hbm4b:s16+s8], $0x80, v51, vm0, $0xb8;
	[tilespmem:$0x1C7C8] =	vst v63  }
0x28f: {  	s26 =	simm.s32 $0xD700;
	v57 =	vperm.xlane v26, v18;
	v56 =	vadd.s32 v12, v55  }
0x290: {  	[tilespmem:s26], [sflag:$0x1] =	stream.indirect_vreg.gather [hbm4b:s16+s8], $0x80, v53, vm0, $0xb8;
	[tilespmem:$0x1C7C8] =	vst v63  }
0x291: {  	v59 =	vperm.xlane v26, v19;
	v58 =	vadd.s32 v12, v57;
	s28 =	simm.s32 $0xD780  }
0x292: {  	[tilespmem:s28], [sflag:$0x1] =	stream.indirect_vreg.gather [hbm4b:s16+s8], $0x80, v27, vm0, $0xb8;
	[tilespmem:$0x1C7C8] =	vst v63  }
0x293: {  	v60 =	vperm.xlane v26, v20;
	s29 =	simm.s32 $0xD800;
	v27 =	vadd.s32 v12, v59  }
0x294: {  	[tilespmem:s29], [sflag:$0x1] =	stream.indirect_vreg.gather [hbm4b:s16+s8], $0x80, v56, vm0, $0xb8;
	[tilespmem:$0x1C7C8] =	vst v63  }
0x295: {  	v62 =	vperm.xlane v26, v21;
	v61 =	vadd.s32 v12, v60;
	s22 =	simm.s32 $0xD880  }
0x296: {  	[tilespmem:s22], [sflag:$0x1] =	stream.indirect_vreg.gather [hbm4b:s16+s8], $0x80, v58, vm0, $0xb8;
	[tilespmem:$0x1C7C8] =	vst v63  }
0x297: {  	v33 =	vperm.xlane v26, v22;
	v63 =	vadd.s32 v12, v62;
	s23 =	simm.s32 $0xD900  }
0x298: {  	[tilespmem:s23], [sflag:$0x1] =	stream.indirect_vreg.gather [hbm4b:s16+s8], $0x80, v27, vm0, $0xb8;
	[tilespmem:$0x1C7C8] =	vst v63  }
0x299: {  	v34 =	vperm.xlane v26, v23;
	s25 =	simm.s32 $0xD980;
	v27 =	vadd.s32 v12, v33  }
0x29a: {  	[tilespmem:s25], [sflag:$0x1] =	stream.indirect_vreg.gather [hbm4b:s16+s8], $0x80, v61, vm0, $0xb8;
	[tilespmem:$0x1C7C8] =	vst v63  }
0x29b: {  	v36 =	vperm.xlane v26, v24;
	v35 =	vadd.s32 v12, v34;
	s26 =	simm.s32 $0xDA00  }
0x29c: {  	[tilespmem:s26], [sflag:$0x1] =	stream.indirect_vreg.gather [hbm4b:s16+s8], $0x80, v63, vm0, $0xb8;
	[tilespmem:$0x1C7C8] =	vst v63  }
0x29d: {  	v26 =	vperm.xlane v26, v25;
	v37 =	vadd.s32 v12, v36;
	s28 =	simm.s32 $0xDA80  }
0x29e: {  	[tilespmem:s28], [sflag:$0x1] =	stream.indirect_vreg.gather [hbm4b:s16+s8], $0x80, v27, vm0, $0xb8;
	[tilespmem:$0x1C7C8] =	vst v63  }
0x29f: {  	v26 =	vadd.s32 v12, v26;
	s29 =	simm.s32 $0xDB00  }
0x2a0: {  	[tilespmem:s29], [sflag:$0x1] =	stream.indirect_vreg.gather [hbm4b:s16+s8], $0x80, v35, vm0, $0xb8;
	[tilespmem:$0x1C7C8] =	vst v63  }
0x2a1: {  	s22 =	simm.s32 $0xDB80  }
0x2a2: {  	[tilespmem:s22], [sflag:$0x1] =	stream.indirect_vreg.gather [hbm4b:s16+s8], $0x80, v37, vm0, $0xb8;
	[tilespmem:$0x1C7C8] =	vst v63  }
0x2a3: {  	s23 =	simm.s32 $0xDC00  }
0x2a4: {  	[tilespmem:s23], [sflag:$0x1] =	stream.indirect_vreg.gather [hbm4b:s16+s8], $0x80, v26, vm0, $0xb8;
	[tilespmem:$0x1C7C8] =	vst v63  }
0x2a5: {  	v26 =	vld [tilespmem:$0x53C0];
	_ =	sdelay $0x4  }
0x2a6: {  	v27 =	vshll.u32 v26, $0x1  }
0x2a7: {  	v26 =	vand.u32 $0x7, v26;
	v27 =	vand.u32 $0xFFFFFFF0, v27  }
0x2a8: {  	v26 =	vor.u32 v26, v27  }
0x2a9: {  	v27 =	vperm.xlane v26, v9;
	_ =	sdelay $0x1  }
0x2aa: {  	v38 =	vperm.xlane v26, v11;
	v27 =	vadd.s32 v12, v27;
	_ =	sdelay $0x1  }
0x2ab: {  	v39 =	vperm.xlane v26, v13;
	v28 =	vadd.s32 v12, v38;
	_ =	sdelay $0x1  }
0x2ac: {  	s25 =	simm.s32 $0xDC80;
	v40 =	vperm.xlane v26, v14;
	v29 =	vadd.s32 v12, v39  }
0x2ad: {  	[tilespmem:s25], [sflag:$0x1] =	stream.indirect_vreg.gather [hbm4b:s16+s8], $0x80, v27, vm0, $0xb8;
	[tilespmem:$0x1C7C8] =	vst v63  }
0x2ae: {  	s26 =	simm.s32 $0xDD00;
	v41 =	vperm.xlane v26, v15;
	v27 =	vadd.s32 v12, v40  }
0x2af: {  	[tilespmem:s26], [sflag:$0x1] =	stream.indirect_vreg.gather [hbm4b:s16+s8], $0x80, v28, vm0, $0xb8;
	[tilespmem:$0x1C7C8] =	vst v63  }
0x2b0: {  	s28 =	simm.s32 $0xDD80;
	v43 =	vperm.xlane v26, v16;
	v42 =	vadd.s32 v12, v41  }
0x2b1: {  	[tilespmem:s28], [sflag:$0x1] =	stream.indirect_vreg.gather [hbm4b:s16+s8], $0x80, v29, vm0, $0xb8;
	[tilespmem:$0x1C7C8] =	vst v63  }
0x2b2: {  	s29 =	simm.s32 $0xDE00;
	v45 =	vperm.xlane v26, v17;
	v44 =	vadd.s32 v12, v43  }
0x2b3: {  	[tilespmem:s29], [sflag:$0x1] =	stream.indirect_vreg.gather [hbm4b:s16+s8], $0x80, v27, vm0, $0xb8;
	[tilespmem:$0x1C7C8] =	vst v63  }
0x2b4: {  	s22 =	simm.s32 $0xDE80;
	v46 =	vperm.xlane v26, v10;
	v27 =	vadd.s32 v12, v45  }
0x2b5: {  	[tilespmem:s22], [sflag:$0x1] =	stream.indirect_vreg.gather [hbm4b:s16+s8], $0x80, v42, vm0, $0xb8;
	[tilespmem:$0x1C7C8] =	vst v63  }
0x2b6: {  	s23 =	simm.s32 $0xDF00;
	v48 =	vperm.xlane v26, v18;
	v47 =	vadd.s32 v12, v46  }
0x2b7: {  	[tilespmem:s23], [sflag:$0x1] =	stream.indirect_vreg.gather [hbm4b:s16+s8], $0x80, v44, vm0, $0xb8;
	[tilespmem:$0x1C7C8] =	vst v63  }
0x2b8: {  	v50 =	vperm.xlane v26, v19;
	v49 =	vadd.s32 v12, v48;
	s25 =	simm.s32 $0xDF80  }
0x2b9: {  	[tilespmem:s25], [sflag:$0x1] =	stream.indirect_vreg.gather [hbm4b:s16+s8], $0x80, v27, vm0, $0xb8;
	[tilespmem:$0x1C7C8] =	vst v63  }
0x2ba: {  	v51 =	vperm.xlane v26, v20;
	s26 =	simm.s32 $0xE000;
	v27 =	vadd.s32 v12, v50  }
0x2bb: {  	[tilespmem:s26], [sflag:$0x1] =	stream.indirect_vreg.gather [hbm4b:s16+s8], $0x80, v47, vm0, $0xb8;
	[tilespmem:$0x1C7C8] =	vst v63  }
0x2bc: {  	v53 =	vperm.xlane v26, v21;
	v52 =	vadd.s32 v12, v51;
	s28 =	simm.s32 $0xE080  }
0x2bd: {  	[tilespmem:s28], [sflag:$0x1] =	stream.indirect_vreg.gather [hbm4b:s16+s8], $0x80, v49, vm0, $0xb8;
	[tilespmem:$0x1C7C8] =	vst v63  }
0x2be: {  	v55 =	vperm.xlane v26, v22;
	v54 =	vadd.s32 v12, v53;
	s29 =	simm.s32 $0xE100  }
0x2bf: {  	[tilespmem:s29], [sflag:$0x1] =	stream.indirect_vreg.gather [hbm4b:s16+s8], $0x80, v27, vm0, $0xb8;
	[tilespmem:$0x1C7C8] =	vst v63  }
0x2c0: {  	v56 =	vperm.xlane v26, v23;
	s22 =	simm.s32 $0xE180;
	v27 =	vadd.s32 v12, v55  }
0x2c1: {  	[tilespmem:s22], [sflag:$0x1] =	stream.indirect_vreg.gather [hbm4b:s16+s8], $0x80, v52, vm0, $0xb8;
	[tilespmem:$0x1C7C8] =	vst v63  }
0x2c2: {  	v58 =	vperm.xlane v26, v24;
	v57 =	vadd.s32 v12, v56;
	s23 =	simm.s32 $0xE200  }
0x2c3: {  	[tilespmem:s23], [sflag:$0x1] =	stream.indirect_vreg.gather [hbm4b:s16+s8], $0x80, v54, vm0, $0xb8;
	[tilespmem:$0x1C7C8] =	vst v63  }
0x2c4: {  	v26 =	vperm.xlane v26, v25;
	v59 =	vadd.s32 v12, v58;
	s25 =	simm.s32 $0xE280  }
0x2c5: {  	[tilespmem:s25], [sflag:$0x1] =	stream.indirect_vreg.gather [hbm4b:s16+s8], $0x80, v27, vm0, $0xb8;
	[tilespmem:$0x1C7C8] =	vst v63  }
0x2c6: {  	v26 =	vadd.s32 v12, v26;
	s26 =	simm.s32 $0xE300  }
0x2c7: {  	[tilespmem:s26], [sflag:$0x1] =	stream.indirect_vreg.gather [hbm4b:s16+s8], $0x80, v57, vm0, $0xb8;
	[tilespmem:$0x1C7C8] =	vst v63  }
0x2c8: {  	s28 =	simm.s32 $0xE380  }
0x2c9: {  	[tilespmem:s28], [sflag:$0x1] =	stream.indirect_vreg.gather [hbm4b:s16+s8], $0x80, v59, vm0, $0xb8;
	[tilespmem:$0x1C7C8] =	vst v63  }
0x2ca: {  	s29 =	simm.s32 $0xE400  }
0x2cb: {  	[tilespmem:s29], [sflag:$0x1] =	stream.indirect_vreg.gather [hbm4b:s16+s8], $0x80, v26, vm0, $0xb8;
	[tilespmem:$0x1C7C8] =	vst v63  }
0x2cc: {  	v26 =	vld [tilespmem:$0x53D0];
	_ =	sdelay $0x4  }
0x2cd: {  	v27 =	vshll.u32 v26, $0x1  }
0x2ce: {  	v26 =	vand.u32 $0x7, v26;
	v27 =	vand.u32 $0xFFFFFFF0, v27  }
0x2cf: {  	v26 =	vor.u32 v26, v27  }
0x2d0: {  	v27 =	vperm.xlane v26, v9;
	_ =	sdelay $0x1  }
0x2d1: {  	v60 =	vperm.xlane v26, v11;
	v27 =	vadd.s32 v12, v27;
	_ =	sdelay $0x1  }
0x2d2: {  	v61 =	vperm.xlane v26, v13;
	v28 =	vadd.s32 v12, v60;
	_ =	sdelay $0x1  }
0x2d3: {  	s22 =	simm.s32 $0xE480;
	v62 =	vperm.xlane v26, v14;
	v29 =	vadd.s32 v12, v61  }
0x2d4: {  	[tilespmem:s22], [sflag:$0x1] =	stream.indirect_vreg.gather [hbm4b:s16+s8], $0x80, v27, vm0, $0xb8;
	[tilespmem:$0x1C7C8] =	vst v63  }
0x2d5: {  	s23 =	simm.s32 $0xE500;
	v63 =	vperm.xlane v26, v15;
	v27 =	vadd.s32 v12, v62  }
0x2d6: {  	[tilespmem:s23], [sflag:$0x1] =	stream.indirect_vreg.gather [hbm4b:s16+s8], $0x80, v28, vm0, $0xb8;
	[tilespmem:$0x1C7C8] =	vst v63  }
0x2d7: {  	s25 =	simm.s32 $0xE580;
	v34 =	vperm.xlane v26, v16;
	v33 =	vadd.s32 v12, v63  }
0x2d8: {  	[tilespmem:s25], [sflag:$0x1] =	stream.indirect_vreg.gather [hbm4b:s16+s8], $0x80, v29, vm0, $0xb8;
	[tilespmem:$0x1C7C8] =	vst v63  }
0x2d9: {  	s26 =	simm.s32 $0xE600;
	v36 =	vperm.xlane v26, v17;
	v35 =	vadd.s32 v12, v34  }
0x2da: {  	[tilespmem:s26], [sflag:$0x1] =	stream.indirect_vreg.gather [hbm4b:s16+s8], $0x80, v27, vm0, $0xb8;
	[tilespmem:$0x1C7C8] =	vst v63  }
0x2db: {  	s28 =	simm.s32 $0xE680;
	v37 =	vperm.xlane v26, v10;
	v27 =	vadd.s32 v12, v36  }
0x2dc: {  	[tilespmem:s28], [sflag:$0x1] =	stream.indirect_vreg.gather [hbm4b:s16+s8], $0x80, v33, vm0, $0xb8;
	[tilespmem:$0x1C7C8] =	vst v63  }
0x2dd: {  	s29 =	simm.s32 $0xE700;
	v39 =	vperm.xlane v26, v18;
	v38 =	vadd.s32 v12, v37  }
0x2de: {  	[tilespmem:s29], [sflag:$0x1] =	stream.indirect_vreg.gather [hbm4b:s16+s8], $0x80, v35, vm0, $0xb8;
	[tilespmem:$0x1C7C8] =	vst v63  }
0x2df: {  	v41 =	vperm.xlane v26, v19;
	v40 =	vadd.s32 v12, v39;
	s22 =	simm.s32 $0xE780  }
0x2e0: {  	[tilespmem:s22], [sflag:$0x1] =	stream.indirect_vreg.gather [hbm4b:s16+s8], $0x80, v27, vm0, $0xb8;
	[tilespmem:$0x1C7C8] =	vst v63  }
0x2e1: {  	v42 =	vperm.xlane v26, v20;
	s23 =	simm.s32 $0xE800;
	v27 =	vadd.s32 v12, v41  }
0x2e2: {  	[tilespmem:s23], [sflag:$0x1] =	stream.indirect_vreg.gather [hbm4b:s16+s8], $0x80, v38, vm0, $0xb8;
	[tilespmem:$0x1C7C8] =	vst v63  }
0x2e3: {  	v44 =	vperm.xlane v26, v21;
	v43 =	vadd.s32 v12, v42;
	s25 =	simm.s32 $0xE880  }
0x2e4: {  	[tilespmem:s25], [sflag:$0x1] =	stream.indirect_vreg.gather [hbm4b:s16+s8], $0x80, v40, vm0, $0xb8;
	[tilespmem:$0x1C7C8] =	vst v63  }
0x2e5: {  	v46 =	vperm.xlane v26, v22;
	v45 =	vadd.s32 v12, v44;
	s26 =	simm.s32 $0xE900  }
0x2e6: {  	[tilespmem:s26], [sflag:$0x1] =	stream.indirect_vreg.gather [hbm4b:s16+s8], $0x80, v27, vm0, $0xb8;
	[tilespmem:$0x1C7C8] =	vst v63  }
0x2e7: {  	v47 =	vperm.xlane v26, v23;
	s28 =	simm.s32 $0xE980;
	v27 =	vadd.s32 v12, v46  }
0x2e8: {  	[tilespmem:s28], [sflag:$0x1] =	stream.indirect_vreg.gather [hbm4b:s16+s8], $0x80, v43, vm0, $0xb8;
	[tilespmem:$0x1C7C8] =	vst v63  }
0x2e9: {  	v49 =	vperm.xlane v26, v24;
	v48 =	vadd.s32 v12, v47;
	s29 =	simm.s32 $0xEA00  }
0x2ea: {  	[tilespmem:s29], [sflag:$0x1] =	stream.indirect_vreg.gather [hbm4b:s16+s8], $0x80, v45, vm0, $0xb8;
	[tilespmem:$0x1C7C8] =	vst v63  }
0x2eb: {  	v26 =	vperm.xlane v26, v25;
	v50 =	vadd.s32 v12, v49;
	s22 =	simm.s32 $0xEA80  }
0x2ec: {  	[tilespmem:s22], [sflag:$0x1] =	stream.indirect_vreg.gather [hbm4b:s16+s8], $0x80, v27, vm0, $0xb8;
	[tilespmem:$0x1C7C8] =	vst v63  }
0x2ed: {  	v26 =	vadd.s32 v12, v26;
	s23 =	simm.s32 $0xEB00  }
0x2ee: {  	[tilespmem:s23], [sflag:$0x1] =	stream.indirect_vreg.gather [hbm4b:s16+s8], $0x80, v48, vm0, $0xb8;
	[tilespmem:$0x1C7C8] =	vst v63  }
0x2ef: {  	s25 =	simm.s32 $0xEB80  }
0x2f0: {  	[tilespmem:s25], [sflag:$0x1] =	stream.indirect_vreg.gather [hbm4b:s16+s8], $0x80, v50, vm0, $0xb8;
	[tilespmem:$0x1C7C8] =	vst v63  }
0x2f1: {  	s26 =	simm.s32 $0xEC00  }
0x2f2: {  	[tilespmem:s26], [sflag:$0x1] =	stream.indirect_vreg.gather [hbm4b:s16+s8], $0x80, v26, vm0, $0xb8;
	[tilespmem:$0x1C7C8] =	vst v63  }
0x2f3: {  	v26 =	vld [tilespmem:$0x53E0];
	_ =	sdelay $0x4  }
0x2f4: {  	v27 =	vshll.u32 v26, $0x1  }
0x2f5: {  	v26 =	vand.u32 $0x7, v26;
	v27 =	vand.u32 $0xFFFFFFF0, v27  }
0x2f6: {  	v26 =	vor.u32 v26, v27  }
0x2f7: {  	v27 =	vperm.xlane v26, v9;
	_ =	sdelay $0x1  }
0x2f8: {  	v51 =	vperm.xlane v26, v11;
	v27 =	vadd.s32 v12, v27;
	_ =	sdelay $0x1  }
0x2f9: {  	v52 =	vperm.xlane v26, v13;
	v28 =	vadd.s32 v12, v51;
	_ =	sdelay $0x1  }
0x2fa: {  	s28 =	simm.s32 $0xEC80;
	v53 =	vperm.xlane v26, v14;
	v29 =	vadd.s32 v12, v52  }
0x2fb: {  	[tilespmem:s28], [sflag:$0x1] =	stream.indirect_vreg.gather [hbm4b:s16+s8], $0x80, v27, vm0, $0xb8;
	[tilespmem:$0x1C7C8] =	vst v63  }
0x2fc: {  	s29 =	simm.s32 $0xED00;
	v54 =	vperm.xlane v26, v15;
	v27 =	vadd.s32 v12, v53  }
0x2fd: {  	[tilespmem:s29], [sflag:$0x1] =	stream.indirect_vreg.gather [hbm4b:s16+s8], $0x80, v28, vm0, $0xb8;
	[tilespmem:$0x1C7C8] =	vst v63  }
0x2fe: {  	s22 =	simm.s32 $0xED80;
	v56 =	vperm.xlane v26, v16;
	v55 =	vadd.s32 v12, v54  }
0x2ff: {  	[tilespmem:s22], [sflag:$0x1] =	stream.indirect_vreg.gather [hbm4b:s16+s8], $0x80, v29, vm0, $0xb8;
	[tilespmem:$0x1C7C8] =	vst v63  }
0x300: {  	s23 =	simm.s32 $0xEE00;
	v58 =	vperm.xlane v26, v17;
	v57 =	vadd.s32 v12, v56  }
0x301: {  	[tilespmem:s23], [sflag:$0x1] =	stream.indirect_vreg.gather [hbm4b:s16+s8], $0x80, v27, vm0, $0xb8;
	[tilespmem:$0x1C7C8] =	vst v63  }
0x302: {  	s25 =	simm.s32 $0xEE80;
	v59 =	vperm.xlane v26, v10;
	v27 =	vadd.s32 v12, v58  }
0x303: {  	[tilespmem:s25], [sflag:$0x1] =	stream.indirect_vreg.gather [hbm4b:s16+s8], $0x80, v55, vm0, $0xb8;
	[tilespmem:$0x1C7C8] =	vst v63  }
0x304: {  	s26 =	simm.s32 $0xEF00;
	v61 =	vperm.xlane v26, v18;
	v60 =	vadd.s32 v12, v59  }
0x305: {  	[tilespmem:s26], [sflag:$0x1] =	stream.indirect_vreg.gather [hbm4b:s16+s8], $0x80, v57, vm0, $0xb8;
	[tilespmem:$0x1C7C8] =	vst v63  }
0x306: {  	v63 =	vperm.xlane v26, v19;
	v62 =	vadd.s32 v12, v61;
	s28 =	simm.s32 $0xEF80  }
0x307: {  	[tilespmem:s28], [sflag:$0x1] =	stream.indirect_vreg.gather [hbm4b:s16+s8], $0x80, v27, vm0, $0xb8;
	[tilespmem:$0x1C7C8] =	vst v63  }
0x308: {  	v33 =	vperm.xlane v26, v20;
	s29 =	simm.s32 $0xF000;
	v27 =	vadd.s32 v12, v63  }
0x309: {  	[tilespmem:s29], [sflag:$0x1] =	stream.indirect_vreg.gather [hbm4b:s16+s8], $0x80, v60, vm0, $0xb8;
	[tilespmem:$0x1C7C8] =	vst v63  }
0x30a: {  	v35 =	vperm.xlane v26, v21;
	v34 =	vadd.s32 v12, v33;
	s22 =	simm.s32 $0xF080  }
0x30b: {  	[tilespmem:s22], [sflag:$0x1] =	stream.indirect_vreg.gather [hbm4b:s16+s8], $0x80, v62, vm0, $0xb8;
	[tilespmem:$0x1C7C8] =	vst v63  }
0x30c: {  	v37 =	vperm.xlane v26, v22;
	v36 =	vadd.s32 v12, v35;
	s23 =	simm.s32 $0xF100  }
0x30d: {  	[tilespmem:s23], [sflag:$0x1] =	stream.indirect_vreg.gather [hbm4b:s16+s8], $0x80, v27, vm0, $0xb8;
	[tilespmem:$0x1C7C8] =	vst v63  }
0x30e: {  	v38 =	vperm.xlane v26, v23;
	s25 =	simm.s32 $0xF180;
	v27 =	vadd.s32 v12, v37  }
0x30f: {  	[tilespmem:s25], [sflag:$0x1] =	stream.indirect_vreg.gather [hbm4b:s16+s8], $0x80, v34, vm0, $0xb8;
	[tilespmem:$0x1C7C8] =	vst v63  }
0x310: {  	v40 =	vperm.xlane v26, v24;
	v39 =	vadd.s32 v12, v38;
	s26 =	simm.s32 $0xF200  }
0x311: {  	[tilespmem:s26], [sflag:$0x1] =	stream.indirect_vreg.gather [hbm4b:s16+s8], $0x80, v36, vm0, $0xb8;
	[tilespmem:$0x1C7C8] =	vst v63  }
0x312: {  	v26 =	vperm.xlane v26, v25;
	v41 =	vadd.s32 v12, v40;
	s28 =	simm.s32 $0xF280  }
0x313: {  	[tilespmem:s28], [sflag:$0x1] =	stream.indirect_vreg.gather [hbm4b:s16+s8], $0x80, v27, vm0, $0xb8;
	[tilespmem:$0x1C7C8] =	vst v63  }
0x314: {  	v26 =	vadd.s32 v12, v26;
	s29 =	simm.s32 $0xF300  }
0x315: {  	[tilespmem:s29], [sflag:$0x1] =	stream.indirect_vreg.gather [hbm4b:s16+s8], $0x80, v39, vm0, $0xb8;
	[tilespmem:$0x1C7C8] =	vst v63  }
0x316: {  	s22 =	simm.s32 $0xF380  }
0x317: {  	[tilespmem:s22], [sflag:$0x1] =	stream.indirect_vreg.gather [hbm4b:s16+s8], $0x80, v41, vm0, $0xb8;
	[tilespmem:$0x1C7C8] =	vst v63  }
0x318: {  	s23 =	simm.s32 $0xF400  }
0x319: {  	[tilespmem:s23], [sflag:$0x1] =	stream.indirect_vreg.gather [hbm4b:s16+s8], $0x80, v26, vm0, $0xb8;
	[tilespmem:$0x1C7C8] =	vst v63  }
0x31a: {  	v26 =	vld [tilespmem:$0x53F0];
	_ =	sdelay $0x4  }
0x31b: {  	v27 =	vshll.u32 v26, $0x1  }
0x31c: {  	v26 =	vand.u32 $0x7, v26;
	v27 =	vand.u32 $0xFFFFFFF0, v27  }
0x31d: {  	v26 =	vor.u32 v26, v27  }
0x31e: {  	v27 =	vperm.xlane v26, v9;
	_ =	sdelay $0x1  }
0x31f: {  	v42 =	vperm.xlane v26, v11;
	v27 =	vadd.s32 v12, v27;
	_ =	sdelay $0x1  }
0x320: {  	v43 =	vperm.xlane v26, v13;
	v28 =	vadd.s32 v12, v42;
	_ =	sdelay $0x1  }
0x321: {  	s25 =	simm.s32 $0xF480;
	v44 =	vperm.xlane v26, v14;
	v29 =	vadd.s32 v12, v43  }
0x322: {  	[tilespmem:s25], [sflag:$0x1] =	stream.indirect_vreg.gather [hbm4b:s16+s8], $0x80, v27, vm0, $0xb8;
	[tilespmem:$0x1C7C8] =	vst v63  }
0x323: {  	s26 =	simm.s32 $0xF500;
	v45 =	vperm.xlane v26, v15;
	v27 =	vadd.s32 v12, v44  }
0x324: {  	[tilespmem:s26], [sflag:$0x1] =	stream.indirect_vreg.gather [hbm4b:s16+s8], $0x80, v28, vm0, $0xb8;
	[tilespmem:$0x1C7C8] =	vst v63  }
0x325: {  	s28 =	simm.s32 $0xF580;
	v47 =	vperm.xlane v26, v16;
	v46 =	vadd.s32 v12, v45  }
0x326: {  	[tilespmem:s28], [sflag:$0x1] =	stream.indirect_vreg.gather [hbm4b:s16+s8], $0x80, v29, vm0, $0xb8;
	[tilespmem:$0x1C7C8] =	vst v63  }
0x327: {  	s29 =	simm.s32 $0xF600;
	v49 =	vperm.xlane v26, v17;
	v48 =	vadd.s32 v12, v47  }
0x328: {  	[tilespmem:s29], [sflag:$0x1] =	stream.indirect_vreg.gather [hbm4b:s16+s8], $0x80, v27, vm0, $0xb8;
	[tilespmem:$0x1C7C8] =	vst v63  }
0x329: {  	s22 =	simm.s32 $0xF680;
	v50 =	vperm.xlane v26, v10;
	v27 =	vadd.s32 v12, v49  }
0x32a: {  	[tilespmem:s22], [sflag:$0x1] =	stream.indirect_vreg.gather [hbm4b:s16+s8], $0x80, v46, vm0, $0xb8;
	[tilespmem:$0x1C7C8] =	vst v63  }
0x32b: {  	s23 =	simm.s32 $0xF700;
	v52 =	vperm.xlane v26, v18;
	v51 =	vadd.s32 v12, v50  }
0x32c: {  	[tilespmem:s23], [sflag:$0x1] =	stream.indirect_vreg.gather [hbm4b:s16+s8], $0x80, v48, vm0, $0xb8;
	[tilespmem:$0x1C7C8] =	vst v63  }
0x32d: {  	v54 =	vperm.xlane v26, v19;
	v53 =	vadd.s32 v12, v52;
	s25 =	simm.s32 $0xF780  }
0x32e: {  	[tilespmem:s25], [sflag:$0x1] =	stream.indirect_vreg.gather [hbm4b:s16+s8], $0x80, v27, vm0, $0xb8;
	[tilespmem:$0x1C7C8] =	vst v63  }
0x32f: {  	v55 =	vperm.xlane v26, v20;
	s26 =	simm.s32 $0xF800;
	v27 =	vadd.s32 v12, v54  }
0x330: {  	[tilespmem:s26], [sflag:$0x1] =	stream.indirect_vreg.gather [hbm4b:s16+s8], $0x80, v51, vm0, $0xb8;
	[tilespmem:$0x1C7C8] =	vst v63  }
0x331: {  	v57 =	vperm.xlane v26, v21;
	v56 =	vadd.s32 v12, v55;
	s28 =	simm.s32 $0xF880  }
0x332: {  	[tilespmem:s28], [sflag:$0x1] =	stream.indirect_vreg.gather [hbm4b:s16+s8], $0x80, v53, vm0, $0xb8;
	[tilespmem:$0x1C7C8] =	vst v63  }
0x333: {  	v59 =	vperm.xlane v26, v22;
	v58 =	vadd.s32 v12, v57;
	s29 =	simm.s32 $0xF900  }
0x334: {  	[tilespmem:s29], [sflag:$0x1] =	stream.indirect_vreg.gather [hbm4b:s16+s8], $0x80, v27, vm0, $0xb8;
	[tilespmem:$0x1C7C8] =	vst v63  }
0x335: {  	v60 =	vperm.xlane v26, v23;
	s22 =	simm.s32 $0xF980;
	v27 =	vadd.s32 v12, v59  }
0x336: {  	[tilespmem:s22], [sflag:$0x1] =	stream.indirect_vreg.gather [hbm4b:s16+s8], $0x80, v56, vm0, $0xb8;
	[tilespmem:$0x1C7C8] =	vst v63  }
0x337: {  	v62 =	vperm.xlane v26, v24;
	v61 =	vadd.s32 v12, v60;
	s23 =	simm.s32 $0xFA00  }
0x338: {  	[tilespmem:s23], [sflag:$0x1] =	stream.indirect_vreg.gather [hbm4b:s16+s8], $0x80, v58, vm0, $0xb8;
	[tilespmem:$0x1C7C8] =	vst v63  }
0x339: {  	v26 =	vperm.xlane v26, v25;
	v63 =	vadd.s32 v12, v62;
	s25 =	simm.s32 $0xFA80  }
0x33a: {  	[tilespmem:s25], [sflag:$0x1] =	stream.indirect_vreg.gather [hbm4b:s16+s8], $0x80, v27, vm0, $0xb8;
	[tilespmem:$0x1C7C8] =	vst v63  }
0x33b: {  	v26 =	vadd.s32 v12, v26;
	s26 =	simm.s32 $0xFB00  }
0x33c: {  	[tilespmem:s26], [sflag:$0x1] =	stream.indirect_vreg.gather [hbm4b:s16+s8], $0x80, v61, vm0, $0xb8;
	[tilespmem:$0x1C7C8] =	vst v63  }
0x33d: {  	s28 =	simm.s32 $0xFB80  }
0x33e: {  	[tilespmem:s28], [sflag:$0x1] =	stream.indirect_vreg.gather [hbm4b:s16+s8], $0x80, v63, vm0, $0xb8;
	[tilespmem:$0x1C7C8] =	vst v63  }
0x33f: {  	s29 =	simm.s32 $0xFC00  }
0x340: {  	[tilespmem:s29], [sflag:$0x1] =	stream.indirect_vreg.gather [hbm4b:s16+s8], $0x80, v26, vm0, $0xb8;
	[tilespmem:$0x1C7C8] =	vst v63  }
.LBB2_7:
0x341: {  	s21 =	sadd.s32 $0x1, s18  }
0x342: {  	s22 =	sand.u32 $0x1, s21  }
0x343: {  	p2 =	slt.s32 s18, $0x0;
	p3 =	seq.s32 s22, $0x1  }
0x344: {  	s28 =	sshrl.u32 s21, $0x1F;
	p2 =	por !p2, !p3  }
0x345: {  	s21 =	sadd.s32 s28, s21;
	s22 =	simm.s32 $0x1;
	p2 =	por !p2, !p2  }
0x346: {  	s21 =	sshra.s32 s21, $0x1;
	s22 =	simm.s32 @!p2 $0x0  }
0x347: {  	s21 =	ssub.s32 s21, s22  }
0x348: {  	p2 =	slt.s32 s21, $0x1  }
.Ltmp5:
0x349: {  	_ = 	snop;
	(pc) =	sbr.rel @p2 .LBB2_18-.Ltmp5, $2  }
0x34a: {  	_ =	sdelay $0x2  }
0x34b: {  	s29 =	simm.s32 $0x6  }
.Ltmp6:
0x34c: {  	(pc) =	sbr.rel .LBB2_9-.Ltmp6, $2  }
0x34d: {  	_ =	sdelay $0x2  }
0x34e: {  	s22 =	simm.s32 $0x0;
	s23 =	simm.s32 $0x6800;
	s25 =	simm.s32 $0x5440  }
.LBB2_16:
0x34f: {  	s26 =	sadd.s32 $0x80, s23  }
0x350: {  	[spmem:s4] =	stream.indirect.scatter.add.f32 [tilespmem:s12], [sflag:$0x3], $0x80, s26, s15, $0xb8;
	[tilespmem:$0x1C7C8] =	vst v63  }
0x351: {  	_ = 	snop  }
0x352: {  	[spmem:s5] =	stream.indirect.scatter.add.f32 [tilespmem:s13], [sflag:$0x4], $0x80, s26, s15, $0xb8;
	[tilespmem:$0x1C7C8] =	vst v63  }
0x353: {  	_ = 	snop  }
0x354: {  	[spmem:s6] =	stream.indirect.scatter.add.f32 [tilespmem:s14], [sflag:$0x5], $0x1, s26, s15, $0xb8;
	[tilespmem:$0x1C7C8] =	vst v63  }
.LBB2_17:
0x355: {  	s21 =	sadd.s32 $0xFFFFFFFF, s21  }
0x356: {  	p2 =	sne.s32 s21, $0x0  }
.Ltmp7:
0x357: {  	_ = 	snop;
	(pc) =	sbr.rel @!p2 .LBB2_18-.Ltmp7, $2  }
0x358: {  	_ =	sdelay $0x2  }
0x359: {  	s22 =	sadd.s32 $0x2, s22;
	s23 =	sadd.s32 $0x100, s23;
	s25 =	sadd.s32 $0x100, s25  }
.LBB2_9:
0x35a: {  	p2 =	sge.s32 s22, s18  }
.Ltmp8:
0x35b: {  	_ = 	snop;
	(pc) =	sbr.rel @p2 .LBB2_13-.Ltmp8, $1  }
0x35c: {  	_ =	sdelay $0x3  }
0x35d: {  	_ =	swait.ge [sflag:s30], $0x4000  }
0x35e: {  	[sflag:s30] =	ssyncset.done $0x0  }
0x35f: {  	[sflag:s30] =	ssyncadd.s32 $0xFFFFC000  }
0x360: {  	_ =	swait.ge [sflag:s30], $0x4000  }
0x361: {  	p2 =	seq.s32 s22, $0x0;
	[sflag:s30] =	ssyncset.done $0x0  }
0x362: {  	s26 =	simm.s32 @!p2 $0x3;
	[sflag:s30] =	ssyncadd.s32 $0xFFFFC000  }
0x363: {  	_ =	swait.ge @!p2 [sflag:s26], $0x4000  }
0x364: {  	[sflag:s26] =	ssyncset.done @!p2 $0x0  }
0x365: {  	s28 =	sadd.s32 $0x1, s22;
	[sflag:s26] =	ssyncadd.s32 @!p2 $0xFFFFC000;
	s26 =	simm.s32 @!p2 $0x4  }
0x366: {  	p3 =	sge.s32 s28, s18;
	_ =	swait.ge @!p2 [sflag:s26], $0x4000  }
.Ltmp9:
0x367: {  	[sflag:s26] =	ssyncset.done @!p2 $0x0;
	(pc) =	sbr.rel @p3 .LBB2_12-.Ltmp9, $4  }
0x368: {  	[sflag:s26] =	ssyncadd.s32 @!p2 $0xFFFFC000;
	s26 =	simm.s32 @!p2 $0x5  }
0x369: {  	_ =	swait.ge @!p2 [sflag:s26], $0x80  }
0x36a: {  	[sflag:s26] =	ssyncset.done @!p2 $0x0  }
0x36b: {  	[sflag:s26] =	ssyncadd.s32 @!p2 $0xFFFFFF80  }
0x36c: {  	v26 =	vld [tilespmem:s25+$0xFFFFFFC0];
	_ =	sdelay $0x4  }
0x36d: {  	v27 =	vshll.u32 v26, $0x1  }
0x36e: {  	v26 =	vand.u32 $0x7, v26;
	v27 =	vand.u32 $0xFFFFFFF0, v27  }
0x36f: {  	v26 =	vor.u32 v26, v27  }
0x370: {  	v27 =	vperm.xlane v26, v9;
	_ =	sdelay $0x1  }
0x371: {  	v28 =	vperm.xlane v26, v11;
	v27 =	vadd.s32 v12, v27;
	_ =	sdelay $0x1  }
0x372: {  	v29 =	vperm.xlane v26, v13;
	v28 =	vadd.s32 v12, v28;
	_ =	sdelay $0x1  }
0x373: {  	v30 =	vperm.xlane v26, v14;
	v29 =	vadd.s32 v12, v29  }
0x374: {  	[tilespmem:s12], [sflag:$0x2] =	stream.indirect_vreg.gather [hbm4b:s0+s8], $0x80, v27, vm0, $0xb8;
	[tilespmem:$0x1C7C8] =	vst v63  }
0x375: {  	s26 =	simm.s32 $0xFD00;
	v56 =	vperm.xlane v26, v15;
	v27 =	vadd.s32 v12, v30  }
0x376: {  	[tilespmem:s26], [sflag:$0x2] =	stream.indirect_vreg.gather [hbm4b:s0+s8], $0x80, v28, vm0, $0xb8;
	[tilespmem:$0x1C7C8] =	vst v63  }
0x377: {  	s28 =	simm.s32 $0xFD80;
	v58 =	vperm.xlane v26, v16;
	v57 =	vadd.s32 v12, v56  }
0x378: {  	[tilespmem:s28], [sflag:$0x2] =	stream.indirect_vreg.gather [hbm4b:s0+s8], $0x80, v29, vm0, $0xb8;
	[tilespmem:$0x1C7C8] =	vst v63  }
0x379: {  	v60 =	vperm.xlane v26, v17;
	v59 =	vadd.s32 v12, v58;
	s28 =	simm.s32 $0xFE00  }
0x37a: {  	[tilespmem:s28], [sflag:$0x2] =	stream.indirect_vreg.gather [hbm4b:s0+s8], $0x80, v27, vm0, $0xb8;
	[tilespmem:$0x1C7C8] =	vst v63  }
0x37b: {  	v61 =	vperm.xlane v26, v10;
	v27 =	vadd.s32 v12, v60;
	s28 =	simm.s32 $0xFE80  }
0x37c: {  	[tilespmem:s28], [sflag:$0x2] =	stream.indirect_vreg.gather [hbm4b:s0+s8], $0x80, v57, vm0, $0xb8;
	[tilespmem:$0x1C7C8] =	vst v63  }
0x37d: {  	v63 =	vperm.xlane v26, v18;
	v62 =	vadd.s32 v12, v61;
	s28 =	simm.s32 $0xFF00  }
0x37e: {  	[tilespmem:s28], [sflag:$0x2] =	stream.indirect_vreg.gather [hbm4b:s0+s8], $0x80, v59, vm0, $0xb8;
	[tilespmem:$0x1C7C8] =	vst v63  }
0x37f: {  	v34 =	vperm.xlane v26, v19;
	v33 =	vadd.s32 v12, v63;
	s28 =	simm.s32 $0xFF80  }
0x380: {  	[tilespmem:s28], [sflag:$0x2] =	stream.indirect_vreg.gather [hbm4b:s0+s8], $0x80, v27, vm0, $0xb8;
	[tilespmem:$0x1C7C8] =	vst v63  }
0x381: {  	v35 =	vperm.xlane v26, v20;
	v27 =	vadd.s32 v12, v34;
	s28 =	simm.s32 $0x10000  }
0x382: {  	[tilespmem:s28], [sflag:$0x2] =	stream.indirect_vreg.gather [hbm4b:s0+s8], $0x80, v62, vm0, $0xb8;
	[tilespmem:$0x1C7C8] =	vst v63  }
0x383: {  	v37 =	vperm.xlane v26, v21;
	v36 =	vadd.s32 v12, v35;
	s28 =	simm.s32 $0x10080  }
0x384: {  	[tilespmem:s28], [sflag:$0x2] =	stream.indirect_vreg.gather [hbm4b:s0+s8], $0x80, v33, vm0, $0xb8;
	[tilespmem:$0x1C7C8] =	vst v63  }
0x385: {  	v39 =	vperm.xlane v26, v22;
	v38 =	vadd.s32 v12, v37;
	s28 =	simm.s32 $0x10100  }
0x386: {  	[tilespmem:s28], [sflag:$0x2] =	stream.indirect_vreg.gather [hbm4b:s0+s8], $0x80, v27, vm0, $0xb8;
	[tilespmem:$0x1C7C8] =	vst v63  }
0x387: {  	v40 =	vperm.xlane v26, v23;
	v27 =	vadd.s32 v12, v39;
	s28 =	simm.s32 $0x10180  }
0x388: {  	[tilespmem:s28], [sflag:$0x2] =	stream.indirect_vreg.gather [hbm4b:s0+s8], $0x80, v36, vm0, $0xb8;
	[tilespmem:$0x1C7C8] =	vst v63  }
0x389: {  	v42 =	vperm.xlane v26, v24;
	v41 =	vadd.s32 v12, v40;
	s28 =	simm.s32 $0x10200  }
0x38a: {  	[tilespmem:s28], [sflag:$0x2] =	stream.indirect_vreg.gather [hbm4b:s0+s8], $0x80, v38, vm0, $0xb8;
	[tilespmem:$0x1C7C8] =	vst v63  }
0x38b: {  	v26 =	vperm.xlane v26, v25;
	v43 =	vadd.s32 v12, v42;
	s28 =	simm.s32 $0x10280  }
0x38c: {  	[tilespmem:s28], [sflag:$0x2] =	stream.indirect_vreg.gather [hbm4b:s0+s8], $0x80, v27, vm0, $0xb8;
	[tilespmem:$0x1C7C8] =	vst v63  }
0x38d: {  	v26 =	vadd.s32 v12, v26;
	s28 =	simm.s32 $0x10300  }
0x38e: {  	[tilespmem:s28], [sflag:$0x2] =	stream.indirect_vreg.gather [hbm4b:s0+s8], $0x80, v41, vm0, $0xb8;
	[tilespmem:$0x1C7C8] =	vst v63  }
0x38f: {  	s28 =	simm.s32 $0x10380  }
0x390: {  	[tilespmem:s28], [sflag:$0x2] =	stream.indirect_vreg.gather [hbm4b:s0+s8], $0x80, v43, vm0, $0xb8;
	[tilespmem:$0x1C7C8] =	vst v63  }
0x391: {  	s28 =	simm.s32 $0x10400  }
0x392: {  	[tilespmem:s28], [sflag:$0x2] =	stream.indirect_vreg.gather [hbm4b:s0+s8], $0x80, v26, vm0, $0xb8;
	[tilespmem:$0x1C7C8] =	vst v63  }
0x393: {  	v26 =	vld [tilespmem:s25+$0xFFFFFFD0];
	_ =	sdelay $0x4  }
0x394: {  	v27 =	vshll.u32 v26, $0x1  }
0x395: {  	v26 =	vand.u32 $0x7, v26;
	v27 =	vand.u32 $0xFFFFFFF0, v27  }
0x396: {  	v26 =	vor.u32 v26, v27  }
0x397: {  	v27 =	vperm.xlane v26, v9;
	_ =	sdelay $0x1  }
0x398: {  	v44 =	vperm.xlane v26, v11;
	v27 =	vadd.s32 v12, v27;
	_ =	sdelay $0x1  }
0x399: {  	v45 =	vperm.xlane v26, v13;
	v28 =	vadd.s32 v12, v44;
	_ =	sdelay $0x1  }
0x39a: {  	s28 =	simm.s32 $0x10480;
	v46 =	vperm.xlane v26, v14;
	v29 =	vadd.s32 v12, v45  }
0x39b: {  	[tilespmem:s28], [sflag:$0x2] =	stream.indirect_vreg.gather [hbm4b:s0+s8], $0x80, v27, vm0, $0xb8;
	[tilespmem:$0x1C7C8] =	vst v63  }
0x39c: {  	v47 =	vperm.xlane v26, v15;
	v27 =	vadd.s32 v12, v46;
	s28 =	simm.s32 $0x10500  }
0x39d: {  	[tilespmem:s28], [sflag:$0x2] =	stream.indirect_vreg.gather [hbm4b:s0+s8], $0x80, v28, vm0, $0xb8;
	[tilespmem:$0x1C7C8] =	vst v63  }
0x39e: {  	v49 =	vperm.xlane v26, v16;
	v48 =	vadd.s32 v12, v47;
	s28 =	simm.s32 $0x10580  }
0x39f: {  	[tilespmem:s28], [sflag:$0x2] =	stream.indirect_vreg.gather [hbm4b:s0+s8], $0x80, v29, vm0, $0xb8;
	[tilespmem:$0x1C7C8] =	vst v63  }
0x3a0: {  	v51 =	vperm.xlane v26, v17;
	v50 =	vadd.s32 v12, v49;
	s28 =	simm.s32 $0x10600  }
0x3a1: {  	[tilespmem:s28], [sflag:$0x2] =	stream.indirect_vreg.gather [hbm4b:s0+s8], $0x80, v27, vm0, $0xb8;
	[tilespmem:$0x1C7C8] =	vst v63  }
0x3a2: {  	v52 =	vperm.xlane v26, v10;
	v27 =	vadd.s32 v12, v51;
	s28 =	simm.s32 $0x10680  }
0x3a3: {  	[tilespmem:s28], [sflag:$0x2] =	stream.indirect_vreg.gather [hbm4b:s0+s8], $0x80, v48, vm0, $0xb8;
	[tilespmem:$0x1C7C8] =	vst v63  }
0x3a4: {  	v54 =	vperm.xlane v26, v18;
	v53 =	vadd.s32 v12, v52;
	s28 =	simm.s32 $0x10700  }
0x3a5: {  	[tilespmem:s28], [sflag:$0x2] =	stream.indirect_vreg.gather [hbm4b:s0+s8], $0x80, v50, vm0, $0xb8;
	[tilespmem:$0x1C7C8] =	vst v63  }
0x3a6: {  	v56 =	vperm.xlane v26, v19;
	v55 =	vadd.s32 v12, v54;
	s28 =	simm.s32 $0x10780  }
0x3a7: {  	[tilespmem:s28], [sflag:$0x2] =	stream.indirect_vreg.gather [hbm4b:s0+s8], $0x80, v27, vm0, $0xb8;
	[tilespmem:$0x1C7C8] =	vst v63  }
0x3a8: {  	v57 =	vperm.xlane v26, v20;
	v27 =	vadd.s32 v12, v56;
	s28 =	simm.s32 $0x10800  }
0x3a9: {  	[tilespmem:s28], [sflag:$0x2] =	stream.indirect_vreg.gather [hbm4b:s0+s8], $0x80, v53, vm0, $0xb8;
	[tilespmem:$0x1C7C8] =	vst v63  }
0x3aa: {  	v59 =	vperm.xlane v26, v21;
	v58 =	vadd.s32 v12, v57;
	s28 =	simm.s32 $0x10880  }
0x3ab: {  	[tilespmem:s28], [sflag:$0x2] =	stream.indirect_vreg.gather [hbm4b:s0+s8], $0x80, v55, vm0, $0xb8;
	[tilespmem:$0x1C7C8] =	vst v63  }
0x3ac: {  	v61 =	vperm.xlane v26, v22;
	v60 =	vadd.s32 v12, v59;
	s28 =	simm.s32 $0x10900  }
0x3ad: {  	[tilespmem:s28], [sflag:$0x2] =	stream.indirect_vreg.gather [hbm4b:s0+s8], $0x80, v27, vm0, $0xb8;
	[tilespmem:$0x1C7C8] =	vst v63  }
0x3ae: {  	v62 =	vperm.xlane v26, v23;
	v27 =	vadd.s32 v12, v61;
	s28 =	simm.s32 $0x10980  }
0x3af: {  	[tilespmem:s28], [sflag:$0x2] =	stream.indirect_vreg.gather [hbm4b:s0+s8], $0x80, v58, vm0, $0xb8;
	[tilespmem:$0x1C7C8] =	vst v63  }
0x3b0: {  	v33 =	vperm.xlane v26, v24;
	v63 =	vadd.s32 v12, v62;
	s28 =	simm.s32 $0x10A00  }
0x3b1: {  	[tilespmem:s28], [sflag:$0x2] =	stream.indirect_vreg.gather [hbm4b:s0+s8], $0x80, v60, vm0, $0xb8;
	[tilespmem:$0x1C7C8] =	vst v63  }
0x3b2: {  	v26 =	vperm.xlane v26, v25;
	v34 =	vadd.s32 v12, v33;
	s28 =	simm.s32 $0x10A80  }
0x3b3: {  	[tilespmem:s28], [sflag:$0x2] =	stream.indirect_vreg.gather [hbm4b:s0+s8], $0x80, v27, vm0, $0xb8;
	[tilespmem:$0x1C7C8] =	vst v63  }
0x3b4: {  	v26 =	vadd.s32 v12, v26;
	s28 =	simm.s32 $0x10B00  }
0x3b5: {  	[tilespmem:s28], [sflag:$0x2] =	stream.indirect_vreg.gather [hbm4b:s0+s8], $0x80, v63, vm0, $0xb8;
	[tilespmem:$0x1C7C8] =	vst v63  }
0x3b6: {  	s28 =	simm.s32 $0x10B80  }
0x3b7: {  	[tilespmem:s28], [sflag:$0x2] =	stream.indirect_vreg.gather [hbm4b:s0+s8], $0x80, v34, vm0, $0xb8;
	[tilespmem:$0x1C7C8] =	vst v63  }
0x3b8: {  	s28 =	simm.s32 $0x10C00  }
0x3b9: {  	[tilespmem:s28], [sflag:$0x2] =	stream.indirect_vreg.gather [hbm4b:s0+s8], $0x80, v26, vm0, $0xb8;
	[tilespmem:$0x1C7C8] =	vst v63  }
0x3ba: {  	v26 =	vld [tilespmem:s25+$0xFFFFFFE0];
	_ =	sdelay $0x4  }
0x3bb: {  	v27 =	vshll.u32 v26, $0x1  }
0x3bc: {  	v26 =	vand.u32 $0x7, v26;
	v27 =	vand.u32 $0xFFFFFFF0, v27  }
0x3bd: {  	v26 =	vor.u32 v26, v27  }
0x3be: {  	v27 =	vperm.xlane v26, v9;
	_ =	sdelay $0x1  }
0x3bf: {  	v35 =	vperm.xlane v26, v11;
	v27 =	vadd.s32 v12, v27;
	_ =	sdelay $0x1  }
0x3c0: {  	v36 =	vperm.xlane v26, v13;
	v28 =	vadd.s32 v12, v35;
	_ =	sdelay $0x1  }
0x3c1: {  	s28 =	simm.s32 $0x10C80;
	v37 =	vperm.xlane v26, v14;
	v29 =	vadd.s32 v12, v36  }
0x3c2: {  	[tilespmem:s28], [sflag:$0x2] =	stream.indirect_vreg.gather [hbm4b:s0+s8], $0x80, v27, vm0, $0xb8;
	[tilespmem:$0x1C7C8] =	vst v63  }
0x3c3: {  	v38 =	vperm.xlane v26, v15;
	v27 =	vadd.s32 v12, v37;
	s28 =	simm.s32 $0x10D00  }
0x3c4: {  	[tilespmem:s28], [sflag:$0x2] =	stream.indirect_vreg.gather [hbm4b:s0+s8], $0x80, v28, vm0, $0xb8;
	[tilespmem:$0x1C7C8] =	vst v63  }
0x3c5: {  	v40 =	vperm.xlane v26, v16;
	v39 =	vadd.s32 v12, v38;
	s28 =	simm.s32 $0x10D80  }
0x3c6: {  	[tilespmem:s28], [sflag:$0x2] =	stream.indirect_vreg.gather [hbm4b:s0+s8], $0x80, v29, vm0, $0xb8;
	[tilespmem:$0x1C7C8] =	vst v63  }
0x3c7: {  	v42 =	vperm.xlane v26, v17;
	v41 =	vadd.s32 v12, v40;
	s28 =	simm.s32 $0x10E00  }
0x3c8: {  	[tilespmem:s28], [sflag:$0x2] =	stream.indirect_vreg.gather [hbm4b:s0+s8], $0x80, v27, vm0, $0xb8;
	[tilespmem:$0x1C7C8] =	vst v63  }
0x3c9: {  	v43 =	vperm.xlane v26, v10;
	v27 =	vadd.s32 v12, v42;
	s28 =	simm.s32 $0x10E80  }
0x3ca: {  	[tilespmem:s28], [sflag:$0x2] =	stream.indirect_vreg.gather [hbm4b:s0+s8], $0x80, v39, vm0, $0xb8;
	[tilespmem:$0x1C7C8] =	vst v63  }
0x3cb: {  	v45 =	vperm.xlane v26, v18;
	v44 =	vadd.s32 v12, v43;
	s28 =	simm.s32 $0x10F00  }
0x3cc: {  	[tilespmem:s28], [sflag:$0x2] =	stream.indirect_vreg.gather [hbm4b:s0+s8], $0x80, v41, vm0, $0xb8;
	[tilespmem:$0x1C7C8] =	vst v63  }
0x3cd: {  	v47 =	vperm.xlane v26, v19;
	v46 =	vadd.s32 v12, v45;
	s28 =	simm.s32 $0x10F80  }
0x3ce: {  	[tilespmem:s28], [sflag:$0x2] =	stream.indirect_vreg.gather [hbm4b:s0+s8], $0x80, v27, vm0, $0xb8;
	[tilespmem:$0x1C7C8] =	vst v63  }
0x3cf: {  	v48 =	vperm.xlane v26, v20;
	v27 =	vadd.s32 v12, v47;
	s28 =	simm.s32 $0x11000  }
0x3d0: {  	[tilespmem:s28], [sflag:$0x2] =	stream.indirect_vreg.gather [hbm4b:s0+s8], $0x80, v44, vm0, $0xb8;
	[tilespmem:$0x1C7C8] =	vst v63  }
0x3d1: {  	v50 =	vperm.xlane v26, v21;
	v49 =	vadd.s32 v12, v48;
	s28 =	simm.s32 $0x11080  }
0x3d2: {  	[tilespmem:s28], [sflag:$0x2] =	stream.indirect_vreg.gather [hbm4b:s0+s8], $0x80, v46, vm0, $0xb8;
	[tilespmem:$0x1C7C8] =	vst v63  }
0x3d3: {  	v52 =	vperm.xlane v26, v22;
	v51 =	vadd.s32 v12, v50;
	s28 =	simm.s32 $0x11100  }
0x3d4: {  	[tilespmem:s28], [sflag:$0x2] =	stream.indirect_vreg.gather [hbm4b:s0+s8], $0x80, v27, vm0, $0xb8;
	[tilespmem:$0x1C7C8] =	vst v63  }
0x3d5: {  	v53 =	vperm.xlane v26, v23;
	v27 =	vadd.s32 v12, v52;
	s28 =	simm.s32 $0x11180  }
0x3d6: {  	[tilespmem:s28], [sflag:$0x2] =	stream.indirect_vreg.gather [hbm4b:s0+s8], $0x80, v49, vm0, $0xb8;
	[tilespmem:$0x1C7C8] =	vst v63  }
0x3d7: {  	v55 =	vperm.xlane v26, v24;
	v54 =	vadd.s32 v12, v53;
	s28 =	simm.s32 $0x11200  }
0x3d8: {  	[tilespmem:s28], [sflag:$0x2] =	stream.indirect_vreg.gather [hbm4b:s0+s8], $0x80, v51, vm0, $0xb8;
	[tilespmem:$0x1C7C8] =	vst v63  }
0x3d9: {  	v26 =	vperm.xlane v26, v25;
	v56 =	vadd.s32 v12, v55;
	s28 =	simm.s32 $0x11280  }
0x3da: {  	[tilespmem:s28], [sflag:$0x2] =	stream.indirect_vreg.gather [hbm4b:s0+s8], $0x80, v27, vm0, $0xb8;
	[tilespmem:$0x1C7C8] =	vst v63  }
0x3db: {  	v26 =	vadd.s32 v12, v26;
	s28 =	simm.s32 $0x11300  }
0x3dc: {  	[tilespmem:s28], [sflag:$0x2] =	stream.indirect_vreg.gather [hbm4b:s0+s8], $0x80, v54, vm0, $0xb8;
	[tilespmem:$0x1C7C8] =	vst v63  }
0x3dd: {  	s28 =	simm.s32 $0x11380  }
0x3de: {  	[tilespmem:s28], [sflag:$0x2] =	stream.indirect_vreg.gather [hbm4b:s0+s8], $0x80, v56, vm0, $0xb8;
	[tilespmem:$0x1C7C8] =	vst v63  }
0x3df: {  	s28 =	simm.s32 $0x11400  }
0x3e0: {  	[tilespmem:s28], [sflag:$0x2] =	stream.indirect_vreg.gather [hbm4b:s0+s8], $0x80, v26, vm0, $0xb8;
	[tilespmem:$0x1C7C8] =	vst v63  }
0x3e1: {  	v26 =	vld [tilespmem:s25+$0xFFFFFFF0];
	_ =	sdelay $0x4  }
0x3e2: {  	v27 =	vshll.u32 v26, $0x1  }
0x3e3: {  	v26 =	vand.u32 $0x7, v26;
	v27 =	vand.u32 $0xFFFFFFF0, v27  }
0x3e4: {  	v26 =	vor.u32 v26, v27  }
0x3e5: {  	v27 =	vperm.xlane v26, v9;
	_ =	sdelay $0x1  }
0x3e6: {  	v57 =	vperm.xlane v26, v11;
	v27 =	vadd.s32 v12, v27;
	_ =	sdelay $0x1  }
0x3e7: {  	v58 =	vperm.xlane v26, v13;
	v28 =	vadd.s32 v12, v57;
	_ =	sdelay $0x1  }
0x3e8: {  	s28 =	simm.s32 $0x11480;
	v59 =	vperm.xlane v26, v14;
	v29 =	vadd.s32 v12, v58  }
0x3e9: {  	[tilespmem:s28], [sflag:$0x2] =	stream.indirect_vreg.gather [hbm4b:s0+s8], $0x80, v27, vm0, $0xb8;
	[tilespmem:$0x1C7C8] =	vst v63  }
0x3ea: {  	v60 =	vperm.xlane v26, v15;
	v27 =	vadd.s32 v12, v59;
	s28 =	simm.s32 $0x11500  }
0x3eb: {  	[tilespmem:s28], [sflag:$0x2] =	stream.indirect_vreg.gather [hbm4b:s0+s8], $0x80, v28, vm0, $0xb8;
	[tilespmem:$0x1C7C8] =	vst v63  }
0x3ec: {  	v62 =	vperm.xlane v26, v16;
	v61 =	vadd.s32 v12, v60;
	s28 =	simm.s32 $0x11580  }
0x3ed: {  	[tilespmem:s28], [sflag:$0x2] =	stream.indirect_vreg.gather [hbm4b:s0+s8], $0x80, v29, vm0, $0xb8;
	[tilespmem:$0x1C7C8] =	vst v63  }
0x3ee: {  	v33 =	vperm.xlane v26, v17;
	v63 =	vadd.s32 v12, v62;
	s28 =	simm.s32 $0x11600  }
0x3ef: {  	[tilespmem:s28], [sflag:$0x2] =	stream.indirect_vreg.gather [hbm4b:s0+s8], $0x80, v27, vm0, $0xb8;
	[tilespmem:$0x1C7C8] =	vst v63  }
0x3f0: {  	v34 =	vperm.xlane v26, v10;
	v27 =	vadd.s32 v12, v33;
	s28 =	simm.s32 $0x11680  }
0x3f1: {  	[tilespmem:s28], [sflag:$0x2] =	stream.indirect_vreg.gather [hbm4b:s0+s8], $0x80, v61, vm0, $0xb8;
	[tilespmem:$0x1C7C8] =	vst v63  }
0x3f2: {  	v36 =	vperm.xlane v26, v18;
	v35 =	vadd.s32 v12, v34;
	s28 =	simm.s32 $0x11700  }
0x3f3: {  	[tilespmem:s28], [sflag:$0x2] =	stream.indirect_vreg.gather [hbm4b:s0+s8], $0x80, v63, vm0, $0xb8;
	[tilespmem:$0x1C7C8] =	vst v63  }
0x3f4: {  	v38 =	vperm.xlane v26, v19;
	v37 =	vadd.s32 v12, v36;
	s28 =	simm.s32 $0x11780  }
0x3f5: {  	[tilespmem:s28], [sflag:$0x2] =	stream.indirect_vreg.gather [hbm4b:s0+s8], $0x80, v27, vm0, $0xb8;
	[tilespmem:$0x1C7C8] =	vst v63  }
0x3f6: {  	v39 =	vperm.xlane v26, v20;
	v27 =	vadd.s32 v12, v38;
	s28 =	simm.s32 $0x11800  }
0x3f7: {  	[tilespmem:s28], [sflag:$0x2] =	stream.indirect_vreg.gather [hbm4b:s0+s8], $0x80, v35, vm0, $0xb8;
	[tilespmem:$0x1C7C8] =	vst v63  }
0x3f8: {  	v41 =	vperm.xlane v26, v21;
	v40 =	vadd.s32 v12, v39;
	s28 =	simm.s32 $0x11880  }
0x3f9: {  	[tilespmem:s28], [sflag:$0x2] =	stream.indirect_vreg.gather [hbm4b:s0+s8], $0x80, v37, vm0, $0xb8;
	[tilespmem:$0x1C7C8] =	vst v63  }
0x3fa: {  	v43 =	vperm.xlane v26, v22;
	v42 =	vadd.s32 v12, v41;
	s28 =	simm.s32 $0x11900  }
0x3fb: {  	[tilespmem:s28], [sflag:$0x2] =	stream.indirect_vreg.gather [hbm4b:s0+s8], $0x80, v27, vm0, $0xb8;
	[tilespmem:$0x1C7C8] =	vst v63  }
0x3fc: {  	v44 =	vperm.xlane v26, v23;
	v27 =	vadd.s32 v12, v43;
	s28 =	simm.s32 $0x11980  }
0x3fd: {  	[tilespmem:s28], [sflag:$0x2] =	stream.indirect_vreg.gather [hbm4b:s0+s8], $0x80, v40, vm0, $0xb8;
	[tilespmem:$0x1C7C8] =	vst v63  }
0x3fe: {  	v46 =	vperm.xlane v26, v24;
	v45 =	vadd.s32 v12, v44;
	s28 =	simm.s32 $0x11A00  }
0x3ff: {  	[tilespmem:s28], [sflag:$0x2] =	stream.indirect_vreg.gather [hbm4b:s0+s8], $0x80, v42, vm0, $0xb8;
	[tilespmem:$0x1C7C8] =	vst v63  }
0x400: {  	v26 =	vperm.xlane v26, v25;
	v47 =	vadd.s32 v12, v46;
	s28 =	simm.s32 $0x11A80  }
0x401: {  	[tilespmem:s28], [sflag:$0x2] =	stream.indirect_vreg.gather [hbm4b:s0+s8], $0x80, v27, vm0, $0xb8;
	[tilespmem:$0x1C7C8] =	vst v63  }
0x402: {  	v26 =	vadd.s32 v12, v26;
	s28 =	simm.s32 $0x11B00  }
0x403: {  	[tilespmem:s28], [sflag:$0x2] =	stream.indirect_vreg.gather [hbm4b:s0+s8], $0x80, v45, vm0, $0xb8;
	[tilespmem:$0x1C7C8] =	vst v63  }
0x404: {  	s28 =	simm.s32 $0x11B80  }
0x405: {  	[tilespmem:s28], [sflag:$0x2] =	stream.indirect_vreg.gather [hbm4b:s0+s8], $0x80, v47, vm0, $0xb8;
	[tilespmem:$0x1C7C8] =	vst v63  }
0x406: {  	s28 =	simm.s32 $0x11C00  }
0x407: {  	[tilespmem:s28], [sflag:$0x2] =	stream.indirect_vreg.gather [hbm4b:s0+s8], $0x80, v26, vm0, $0xb8;
	[tilespmem:$0x1C7C8] =	vst v63  }
0x408: {  	v26 =	vld [tilespmem:s25+$0x0];
	_ =	sdelay $0x4  }
0x409: {  	v27 =	vshll.u32 v26, $0x1  }
0x40a: {  	v26 =	vand.u32 $0x7, v26;
	v27 =	vand.u32 $0xFFFFFFF0, v27  }
0x40b: {  	v26 =	vor.u32 v26, v27  }
0x40c: {  	v27 =	vperm.xlane v26, v9;
	_ =	sdelay $0x1  }
0x40d: {  	v48 =	vperm.xlane v26, v11;
	v27 =	vadd.s32 v12, v27;
	_ =	sdelay $0x1  }
0x40e: {  	v49 =	vperm.xlane v26, v13;
	v28 =	vadd.s32 v12, v48;
	_ =	sdelay $0x1  }
0x40f: {  	s28 =	simm.s32 $0x11C80;
	v50 =	vperm.xlane v26, v14;
	v29 =	vadd.s32 v12, v49  }
0x410: {  	[tilespmem:s28], [sflag:$0x2] =	stream.indirect_vreg.gather [hbm4b:s0+s8], $0x80, v27, vm0, $0xb8;
	[tilespmem:$0x1C7C8] =	vst v63  }
0x411: {  	v51 =	vperm.xlane v26, v15;
	v27 =	vadd.s32 v12, v50;
	s28 =	simm.s32 $0x11D00  }
0x412: {  	[tilespmem:s28], [sflag:$0x2] =	stream.indirect_vreg.gather [hbm4b:s0+s8], $0x80, v28, vm0, $0xb8;
	[tilespmem:$0x1C7C8] =	vst v63  }
0x413: {  	v53 =	vperm.xlane v26, v16;
	v52 =	vadd.s32 v12, v51;
	s28 =	simm.s32 $0x11D80  }
0x414: {  	[tilespmem:s28], [sflag:$0x2] =	stream.indirect_vreg.gather [hbm4b:s0+s8], $0x80, v29, vm0, $0xb8;
	[tilespmem:$0x1C7C8] =	vst v63  }
0x415: {  	v55 =	vperm.xlane v26, v17;
	v54 =	vadd.s32 v12, v53;
	s28 =	simm.s32 $0x11E00  }
0x416: {  	[tilespmem:s28], [sflag:$0x2] =	stream.indirect_vreg.gather [hbm4b:s0+s8], $0x80, v27, vm0, $0xb8;
	[tilespmem:$0x1C7C8] =	vst v63  }
0x417: {  	v56 =	vperm.xlane v26, v10;
	v27 =	vadd.s32 v12, v55;
	s28 =	simm.s32 $0x11E80  }
0x418: {  	[tilespmem:s28], [sflag:$0x2] =	stream.indirect_vreg.gather [hbm4b:s0+s8], $0x80, v52, vm0, $0xb8;
	[tilespmem:$0x1C7C8] =	vst v63  }
0x419: {  	v58 =	vperm.xlane v26, v18;
	v57 =	vadd.s32 v12, v56;
	s28 =	simm.s32 $0x11F00  }
0x41a: {  	[tilespmem:s28], [sflag:$0x2] =	stream.indirect_vreg.gather [hbm4b:s0+s8], $0x80, v54, vm0, $0xb8;
	[tilespmem:$0x1C7C8] =	vst v63  }
0x41b: {  	v60 =	vperm.xlane v26, v19;
	v59 =	vadd.s32 v12, v58;
	s28 =	simm.s32 $0x11F80  }
0x41c: {  	[tilespmem:s28], [sflag:$0x2] =	stream.indirect_vreg.gather [hbm4b:s0+s8], $0x80, v27, vm0, $0xb8;
	[tilespmem:$0x1C7C8] =	vst v63  }
0x41d: {  	v61 =	vperm.xlane v26, v20;
	v27 =	vadd.s32 v12, v60;
	s28 =	simm.s32 $0x12000  }
0x41e: {  	[tilespmem:s28], [sflag:$0x2] =	stream.indirect_vreg.gather [hbm4b:s0+s8], $0x80, v57, vm0, $0xb8;
	[tilespmem:$0x1C7C8] =	vst v63  }
0x41f: {  	v63 =	vperm.xlane v26, v21;
	v62 =	vadd.s32 v12, v61;
	s28 =	simm.s32 $0x12080  }
0x420: {  	[tilespmem:s28], [sflag:$0x2] =	stream.indirect_vreg.gather [hbm4b:s0+s8], $0x80, v59, vm0, $0xb8;
	[tilespmem:$0x1C7C8] =	vst v63  }
0x421: {  	v34 =	vperm.xlane v26, v22;
	v33 =	vadd.s32 v12, v63;
	s28 =	simm.s32 $0x12100  }
0x422: {  	[tilespmem:s28], [sflag:$0x2] =	stream.indirect_vreg.gather [hbm4b:s0+s8], $0x80, v27, vm0, $0xb8;
	[tilespmem:$0x1C7C8] =	vst v63  }
0x423: {  	v35 =	vperm.xlane v26, v23;
	v27 =	vadd.s32 v12, v34;
	s28 =	simm.s32 $0x12180  }
0x424: {  	[tilespmem:s28], [sflag:$0x2] =	stream.indirect_vreg.gather [hbm4b:s0+s8], $0x80, v62, vm0, $0xb8;
	[tilespmem:$0x1C7C8] =	vst v63  }
0x425: {  	v37 =	vperm.xlane v26, v24;
	v36 =	vadd.s32 v12, v35;
	s28 =	simm.s32 $0x12200  }
0x426: {  	[tilespmem:s28], [sflag:$0x2] =	stream.indirect_vreg.gather [hbm4b:s0+s8], $0x80, v33, vm0, $0xb8;
	[tilespmem:$0x1C7C8] =	vst v63  }
0x427: {  	v26 =	vperm.xlane v26, v25;
	v38 =	vadd.s32 v12, v37;
	s28 =	simm.s32 $0x12280  }
0x428: {  	[tilespmem:s28], [sflag:$0x2] =	stream.indirect_vreg.gather [hbm4b:s0+s8], $0x80, v27, vm0, $0xb8;
	[tilespmem:$0x1C7C8] =	vst v63  }
0x429: {  	v26 =	vadd.s32 v12, v26;
	s28 =	simm.s32 $0x12300  }
0x42a: {  	[tilespmem:s28], [sflag:$0x2] =	stream.indirect_vreg.gather [hbm4b:s0+s8], $0x80, v36, vm0, $0xb8;
	[tilespmem:$0x1C7C8] =	vst v63  }
0x42b: {  	s28 =	simm.s32 $0x12380  }
0x42c: {  	[tilespmem:s28], [sflag:$0x2] =	stream.indirect_vreg.gather [hbm4b:s0+s8], $0x80, v38, vm0, $0xb8;
	[tilespmem:$0x1C7C8] =	vst v63  }
0x42d: {  	s28 =	simm.s32 $0x12400  }
0x42e: {  	[tilespmem:s28], [sflag:$0x2] =	stream.indirect_vreg.gather [hbm4b:s0+s8], $0x80, v26, vm0, $0xb8;
	[tilespmem:$0x1C7C8] =	vst v63  }
0x42f: {  	v26 =	vld [tilespmem:s25+$0x10];
	_ =	sdelay $0x4  }
0x430: {  	v27 =	vshll.u32 v26, $0x1  }
0x431: {  	v26 =	vand.u32 $0x7, v26;
	v27 =	vand.u32 $0xFFFFFFF0, v27  }
0x432: {  	v26 =	vor.u32 v26, v27  }
0x433: {  	v27 =	vperm.xlane v26, v9;
	_ =	sdelay $0x1  }
0x434: {  	v39 =	vperm.xlane v26, v11;
	v27 =	vadd.s32 v12, v27;
	_ =	sdelay $0x1  }
0x435: {  	v40 =	vperm.xlane v26, v13;
	v28 =	vadd.s32 v12, v39;
	_ =	sdelay $0x1  }
0x436: {  	s28 =	simm.s32 $0x12480;
	v41 =	vperm.xlane v26, v14;
	v29 =	vadd.s32 v12, v40  }
0x437: {  	[tilespmem:s28], [sflag:$0x2] =	stream.indirect_vreg.gather [hbm4b:s0+s8], $0x80, v27, vm0, $0xb8;
	[tilespmem:$0x1C7C8] =	vst v63  }
0x438: {  	v42 =	vperm.xlane v26, v15;
	v27 =	vadd.s32 v12, v41;
	s28 =	simm.s32 $0x12500  }
0x439: {  	[tilespmem:s28], [sflag:$0x2] =	stream.indirect_vreg.gather [hbm4b:s0+s8], $0x80, v28, vm0, $0xb8;
	[tilespmem:$0x1C7C8] =	vst v63  }
0x43a: {  	v44 =	vperm.xlane v26, v16;
	v43 =	vadd.s32 v12, v42;
	s28 =	simm.s32 $0x12580  }
0x43b: {  	[tilespmem:s28], [sflag:$0x2] =	stream.indirect_vreg.gather [hbm4b:s0+s8], $0x80, v29, vm0, $0xb8;
	[tilespmem:$0x1C7C8] =	vst v63  }
0x43c: {  	v46 =	vperm.xlane v26, v17;
	v45 =	vadd.s32 v12, v44;
	s28 =	simm.s32 $0x12600  }
0x43d: {  	[tilespmem:s28], [sflag:$0x2] =	stream.indirect_vreg.gather [hbm4b:s0+s8], $0x80, v27, vm0, $0xb8;
	[tilespmem:$0x1C7C8] =	vst v63  }
0x43e: {  	v47 =	vperm.xlane v26, v10;
	v27 =	vadd.s32 v12, v46;
	s28 =	simm.s32 $0x12680  }
0x43f: {  	[tilespmem:s28], [sflag:$0x2] =	stream.indirect_vreg.gather [hbm4b:s0+s8], $0x80, v43, vm0, $0xb8;
	[tilespmem:$0x1C7C8] =	vst v63  }
0x440: {  	v49 =	vperm.xlane v26, v18;
	v48 =	vadd.s32 v12, v47;
	s28 =	simm.s32 $0x12700  }
0x441: {  	[tilespmem:s28], [sflag:$0x2] =	stream.indirect_vreg.gather [hbm4b:s0+s8], $0x80, v45, vm0, $0xb8;
	[tilespmem:$0x1C7C8] =	vst v63  }
0x442: {  	v51 =	vperm.xlane v26, v19;
	v50 =	vadd.s32 v12, v49;
	s28 =	simm.s32 $0x12780  }
0x443: {  	[tilespmem:s28], [sflag:$0x2] =	stream.indirect_vreg.gather [hbm4b:s0+s8], $0x80, v27, vm0, $0xb8;
	[tilespmem:$0x1C7C8] =	vst v63  }
0x444: {  	v52 =	vperm.xlane v26, v20;
	v27 =	vadd.s32 v12, v51;
	s28 =	simm.s32 $0x12800  }
0x445: {  	[tilespmem:s28], [sflag:$0x2] =	stream.indirect_vreg.gather [hbm4b:s0+s8], $0x80, v48, vm0, $0xb8;
	[tilespmem:$0x1C7C8] =	vst v63  }
0x446: {  	v54 =	vperm.xlane v26, v21;
	v53 =	vadd.s32 v12, v52;
	s28 =	simm.s32 $0x12880  }
0x447: {  	[tilespmem:s28], [sflag:$0x2] =	stream.indirect_vreg.gather [hbm4b:s0+s8], $0x80, v50, vm0, $0xb8;
	[tilespmem:$0x1C7C8] =	vst v63  }
0x448: {  	v56 =	vperm.xlane v26, v22;
	v55 =	vadd.s32 v12, v54;
	s28 =	simm.s32 $0x12900  }
0x449: {  	[tilespmem:s28], [sflag:$0x2] =	stream.indirect_vreg.gather [hbm4b:s0+s8], $0x80, v27, vm0, $0xb8;
	[tilespmem:$0x1C7C8] =	vst v63  }
0x44a: {  	v57 =	vperm.xlane v26, v23;
	v27 =	vadd.s32 v12, v56;
	s28 =	simm.s32 $0x12980  }
0x44b: {  	[tilespmem:s28], [sflag:$0x2] =	stream.indirect_vreg.gather [hbm4b:s0+s8], $0x80, v53, vm0, $0xb8;
	[tilespmem:$0x1C7C8] =	vst v63  }
0x44c: {  	v59 =	vperm.xlane v26, v24;
	v58 =	vadd.s32 v12, v57;
	s28 =	simm.s32 $0x12A00  }
0x44d: {  	[tilespmem:s28], [sflag:$0x2] =	stream.indirect_vreg.gather [hbm4b:s0+s8], $0x80, v55, vm0, $0xb8;
	[tilespmem:$0x1C7C8] =	vst v63  }
0x44e: {  	v26 =	vperm.xlane v26, v25;
	v60 =	vadd.s32 v12, v59;
	s28 =	simm.s32 $0x12A80  }
0x44f: {  	[tilespmem:s28], [sflag:$0x2] =	stream.indirect_vreg.gather [hbm4b:s0+s8], $0x80, v27, vm0, $0xb8;
	[tilespmem:$0x1C7C8] =	vst v63  }
0x450: {  	v26 =	vadd.s32 v12, v26;
	s28 =	simm.s32 $0x12B00  }
0x451: {  	[tilespmem:s28], [sflag:$0x2] =	stream.indirect_vreg.gather [hbm4b:s0+s8], $0x80, v58, vm0, $0xb8;
	[tilespmem:$0x1C7C8] =	vst v63  }
0x452: {  	s28 =	simm.s32 $0x12B80  }
0x453: {  	[tilespmem:s28], [sflag:$0x2] =	stream.indirect_vreg.gather [hbm4b:s0+s8], $0x80, v60, vm0, $0xb8;
	[tilespmem:$0x1C7C8] =	vst v63  }
0x454: {  	s28 =	simm.s32 $0x12C00  }
0x455: {  	[tilespmem:s28], [sflag:$0x2] =	stream.indirect_vreg.gather [hbm4b:s0+s8], $0x80, v26, vm0, $0xb8;
	[tilespmem:$0x1C7C8] =	vst v63  }
0x456: {  	v26 =	vld [tilespmem:s25+$0x20];
	_ =	sdelay $0x4  }
0x457: {  	v27 =	vshll.u32 v26, $0x1  }
0x458: {  	v26 =	vand.u32 $0x7, v26;
	v27 =	vand.u32 $0xFFFFFFF0, v27  }
0x459: {  	v26 =	vor.u32 v26, v27  }
0x45a: {  	v27 =	vperm.xlane v26, v9;
	_ =	sdelay $0x1  }
0x45b: {  	v61 =	vperm.xlane v26, v11;
	v27 =	vadd.s32 v12, v27;
	_ =	sdelay $0x1  }
0x45c: {  	v62 =	vperm.xlane v26, v13;
	v28 =	vadd.s32 v12, v61;
	_ =	sdelay $0x1  }
0x45d: {  	s28 =	simm.s32 $0x12C80;
	v63 =	vperm.xlane v26, v14;
	v29 =	vadd.s32 v12, v62  }
0x45e: {  	[tilespmem:s28], [sflag:$0x2] =	stream.indirect_vreg.gather [hbm4b:s0+s8], $0x80, v27, vm0, $0xb8;
	[tilespmem:$0x1C7C8] =	vst v63  }
0x45f: {  	v33 =	vperm.xlane v26, v15;
	v27 =	vadd.s32 v12, v63;
	s28 =	simm.s32 $0x12D00  }
0x460: {  	[tilespmem:s28], [sflag:$0x2] =	stream.indirect_vreg.gather [hbm4b:s0+s8], $0x80, v28, vm0, $0xb8;
	[tilespmem:$0x1C7C8] =	vst v63  }
0x461: {  	v35 =	vperm.xlane v26, v16;
	v34 =	vadd.s32 v12, v33;
	s28 =	simm.s32 $0x12D80  }
0x462: {  	[tilespmem:s28], [sflag:$0x2] =	stream.indirect_vreg.gather [hbm4b:s0+s8], $0x80, v29, vm0, $0xb8;
	[tilespmem:$0x1C7C8] =	vst v63  }
0x463: {  	v37 =	vperm.xlane v26, v17;
	v36 =	vadd.s32 v12, v35;
	s28 =	simm.s32 $0x12E00  }
0x464: {  	[tilespmem:s28], [sflag:$0x2] =	stream.indirect_vreg.gather [hbm4b:s0+s8], $0x80, v27, vm0, $0xb8;
	[tilespmem:$0x1C7C8] =	vst v63  }
0x465: {  	v38 =	vperm.xlane v26, v10;
	v27 =	vadd.s32 v12, v37;
	s28 =	simm.s32 $0x12E80  }
0x466: {  	[tilespmem:s28], [sflag:$0x2] =	stream.indirect_vreg.gather [hbm4b:s0+s8], $0x80, v34, vm0, $0xb8;
	[tilespmem:$0x1C7C8] =	vst v63  }
0x467: {  	v40 =	vperm.xlane v26, v18;
	v39 =	vadd.s32 v12, v38;
	s28 =	simm.s32 $0x12F00  }
0x468: {  	[tilespmem:s28], [sflag:$0x2] =	stream.indirect_vreg.gather [hbm4b:s0+s8], $0x80, v36, vm0, $0xb8;
	[tilespmem:$0x1C7C8] =	vst v63  }
0x469: {  	v42 =	vperm.xlane v26, v19;
	v41 =	vadd.s32 v12, v40;
	s28 =	simm.s32 $0x12F80  }
0x46a: {  	[tilespmem:s28], [sflag:$0x2] =	stream.indirect_vreg.gather [hbm4b:s0+s8], $0x80, v27, vm0, $0xb8;
	[tilespmem:$0x1C7C8] =	vst v63  }
0x46b: {  	v43 =	vperm.xlane v26, v20;
	v27 =	vadd.s32 v12, v42;
	s28 =	simm.s32 $0x13000  }
0x46c: {  	[tilespmem:s28], [sflag:$0x2] =	stream.indirect_vreg.gather [hbm4b:s0+s8], $0x80, v39, vm0, $0xb8;
	[tilespmem:$0x1C7C8] =	vst v63  }
0x46d: {  	v45 =	vperm.xlane v26, v21;
	v44 =	vadd.s32 v12, v43;
	s28 =	simm.s32 $0x13080  }
0x46e: {  	[tilespmem:s28], [sflag:$0x2] =	stream.indirect_vreg.gather [hbm4b:s0+s8], $0x80, v41, vm0, $0xb8;
	[tilespmem:$0x1C7C8] =	vst v63  }
0x46f: {  	v47 =	vperm.xlane v26, v22;
	v46 =	vadd.s32 v12, v45;
	s28 =	simm.s32 $0x13100  }
0x470: {  	[tilespmem:s28], [sflag:$0x2] =	stream.indirect_vreg.gather [hbm4b:s0+s8], $0x80, v27, vm0, $0xb8;
	[tilespmem:$0x1C7C8] =	vst v63  }
0x471: {  	v48 =	vperm.xlane v26, v23;
	v27 =	vadd.s32 v12, v47;
	s28 =	simm.s32 $0x13180  }
0x472: {  	[tilespmem:s28], [sflag:$0x2] =	stream.indirect_vreg.gather [hbm4b:s0+s8], $0x80, v44, vm0, $0xb8;
	[tilespmem:$0x1C7C8] =	vst v63  }
0x473: {  	v50 =	vperm.xlane v26, v24;
	v49 =	vadd.s32 v12, v48;
	s28 =	simm.s32 $0x13200  }
0x474: {  	[tilespmem:s28], [sflag:$0x2] =	stream.indirect_vreg.gather [hbm4b:s0+s8], $0x80, v46, vm0, $0xb8;
	[tilespmem:$0x1C7C8] =	vst v63  }
0x475: {  	v26 =	vperm.xlane v26, v25;
	v51 =	vadd.s32 v12, v50;
	s28 =	simm.s32 $0x13280  }
0x476: {  	[tilespmem:s28], [sflag:$0x2] =	stream.indirect_vreg.gather [hbm4b:s0+s8], $0x80, v27, vm0, $0xb8;
	[tilespmem:$0x1C7C8] =	vst v63  }
0x477: {  	v26 =	vadd.s32 v12, v26;
	s28 =	simm.s32 $0x13300  }
0x478: {  	[tilespmem:s28], [sflag:$0x2] =	stream.indirect_vreg.gather [hbm4b:s0+s8], $0x80, v49, vm0, $0xb8;
	[tilespmem:$0x1C7C8] =	vst v63  }
0x479: {  	s28 =	simm.s32 $0x13380  }
0x47a: {  	[tilespmem:s28], [sflag:$0x2] =	stream.indirect_vreg.gather [hbm4b:s0+s8], $0x80, v51, vm0, $0xb8;
	[tilespmem:$0x1C7C8] =	vst v63  }
0x47b: {  	s28 =	simm.s32 $0x13400  }
0x47c: {  	[tilespmem:s28], [sflag:$0x2] =	stream.indirect_vreg.gather [hbm4b:s0+s8], $0x80, v26, vm0, $0xb8;
	[tilespmem:$0x1C7C8] =	vst v63  }
0x47d: {  	v26 =	vld [tilespmem:s25+$0x30];
	_ =	sdelay $0x4  }
0x47e: {  	v27 =	vshll.u32 v26, $0x1  }
0x47f: {  	v26 =	vand.u32 $0x7, v26;
	v27 =	vand.u32 $0xFFFFFFF0, v27  }
0x480: {  	v26 =	vor.u32 v26, v27  }
0x481: {  	v27 =	vperm.xlane v26, v9;
	_ =	sdelay $0x1  }
0x482: {  	v52 =	vperm.xlane v26, v11;
	v27 =	vadd.s32 v12, v27;
	_ =	sdelay $0x1  }
0x483: {  	v53 =	vperm.xlane v26, v13;
	v28 =	vadd.s32 v12, v52;
	_ =	sdelay $0x1  }
0x484: {  	s28 =	simm.s32 $0x13480;
	v54 =	vperm.xlane v26, v14;
	v29 =	vadd.s32 v12, v53  }
0x485: {  	[tilespmem:s28], [sflag:$0x2] =	stream.indirect_vreg.gather [hbm4b:s0+s8], $0x80, v27, vm0, $0xb8;
	[tilespmem:$0x1C7C8] =	vst v63  }
0x486: {  	v55 =	vperm.xlane v26, v15;
	v27 =	vadd.s32 v12, v54;
	s28 =	simm.s32 $0x13500  }
0x487: {  	[tilespmem:s28], [sflag:$0x2] =	stream.indirect_vreg.gather [hbm4b:s0+s8], $0x80, v28, vm0, $0xb8;
	[tilespmem:$0x1C7C8] =	vst v63  }
0x488: {  	v57 =	vperm.xlane v26, v16;
	v56 =	vadd.s32 v12, v55;
	s28 =	simm.s32 $0x13580  }
0x489: {  	[tilespmem:s28], [sflag:$0x2] =	stream.indirect_vreg.gather [hbm4b:s0+s8], $0x80, v29, vm0, $0xb8;
	[tilespmem:$0x1C7C8] =	vst v63  }
0x48a: {  	v59 =	vperm.xlane v26, v17;
	v58 =	vadd.s32 v12, v57;
	s28 =	simm.s32 $0x13600  }
0x48b: {  	[tilespmem:s28], [sflag:$0x2] =	stream.indirect_vreg.gather [hbm4b:s0+s8], $0x80, v27, vm0, $0xb8;
	[tilespmem:$0x1C7C8] =	vst v63  }
0x48c: {  	v60 =	vperm.xlane v26, v10;
	v27 =	vadd.s32 v12, v59;
	s28 =	simm.s32 $0x13680  }
0x48d: {  	[tilespmem:s28], [sflag:$0x2] =	stream.indirect_vreg.gather [hbm4b:s0+s8], $0x80, v56, vm0, $0xb8;
	[tilespmem:$0x1C7C8] =	vst v63  }
0x48e: {  	v62 =	vperm.xlane v26, v18;
	v61 =	vadd.s32 v12, v60;
	s28 =	simm.s32 $0x13700  }
0x48f: {  	[tilespmem:s28], [sflag:$0x2] =	stream.indirect_vreg.gather [hbm4b:s0+s8], $0x80, v58, vm0, $0xb8;
	[tilespmem:$0x1C7C8] =	vst v63  }
0x490: {  	v33 =	vperm.xlane v26, v19;
	v63 =	vadd.s32 v12, v62;
	s28 =	simm.s32 $0x13780  }
0x491: {  	[tilespmem:s28], [sflag:$0x2] =	stream.indirect_vreg.gather [hbm4b:s0+s8], $0x80, v27, vm0, $0xb8;
	[tilespmem:$0x1C7C8] =	vst v63  }
0x492: {  	v34 =	vperm.xlane v26, v20;
	v27 =	vadd.s32 v12, v33;
	s28 =	simm.s32 $0x13800  }
0x493: {  	[tilespmem:s28], [sflag:$0x2] =	stream.indirect_vreg.gather [hbm4b:s0+s8], $0x80, v61, vm0, $0xb8;
	[tilespmem:$0x1C7C8] =	vst v63  }
0x494: {  	v36 =	vperm.xlane v26, v21;
	v35 =	vadd.s32 v12, v34;
	s28 =	simm.s32 $0x13880  }
0x495: {  	[tilespmem:s28], [sflag:$0x2] =	stream.indirect_vreg.gather [hbm4b:s0+s8], $0x80, v63, vm0, $0xb8;
	[tilespmem:$0x1C7C8] =	vst v63  }
0x496: {  	v38 =	vperm.xlane v26, v22;
	v37 =	vadd.s32 v12, v36;
	s28 =	simm.s32 $0x13900  }
0x497: {  	[tilespmem:s28], [sflag:$0x2] =	stream.indirect_vreg.gather [hbm4b:s0+s8], $0x80, v27, vm0, $0xb8;
	[tilespmem:$0x1C7C8] =	vst v63  }
0x498: {  	v39 =	vperm.xlane v26, v23;
	v27 =	vadd.s32 v12, v38;
	s28 =	simm.s32 $0x13980  }
0x499: {  	[tilespmem:s28], [sflag:$0x2] =	stream.indirect_vreg.gather [hbm4b:s0+s8], $0x80, v35, vm0, $0xb8;
	[tilespmem:$0x1C7C8] =	vst v63  }
0x49a: {  	v41 =	vperm.xlane v26, v24;
	v40 =	vadd.s32 v12, v39;
	s28 =	simm.s32 $0x13A00  }
0x49b: {  	[tilespmem:s28], [sflag:$0x2] =	stream.indirect_vreg.gather [hbm4b:s0+s8], $0x80, v37, vm0, $0xb8;
	[tilespmem:$0x1C7C8] =	vst v63  }
0x49c: {  	v26 =	vperm.xlane v26, v25;
	v42 =	vadd.s32 v12, v41;
	s28 =	simm.s32 $0x13A80  }
0x49d: {  	[tilespmem:s28], [sflag:$0x2] =	stream.indirect_vreg.gather [hbm4b:s0+s8], $0x80, v27, vm0, $0xb8;
	[tilespmem:$0x1C7C8] =	vst v63  }
0x49e: {  	v26 =	vadd.s32 v12, v26;
	s28 =	simm.s32 $0x13B00  }
0x49f: {  	[tilespmem:s28], [sflag:$0x2] =	stream.indirect_vreg.gather [hbm4b:s0+s8], $0x80, v40, vm0, $0xb8;
	[tilespmem:$0x1C7C8] =	vst v63  }
0x4a0: {  	s28 =	simm.s32 $0x13B80  }
0x4a1: {  	[tilespmem:s28], [sflag:$0x2] =	stream.indirect_vreg.gather [hbm4b:s0+s8], $0x80, v42, vm0, $0xb8;
	[tilespmem:$0x1C7C8] =	vst v63  }
0x4a2: {  	s28 =	simm.s32 $0x13C00  }
0x4a3: {  	[tilespmem:s28], [sflag:$0x2] =	stream.indirect_vreg.gather [hbm4b:s0+s8], $0x80, v26, vm0, $0xb8;
	[tilespmem:$0x1C7C8] =	vst v63  }
0x4a4: {  	v26 =	vld [tilespmem:s25+$0xFFFFFFC0];
	_ =	sdelay $0x4  }
0x4a5: {  	v27 =	vshll.u32 v26, $0x1  }
0x4a6: {  	v26 =	vand.u32 $0x7, v26;
	v27 =	vand.u32 $0xFFFFFFF0, v27  }
0x4a7: {  	v26 =	vor.u32 v26, v27  }
0x4a8: {  	v27 =	vperm.xlane v26, v9;
	_ =	sdelay $0x1  }
0x4a9: {  	v43 =	vperm.xlane v26, v11;
	v27 =	vadd.s32 v12, v27;
	_ =	sdelay $0x1  }
0x4aa: {  	v44 =	vperm.xlane v26, v13;
	v28 =	vadd.s32 v12, v43;
	_ =	sdelay $0x1  }
0x4ab: {  	v45 =	vperm.xlane v26, v14;
	v29 =	vadd.s32 v12, v44  }
0x4ac: {  	[tilespmem:s13], [sflag:$0x2] =	stream.indirect_vreg.gather [hbm4b:s16+s8], $0x80, v27, vm0, $0xb8;
	[tilespmem:$0x1C7C8] =	vst v63  }
0x4ad: {  	s28 =	simm.s32 $0x13D00;
	v46 =	vperm.xlane v26, v15;
	v27 =	vadd.s32 v12, v45  }
0x4ae: {  	[tilespmem:s28], [sflag:$0x2] =	stream.indirect_vreg.gather [hbm4b:s16+s8], $0x80, v28, vm0, $0xb8;
	[tilespmem:$0x1C7C8] =	vst v63  }
0x4af: {  	v48 =	vperm.xlane v26, v16;
	v47 =	vadd.s32 v12, v46;
	s28 =	simm.s32 $0x13D80  }
0x4b0: {  	[tilespmem:s28], [sflag:$0x2] =	stream.indirect_vreg.gather [hbm4b:s16+s8], $0x80, v29, vm0, $0xb8;
	[tilespmem:$0x1C7C8] =	vst v63  }
0x4b1: {  	v50 =	vperm.xlane v26, v17;
	v49 =	vadd.s32 v12, v48;
	s28 =	simm.s32 $0x13E00  }
0x4b2: {  	[tilespmem:s28], [sflag:$0x2] =	stream.indirect_vreg.gather [hbm4b:s16+s8], $0x80, v27, vm0, $0xb8;
	[tilespmem:$0x1C7C8] =	vst v63  }
0x4b3: {  	v51 =	vperm.xlane v26, v10;
	v27 =	vadd.s32 v12, v50;
	s28 =	simm.s32 $0x13E80  }
0x4b4: {  	[tilespmem:s28], [sflag:$0x2] =	stream.indirect_vreg.gather [hbm4b:s16+s8], $0x80, v47, vm0, $0xb8;
	[tilespmem:$0x1C7C8] =	vst v63  }
0x4b5: {  	v53 =	vperm.xlane v26, v18;
	v52 =	vadd.s32 v12, v51;
	s28 =	simm.s32 $0x13F00  }
0x4b6: {  	[tilespmem:s28], [sflag:$0x2] =	stream.indirect_vreg.gather [hbm4b:s16+s8], $0x80, v49, vm0, $0xb8;
	[tilespmem:$0x1C7C8] =	vst v63  }
0x4b7: {  	v55 =	vperm.xlane v26, v19;
	v54 =	vadd.s32 v12, v53;
	s28 =	simm.s32 $0x13F80  }
0x4b8: {  	[tilespmem:s28], [sflag:$0x2] =	stream.indirect_vreg.gather [hbm4b:s16+s8], $0x80, v27, vm0, $0xb8;
	[tilespmem:$0x1C7C8] =	vst v63  }
0x4b9: {  	v56 =	vperm.xlane v26, v20;
	v27 =	vadd.s32 v12, v55;
	s28 =	simm.s32 $0x14000  }
0x4ba: {  	[tilespmem:s28], [sflag:$0x2] =	stream.indirect_vreg.gather [hbm4b:s16+s8], $0x80, v52, vm0, $0xb8;
	[tilespmem:$0x1C7C8] =	vst v63  }
0x4bb: {  	v58 =	vperm.xlane v26, v21;
	v57 =	vadd.s32 v12, v56;
	s28 =	simm.s32 $0x14080  }
0x4bc: {  	[tilespmem:s28], [sflag:$0x2] =	stream.indirect_vreg.gather [hbm4b:s16+s8], $0x80, v54, vm0, $0xb8;
	[tilespmem:$0x1C7C8] =	vst v63  }
0x4bd: {  	v60 =	vperm.xlane v26, v22;
	v59 =	vadd.s32 v12, v58;
	s28 =	simm.s32 $0x14100  }
0x4be: {  	[tilespmem:s28], [sflag:$0x2] =	stream.indirect_vreg.gather [hbm4b:s16+s8], $0x80, v27, vm0, $0xb8;
	[tilespmem:$0x1C7C8] =	vst v63  }
0x4bf: {  	v61 =	vperm.xlane v26, v23;
	v27 =	vadd.s32 v12, v60;
	s28 =	simm.s32 $0x14180  }
0x4c0: {  	[tilespmem:s28], [sflag:$0x2] =	stream.indirect_vreg.gather [hbm4b:s16+s8], $0x80, v57, vm0, $0xb8;
	[tilespmem:$0x1C7C8] =	vst v63  }
0x4c1: {  	v63 =	vperm.xlane v26, v24;
	v62 =	vadd.s32 v12, v61;
	s28 =	simm.s32 $0x14200  }
0x4c2: {  	[tilespmem:s28], [sflag:$0x2] =	stream.indirect_vreg.gather [hbm4b:s16+s8], $0x80, v59, vm0, $0xb8;
	[tilespmem:$0x1C7C8] =	vst v63  }
0x4c3: {  	v26 =	vperm.xlane v26, v25;
	v33 =	vadd.s32 v12, v63;
	s28 =	simm.s32 $0x14280  }
0x4c4: {  	[tilespmem:s28], [sflag:$0x2] =	stream.indirect_vreg.gather [hbm4b:s16+s8], $0x80, v27, vm0, $0xb8;
	[tilespmem:$0x1C7C8] =	vst v63  }
0x4c5: {  	v26 =	vadd.s32 v12, v26;
	s28 =	simm.s32 $0x14300  }
0x4c6: {  	[tilespmem:s28], [sflag:$0x2] =	stream.indirect_vreg.gather [hbm4b:s16+s8], $0x80, v62, vm0, $0xb8;
	[tilespmem:$0x1C7C8] =	vst v63  }
0x4c7: {  	s28 =	simm.s32 $0x14380  }
0x4c8: {  	[tilespmem:s28], [sflag:$0x2] =	stream.indirect_vreg.gather [hbm4b:s16+s8], $0x80, v33, vm0, $0xb8;
	[tilespmem:$0x1C7C8] =	vst v63  }
0x4c9: {  	s28 =	simm.s32 $0x14400  }
0x4ca: {  	[tilespmem:s28], [sflag:$0x2] =	stream.indirect_vreg.gather [hbm4b:s16+s8], $0x80, v26, vm0, $0xb8;
	[tilespmem:$0x1C7C8] =	vst v63  }
0x4cb: {  	v26 =	vld [tilespmem:s25+$0xFFFFFFD0];
	_ =	sdelay $0x4  }
0x4cc: {  	v27 =	vshll.u32 v26, $0x1  }
0x4cd: {  	v26 =	vand.u32 $0x7, v26;
	v27 =	vand.u32 $0xFFFFFFF0, v27  }
0x4ce: {  	v26 =	vor.u32 v26, v27  }
0x4cf: {  	v27 =	vperm.xlane v26, v9;
	_ =	sdelay $0x1  }
0x4d0: {  	v34 =	vperm.xlane v26, v11;
	v27 =	vadd.s32 v12, v27;
	_ =	sdelay $0x1  }
0x4d1: {  	v35 =	vperm.xlane v26, v13;
	v28 =	vadd.s32 v12, v34;
	_ =	sdelay $0x1  }
0x4d2: {  	s28 =	simm.s32 $0x14480;
	v36 =	vperm.xlane v26, v14;
	v29 =	vadd.s32 v12, v35  }
0x4d3: {  	[tilespmem:s28], [sflag:$0x2] =	stream.indirect_vreg.gather [hbm4b:s16+s8], $0x80, v27, vm0, $0xb8;
	[tilespmem:$0x1C7C8] =	vst v63  }
0x4d4: {  	v37 =	vperm.xlane v26, v15;
	v27 =	vadd.s32 v12, v36;
	s28 =	simm.s32 $0x14500  }
0x4d5: {  	[tilespmem:s28], [sflag:$0x2] =	stream.indirect_vreg.gather [hbm4b:s16+s8], $0x80, v28, vm0, $0xb8;
	[tilespmem:$0x1C7C8] =	vst v63  }
0x4d6: {  	v39 =	vperm.xlane v26, v16;
	v38 =	vadd.s32 v12, v37;
	s28 =	simm.s32 $0x14580  }
0x4d7: {  	[tilespmem:s28], [sflag:$0x2] =	stream.indirect_vreg.gather [hbm4b:s16+s8], $0x80, v29, vm0, $0xb8;
	[tilespmem:$0x1C7C8] =	vst v63  }
0x4d8: {  	v41 =	vperm.xlane v26, v17;
	v40 =	vadd.s32 v12, v39;
	s28 =	simm.s32 $0x14600  }
0x4d9: {  	[tilespmem:s28], [sflag:$0x2] =	stream.indirect_vreg.gather [hbm4b:s16+s8], $0x80, v27, vm0, $0xb8;
	[tilespmem:$0x1C7C8] =	vst v63  }
0x4da: {  	v42 =	vperm.xlane v26, v10;
	v27 =	vadd.s32 v12, v41;
	s28 =	simm.s32 $0x14680  }
0x4db: {  	[tilespmem:s28], [sflag:$0x2] =	stream.indirect_vreg.gather [hbm4b:s16+s8], $0x80, v38, vm0, $0xb8;
	[tilespmem:$0x1C7C8] =	vst v63  }
0x4dc: {  	v44 =	vperm.xlane v26, v18;
	v43 =	vadd.s32 v12, v42;
	s28 =	simm.s32 $0x14700  }
0x4dd: {  	[tilespmem:s28], [sflag:$0x2] =	stream.indirect_vreg.gather [hbm4b:s16+s8], $0x80, v40, vm0, $0xb8;
	[tilespmem:$0x1C7C8] =	vst v63  }
0x4de: {  	v46 =	vperm.xlane v26, v19;
	v45 =	vadd.s32 v12, v44;
	s28 =	simm.s32 $0x14780  }
0x4df: {  	[tilespmem:s28], [sflag:$0x2] =	stream.indirect_vreg.gather [hbm4b:s16+s8], $0x80, v27, vm0, $0xb8;
	[tilespmem:$0x1C7C8] =	vst v63  }
0x4e0: {  	v47 =	vperm.xlane v26, v20;
	v27 =	vadd.s32 v12, v46;
	s28 =	simm.s32 $0x14800  }
0x4e1: {  	[tilespmem:s28], [sflag:$0x2] =	stream.indirect_vreg.gather [hbm4b:s16+s8], $0x80, v43, vm0, $0xb8;
	[tilespmem:$0x1C7C8] =	vst v63  }
0x4e2: {  	v49 =	vperm.xlane v26, v21;
	v48 =	vadd.s32 v12, v47;
	s28 =	simm.s32 $0x14880  }
0x4e3: {  	[tilespmem:s28], [sflag:$0x2] =	stream.indirect_vreg.gather [hbm4b:s16+s8], $0x80, v45, vm0, $0xb8;
	[tilespmem:$0x1C7C8] =	vst v63  }
0x4e4: {  	v51 =	vperm.xlane v26, v22;
	v50 =	vadd.s32 v12, v49;
	s28 =	simm.s32 $0x14900  }
0x4e5: {  	[tilespmem:s28], [sflag:$0x2] =	stream.indirect_vreg.gather [hbm4b:s16+s8], $0x80, v27, vm0, $0xb8;
	[tilespmem:$0x1C7C8] =	vst v63  }
0x4e6: {  	v52 =	vperm.xlane v26, v23;
	v27 =	vadd.s32 v12, v51;
	s28 =	simm.s32 $0x14980  }
0x4e7: {  	[tilespmem:s28], [sflag:$0x2] =	stream.indirect_vreg.gather [hbm4b:s16+s8], $0x80, v48, vm0, $0xb8;
	[tilespmem:$0x1C7C8] =	vst v63  }
0x4e8: {  	v54 =	vperm.xlane v26, v24;
	v53 =	vadd.s32 v12, v52;
	s28 =	simm.s32 $0x14A00  }
0x4e9: {  	[tilespmem:s28], [sflag:$0x2] =	stream.indirect_vreg.gather [hbm4b:s16+s8], $0x80, v50, vm0, $0xb8;
	[tilespmem:$0x1C7C8] =	vst v63  }
0x4ea: {  	v26 =	vperm.xlane v26, v25;
	v55 =	vadd.s32 v12, v54;
	s28 =	simm.s32 $0x14A80  }
0x4eb: {  	[tilespmem:s28], [sflag:$0x2] =	stream.indirect_vreg.gather [hbm4b:s16+s8], $0x80, v27, vm0, $0xb8;
	[tilespmem:$0x1C7C8] =	vst v63  }
0x4ec: {  	v26 =	vadd.s32 v12, v26;
	s28 =	simm.s32 $0x14B00  }
0x4ed: {  	[tilespmem:s28], [sflag:$0x2] =	stream.indirect_vreg.gather [hbm4b:s16+s8], $0x80, v53, vm0, $0xb8;
	[tilespmem:$0x1C7C8] =	vst v63  }
0x4ee: {  	s28 =	simm.s32 $0x14B80  }
0x4ef: {  	[tilespmem:s28], [sflag:$0x2] =	stream.indirect_vreg.gather [hbm4b:s16+s8], $0x80, v55, vm0, $0xb8;
	[tilespmem:$0x1C7C8] =	vst v63  }
0x4f0: {  	s28 =	simm.s32 $0x14C00  }
0x4f1: {  	[tilespmem:s28], [sflag:$0x2] =	stream.indirect_vreg.gather [hbm4b:s16+s8], $0x80, v26, vm0, $0xb8;
	[tilespmem:$0x1C7C8] =	vst v63  }
0x4f2: {  	v26 =	vld [tilespmem:s25+$0xFFFFFFE0];
	_ =	sdelay $0x4  }
0x4f3: {  	v27 =	vshll.u32 v26, $0x1  }
0x4f4: {  	v26 =	vand.u32 $0x7, v26;
	v27 =	vand.u32 $0xFFFFFFF0, v27  }
0x4f5: {  	v26 =	vor.u32 v26, v27  }
0x4f6: {  	v27 =	vperm.xlane v26, v9;
	_ =	sdelay $0x1  }
0x4f7: {  	v56 =	vperm.xlane v26, v11;
	v27 =	vadd.s32 v12, v27;
	_ =	sdelay $0x1  }
0x4f8: {  	v57 =	vperm.xlane v26, v13;
	v28 =	vadd.s32 v12, v56;
	_ =	sdelay $0x1  }
0x4f9: {  	s28 =	simm.s32 $0x14C80;
	v58 =	vperm.xlane v26, v14;
	v29 =	vadd.s32 v12, v57  }
0x4fa: {  	[tilespmem:s28], [sflag:$0x2] =	stream.indirect_vreg.gather [hbm4b:s16+s8], $0x80, v27, vm0, $0xb8;
	[tilespmem:$0x1C7C8] =	vst v63  }
0x4fb: {  	v59 =	vperm.xlane v26, v15;
	v27 =	vadd.s32 v12, v58;
	s28 =	simm.s32 $0x14D00  }
0x4fc: {  	[tilespmem:s28], [sflag:$0x2] =	stream.indirect_vreg.gather [hbm4b:s16+s8], $0x80, v28, vm0, $0xb8;
	[tilespmem:$0x1C7C8] =	vst v63  }
0x4fd: {  	v61 =	vperm.xlane v26, v16;
	v60 =	vadd.s32 v12, v59;
	s28 =	simm.s32 $0x14D80  }
0x4fe: {  	[tilespmem:s28], [sflag:$0x2] =	stream.indirect_vreg.gather [hbm4b:s16+s8], $0x80, v29, vm0, $0xb8;
	[tilespmem:$0x1C7C8] =	vst v63  }
0x4ff: {  	v63 =	vperm.xlane v26, v17;
	v62 =	vadd.s32 v12, v61;
	s28 =	simm.s32 $0x14E00  }
0x500: {  	[tilespmem:s28], [sflag:$0x2] =	stream.indirect_vreg.gather [hbm4b:s16+s8], $0x80, v27, vm0, $0xb8;
	[tilespmem:$0x1C7C8] =	vst v63  }
0x501: {  	v33 =	vperm.xlane v26, v10;
	v27 =	vadd.s32 v12, v63;
	s28 =	simm.s32 $0x14E80  }
0x502: {  	[tilespmem:s28], [sflag:$0x2] =	stream.indirect_vreg.gather [hbm4b:s16+s8], $0x80, v60, vm0, $0xb8;
	[tilespmem:$0x1C7C8] =	vst v63  }
0x503: {  	v35 =	vperm.xlane v26, v18;
	v34 =	vadd.s32 v12, v33;
	s28 =	simm.s32 $0x14F00  }
0x504: {  	[tilespmem:s28], [sflag:$0x2] =	stream.indirect_vreg.gather [hbm4b:s16+s8], $0x80, v62, vm0, $0xb8;
	[tilespmem:$0x1C7C8] =	vst v63  }
0x505: {  	v37 =	vperm.xlane v26, v19;
	v36 =	vadd.s32 v12, v35;
	s28 =	simm.s32 $0x14F80  }
0x506: {  	[tilespmem:s28], [sflag:$0x2] =	stream.indirect_vreg.gather [hbm4b:s16+s8], $0x80, v27, vm0, $0xb8;
	[tilespmem:$0x1C7C8] =	vst v63  }
0x507: {  	v38 =	vperm.xlane v26, v20;
	v27 =	vadd.s32 v12, v37;
	s28 =	simm.s32 $0x15000  }
0x508: {  	[tilespmem:s28], [sflag:$0x2] =	stream.indirect_vreg.gather [hbm4b:s16+s8], $0x80, v34, vm0, $0xb8;
	[tilespmem:$0x1C7C8] =	vst v63  }
0x509: {  	v40 =	vperm.xlane v26, v21;
	v39 =	vadd.s32 v12, v38;
	s28 =	simm.s32 $0x15080  }
0x50a: {  	[tilespmem:s28], [sflag:$0x2] =	stream.indirect_vreg.gather [hbm4b:s16+s8], $0x80, v36, vm0, $0xb8;
	[tilespmem:$0x1C7C8] =	vst v63  }
0x50b: {  	v42 =	vperm.xlane v26, v22;
	v41 =	vadd.s32 v12, v40;
	s28 =	simm.s32 $0x15100  }
0x50c: {  	[tilespmem:s28], [sflag:$0x2] =	stream.indirect_vreg.gather [hbm4b:s16+s8], $0x80, v27, vm0, $0xb8;
	[tilespmem:$0x1C7C8] =	vst v63  }
0x50d: {  	v43 =	vperm.xlane v26, v23;
	v27 =	vadd.s32 v12, v42;
	s28 =	simm.s32 $0x15180  }
0x50e: {  	[tilespmem:s28], [sflag:$0x2] =	stream.indirect_vreg.gather [hbm4b:s16+s8], $0x80, v39, vm0, $0xb8;
	[tilespmem:$0x1C7C8] =	vst v63  }
0x50f: {  	v45 =	vperm.xlane v26, v24;
	v44 =	vadd.s32 v12, v43;
	s28 =	simm.s32 $0x15200  }
0x510: {  	[tilespmem:s28], [sflag:$0x2] =	stream.indirect_vreg.gather [hbm4b:s16+s8], $0x80, v41, vm0, $0xb8;
	[tilespmem:$0x1C7C8] =	vst v63  }
0x511: {  	v26 =	vperm.xlane v26, v25;
	v46 =	vadd.s32 v12, v45;
	s28 =	simm.s32 $0x15280  }
0x512: {  	[tilespmem:s28], [sflag:$0x2] =	stream.indirect_vreg.gather [hbm4b:s16+s8], $0x80, v27, vm0, $0xb8;
	[tilespmem:$0x1C7C8] =	vst v63  }
0x513: {  	v26 =	vadd.s32 v12, v26;
	s28 =	simm.s32 $0x15300  }
0x514: {  	[tilespmem:s28], [sflag:$0x2] =	stream.indirect_vreg.gather [hbm4b:s16+s8], $0x80, v44, vm0, $0xb8;
	[tilespmem:$0x1C7C8] =	vst v63  }
0x515: {  	s28 =	simm.s32 $0x15380  }
0x516: {  	[tilespmem:s28], [sflag:$0x2] =	stream.indirect_vreg.gather [hbm4b:s16+s8], $0x80, v46, vm0, $0xb8;
	[tilespmem:$0x1C7C8] =	vst v63  }
0x517: {  	s28 =	simm.s32 $0x15400  }
0x518: {  	[tilespmem:s28], [sflag:$0x2] =	stream.indirect_vreg.gather [hbm4b:s16+s8], $0x80, v26, vm0, $0xb8;
	[tilespmem:$0x1C7C8] =	vst v63  }
0x519: {  	v26 =	vld [tilespmem:s25+$0xFFFFFFF0];
	_ =	sdelay $0x4  }
0x51a: {  	v27 =	vshll.u32 v26, $0x1  }
0x51b: {  	v26 =	vand.u32 $0x7, v26;
	v27 =	vand.u32 $0xFFFFFFF0, v27  }
0x51c: {  	v26 =	vor.u32 v26, v27  }
0x51d: {  	v27 =	vperm.xlane v26, v9;
	_ =	sdelay $0x1  }
0x51e: {  	v47 =	vperm.xlane v26, v11;
	v27 =	vadd.s32 v12, v27;
	_ =	sdelay $0x1  }
0x51f: {  	v48 =	vperm.xlane v26, v13;
	v28 =	vadd.s32 v12, v47;
	_ =	sdelay $0x1  }
0x520: {  	s28 =	simm.s32 $0x15480;
	v49 =	vperm.xlane v26, v14;
	v29 =	vadd.s32 v12, v48  }
0x521: {  	[tilespmem:s28], [sflag:$0x2] =	stream.indirect_vreg.gather [hbm4b:s16+s8], $0x80, v27, vm0, $0xb8;
	[tilespmem:$0x1C7C8] =	vst v63  }
0x522: {  	v50 =	vperm.xlane v26, v15;
	v27 =	vadd.s32 v12, v49;
	s28 =	simm.s32 $0x15500  }
0x523: {  	[tilespmem:s28], [sflag:$0x2] =	stream.indirect_vreg.gather [hbm4b:s16+s8], $0x80, v28, vm0, $0xb8;
	[tilespmem:$0x1C7C8] =	vst v63  }
0x524: {  	v52 =	vperm.xlane v26, v16;
	v51 =	vadd.s32 v12, v50;
	s28 =	simm.s32 $0x15580  }
0x525: {  	[tilespmem:s28], [sflag:$0x2] =	stream.indirect_vreg.gather [hbm4b:s16+s8], $0x80, v29, vm0, $0xb8;
	[tilespmem:$0x1C7C8] =	vst v63  }
0x526: {  	v54 =	vperm.xlane v26, v17;
	v53 =	vadd.s32 v12, v52;
	s28 =	simm.s32 $0x15600  }
0x527: {  	[tilespmem:s28], [sflag:$0x2] =	stream.indirect_vreg.gather [hbm4b:s16+s8], $0x80, v27, vm0, $0xb8;
	[tilespmem:$0x1C7C8] =	vst v63  }
0x528: {  	v55 =	vperm.xlane v26, v10;
	v27 =	vadd.s32 v12, v54;
	s28 =	simm.s32 $0x15680  }
0x529: {  	[tilespmem:s28], [sflag:$0x2] =	stream.indirect_vreg.gather [hbm4b:s16+s8], $0x80, v51, vm0, $0xb8;
	[tilespmem:$0x1C7C8] =	vst v63  }
0x52a: {  	v57 =	vperm.xlane v26, v18;
	v56 =	vadd.s32 v12, v55;
	s28 =	simm.s32 $0x15700  }
0x52b: {  	[tilespmem:s28], [sflag:$0x2] =	stream.indirect_vreg.gather [hbm4b:s16+s8], $0x80, v53, vm0, $0xb8;
	[tilespmem:$0x1C7C8] =	vst v63  }
0x52c: {  	v59 =	vperm.xlane v26, v19;
	v58 =	vadd.s32 v12, v57;
	s28 =	simm.s32 $0x15780  }
0x52d: {  	[tilespmem:s28], [sflag:$0x2] =	stream.indirect_vreg.gather [hbm4b:s16+s8], $0x80, v27, vm0, $0xb8;
	[tilespmem:$0x1C7C8] =	vst v63  }
0x52e: {  	v60 =	vperm.xlane v26, v20;
	v27 =	vadd.s32 v12, v59;
	s28 =	simm.s32 $0x15800  }
0x52f: {  	[tilespmem:s28], [sflag:$0x2] =	stream.indirect_vreg.gather [hbm4b:s16+s8], $0x80, v56, vm0, $0xb8;
	[tilespmem:$0x1C7C8] =	vst v63  }
0x530: {  	v62 =	vperm.xlane v26, v21;
	v61 =	vadd.s32 v12, v60;
	s28 =	simm.s32 $0x15880  }
0x531: {  	[tilespmem:s28], [sflag:$0x2] =	stream.indirect_vreg.gather [hbm4b:s16+s8], $0x80, v58, vm0, $0xb8;
	[tilespmem:$0x1C7C8] =	vst v63  }
0x532: {  	v33 =	vperm.xlane v26, v22;
	v63 =	vadd.s32 v12, v62;
	s28 =	simm.s32 $0x15900  }
0x533: {  	[tilespmem:s28], [sflag:$0x2] =	stream.indirect_vreg.gather [hbm4b:s16+s8], $0x80, v27, vm0, $0xb8;
	[tilespmem:$0x1C7C8] =	vst v63  }
0x534: {  	v34 =	vperm.xlane v26, v23;
	v27 =	vadd.s32 v12, v33;
	s28 =	simm.s32 $0x15980  }
0x535: {  	[tilespmem:s28], [sflag:$0x2] =	stream.indirect_vreg.gather [hbm4b:s16+s8], $0x80, v61, vm0, $0xb8;
	[tilespmem:$0x1C7C8] =	vst v63  }
0x536: {  	v36 =	vperm.xlane v26, v24;
	v35 =	vadd.s32 v12, v34;
	s28 =	simm.s32 $0x15A00  }
0x537: {  	[tilespmem:s28], [sflag:$0x2] =	stream.indirect_vreg.gather [hbm4b:s16+s8], $0x80, v63, vm0, $0xb8;
	[tilespmem:$0x1C7C8] =	vst v63  }
0x538: {  	v26 =	vperm.xlane v26, v25;
	v37 =	vadd.s32 v12, v36  }
0x539: {  	[tilespmem:s19], [sflag:$0x2] =	stream.indirect_vreg.gather [hbm4b:s16+s8], $0x80, v27, vm0, $0xb8;
	[tilespmem:$0x1C7C8] =	vst v63  }
0x53a: {  	v26 =	vadd.s32 v12, v26  }
0x53b: {  	[tilespmem:s20], [sflag:$0x2] =	stream.indirect_vreg.gather [hbm4b:s16+s8], $0x80, v35, vm0, $0xb8;
	[tilespmem:$0x1C7C8] =	vst v63  }
0x53c: {  	_ = 	snop  }
0x53d: {  	[tilespmem:s31], [sflag:$0x2] =	stream.indirect_vreg.gather [hbm4b:s16+s8], $0x80, v37, vm0, $0xb8;
	[tilespmem:$0x1C7C8] =	vst v63  }
0x53e: {  	_ = 	snop  }
0x53f: {  	[tilespmem:s11], [sflag:$0x2] =	stream.indirect_vreg.gather [hbm4b:s16+s8], $0x80, v26, vm0, $0xb8;
	[tilespmem:$0x1C7C8] =	vst v63  }
0x540: {  	v26 =	vld [tilespmem:s25+$0x0];
	_ =	sdelay $0x4  }
0x541: {  	v27 =	vshll.u32 v26, $0x1  }
0x542: {  	v26 =	vand.u32 $0x7, v26;
	v27 =	vand.u32 $0xFFFFFFF0, v27  }
0x543: {  	v26 =	vor.u32 v26, v27  }
0x544: {  	v27 =	vperm.xlane v26, v9;
	_ =	sdelay $0x1  }
0x545: {  	v38 =	vperm.xlane v26, v11;
	v27 =	vadd.s32 v12, v27;
	_ =	sdelay $0x1  }
0x546: {  	v39 =	vperm.xlane v26, v13;
	v28 =	vadd.s32 v12, v38;
	_ =	sdelay $0x1  }
0x547: {  	s28 =	simm.s32 $0x15C80;
	v40 =	vperm.xlane v26, v14;
	v29 =	vadd.s32 v12, v39  }
0x548: {  	[tilespmem:s28], [sflag:$0x2] =	stream.indirect_vreg.gather [hbm4b:s16+s8], $0x80, v27, vm0, $0xb8;
	[tilespmem:$0x1C7C8] =	vst v63  }
0x549: {  	v41 =	vperm.xlane v26, v15;
	v27 =	vadd.s32 v12, v40;
	s28 =	simm.s32 $0x15D00  }
0x54a: {  	[tilespmem:s28], [sflag:$0x2] =	stream.indirect_vreg.gather [hbm4b:s16+s8], $0x80, v28, vm0, $0xb8;
	[tilespmem:$0x1C7C8] =	vst v63  }
0x54b: {  	v43 =	vperm.xlane v26, v16;
	v42 =	vadd.s32 v12, v41;
	s28 =	simm.s32 $0x15D80  }
0x54c: {  	[tilespmem:s28], [sflag:$0x2] =	stream.indirect_vreg.gather [hbm4b:s16+s8], $0x80, v29, vm0, $0xb8;
	[tilespmem:$0x1C7C8] =	vst v63  }
0x54d: {  	v45 =	vperm.xlane v26, v17;
	v44 =	vadd.s32 v12, v43;
	s28 =	simm.s32 $0x15E00  }
0x54e: {  	[tilespmem:s28], [sflag:$0x2] =	stream.indirect_vreg.gather [hbm4b:s16+s8], $0x80, v27, vm0, $0xb8;
	[tilespmem:$0x1C7C8] =	vst v63  }
0x54f: {  	v46 =	vperm.xlane v26, v10;
	v27 =	vadd.s32 v12, v45;
	s28 =	simm.s32 $0x15E80  }
0x550: {  	[tilespmem:s28], [sflag:$0x2] =	stream.indirect_vreg.gather [hbm4b:s16+s8], $0x80, v42, vm0, $0xb8;
	[tilespmem:$0x1C7C8] =	vst v63  }
0x551: {  	v48 =	vperm.xlane v26, v18;
	v47 =	vadd.s32 v12, v46;
	s28 =	simm.s32 $0x15F00  }
0x552: {  	[tilespmem:s28], [sflag:$0x2] =	stream.indirect_vreg.gather [hbm4b:s16+s8], $0x80, v44, vm0, $0xb8;
	[tilespmem:$0x1C7C8] =	vst v63  }
0x553: {  	v50 =	vperm.xlane v26, v19;
	v49 =	vadd.s32 v12, v48;
	s28 =	simm.s32 $0x15F80  }
0x554: {  	[tilespmem:s28], [sflag:$0x2] =	stream.indirect_vreg.gather [hbm4b:s16+s8], $0x80, v27, vm0, $0xb8;
	[tilespmem:$0x1C7C8] =	vst v63  }
0x555: {  	v51 =	vperm.xlane v26, v20;
	v27 =	vadd.s32 v12, v50;
	s28 =	simm.s32 $0x16000  }
0x556: {  	[tilespmem:s28], [sflag:$0x2] =	stream.indirect_vreg.gather [hbm4b:s16+s8], $0x80, v47, vm0, $0xb8;
	[tilespmem:$0x1C7C8] =	vst v63  }
0x557: {  	v53 =	vperm.xlane v26, v21;
	v52 =	vadd.s32 v12, v51;
	s28 =	simm.s32 $0x16080  }
0x558: {  	[tilespmem:s28], [sflag:$0x2] =	stream.indirect_vreg.gather [hbm4b:s16+s8], $0x80, v49, vm0, $0xb8;
	[tilespmem:$0x1C7C8] =	vst v63  }
0x559: {  	v55 =	vperm.xlane v26, v22;
	v54 =	vadd.s32 v12, v53;
	s28 =	simm.s32 $0x16100  }
0x55a: {  	[tilespmem:s28], [sflag:$0x2] =	stream.indirect_vreg.gather [hbm4b:s16+s8], $0x80, v27, vm0, $0xb8;
	[tilespmem:$0x1C7C8] =	vst v63  }
0x55b: {  	v56 =	vperm.xlane v26, v23;
	v27 =	vadd.s32 v12, v55;
	s28 =	simm.s32 $0x16180  }
0x55c: {  	[tilespmem:s28], [sflag:$0x2] =	stream.indirect_vreg.gather [hbm4b:s16+s8], $0x80, v52, vm0, $0xb8;
	[tilespmem:$0x1C7C8] =	vst v63  }
0x55d: {  	v58 =	vperm.xlane v26, v24;
	v57 =	vadd.s32 v12, v56;
	s28 =	simm.s32 $0x16200  }
0x55e: {  	[tilespmem:s28], [sflag:$0x2] =	stream.indirect_vreg.gather [hbm4b:s16+s8], $0x80, v54, vm0, $0xb8;
	[tilespmem:$0x1C7C8] =	vst v63  }
0x55f: {  	v26 =	vperm.xlane v26, v25;
	v59 =	vadd.s32 v12, v58;
	s28 =	simm.s32 $0x16280  }
0x560: {  	[tilespmem:s28], [sflag:$0x2] =	stream.indirect_vreg.gather [hbm4b:s16+s8], $0x80, v27, vm0, $0xb8;
	[tilespmem:$0x1C7C8] =	vst v63  }
0x561: {  	v26 =	vadd.s32 v12, v26;
	s28 =	simm.s32 $0x16300  }
0x562: {  	[tilespmem:s28], [sflag:$0x2] =	stream.indirect_vreg.gather [hbm4b:s16+s8], $0x80, v57, vm0, $0xb8;
	[tilespmem:$0x1C7C8] =	vst v63  }
0x563: {  	s28 =	simm.s32 $0x16380  }
0x564: {  	[tilespmem:s28], [sflag:$0x2] =	stream.indirect_vreg.gather [hbm4b:s16+s8], $0x80, v59, vm0, $0xb8;
	[tilespmem:$0x1C7C8] =	vst v63  }
0x565: {  	s28 =	simm.s32 $0x16400  }
0x566: {  	[tilespmem:s28], [sflag:$0x2] =	stream.indirect_vreg.gather [hbm4b:s16+s8], $0x80, v26, vm0, $0xb8;
	[tilespmem:$0x1C7C8] =	vst v63  }
0x567: {  	v26 =	vld [tilespmem:s25+$0x10];
	_ =	sdelay $0x4  }
0x568: {  	v27 =	vshll.u32 v26, $0x1  }
0x569: {  	v26 =	vand.u32 $0x7, v26;
	v27 =	vand.u32 $0xFFFFFFF0, v27  }
0x56a: {  	v26 =	vor.u32 v26, v27  }
0x56b: {  	v27 =	vperm.xlane v26, v9;
	_ =	sdelay $0x1  }
0x56c: {  	v60 =	vperm.xlane v26, v11;
	v27 =	vadd.s32 v12, v27;
	_ =	sdelay $0x1  }
0x56d: {  	v61 =	vperm.xlane v26, v13;
	v28 =	vadd.s32 v12, v60;
	_ =	sdelay $0x1  }
0x56e: {  	s28 =	simm.s32 $0x16480;
	v62 =	vperm.xlane v26, v14;
	v29 =	vadd.s32 v12, v61  }
0x56f: {  	[tilespmem:s28], [sflag:$0x2] =	stream.indirect_vreg.gather [hbm4b:s16+s8], $0x80, v27, vm0, $0xb8;
	[tilespmem:$0x1C7C8] =	vst v63  }
0x570: {  	v63 =	vperm.xlane v26, v15;
	v27 =	vadd.s32 v12, v62;
	s28 =	simm.s32 $0x16500  }
0x571: {  	[tilespmem:s28], [sflag:$0x2] =	stream.indirect_vreg.gather [hbm4b:s16+s8], $0x80, v28, vm0, $0xb8;
	[tilespmem:$0x1C7C8] =	vst v63  }
0x572: {  	v34 =	vperm.xlane v26, v16;
	v33 =	vadd.s32 v12, v63;
	s28 =	simm.s32 $0x16580  }
0x573: {  	[tilespmem:s28], [sflag:$0x2] =	stream.indirect_vreg.gather [hbm4b:s16+s8], $0x80, v29, vm0, $0xb8;
	[tilespmem:$0x1C7C8] =	vst v63  }
0x574: {  	v36 =	vperm.xlane v26, v17;
	v35 =	vadd.s32 v12, v34;
	s28 =	simm.s32 $0x16600  }
0x575: {  	[tilespmem:s28], [sflag:$0x2] =	stream.indirect_vreg.gather [hbm4b:s16+s8], $0x80, v27, vm0, $0xb8;
	[tilespmem:$0x1C7C8] =	vst v63  }
0x576: {  	v37 =	vperm.xlane v26, v10;
	v27 =	vadd.s32 v12, v36;
	s28 =	simm.s32 $0x16680  }
0x577: {  	[tilespmem:s28], [sflag:$0x2] =	stream.indirect_vreg.gather [hbm4b:s16+s8], $0x80, v33, vm0, $0xb8;
	[tilespmem:$0x1C7C8] =	vst v63  }
0x578: {  	v39 =	vperm.xlane v26, v18;
	v38 =	vadd.s32 v12, v37;
	s28 =	simm.s32 $0x16700  }
0x579: {  	[tilespmem:s28], [sflag:$0x2] =	stream.indirect_vreg.gather [hbm4b:s16+s8], $0x80, v35, vm0, $0xb8;
	[tilespmem:$0x1C7C8] =	vst v63  }
0x57a: {  	v41 =	vperm.xlane v26, v19;
	v40 =	vadd.s32 v12, v39;
	s28 =	simm.s32 $0x16780  }
0x57b: {  	[tilespmem:s28], [sflag:$0x2] =	stream.indirect_vreg.gather [hbm4b:s16+s8], $0x80, v27, vm0, $0xb8;
	[tilespmem:$0x1C7C8] =	vst v63  }
0x57c: {  	v42 =	vperm.xlane v26, v20;
	v27 =	vadd.s32 v12, v41;
	s28 =	simm.s32 $0x16800  }
0x57d: {  	[tilespmem:s28], [sflag:$0x2] =	stream.indirect_vreg.gather [hbm4b:s16+s8], $0x80, v38, vm0, $0xb8;
	[tilespmem:$0x1C7C8] =	vst v63  }
0x57e: {  	v44 =	vperm.xlane v26, v21;
	v43 =	vadd.s32 v12, v42;
	s28 =	simm.s32 $0x16880  }
0x57f: {  	[tilespmem:s28], [sflag:$0x2] =	stream.indirect_vreg.gather [hbm4b:s16+s8], $0x80, v40, vm0, $0xb8;
	[tilespmem:$0x1C7C8] =	vst v63  }
0x580: {  	v46 =	vperm.xlane v26, v22;
	v45 =	vadd.s32 v12, v44;
	s28 =	simm.s32 $0x16900  }
0x581: {  	[tilespmem:s28], [sflag:$0x2] =	stream.indirect_vreg.gather [hbm4b:s16+s8], $0x80, v27, vm0, $0xb8;
	[tilespmem:$0x1C7C8] =	vst v63  }
0x582: {  	v47 =	vperm.xlane v26, v23;
	v27 =	vadd.s32 v12, v46;
	s28 =	simm.s32 $0x16980  }
0x583: {  	[tilespmem:s28], [sflag:$0x2] =	stream.indirect_vreg.gather [hbm4b:s16+s8], $0x80, v43, vm0, $0xb8;
	[tilespmem:$0x1C7C8] =	vst v63  }
0x584: {  	v49 =	vperm.xlane v26, v24;
	v48 =	vadd.s32 v12, v47;
	s28 =	simm.s32 $0x16A00  }
0x585: {  	[tilespmem:s28], [sflag:$0x2] =	stream.indirect_vreg.gather [hbm4b:s16+s8], $0x80, v45, vm0, $0xb8;
	[tilespmem:$0x1C7C8] =	vst v63  }
0x586: {  	v26 =	vperm.xlane v26, v25;
	v50 =	vadd.s32 v12, v49;
	s28 =	simm.s32 $0x16A80  }
0x587: {  	[tilespmem:s28], [sflag:$0x2] =	stream.indirect_vreg.gather [hbm4b:s16+s8], $0x80, v27, vm0, $0xb8;
	[tilespmem:$0x1C7C8] =	vst v63  }
0x588: {  	v26 =	vadd.s32 v12, v26;
	s28 =	simm.s32 $0x16B00  }
0x589: {  	[tilespmem:s28], [sflag:$0x2] =	stream.indirect_vreg.gather [hbm4b:s16+s8], $0x80, v48, vm0, $0xb8;
	[tilespmem:$0x1C7C8] =	vst v63  }
0x58a: {  	s28 =	simm.s32 $0x16B80  }
0x58b: {  	[tilespmem:s28], [sflag:$0x2] =	stream.indirect_vreg.gather [hbm4b:s16+s8], $0x80, v50, vm0, $0xb8;
	[tilespmem:$0x1C7C8] =	vst v63  }
0x58c: {  	s28 =	simm.s32 $0x16C00  }
0x58d: {  	[tilespmem:s28], [sflag:$0x2] =	stream.indirect_vreg.gather [hbm4b:s16+s8], $0x80, v26, vm0, $0xb8;
	[tilespmem:$0x1C7C8] =	vst v63  }
0x58e: {  	v26 =	vld [tilespmem:s25+$0x20];
	_ =	sdelay $0x4  }
0x58f: {  	v27 =	vshll.u32 v26, $0x1  }
0x590: {  	v26 =	vand.u32 $0x7, v26;
	v27 =	vand.u32 $0xFFFFFFF0, v27  }
0x591: {  	v26 =	vor.u32 v26, v27  }
0x592: {  	v27 =	vperm.xlane v26, v9;
	_ =	sdelay $0x1  }
0x593: {  	v51 =	vperm.xlane v26, v11;
	v27 =	vadd.s32 v12, v27;
	_ =	sdelay $0x1  }
0x594: {  	v52 =	vperm.xlane v26, v13;
	v28 =	vadd.s32 v12, v51;
	_ =	sdelay $0x1  }
0x595: {  	s28 =	simm.s32 $0x16C80;
	v53 =	vperm.xlane v26, v14;
	v29 =	vadd.s32 v12, v52  }
0x596: {  	[tilespmem:s28], [sflag:$0x2] =	stream.indirect_vreg.gather [hbm4b:s16+s8], $0x80, v27, vm0, $0xb8;
	[tilespmem:$0x1C7C8] =	vst v63  }
0x597: {  	v54 =	vperm.xlane v26, v15;
	v27 =	vadd.s32 v12, v53;
	s28 =	simm.s32 $0x16D00  }
0x598: {  	[tilespmem:s28], [sflag:$0x2] =	stream.indirect_vreg.gather [hbm4b:s16+s8], $0x80, v28, vm0, $0xb8;
	[tilespmem:$0x1C7C8] =	vst v63  }
0x599: {  	v56 =	vperm.xlane v26, v16;
	v55 =	vadd.s32 v12, v54;
	s28 =	simm.s32 $0x16D80  }
0x59a: {  	[tilespmem:s28], [sflag:$0x2] =	stream.indirect_vreg.gather [hbm4b:s16+s8], $0x80, v29, vm0, $0xb8;
	[tilespmem:$0x1C7C8] =	vst v63  }
0x59b: {  	v58 =	vperm.xlane v26, v17;
	v57 =	vadd.s32 v12, v56;
	s28 =	simm.s32 $0x16E00  }
0x59c: {  	[tilespmem:s28], [sflag:$0x2] =	stream.indirect_vreg.gather [hbm4b:s16+s8], $0x80, v27, vm0, $0xb8;
	[tilespmem:$0x1C7C8] =	vst v63  }
0x59d: {  	v59 =	vperm.xlane v26, v10;
	v27 =	vadd.s32 v12, v58;
	s28 =	simm.s32 $0x16E80  }
0x59e: {  	[tilespmem:s28], [sflag:$0x2] =	stream.indirect_vreg.gather [hbm4b:s16+s8], $0x80, v55, vm0, $0xb8;
	[tilespmem:$0x1C7C8] =	vst v63  }
0x59f: {  	v61 =	vperm.xlane v26, v18;
	v60 =	vadd.s32 v12, v59;
	s28 =	simm.s32 $0x16F00  }
0x5a0: {  	[tilespmem:s28], [sflag:$0x2] =	stream.indirect_vreg.gather [hbm4b:s16+s8], $0x80, v57, vm0, $0xb8;
	[tilespmem:$0x1C7C8] =	vst v63  }
0x5a1: {  	v63 =	vperm.xlane v26, v19;
	v62 =	vadd.s32 v12, v61;
	s28 =	simm.s32 $0x16F80  }
0x5a2: {  	[tilespmem:s28], [sflag:$0x2] =	stream.indirect_vreg.gather [hbm4b:s16+s8], $0x80, v27, vm0, $0xb8;
	[tilespmem:$0x1C7C8] =	vst v63  }
0x5a3: {  	v33 =	vperm.xlane v26, v20;
	v27 =	vadd.s32 v12, v63;
	s28 =	simm.s32 $0x17000  }
0x5a4: {  	[tilespmem:s28], [sflag:$0x2] =	stream.indirect_vreg.gather [hbm4b:s16+s8], $0x80, v60, vm0, $0xb8;
	[tilespmem:$0x1C7C8] =	vst v63  }
0x5a5: {  	v35 =	vperm.xlane v26, v21;
	v34 =	vadd.s32 v12, v33;
	s28 =	simm.s32 $0x17080  }
0x5a6: {  	[tilespmem:s28], [sflag:$0x2] =	stream.indirect_vreg.gather [hbm4b:s16+s8], $0x80, v62, vm0, $0xb8;
	[tilespmem:$0x1C7C8] =	vst v63  }
0x5a7: {  	v37 =	vperm.xlane v26, v22;
	v36 =	vadd.s32 v12, v35;
	s28 =	simm.s32 $0x17100  }
0x5a8: {  	[tilespmem:s28], [sflag:$0x2] =	stream.indirect_vreg.gather [hbm4b:s16+s8], $0x80, v27, vm0, $0xb8;
	[tilespmem:$0x1C7C8] =	vst v63  }
0x5a9: {  	v38 =	vperm.xlane v26, v23;
	v27 =	vadd.s32 v12, v37;
	s28 =	simm.s32 $0x17180  }
0x5aa: {  	[tilespmem:s28], [sflag:$0x2] =	stream.indirect_vreg.gather [hbm4b:s16+s8], $0x80, v34, vm0, $0xb8;
	[tilespmem:$0x1C7C8] =	vst v63  }
0x5ab: {  	v40 =	vperm.xlane v26, v24;
	v39 =	vadd.s32 v12, v38;
	s28 =	simm.s32 $0x17200  }
0x5ac: {  	[tilespmem:s28], [sflag:$0x2] =	stream.indirect_vreg.gather [hbm4b:s16+s8], $0x80, v36, vm0, $0xb8;
	[tilespmem:$0x1C7C8] =	vst v63  }
0x5ad: {  	v26 =	vperm.xlane v26, v25;
	v41 =	vadd.s32 v12, v40;
	s28 =	simm.s32 $0x17280  }
0x5ae: {  	[tilespmem:s28], [sflag:$0x2] =	stream.indirect_vreg.gather [hbm4b:s16+s8], $0x80, v27, vm0, $0xb8;
	[tilespmem:$0x1C7C8] =	vst v63  }
0x5af: {  	v26 =	vadd.s32 v12, v26;
	s28 =	simm.s32 $0x17300  }
0x5b0: {  	[tilespmem:s28], [sflag:$0x2] =	stream.indirect_vreg.gather [hbm4b:s16+s8], $0x80, v39, vm0, $0xb8;
	[tilespmem:$0x1C7C8] =	vst v63  }
0x5b1: {  	s28 =	simm.s32 $0x17380  }
0x5b2: {  	[tilespmem:s28], [sflag:$0x2] =	stream.indirect_vreg.gather [hbm4b:s16+s8], $0x80, v41, vm0, $0xb8;
	[tilespmem:$0x1C7C8] =	vst v63  }
0x5b3: {  	s28 =	simm.s32 $0x17400  }
0x5b4: {  	[tilespmem:s28], [sflag:$0x2] =	stream.indirect_vreg.gather [hbm4b:s16+s8], $0x80, v26, vm0, $0xb8;
	[tilespmem:$0x1C7C8] =	vst v63  }
0x5b5: {  	v26 =	vld [tilespmem:s25+$0x30];
	_ =	sdelay $0x4  }
0x5b6: {  	v27 =	vshll.u32 v26, $0x1  }
0x5b7: {  	v26 =	vand.u32 $0x7, v26;
	v27 =	vand.u32 $0xFFFFFFF0, v27  }
0x5b8: {  	v26 =	vor.u32 v26, v27  }
0x5b9: {  	v27 =	vperm.xlane v26, v9;
	_ =	sdelay $0x1  }
0x5ba: {  	v42 =	vperm.xlane v26, v11;
	v27 =	vadd.s32 v12, v27;
	_ =	sdelay $0x1  }
0x5bb: {  	v43 =	vperm.xlane v26, v13;
	v28 =	vadd.s32 v12, v42;
	_ =	sdelay $0x1  }
0x5bc: {  	s28 =	simm.s32 $0x17480;
	v44 =	vperm.xlane v26, v14;
	v29 =	vadd.s32 v12, v43  }
0x5bd: {  	[tilespmem:s28], [sflag:$0x2] =	stream.indirect_vreg.gather [hbm4b:s16+s8], $0x80, v27, vm0, $0xb8;
	[tilespmem:$0x1C7C8] =	vst v63  }
0x5be: {  	v45 =	vperm.xlane v26, v15;
	v27 =	vadd.s32 v12, v44;
	s28 =	simm.s32 $0x17500  }
0x5bf: {  	[tilespmem:s28], [sflag:$0x2] =	stream.indirect_vreg.gather [hbm4b:s16+s8], $0x80, v28, vm0, $0xb8;
	[tilespmem:$0x1C7C8] =	vst v63  }
0x5c0: {  	v47 =	vperm.xlane v26, v16;
	v46 =	vadd.s32 v12, v45;
	s28 =	simm.s32 $0x17580  }
0x5c1: {  	[tilespmem:s28], [sflag:$0x2] =	stream.indirect_vreg.gather [hbm4b:s16+s8], $0x80, v29, vm0, $0xb8;
	[tilespmem:$0x1C7C8] =	vst v63  }
0x5c2: {  	v49 =	vperm.xlane v26, v17;
	v48 =	vadd.s32 v12, v47;
	s28 =	simm.s32 $0x17600  }
0x5c3: {  	[tilespmem:s28], [sflag:$0x2] =	stream.indirect_vreg.gather [hbm4b:s16+s8], $0x80, v27, vm0, $0xb8;
	[tilespmem:$0x1C7C8] =	vst v63  }
0x5c4: {  	v50 =	vperm.xlane v26, v10;
	v27 =	vadd.s32 v12, v49;
	s28 =	simm.s32 $0x17680  }
0x5c5: {  	[tilespmem:s28], [sflag:$0x2] =	stream.indirect_vreg.gather [hbm4b:s16+s8], $0x80, v46, vm0, $0xb8;
	[tilespmem:$0x1C7C8] =	vst v63  }
0x5c6: {  	v52 =	vperm.xlane v26, v18;
	v51 =	vadd.s32 v12, v50;
	s28 =	simm.s32 $0x17700  }
0x5c7: {  	[tilespmem:s28], [sflag:$0x2] =	stream.indirect_vreg.gather [hbm4b:s16+s8], $0x80, v48, vm0, $0xb8;
	[tilespmem:$0x1C7C8] =	vst v63  }
0x5c8: {  	v54 =	vperm.xlane v26, v19;
	v53 =	vadd.s32 v12, v52;
	s28 =	simm.s32 $0x17780  }
0x5c9: {  	[tilespmem:s28], [sflag:$0x2] =	stream.indirect_vreg.gather [hbm4b:s16+s8], $0x80, v27, vm0, $0xb8;
	[tilespmem:$0x1C7C8] =	vst v63  }
0x5ca: {  	v55 =	vperm.xlane v26, v20;
	v27 =	vadd.s32 v12, v54;
	s28 =	simm.s32 $0x17800  }
0x5cb: {  	[tilespmem:s28], [sflag:$0x2] =	stream.indirect_vreg.gather [hbm4b:s16+s8], $0x80, v51, vm0, $0xb8;
	[tilespmem:$0x1C7C8] =	vst v63  }
0x5cc: {  	v57 =	vperm.xlane v26, v21;
	v56 =	vadd.s32 v12, v55;
	s28 =	simm.s32 $0x17880  }
0x5cd: {  	[tilespmem:s28], [sflag:$0x2] =	stream.indirect_vreg.gather [hbm4b:s16+s8], $0x80, v53, vm0, $0xb8;
	[tilespmem:$0x1C7C8] =	vst v63  }
0x5ce: {  	v59 =	vperm.xlane v26, v22;
	v58 =	vadd.s32 v12, v57;
	s28 =	simm.s32 $0x17900  }
0x5cf: {  	[tilespmem:s28], [sflag:$0x2] =	stream.indirect_vreg.gather [hbm4b:s16+s8], $0x80, v27, vm0, $0xb8;
	[tilespmem:$0x1C7C8] =	vst v63  }
0x5d0: {  	v60 =	vperm.xlane v26, v23;
	v27 =	vadd.s32 v12, v59;
	s28 =	simm.s32 $0x17980  }
0x5d1: {  	[tilespmem:s28], [sflag:$0x2] =	stream.indirect_vreg.gather [hbm4b:s16+s8], $0x80, v56, vm0, $0xb8;
	[tilespmem:$0x1C7C8] =	vst v63  }
0x5d2: {  	v62 =	vperm.xlane v26, v24;
	v61 =	vadd.s32 v12, v60;
	s28 =	simm.s32 $0x17A00  }
0x5d3: {  	[tilespmem:s28], [sflag:$0x2] =	stream.indirect_vreg.gather [hbm4b:s16+s8], $0x80, v58, vm0, $0xb8;
	[tilespmem:$0x1C7C8] =	vst v63  }
0x5d4: {  	v26 =	vperm.xlane v26, v25;
	v63 =	vadd.s32 v12, v62;
	s28 =	simm.s32 $0x17A80  }
0x5d5: {  	[tilespmem:s28], [sflag:$0x2] =	stream.indirect_vreg.gather [hbm4b:s16+s8], $0x80, v27, vm0, $0xb8;
	[tilespmem:$0x1C7C8] =	vst v63  }
0x5d6: {  	v26 =	vadd.s32 v12, v26;
	s28 =	simm.s32 $0x17B00  }
0x5d7: {  	[tilespmem:s28], [sflag:$0x2] =	stream.indirect_vreg.gather [hbm4b:s16+s8], $0x80, v61, vm0, $0xb8;
	[tilespmem:$0x1C7C8] =	vst v63  }
0x5d8: {  	s28 =	simm.s32 $0x17B80  }
0x5d9: {  	[tilespmem:s28], [sflag:$0x2] =	stream.indirect_vreg.gather [hbm4b:s16+s8], $0x80, v63, vm0, $0xb8;
	[tilespmem:$0x1C7C8] =	vst v63  }
0x5da: {  	s28 =	simm.s32 $0x17C00  }
0x5db: {  	[tilespmem:s28], [sflag:$0x2] =	stream.indirect_vreg.gather [hbm4b:s16+s8], $0x80, v26, vm0, $0xb8;
	[tilespmem:$0x1C7C8] =	vst v63  }
.LBB2_12:
0x5dc: {  	[spmem:s4] =	stream.indirect.scatter.add.f32 [tilespmem:s24], [sflag:$0x3], $0x80, s23, s15, $0xb8;
	[tilespmem:$0x1C7C8] =	vst v63  }
0x5dd: {  	_ = 	snop  }
0x5de: {  	[spmem:s5] =	stream.indirect.scatter.add.f32 [tilespmem:s10], [sflag:$0x4], $0x80, s23, s15, $0xb8;
	[tilespmem:$0x1C7C8] =	vst v63  }
0x5df: {  	_ = 	snop  }
0x5e0: {  	[spmem:s6] =	stream.indirect.scatter.add.f32 [tilespmem:s14], [sflag:$0x5], $0x1, s23, s15, $0xb8;
	[tilespmem:$0x1C7C8] =	vst v63  }
.LBB2_13:
0x5e1: {  	s26 =	sadd.s32 $0x1, s22  }
0x5e2: {  	p2 =	sge.s32 s26, s18  }
.Ltmp10:
0x5e3: {  	_ = 	snop;
	(pc) =	sbr.rel @p2 .LBB2_17-.Ltmp10, $1  }
0x5e4: {  	_ =	sdelay $0x3  }
0x5e5: {  	_ =	swait.ge [sflag:s2], $0x4000  }
0x5e6: {  	[sflag:s2] =	ssyncset.done $0x0  }
0x5e7: {  	[sflag:s2] =	ssyncadd.s32 $0xFFFFC000  }
0x5e8: {  	_ =	swait.ge [sflag:s2], $0x4000  }
0x5e9: {  	[sflag:s2] =	ssyncset.done $0x0  }
0x5ea: {  	[sflag:s2] =	ssyncadd.s32 $0xFFFFC000  }
0x5eb: {  	_ =	swait.ge [sflag:s3], $0x4000  }
0x5ec: {  	[sflag:s3] =	ssyncset.done $0x0  }
0x5ed: {  	s26 =	sadd.s32 $0x2, s22;
	[sflag:s3] =	ssyncadd.s32 $0xFFFFC000  }
0x5ee: {  	p2 =	sge.s32 s26, s18;
	_ =	swait.ge [sflag:s7], $0x4000  }
.Ltmp11:
0x5ef: {  	[sflag:s7] =	ssyncset.done $0x0;
	(pc) =	sbr.rel @p2 .LBB2_16-.Ltmp11, $4  }
0x5f0: {  	[sflag:s7] =	ssyncadd.s32 $0xFFFFC000  }
0x5f1: {  	_ =	swait.ge [sflag:s1], $0x80  }
0x5f2: {  	[sflag:s1] =	ssyncset.done $0x0  }
0x5f3: {  	[sflag:s1] =	ssyncadd.s32 $0xFFFFFF80  }
0x5f4: {  	v26 =	vld [tilespmem:s25+$0x40];
	_ =	sdelay $0x4  }
0x5f5: {  	v27 =	vshll.u32 v26, $0x1  }
0x5f6: {  	v26 =	vand.u32 $0x7, v26;
	v27 =	vand.u32 $0xFFFFFFF0, v27  }
0x5f7: {  	v26 =	vor.u32 v26, v27  }
0x5f8: {  	v27 =	vperm.xlane v26, v9;
	_ =	sdelay $0x1  }
0x5f9: {  	v28 =	vperm.xlane v26, v11;
	v27 =	vadd.s32 v12, v27;
	_ =	sdelay $0x1  }
0x5fa: {  	v29 =	vperm.xlane v26, v13;
	v28 =	vadd.s32 v12, v28;
	_ =	sdelay $0x1  }
0x5fb: {  	v30 =	vperm.xlane v26, v14;
	v29 =	vadd.s32 v12, v29  }
0x5fc: {  	[tilespmem:s24], [sflag:$0x1] =	stream.indirect_vreg.gather [hbm4b:s0+s8], $0x80, v27, vm0, $0xb8;
	[tilespmem:$0x1C7C8] =	vst v63  }
0x5fd: {  	s26 =	simm.s32 $0x7D00;
	v56 =	vperm.xlane v26, v15;
	v27 =	vadd.s32 v12, v30  }
0x5fe: {  	[tilespmem:s26], [sflag:$0x1] =	stream.indirect_vreg.gather [hbm4b:s0+s8], $0x80, v28, vm0, $0xb8;
	[tilespmem:$0x1C7C8] =	vst v63  }
0x5ff: {  	s28 =	simm.s32 $0x7D80;
	v58 =	vperm.xlane v26, v16;
	v57 =	vadd.s32 v12, v56  }
0x600: {  	[tilespmem:s28], [sflag:$0x1] =	stream.indirect_vreg.gather [hbm4b:s0+s8], $0x80, v29, vm0, $0xb8;
	[tilespmem:$0x1C7C8] =	vst v63  }
0x601: {  	v60 =	vperm.xlane v26, v17;
	v59 =	vadd.s32 v12, v58;
	s28 =	simm.s32 $0x7E00  }
0x602: {  	[tilespmem:s28], [sflag:$0x1] =	stream.indirect_vreg.gather [hbm4b:s0+s8], $0x80, v27, vm0, $0xb8;
	[tilespmem:$0x1C7C8] =	vst v63  }
0x603: {  	v61 =	vperm.xlane v26, v10;
	v27 =	vadd.s32 v12, v60;
	s28 =	simm.s32 $0x7E80  }
0x604: {  	[tilespmem:s28], [sflag:$0x1] =	stream.indirect_vreg.gather [hbm4b:s0+s8], $0x80, v57, vm0, $0xb8;
	[tilespmem:$0x1C7C8] =	vst v63  }
0x605: {  	v63 =	vperm.xlane v26, v18;
	v62 =	vadd.s32 v12, v61;
	s28 =	simm.s32 $0x7F00  }
0x606: {  	[tilespmem:s28], [sflag:$0x1] =	stream.indirect_vreg.gather [hbm4b:s0+s8], $0x80, v59, vm0, $0xb8;
	[tilespmem:$0x1C7C8] =	vst v63  }
0x607: {  	v34 =	vperm.xlane v26, v19;
	v33 =	vadd.s32 v12, v63;
	s28 =	simm.s32 $0x7F80  }
0x608: {  	[tilespmem:s28], [sflag:$0x1] =	stream.indirect_vreg.gather [hbm4b:s0+s8], $0x80, v27, vm0, $0xb8;
	[tilespmem:$0x1C7C8] =	vst v63  }
0x609: {  	v35 =	vperm.xlane v26, v20;
	v27 =	vadd.s32 v12, v34;
	s28 =	simm.s32 $0x8000  }
0x60a: {  	[tilespmem:s28], [sflag:$0x1] =	stream.indirect_vreg.gather [hbm4b:s0+s8], $0x80, v62, vm0, $0xb8;
	[tilespmem:$0x1C7C8] =	vst v63  }
0x60b: {  	v37 =	vperm.xlane v26, v21;
	v36 =	vadd.s32 v12, v35;
	s28 =	simm.s32 $0x8080  }
0x60c: {  	[tilespmem:s28], [sflag:$0x1] =	stream.indirect_vreg.gather [hbm4b:s0+s8], $0x80, v33, vm0, $0xb8;
	[tilespmem:$0x1C7C8] =	vst v63  }
0x60d: {  	v39 =	vperm.xlane v26, v22;
	v38 =	vadd.s32 v12, v37;
	s28 =	simm.s32 $0x8100  }
0x60e: {  	[tilespmem:s28], [sflag:$0x1] =	stream.indirect_vreg.gather [hbm4b:s0+s8], $0x80, v27, vm0, $0xb8;
	[tilespmem:$0x1C7C8] =	vst v63  }
0x60f: {  	v40 =	vperm.xlane v26, v23;
	v27 =	vadd.s32 v12, v39;
	s28 =	simm.s32 $0x8180  }
0x610: {  	[tilespmem:s28], [sflag:$0x1] =	stream.indirect_vreg.gather [hbm4b:s0+s8], $0x80, v36, vm0, $0xb8;
	[tilespmem:$0x1C7C8] =	vst v63  }
0x611: {  	v42 =	vperm.xlane v26, v24;
	v41 =	vadd.s32 v12, v40;
	s28 =	simm.s32 $0x8200  }
0x612: {  	[tilespmem:s28], [sflag:$0x1] =	stream.indirect_vreg.gather [hbm4b:s0+s8], $0x80, v38, vm0, $0xb8;
	[tilespmem:$0x1C7C8] =	vst v63  }
0x613: {  	v26 =	vperm.xlane v26, v25;
	v43 =	vadd.s32 v12, v42;
	s28 =	simm.s32 $0x8280  }
0x614: {  	[tilespmem:s28], [sflag:$0x1] =	stream.indirect_vreg.gather [hbm4b:s0+s8], $0x80, v27, vm0, $0xb8;
	[tilespmem:$0x1C7C8] =	vst v63  }
0x615: {  	v26 =	vadd.s32 v12, v26;
	s28 =	simm.s32 $0x8300  }
0x616: {  	[tilespmem:s28], [sflag:$0x1] =	stream.indirect_vreg.gather [hbm4b:s0+s8], $0x80, v41, vm0, $0xb8;
	[tilespmem:$0x1C7C8] =	vst v63  }
0x617: {  	s28 =	simm.s32 $0x8380  }
0x618: {  	[tilespmem:s28], [sflag:$0x1] =	stream.indirect_vreg.gather [hbm4b:s0+s8], $0x80, v43, vm0, $0xb8;
	[tilespmem:$0x1C7C8] =	vst v63  }
0x619: {  	s28 =	simm.s32 $0x8400  }
0x61a: {  	[tilespmem:s28], [sflag:$0x1] =	stream.indirect_vreg.gather [hbm4b:s0+s8], $0x80, v26, vm0, $0xb8;
	[tilespmem:$0x1C7C8] =	vst v63  }
0x61b: {  	v26 =	vld [tilespmem:s25+$0x50];
	_ =	sdelay $0x4  }
0x61c: {  	v27 =	vshll.u32 v26, $0x1  }
0x61d: {  	v26 =	vand.u32 $0x7, v26;
	v27 =	vand.u32 $0xFFFFFFF0, v27  }
0x61e: {  	v26 =	vor.u32 v26, v27  }
0x61f: {  	v27 =	vperm.xlane v26, v9;
	_ =	sdelay $0x1  }
0x620: {  	v44 =	vperm.xlane v26, v11;
	v27 =	vadd.s32 v12, v27;
	_ =	sdelay $0x1  }
0x621: {  	v45 =	vperm.xlane v26, v13;
	v28 =	vadd.s32 v12, v44;
	_ =	sdelay $0x1  }
0x622: {  	s28 =	simm.s32 $0x8480;
	v46 =	vperm.xlane v26, v14;
	v29 =	vadd.s32 v12, v45  }
0x623: {  	[tilespmem:s28], [sflag:$0x1] =	stream.indirect_vreg.gather [hbm4b:s0+s8], $0x80, v27, vm0, $0xb8;
	[tilespmem:$0x1C7C8] =	vst v63  }
0x624: {  	v47 =	vperm.xlane v26, v15;
	v27 =	vadd.s32 v12, v46;
	s28 =	simm.s32 $0x8500  }
0x625: {  	[tilespmem:s28], [sflag:$0x1] =	stream.indirect_vreg.gather [hbm4b:s0+s8], $0x80, v28, vm0, $0xb8;
	[tilespmem:$0x1C7C8] =	vst v63  }
0x626: {  	v49 =	vperm.xlane v26, v16;
	v48 =	vadd.s32 v12, v47;
	s28 =	simm.s32 $0x8580  }
0x627: {  	[tilespmem:s28], [sflag:$0x1] =	stream.indirect_vreg.gather [hbm4b:s0+s8], $0x80, v29, vm0, $0xb8;
	[tilespmem:$0x1C7C8] =	vst v63  }
0x628: {  	v51 =	vperm.xlane v26, v17;
	v50 =	vadd.s32 v12, v49;
	s28 =	simm.s32 $0x8600  }
0x629: {  	[tilespmem:s28], [sflag:$0x1] =	stream.indirect_vreg.gather [hbm4b:s0+s8], $0x80, v27, vm0, $0xb8;
	[tilespmem:$0x1C7C8] =	vst v63  }
0x62a: {  	v52 =	vperm.xlane v26, v10;
	v27 =	vadd.s32 v12, v51;
	s28 =	simm.s32 $0x8680  }
0x62b: {  	[tilespmem:s28], [sflag:$0x1] =	stream.indirect_vreg.gather [hbm4b:s0+s8], $0x80, v48, vm0, $0xb8;
	[tilespmem:$0x1C7C8] =	vst v63  }
0x62c: {  	v54 =	vperm.xlane v26, v18;
	v53 =	vadd.s32 v12, v52;
	s28 =	simm.s32 $0x8700  }
0x62d: {  	[tilespmem:s28], [sflag:$0x1] =	stream.indirect_vreg.gather [hbm4b:s0+s8], $0x80, v50, vm0, $0xb8;
	[tilespmem:$0x1C7C8] =	vst v63  }
0x62e: {  	v56 =	vperm.xlane v26, v19;
	v55 =	vadd.s32 v12, v54;
	s28 =	simm.s32 $0x8780  }
0x62f: {  	[tilespmem:s28], [sflag:$0x1] =	stream.indirect_vreg.gather [hbm4b:s0+s8], $0x80, v27, vm0, $0xb8;
	[tilespmem:$0x1C7C8] =	vst v63  }
0x630: {  	v57 =	vperm.xlane v26, v20;
	v27 =	vadd.s32 v12, v56;
	s28 =	simm.s32 $0x8800  }
0x631: {  	[tilespmem:s28], [sflag:$0x1] =	stream.indirect_vreg.gather [hbm4b:s0+s8], $0x80, v53, vm0, $0xb8;
	[tilespmem:$0x1C7C8] =	vst v63  }
0x632: {  	v59 =	vperm.xlane v26, v21;
	v58 =	vadd.s32 v12, v57;
	s28 =	simm.s32 $0x8880  }
0x633: {  	[tilespmem:s28], [sflag:$0x1] =	stream.indirect_vreg.gather [hbm4b:s0+s8], $0x80, v55, vm0, $0xb8;
	[tilespmem:$0x1C7C8] =	vst v63  }
0x634: {  	v61 =	vperm.xlane v26, v22;
	v60 =	vadd.s32 v12, v59;
	s28 =	simm.s32 $0x8900  }
0x635: {  	[tilespmem:s28], [sflag:$0x1] =	stream.indirect_vreg.gather [hbm4b:s0+s8], $0x80, v27, vm0, $0xb8;
	[tilespmem:$0x1C7C8] =	vst v63  }
0x636: {  	v62 =	vperm.xlane v26, v23;
	v27 =	vadd.s32 v12, v61;
	s28 =	simm.s32 $0x8980  }
0x637: {  	[tilespmem:s28], [sflag:$0x1] =	stream.indirect_vreg.gather [hbm4b:s0+s8], $0x80, v58, vm0, $0xb8;
	[tilespmem:$0x1C7C8] =	vst v63  }
0x638: {  	v33 =	vperm.xlane v26, v24;
	v63 =	vadd.s32 v12, v62;
	s28 =	simm.s32 $0x8A00  }
0x639: {  	[tilespmem:s28], [sflag:$0x1] =	stream.indirect_vreg.gather [hbm4b:s0+s8], $0x80, v60, vm0, $0xb8;
	[tilespmem:$0x1C7C8] =	vst v63  }
0x63a: {  	v26 =	vperm.xlane v26, v25;
	v34 =	vadd.s32 v12, v33;
	s28 =	simm.s32 $0x8A80  }
0x63b: {  	[tilespmem:s28], [sflag:$0x1] =	stream.indirect_vreg.gather [hbm4b:s0+s8], $0x80, v27, vm0, $0xb8;
	[tilespmem:$0x1C7C8] =	vst v63  }
0x63c: {  	v26 =	vadd.s32 v12, v26;
	s28 =	simm.s32 $0x8B00  }
0x63d: {  	[tilespmem:s28], [sflag:$0x1] =	stream.indirect_vreg.gather [hbm4b:s0+s8], $0x80, v63, vm0, $0xb8;
	[tilespmem:$0x1C7C8] =	vst v63  }
0x63e: {  	s28 =	simm.s32 $0x8B80  }
0x63f: {  	[tilespmem:s28], [sflag:$0x1] =	stream.indirect_vreg.gather [hbm4b:s0+s8], $0x80, v34, vm0, $0xb8;
	[tilespmem:$0x1C7C8] =	vst v63  }
0x640: {  	s28 =	simm.s32 $0x8C00  }
0x641: {  	[tilespmem:s28], [sflag:$0x1] =	stream.indirect_vreg.gather [hbm4b:s0+s8], $0x80, v26, vm0, $0xb8;
	[tilespmem:$0x1C7C8] =	vst v63  }
0x642: {  	v26 =	vld [tilespmem:s25+$0x60];
	_ =	sdelay $0x4  }
0x643: {  	v27 =	vshll.u32 v26, $0x1  }
0x644: {  	v26 =	vand.u32 $0x7, v26;
	v27 =	vand.u32 $0xFFFFFFF0, v27  }
0x645: {  	v26 =	vor.u32 v26, v27  }
0x646: {  	v27 =	vperm.xlane v26, v9;
	_ =	sdelay $0x1  }
0x647: {  	v35 =	vperm.xlane v26, v11;
	v27 =	vadd.s32 v12, v27;
	_ =	sdelay $0x1  }
0x648: {  	v36 =	vperm.xlane v26, v13;
	v28 =	vadd.s32 v12, v35;
	_ =	sdelay $0x1  }
0x649: {  	s28 =	simm.s32 $0x8C80;
	v37 =	vperm.xlane v26, v14;
	v29 =	vadd.s32 v12, v36  }
0x64a: {  	[tilespmem:s28], [sflag:$0x1] =	stream.indirect_vreg.gather [hbm4b:s0+s8], $0x80, v27, vm0, $0xb8;
	[tilespmem:$0x1C7C8] =	vst v63  }
0x64b: {  	v38 =	vperm.xlane v26, v15;
	v27 =	vadd.s32 v12, v37;
	s28 =	simm.s32 $0x8D00  }
0x64c: {  	[tilespmem:s28], [sflag:$0x1] =	stream.indirect_vreg.gather [hbm4b:s0+s8], $0x80, v28, vm0, $0xb8;
	[tilespmem:$0x1C7C8] =	vst v63  }
0x64d: {  	v40 =	vperm.xlane v26, v16;
	v39 =	vadd.s32 v12, v38;
	s28 =	simm.s32 $0x8D80  }
0x64e: {  	[tilespmem:s28], [sflag:$0x1] =	stream.indirect_vreg.gather [hbm4b:s0+s8], $0x80, v29, vm0, $0xb8;
	[tilespmem:$0x1C7C8] =	vst v63  }
0x64f: {  	v42 =	vperm.xlane v26, v17;
	v41 =	vadd.s32 v12, v40;
	s28 =	simm.s32 $0x8E00  }
0x650: {  	[tilespmem:s28], [sflag:$0x1] =	stream.indirect_vreg.gather [hbm4b:s0+s8], $0x80, v27, vm0, $0xb8;
	[tilespmem:$0x1C7C8] =	vst v63  }
0x651: {  	v43 =	vperm.xlane v26, v10;
	v27 =	vadd.s32 v12, v42;
	s28 =	simm.s32 $0x8E80  }
0x652: {  	[tilespmem:s28], [sflag:$0x1] =	stream.indirect_vreg.gather [hbm4b:s0+s8], $0x80, v39, vm0, $0xb8;
	[tilespmem:$0x1C7C8] =	vst v63  }
0x653: {  	v45 =	vperm.xlane v26, v18;
	v44 =	vadd.s32 v12, v43;
	s28 =	simm.s32 $0x8F00  }
0x654: {  	[tilespmem:s28], [sflag:$0x1] =	stream.indirect_vreg.gather [hbm4b:s0+s8], $0x80, v41, vm0, $0xb8;
	[tilespmem:$0x1C7C8] =	vst v63  }
0x655: {  	v47 =	vperm.xlane v26, v19;
	v46 =	vadd.s32 v12, v45;
	s28 =	simm.s32 $0x8F80  }
0x656: {  	[tilespmem:s28], [sflag:$0x1] =	stream.indirect_vreg.gather [hbm4b:s0+s8], $0x80, v27, vm0, $0xb8;
	[tilespmem:$0x1C7C8] =	vst v63  }
0x657: {  	v48 =	vperm.xlane v26, v20;
	v27 =	vadd.s32 v12, v47;
	s28 =	simm.s32 $0x9000  }
0x658: {  	[tilespmem:s28], [sflag:$0x1] =	stream.indirect_vreg.gather [hbm4b:s0+s8], $0x80, v44, vm0, $0xb8;
	[tilespmem:$0x1C7C8] =	vst v63  }
0x659: {  	v50 =	vperm.xlane v26, v21;
	v49 =	vadd.s32 v12, v48;
	s28 =	simm.s32 $0x9080  }
0x65a: {  	[tilespmem:s28], [sflag:$0x1] =	stream.indirect_vreg.gather [hbm4b:s0+s8], $0x80, v46, vm0, $0xb8;
	[tilespmem:$0x1C7C8] =	vst v63  }
0x65b: {  	v52 =	vperm.xlane v26, v22;
	v51 =	vadd.s32 v12, v50;
	s28 =	simm.s32 $0x9100  }
0x65c: {  	[tilespmem:s28], [sflag:$0x1] =	stream.indirect_vreg.gather [hbm4b:s0+s8], $0x80, v27, vm0, $0xb8;
	[tilespmem:$0x1C7C8] =	vst v63  }
0x65d: {  	v53 =	vperm.xlane v26, v23;
	v27 =	vadd.s32 v12, v52;
	s28 =	simm.s32 $0x9180  }
0x65e: {  	[tilespmem:s28], [sflag:$0x1] =	stream.indirect_vreg.gather [hbm4b:s0+s8], $0x80, v49, vm0, $0xb8;
	[tilespmem:$0x1C7C8] =	vst v63  }
0x65f: {  	v55 =	vperm.xlane v26, v24;
	v54 =	vadd.s32 v12, v53;
	s28 =	simm.s32 $0x9200  }
0x660: {  	[tilespmem:s28], [sflag:$0x1] =	stream.indirect_vreg.gather [hbm4b:s0+s8], $0x80, v51, vm0, $0xb8;
	[tilespmem:$0x1C7C8] =	vst v63  }
0x661: {  	v26 =	vperm.xlane v26, v25;
	v56 =	vadd.s32 v12, v55;
	s28 =	simm.s32 $0x9280  }
0x662: {  	[tilespmem:s28], [sflag:$0x1] =	stream.indirect_vreg.gather [hbm4b:s0+s8], $0x80, v27, vm0, $0xb8;
	[tilespmem:$0x1C7C8] =	vst v63  }
0x663: {  	v26 =	vadd.s32 v12, v26;
	s28 =	simm.s32 $0x9300  }
0x664: {  	[tilespmem:s28], [sflag:$0x1] =	stream.indirect_vreg.gather [hbm4b:s0+s8], $0x80, v54, vm0, $0xb8;
	[tilespmem:$0x1C7C8] =	vst v63  }
0x665: {  	s28 =	simm.s32 $0x9380  }
0x666: {  	[tilespmem:s28], [sflag:$0x1] =	stream.indirect_vreg.gather [hbm4b:s0+s8], $0x80, v56, vm0, $0xb8;
	[tilespmem:$0x1C7C8] =	vst v63  }
0x667: {  	s28 =	simm.s32 $0x9400  }
0x668: {  	[tilespmem:s28], [sflag:$0x1] =	stream.indirect_vreg.gather [hbm4b:s0+s8], $0x80, v26, vm0, $0xb8;
	[tilespmem:$0x1C7C8] =	vst v63  }
0x669: {  	v26 =	vld [tilespmem:s25+$0x70];
	_ =	sdelay $0x4  }
0x66a: {  	v27 =	vshll.u32 v26, $0x1  }
0x66b: {  	v26 =	vand.u32 $0x7, v26;
	v27 =	vand.u32 $0xFFFFFFF0, v27  }
0x66c: {  	v26 =	vor.u32 v26, v27  }
0x66d: {  	v27 =	vperm.xlane v26, v9;
	_ =	sdelay $0x1  }
0x66e: {  	v57 =	vperm.xlane v26, v11;
	v27 =	vadd.s32 v12, v27;
	_ =	sdelay $0x1  }
0x66f: {  	v58 =	vperm.xlane v26, v13;
	v28 =	vadd.s32 v12, v57;
	_ =	sdelay $0x1  }
0x670: {  	s28 =	simm.s32 $0x9480;
	v59 =	vperm.xlane v26, v14;
	v29 =	vadd.s32 v12, v58  }
0x671: {  	[tilespmem:s28], [sflag:$0x1] =	stream.indirect_vreg.gather [hbm4b:s0+s8], $0x80, v27, vm0, $0xb8;
	[tilespmem:$0x1C7C8] =	vst v63  }
0x672: {  	v60 =	vperm.xlane v26, v15;
	v27 =	vadd.s32 v12, v59;
	s28 =	simm.s32 $0x9500  }
0x673: {  	[tilespmem:s28], [sflag:$0x1] =	stream.indirect_vreg.gather [hbm4b:s0+s8], $0x80, v28, vm0, $0xb8;
	[tilespmem:$0x1C7C8] =	vst v63  }
0x674: {  	v62 =	vperm.xlane v26, v16;
	v61 =	vadd.s32 v12, v60;
	s28 =	simm.s32 $0x9580  }
0x675: {  	[tilespmem:s28], [sflag:$0x1] =	stream.indirect_vreg.gather [hbm4b:s0+s8], $0x80, v29, vm0, $0xb8;
	[tilespmem:$0x1C7C8] =	vst v63  }
0x676: {  	v33 =	vperm.xlane v26, v17;
	v63 =	vadd.s32 v12, v62;
	s28 =	simm.s32 $0x9600  }
0x677: {  	[tilespmem:s28], [sflag:$0x1] =	stream.indirect_vreg.gather [hbm4b:s0+s8], $0x80, v27, vm0, $0xb8;
	[tilespmem:$0x1C7C8] =	vst v63  }
0x678: {  	v34 =	vperm.xlane v26, v10;
	v27 =	vadd.s32 v12, v33;
	s28 =	simm.s32 $0x9680  }
0x679: {  	[tilespmem:s28], [sflag:$0x1] =	stream.indirect_vreg.gather [hbm4b:s0+s8], $0x80, v61, vm0, $0xb8;
	[tilespmem:$0x1C7C8] =	vst v63  }
0x67a: {  	v36 =	vperm.xlane v26, v18;
	v35 =	vadd.s32 v12, v34;
	s28 =	simm.s32 $0x9700  }
0x67b: {  	[tilespmem:s28], [sflag:$0x1] =	stream.indirect_vreg.gather [hbm4b:s0+s8], $0x80, v63, vm0, $0xb8;
	[tilespmem:$0x1C7C8] =	vst v63  }
0x67c: {  	v38 =	vperm.xlane v26, v19;
	v37 =	vadd.s32 v12, v36;
	s28 =	simm.s32 $0x9780  }
0x67d: {  	[tilespmem:s28], [sflag:$0x1] =	stream.indirect_vreg.gather [hbm4b:s0+s8], $0x80, v27, vm0, $0xb8;
	[tilespmem:$0x1C7C8] =	vst v63  }
0x67e: {  	v39 =	vperm.xlane v26, v20;
	v27 =	vadd.s32 v12, v38;
	s28 =	simm.s32 $0x9800  }
0x67f: {  	[tilespmem:s28], [sflag:$0x1] =	stream.indirect_vreg.gather [hbm4b:s0+s8], $0x80, v35, vm0, $0xb8;
	[tilespmem:$0x1C7C8] =	vst v63  }
0x680: {  	v41 =	vperm.xlane v26, v21;
	v40 =	vadd.s32 v12, v39;
	s28 =	simm.s32 $0x9880  }
0x681: {  	[tilespmem:s28], [sflag:$0x1] =	stream.indirect_vreg.gather [hbm4b:s0+s8], $0x80, v37, vm0, $0xb8;
	[tilespmem:$0x1C7C8] =	vst v63  }
0x682: {  	v43 =	vperm.xlane v26, v22;
	v42 =	vadd.s32 v12, v41;
	s28 =	simm.s32 $0x9900  }
0x683: {  	[tilespmem:s28], [sflag:$0x1] =	stream.indirect_vreg.gather [hbm4b:s0+s8], $0x80, v27, vm0, $0xb8;
	[tilespmem:$0x1C7C8] =	vst v63  }
0x684: {  	v44 =	vperm.xlane v26, v23;
	v27 =	vadd.s32 v12, v43;
	s28 =	simm.s32 $0x9980  }
0x685: {  	[tilespmem:s28], [sflag:$0x1] =	stream.indirect_vreg.gather [hbm4b:s0+s8], $0x80, v40, vm0, $0xb8;
	[tilespmem:$0x1C7C8] =	vst v63  }
0x686: {  	v46 =	vperm.xlane v26, v24;
	v45 =	vadd.s32 v12, v44;
	s28 =	simm.s32 $0x9A00  }
0x687: {  	[tilespmem:s28], [sflag:$0x1] =	stream.indirect_vreg.gather [hbm4b:s0+s8], $0x80, v42, vm0, $0xb8;
	[tilespmem:$0x1C7C8] =	vst v63  }
0x688: {  	v26 =	vperm.xlane v26, v25;
	v47 =	vadd.s32 v12, v46;
	s28 =	simm.s32 $0x9A80  }
0x689: {  	[tilespmem:s28], [sflag:$0x1] =	stream.indirect_vreg.gather [hbm4b:s0+s8], $0x80, v27, vm0, $0xb8;
	[tilespmem:$0x1C7C8] =	vst v63  }
0x68a: {  	v26 =	vadd.s32 v12, v26;
	s28 =	simm.s32 $0x9B00  }
0x68b: {  	[tilespmem:s28], [sflag:$0x1] =	stream.indirect_vreg.gather [hbm4b:s0+s8], $0x80, v45, vm0, $0xb8;
	[tilespmem:$0x1C7C8] =	vst v63  }
0x68c: {  	s28 =	simm.s32 $0x9B80  }
0x68d: {  	[tilespmem:s28], [sflag:$0x1] =	stream.indirect_vreg.gather [hbm4b:s0+s8], $0x80, v47, vm0, $0xb8;
	[tilespmem:$0x1C7C8] =	vst v63  }
0x68e: {  	s28 =	simm.s32 $0x9C00  }
0x68f: {  	[tilespmem:s28], [sflag:$0x1] =	stream.indirect_vreg.gather [hbm4b:s0+s8], $0x80, v26, vm0, $0xb8;
	[tilespmem:$0x1C7C8] =	vst v63  }
0x690: {  	v26 =	vld [tilespmem:s25+$0x80];
	_ =	sdelay $0x4  }
0x691: {  	v27 =	vshll.u32 v26, $0x1  }
0x692: {  	v26 =	vand.u32 $0x7, v26;
	v27 =	vand.u32 $0xFFFFFFF0, v27  }
0x693: {  	v26 =	vor.u32 v26, v27  }
0x694: {  	v27 =	vperm.xlane v26, v9;
	_ =	sdelay $0x1  }
0x695: {  	v48 =	vperm.xlane v26, v11;
	v27 =	vadd.s32 v12, v27;
	_ =	sdelay $0x1  }
0x696: {  	v49 =	vperm.xlane v26, v13;
	v28 =	vadd.s32 v12, v48;
	_ =	sdelay $0x1  }
0x697: {  	s28 =	simm.s32 $0x9C80;
	v50 =	vperm.xlane v26, v14;
	v29 =	vadd.s32 v12, v49  }
0x698: {  	[tilespmem:s28], [sflag:$0x1] =	stream.indirect_vreg.gather [hbm4b:s0+s8], $0x80, v27, vm0, $0xb8;
	[tilespmem:$0x1C7C8] =	vst v63  }
0x699: {  	v51 =	vperm.xlane v26, v15;
	v27 =	vadd.s32 v12, v50;
	s28 =	simm.s32 $0x9D00  }
0x69a: {  	[tilespmem:s28], [sflag:$0x1] =	stream.indirect_vreg.gather [hbm4b:s0+s8], $0x80, v28, vm0, $0xb8;
	[tilespmem:$0x1C7C8] =	vst v63  }
0x69b: {  	v53 =	vperm.xlane v26, v16;
	v52 =	vadd.s32 v12, v51;
	s28 =	simm.s32 $0x9D80  }
0x69c: {  	[tilespmem:s28], [sflag:$0x1] =	stream.indirect_vreg.gather [hbm4b:s0+s8], $0x80, v29, vm0, $0xb8;
	[tilespmem:$0x1C7C8] =	vst v63  }
0x69d: {  	v55 =	vperm.xlane v26, v17;
	v54 =	vadd.s32 v12, v53;
	s28 =	simm.s32 $0x9E00  }
0x69e: {  	[tilespmem:s28], [sflag:$0x1] =	stream.indirect_vreg.gather [hbm4b:s0+s8], $0x80, v27, vm0, $0xb8;
	[tilespmem:$0x1C7C8] =	vst v63  }
0x69f: {  	v56 =	vperm.xlane v26, v10;
	v27 =	vadd.s32 v12, v55;
	s28 =	simm.s32 $0x9E80  }
0x6a0: {  	[tilespmem:s28], [sflag:$0x1] =	stream.indirect_vreg.gather [hbm4b:s0+s8], $0x80, v52, vm0, $0xb8;
	[tilespmem:$0x1C7C8] =	vst v63  }
0x6a1: {  	v58 =	vperm.xlane v26, v18;
	v57 =	vadd.s32 v12, v56;
	s28 =	simm.s32 $0x9F00  }
0x6a2: {  	[tilespmem:s28], [sflag:$0x1] =	stream.indirect_vreg.gather [hbm4b:s0+s8], $0x80, v54, vm0, $0xb8;
	[tilespmem:$0x1C7C8] =	vst v63  }
0x6a3: {  	v60 =	vperm.xlane v26, v19;
	v59 =	vadd.s32 v12, v58;
	s28 =	simm.s32 $0x9F80  }
0x6a4: {  	[tilespmem:s28], [sflag:$0x1] =	stream.indirect_vreg.gather [hbm4b:s0+s8], $0x80, v27, vm0, $0xb8;
	[tilespmem:$0x1C7C8] =	vst v63  }
0x6a5: {  	v61 =	vperm.xlane v26, v20;
	v27 =	vadd.s32 v12, v60;
	s28 =	simm.s32 $0xA000  }
0x6a6: {  	[tilespmem:s28], [sflag:$0x1] =	stream.indirect_vreg.gather [hbm4b:s0+s8], $0x80, v57, vm0, $0xb8;
	[tilespmem:$0x1C7C8] =	vst v63  }
0x6a7: {  	v63 =	vperm.xlane v26, v21;
	v62 =	vadd.s32 v12, v61;
	s28 =	simm.s32 $0xA080  }
0x6a8: {  	[tilespmem:s28], [sflag:$0x1] =	stream.indirect_vreg.gather [hbm4b:s0+s8], $0x80, v59, vm0, $0xb8;
	[tilespmem:$0x1C7C8] =	vst v63  }
0x6a9: {  	v34 =	vperm.xlane v26, v22;
	v33 =	vadd.s32 v12, v63;
	s28 =	simm.s32 $0xA100  }
0x6aa: {  	[tilespmem:s28], [sflag:$0x1] =	stream.indirect_vreg.gather [hbm4b:s0+s8], $0x80, v27, vm0, $0xb8;
	[tilespmem:$0x1C7C8] =	vst v63  }
0x6ab: {  	v35 =	vperm.xlane v26, v23;
	v27 =	vadd.s32 v12, v34;
	s28 =	simm.s32 $0xA180  }
0x6ac: {  	[tilespmem:s28], [sflag:$0x1] =	stream.indirect_vreg.gather [hbm4b:s0+s8], $0x80, v62, vm0, $0xb8;
	[tilespmem:$0x1C7C8] =	vst v63  }
0x6ad: {  	v37 =	vperm.xlane v26, v24;
	v36 =	vadd.s32 v12, v35;
	s28 =	simm.s32 $0xA200  }
0x6ae: {  	[tilespmem:s28], [sflag:$0x1] =	stream.indirect_vreg.gather [hbm4b:s0+s8], $0x80, v33, vm0, $0xb8;
	[tilespmem:$0x1C7C8] =	vst v63  }
0x6af: {  	v26 =	vperm.xlane v26, v25;
	v38 =	vadd.s32 v12, v37;
	s28 =	simm.s32 $0xA280  }
0x6b0: {  	[tilespmem:s28], [sflag:$0x1] =	stream.indirect_vreg.gather [hbm4b:s0+s8], $0x80, v27, vm0, $0xb8;
	[tilespmem:$0x1C7C8] =	vst v63  }
0x6b1: {  	v26 =	vadd.s32 v12, v26;
	s28 =	simm.s32 $0xA300  }
0x6b2: {  	[tilespmem:s28], [sflag:$0x1] =	stream.indirect_vreg.gather [hbm4b:s0+s8], $0x80, v36, vm0, $0xb8;
	[tilespmem:$0x1C7C8] =	vst v63  }
0x6b3: {  	s28 =	simm.s32 $0xA380  }
0x6b4: {  	[tilespmem:s28], [sflag:$0x1] =	stream.indirect_vreg.gather [hbm4b:s0+s8], $0x80, v38, vm0, $0xb8;
	[tilespmem:$0x1C7C8] =	vst v63  }
0x6b5: {  	s28 =	simm.s32 $0xA400  }
0x6b6: {  	[tilespmem:s28], [sflag:$0x1] =	stream.indirect_vreg.gather [hbm4b:s0+s8], $0x80, v26, vm0, $0xb8;
	[tilespmem:$0x1C7C8] =	vst v63  }
0x6b7: {  	v26 =	vld [tilespmem:s25+$0x90];
	_ =	sdelay $0x4  }
0x6b8: {  	v27 =	vshll.u32 v26, $0x1  }
0x6b9: {  	v26 =	vand.u32 $0x7, v26;
	v27 =	vand.u32 $0xFFFFFFF0, v27  }
0x6ba: {  	v26 =	vor.u32 v26, v27  }
0x6bb: {  	v27 =	vperm.xlane v26, v9;
	_ =	sdelay $0x1  }
0x6bc: {  	v39 =	vperm.xlane v26, v11;
	v27 =	vadd.s32 v12, v27;
	_ =	sdelay $0x1  }
0x6bd: {  	v40 =	vperm.xlane v26, v13;
	v28 =	vadd.s32 v12, v39;
	_ =	sdelay $0x1  }
0x6be: {  	s28 =	simm.s32 $0xA480;
	v41 =	vperm.xlane v26, v14;
	v29 =	vadd.s32 v12, v40  }
0x6bf: {  	[tilespmem:s28], [sflag:$0x1] =	stream.indirect_vreg.gather [hbm4b:s0+s8], $0x80, v27, vm0, $0xb8;
	[tilespmem:$0x1C7C8] =	vst v63  }
0x6c0: {  	v42 =	vperm.xlane v26, v15;
	v27 =	vadd.s32 v12, v41;
	s28 =	simm.s32 $0xA500  }
0x6c1: {  	[tilespmem:s28], [sflag:$0x1] =	stream.indirect_vreg.gather [hbm4b:s0+s8], $0x80, v28, vm0, $0xb8;
	[tilespmem:$0x1C7C8] =	vst v63  }
0x6c2: {  	v44 =	vperm.xlane v26, v16;
	v43 =	vadd.s32 v12, v42;
	s28 =	simm.s32 $0xA580  }
0x6c3: {  	[tilespmem:s28], [sflag:$0x1] =	stream.indirect_vreg.gather [hbm4b:s0+s8], $0x80, v29, vm0, $0xb8;
	[tilespmem:$0x1C7C8] =	vst v63  }
0x6c4: {  	v46 =	vperm.xlane v26, v17;
	v45 =	vadd.s32 v12, v44;
	s28 =	simm.s32 $0xA600  }
0x6c5: {  	[tilespmem:s28], [sflag:$0x1] =	stream.indirect_vreg.gather [hbm4b:s0+s8], $0x80, v27, vm0, $0xb8;
	[tilespmem:$0x1C7C8] =	vst v63  }
0x6c6: {  	v47 =	vperm.xlane v26, v10;
	v27 =	vadd.s32 v12, v46;
	s28 =	simm.s32 $0xA680  }
0x6c7: {  	[tilespmem:s28], [sflag:$0x1] =	stream.indirect_vreg.gather [hbm4b:s0+s8], $0x80, v43, vm0, $0xb8;
	[tilespmem:$0x1C7C8] =	vst v63  }
0x6c8: {  	v49 =	vperm.xlane v26, v18;
	v48 =	vadd.s32 v12, v47;
	s28 =	simm.s32 $0xA700  }
0x6c9: {  	[tilespmem:s28], [sflag:$0x1] =	stream.indirect_vreg.gather [hbm4b:s0+s8], $0x80, v45, vm0, $0xb8;
	[tilespmem:$0x1C7C8] =	vst v63  }
0x6ca: {  	v51 =	vperm.xlane v26, v19;
	v50 =	vadd.s32 v12, v49;
	s28 =	simm.s32 $0xA780  }
0x6cb: {  	[tilespmem:s28], [sflag:$0x1] =	stream.indirect_vreg.gather [hbm4b:s0+s8], $0x80, v27, vm0, $0xb8;
	[tilespmem:$0x1C7C8] =	vst v63  }
0x6cc: {  	v52 =	vperm.xlane v26, v20;
	v27 =	vadd.s32 v12, v51;
	s28 =	simm.s32 $0xA800  }
0x6cd: {  	[tilespmem:s28], [sflag:$0x1] =	stream.indirect_vreg.gather [hbm4b:s0+s8], $0x80, v48, vm0, $0xb8;
	[tilespmem:$0x1C7C8] =	vst v63  }
0x6ce: {  	v54 =	vperm.xlane v26, v21;
	v53 =	vadd.s32 v12, v52;
	s28 =	simm.s32 $0xA880  }
0x6cf: {  	[tilespmem:s28], [sflag:$0x1] =	stream.indirect_vreg.gather [hbm4b:s0+s8], $0x80, v50, vm0, $0xb8;
	[tilespmem:$0x1C7C8] =	vst v63  }
0x6d0: {  	v56 =	vperm.xlane v26, v22;
	v55 =	vadd.s32 v12, v54;
	s28 =	simm.s32 $0xA900  }
0x6d1: {  	[tilespmem:s28], [sflag:$0x1] =	stream.indirect_vreg.gather [hbm4b:s0+s8], $0x80, v27, vm0, $0xb8;
	[tilespmem:$0x1C7C8] =	vst v63  }
0x6d2: {  	v57 =	vperm.xlane v26, v23;
	v27 =	vadd.s32 v12, v56;
	s28 =	simm.s32 $0xA980  }
0x6d3: {  	[tilespmem:s28], [sflag:$0x1] =	stream.indirect_vreg.gather [hbm4b:s0+s8], $0x80, v53, vm0, $0xb8;
	[tilespmem:$0x1C7C8] =	vst v63  }
0x6d4: {  	v59 =	vperm.xlane v26, v24;
	v58 =	vadd.s32 v12, v57;
	s28 =	simm.s32 $0xAA00  }
0x6d5: {  	[tilespmem:s28], [sflag:$0x1] =	stream.indirect_vreg.gather [hbm4b:s0+s8], $0x80, v55, vm0, $0xb8;
	[tilespmem:$0x1C7C8] =	vst v63  }
0x6d6: {  	v26 =	vperm.xlane v26, v25;
	v60 =	vadd.s32 v12, v59;
	s28 =	simm.s32 $0xAA80  }
0x6d7: {  	[tilespmem:s28], [sflag:$0x1] =	stream.indirect_vreg.gather [hbm4b:s0+s8], $0x80, v27, vm0, $0xb8;
	[tilespmem:$0x1C7C8] =	vst v63  }
0x6d8: {  	v26 =	vadd.s32 v12, v26;
	s28 =	simm.s32 $0xAB00  }
0x6d9: {  	[tilespmem:s28], [sflag:$0x1] =	stream.indirect_vreg.gather [hbm4b:s0+s8], $0x80, v58, vm0, $0xb8;
	[tilespmem:$0x1C7C8] =	vst v63  }
0x6da: {  	s28 =	simm.s32 $0xAB80  }
0x6db: {  	[tilespmem:s28], [sflag:$0x1] =	stream.indirect_vreg.gather [hbm4b:s0+s8], $0x80, v60, vm0, $0xb8;
	[tilespmem:$0x1C7C8] =	vst v63  }
0x6dc: {  	s28 =	simm.s32 $0xAC00  }
0x6dd: {  	[tilespmem:s28], [sflag:$0x1] =	stream.indirect_vreg.gather [hbm4b:s0+s8], $0x80, v26, vm0, $0xb8;
	[tilespmem:$0x1C7C8] =	vst v63  }
0x6de: {  	v26 =	vld [tilespmem:s25+$0xA0];
	_ =	sdelay $0x4  }
0x6df: {  	v27 =	vshll.u32 v26, $0x1  }
0x6e0: {  	v26 =	vand.u32 $0x7, v26;
	v27 =	vand.u32 $0xFFFFFFF0, v27  }
0x6e1: {  	v26 =	vor.u32 v26, v27  }
0x6e2: {  	v27 =	vperm.xlane v26, v9;
	_ =	sdelay $0x1  }
0x6e3: {  	v61 =	vperm.xlane v26, v11;
	v27 =	vadd.s32 v12, v27;
	_ =	sdelay $0x1  }
0x6e4: {  	v62 =	vperm.xlane v26, v13;
	v28 =	vadd.s32 v12, v61;
	_ =	sdelay $0x1  }
0x6e5: {  	s28 =	simm.s32 $0xAC80;
	v63 =	vperm.xlane v26, v14;
	v29 =	vadd.s32 v12, v62  }
0x6e6: {  	[tilespmem:s28], [sflag:$0x1] =	stream.indirect_vreg.gather [hbm4b:s0+s8], $0x80, v27, vm0, $0xb8;
	[tilespmem:$0x1C7C8] =	vst v63  }
0x6e7: {  	v33 =	vperm.xlane v26, v15;
	v27 =	vadd.s32 v12, v63;
	s28 =	simm.s32 $0xAD00  }
0x6e8: {  	[tilespmem:s28], [sflag:$0x1] =	stream.indirect_vreg.gather [hbm4b:s0+s8], $0x80, v28, vm0, $0xb8;
	[tilespmem:$0x1C7C8] =	vst v63  }
0x6e9: {  	v35 =	vperm.xlane v26, v16;
	v34 =	vadd.s32 v12, v33;
	s28 =	simm.s32 $0xAD80  }
0x6ea: {  	[tilespmem:s28], [sflag:$0x1] =	stream.indirect_vreg.gather [hbm4b:s0+s8], $0x80, v29, vm0, $0xb8;
	[tilespmem:$0x1C7C8] =	vst v63  }
0x6eb: {  	v37 =	vperm.xlane v26, v17;
	v36 =	vadd.s32 v12, v35;
	s28 =	simm.s32 $0xAE00  }
0x6ec: {  	[tilespmem:s28], [sflag:$0x1] =	stream.indirect_vreg.gather [hbm4b:s0+s8], $0x80, v27, vm0, $0xb8;
	[tilespmem:$0x1C7C8] =	vst v63  }
0x6ed: {  	v38 =	vperm.xlane v26, v10;
	v27 =	vadd.s32 v12, v37;
	s28 =	simm.s32 $0xAE80  }
0x6ee: {  	[tilespmem:s28], [sflag:$0x1] =	stream.indirect_vreg.gather [hbm4b:s0+s8], $0x80, v34, vm0, $0xb8;
	[tilespmem:$0x1C7C8] =	vst v63  }
0x6ef: {  	v40 =	vperm.xlane v26, v18;
	v39 =	vadd.s32 v12, v38;
	s28 =	simm.s32 $0xAF00  }
0x6f0: {  	[tilespmem:s28], [sflag:$0x1] =	stream.indirect_vreg.gather [hbm4b:s0+s8], $0x80, v36, vm0, $0xb8;
	[tilespmem:$0x1C7C8] =	vst v63  }
0x6f1: {  	v42 =	vperm.xlane v26, v19;
	v41 =	vadd.s32 v12, v40;
	s28 =	simm.s32 $0xAF80  }
0x6f2: {  	[tilespmem:s28], [sflag:$0x1] =	stream.indirect_vreg.gather [hbm4b:s0+s8], $0x80, v27, vm0, $0xb8;
	[tilespmem:$0x1C7C8] =	vst v63  }
0x6f3: {  	v43 =	vperm.xlane v26, v20;
	v27 =	vadd.s32 v12, v42;
	s28 =	simm.s32 $0xB000  }
0x6f4: {  	[tilespmem:s28], [sflag:$0x1] =	stream.indirect_vreg.gather [hbm4b:s0+s8], $0x80, v39, vm0, $0xb8;
	[tilespmem:$0x1C7C8] =	vst v63  }
0x6f5: {  	v45 =	vperm.xlane v26, v21;
	v44 =	vadd.s32 v12, v43;
	s28 =	simm.s32 $0xB080  }
0x6f6: {  	[tilespmem:s28], [sflag:$0x1] =	stream.indirect_vreg.gather [hbm4b:s0+s8], $0x80, v41, vm0, $0xb8;
	[tilespmem:$0x1C7C8] =	vst v63  }
0x6f7: {  	v47 =	vperm.xlane v26, v22;
	v46 =	vadd.s32 v12, v45;
	s28 =	simm.s32 $0xB100  }
0x6f8: {  	[tilespmem:s28], [sflag:$0x1] =	stream.indirect_vreg.gather [hbm4b:s0+s8], $0x80, v27, vm0, $0xb8;
	[tilespmem:$0x1C7C8] =	vst v63  }
0x6f9: {  	v48 =	vperm.xlane v26, v23;
	v27 =	vadd.s32 v12, v47;
	s28 =	simm.s32 $0xB180  }
0x6fa: {  	[tilespmem:s28], [sflag:$0x1] =	stream.indirect_vreg.gather [hbm4b:s0+s8], $0x80, v44, vm0, $0xb8;
	[tilespmem:$0x1C7C8] =	vst v63  }
0x6fb: {  	v50 =	vperm.xlane v26, v24;
	v49 =	vadd.s32 v12, v48;
	s28 =	simm.s32 $0xB200  }
0x6fc: {  	[tilespmem:s28], [sflag:$0x1] =	stream.indirect_vreg.gather [hbm4b:s0+s8], $0x80, v46, vm0, $0xb8;
	[tilespmem:$0x1C7C8] =	vst v63  }
0x6fd: {  	v26 =	vperm.xlane v26, v25;
	v51 =	vadd.s32 v12, v50;
	s28 =	simm.s32 $0xB280  }
0x6fe: {  	[tilespmem:s28], [sflag:$0x1] =	stream.indirect_vreg.gather [hbm4b:s0+s8], $0x80, v27, vm0, $0xb8;
	[tilespmem:$0x1C7C8] =	vst v63  }
0x6ff: {  	v26 =	vadd.s32 v12, v26;
	s28 =	simm.s32 $0xB300  }
0x700: {  	[tilespmem:s28], [sflag:$0x1] =	stream.indirect_vreg.gather [hbm4b:s0+s8], $0x80, v49, vm0, $0xb8;
	[tilespmem:$0x1C7C8] =	vst v63  }
0x701: {  	s28 =	simm.s32 $0xB380  }
0x702: {  	[tilespmem:s28], [sflag:$0x1] =	stream.indirect_vreg.gather [hbm4b:s0+s8], $0x80, v51, vm0, $0xb8;
	[tilespmem:$0x1C7C8] =	vst v63  }
0x703: {  	s28 =	simm.s32 $0xB400  }
0x704: {  	[tilespmem:s28], [sflag:$0x1] =	stream.indirect_vreg.gather [hbm4b:s0+s8], $0x80, v26, vm0, $0xb8;
	[tilespmem:$0x1C7C8] =	vst v63  }
0x705: {  	v26 =	vld [tilespmem:s25+$0xB0];
	_ =	sdelay $0x4  }
0x706: {  	v27 =	vshll.u32 v26, $0x1  }
0x707: {  	v26 =	vand.u32 $0x7, v26;
	v27 =	vand.u32 $0xFFFFFFF0, v27  }
0x708: {  	v26 =	vor.u32 v26, v27  }
0x709: {  	v27 =	vperm.xlane v26, v9;
	_ =	sdelay $0x1  }
0x70a: {  	v52 =	vperm.xlane v26, v11;
	v27 =	vadd.s32 v12, v27;
	_ =	sdelay $0x1  }
0x70b: {  	v53 =	vperm.xlane v26, v13;
	v28 =	vadd.s32 v12, v52;
	_ =	sdelay $0x1  }
0x70c: {  	s28 =	simm.s32 $0xB480;
	v54 =	vperm.xlane v26, v14;
	v29 =	vadd.s32 v12, v53  }
0x70d: {  	[tilespmem:s28], [sflag:$0x1] =	stream.indirect_vreg.gather [hbm4b:s0+s8], $0x80, v27, vm0, $0xb8;
	[tilespmem:$0x1C7C8] =	vst v63  }
0x70e: {  	v55 =	vperm.xlane v26, v15;
	v27 =	vadd.s32 v12, v54;
	s28 =	simm.s32 $0xB500  }
0x70f: {  	[tilespmem:s28], [sflag:$0x1] =	stream.indirect_vreg.gather [hbm4b:s0+s8], $0x80, v28, vm0, $0xb8;
	[tilespmem:$0x1C7C8] =	vst v63  }
0x710: {  	v57 =	vperm.xlane v26, v16;
	v56 =	vadd.s32 v12, v55;
	s28 =	simm.s32 $0xB580  }
0x711: {  	[tilespmem:s28], [sflag:$0x1] =	stream.indirect_vreg.gather [hbm4b:s0+s8], $0x80, v29, vm0, $0xb8;
	[tilespmem:$0x1C7C8] =	vst v63  }
0x712: {  	v59 =	vperm.xlane v26, v17;
	v58 =	vadd.s32 v12, v57;
	s28 =	simm.s32 $0xB600  }
0x713: {  	[tilespmem:s28], [sflag:$0x1] =	stream.indirect_vreg.gather [hbm4b:s0+s8], $0x80, v27, vm0, $0xb8;
	[tilespmem:$0x1C7C8] =	vst v63  }
0x714: {  	v60 =	vperm.xlane v26, v10;
	v27 =	vadd.s32 v12, v59;
	s28 =	simm.s32 $0xB680  }
0x715: {  	[tilespmem:s28], [sflag:$0x1] =	stream.indirect_vreg.gather [hbm4b:s0+s8], $0x80, v56, vm0, $0xb8;
	[tilespmem:$0x1C7C8] =	vst v63  }
0x716: {  	v62 =	vperm.xlane v26, v18;
	v61 =	vadd.s32 v12, v60;
	s28 =	simm.s32 $0xB700  }
0x717: {  	[tilespmem:s28], [sflag:$0x1] =	stream.indirect_vreg.gather [hbm4b:s0+s8], $0x80, v58, vm0, $0xb8;
	[tilespmem:$0x1C7C8] =	vst v63  }
0x718: {  	v33 =	vperm.xlane v26, v19;
	v63 =	vadd.s32 v12, v62;
	s28 =	simm.s32 $0xB780  }
0x719: {  	[tilespmem:s28], [sflag:$0x1] =	stream.indirect_vreg.gather [hbm4b:s0+s8], $0x80, v27, vm0, $0xb8;
	[tilespmem:$0x1C7C8] =	vst v63  }
0x71a: {  	v34 =	vperm.xlane v26, v20;
	v27 =	vadd.s32 v12, v33;
	s28 =	simm.s32 $0xB800  }
0x71b: {  	[tilespmem:s28], [sflag:$0x1] =	stream.indirect_vreg.gather [hbm4b:s0+s8], $0x80, v61, vm0, $0xb8;
	[tilespmem:$0x1C7C8] =	vst v63  }
0x71c: {  	v36 =	vperm.xlane v26, v21;
	v35 =	vadd.s32 v12, v34;
	s28 =	simm.s32 $0xB880  }
0x71d: {  	[tilespmem:s28], [sflag:$0x1] =	stream.indirect_vreg.gather [hbm4b:s0+s8], $0x80, v63, vm0, $0xb8;
	[tilespmem:$0x1C7C8] =	vst v63  }
0x71e: {  	v38 =	vperm.xlane v26, v22;
	v37 =	vadd.s32 v12, v36;
	s28 =	simm.s32 $0xB900  }
0x71f: {  	[tilespmem:s28], [sflag:$0x1] =	stream.indirect_vreg.gather [hbm4b:s0+s8], $0x80, v27, vm0, $0xb8;
	[tilespmem:$0x1C7C8] =	vst v63  }
0x720: {  	v39 =	vperm.xlane v26, v23;
	v27 =	vadd.s32 v12, v38;
	s28 =	simm.s32 $0xB980  }
0x721: {  	[tilespmem:s28], [sflag:$0x1] =	stream.indirect_vreg.gather [hbm4b:s0+s8], $0x80, v35, vm0, $0xb8;
	[tilespmem:$0x1C7C8] =	vst v63  }
0x722: {  	v41 =	vperm.xlane v26, v24;
	v40 =	vadd.s32 v12, v39;
	s28 =	simm.s32 $0xBA00  }
0x723: {  	[tilespmem:s28], [sflag:$0x1] =	stream.indirect_vreg.gather [hbm4b:s0+s8], $0x80, v37, vm0, $0xb8;
	[tilespmem:$0x1C7C8] =	vst v63  }
0x724: {  	v26 =	vperm.xlane v26, v25;
	v42 =	vadd.s32 v12, v41;
	s28 =	simm.s32 $0xBA80  }
0x725: {  	[tilespmem:s28], [sflag:$0x1] =	stream.indirect_vreg.gather [hbm4b:s0+s8], $0x80, v27, vm0, $0xb8;
	[tilespmem:$0x1C7C8] =	vst v63  }
0x726: {  	v26 =	vadd.s32 v12, v26;
	s28 =	simm.s32 $0xBB00  }
0x727: {  	[tilespmem:s28], [sflag:$0x1] =	stream.indirect_vreg.gather [hbm4b:s0+s8], $0x80, v40, vm0, $0xb8;
	[tilespmem:$0x1C7C8] =	vst v63  }
0x728: {  	s28 =	simm.s32 $0xBB80  }
0x729: {  	[tilespmem:s28], [sflag:$0x1] =	stream.indirect_vreg.gather [hbm4b:s0+s8], $0x80, v42, vm0, $0xb8;
	[tilespmem:$0x1C7C8] =	vst v63  }
0x72a: {  	s28 =	simm.s32 $0xBC00  }
0x72b: {  	[tilespmem:s28], [sflag:$0x1] =	stream.indirect_vreg.gather [hbm4b:s0+s8], $0x80, v26, vm0, $0xb8;
	[tilespmem:$0x1C7C8] =	vst v63  }
0x72c: {  	v26 =	vld [tilespmem:s25+$0x40];
	_ =	sdelay $0x4  }
0x72d: {  	v27 =	vshll.u32 v26, $0x1  }
0x72e: {  	v26 =	vand.u32 $0x7, v26;
	v27 =	vand.u32 $0xFFFFFFF0, v27  }
0x72f: {  	v26 =	vor.u32 v26, v27  }
0x730: {  	v27 =	vperm.xlane v26, v9;
	_ =	sdelay $0x1  }
0x731: {  	v43 =	vperm.xlane v26, v11;
	v27 =	vadd.s32 v12, v27;
	_ =	sdelay $0x1  }
0x732: {  	v44 =	vperm.xlane v26, v13;
	v28 =	vadd.s32 v12, v43;
	_ =	sdelay $0x1  }
0x733: {  	v45 =	vperm.xlane v26, v14;
	v29 =	vadd.s32 v12, v44  }
0x734: {  	[tilespmem:s10], [sflag:$0x1] =	stream.indirect_vreg.gather [hbm4b:s16+s8], $0x80, v27, vm0, $0xb8;
	[tilespmem:$0x1C7C8] =	vst v63  }
0x735: {  	s28 =	simm.s32 $0xBD00;
	v46 =	vperm.xlane v26, v15;
	v27 =	vadd.s32 v12, v45  }
0x736: {  	[tilespmem:s28], [sflag:$0x1] =	stream.indirect_vreg.gather [hbm4b:s16+s8], $0x80, v28, vm0, $0xb8;
	[tilespmem:$0x1C7C8] =	vst v63  }
0x737: {  	v48 =	vperm.xlane v26, v16;
	v47 =	vadd.s32 v12, v46;
	s28 =	simm.s32 $0xBD80  }
0x738: {  	[tilespmem:s28], [sflag:$0x1] =	stream.indirect_vreg.gather [hbm4b:s16+s8], $0x80, v29, vm0, $0xb8;
	[tilespmem:$0x1C7C8] =	vst v63  }
0x739: {  	v50 =	vperm.xlane v26, v17;
	v49 =	vadd.s32 v12, v48;
	s28 =	simm.s32 $0xBE00  }
0x73a: {  	[tilespmem:s28], [sflag:$0x1] =	stream.indirect_vreg.gather [hbm4b:s16+s8], $0x80, v27, vm0, $0xb8;
	[tilespmem:$0x1C7C8] =	vst v63  }
0x73b: {  	v51 =	vperm.xlane v26, v10;
	v27 =	vadd.s32 v12, v50;
	s28 =	simm.s32 $0xBE80  }
0x73c: {  	[tilespmem:s28], [sflag:$0x1] =	stream.indirect_vreg.gather [hbm4b:s16+s8], $0x80, v47, vm0, $0xb8;
	[tilespmem:$0x1C7C8] =	vst v63  }
0x73d: {  	v53 =	vperm.xlane v26, v18;
	v52 =	vadd.s32 v12, v51;
	s28 =	simm.s32 $0xBF00  }
0x73e: {  	[tilespmem:s28], [sflag:$0x1] =	stream.indirect_vreg.gather [hbm4b:s16+s8], $0x80, v49, vm0, $0xb8;
	[tilespmem:$0x1C7C8] =	vst v63  }
0x73f: {  	v55 =	vperm.xlane v26, v19;
	v54 =	vadd.s32 v12, v53;
	s28 =	simm.s32 $0xBF80  }
0x740: {  	[tilespmem:s28], [sflag:$0x1] =	stream.indirect_vreg.gather [hbm4b:s16+s8], $0x80, v27, vm0, $0xb8;
	[tilespmem:$0x1C7C8] =	vst v63  }
0x741: {  	v56 =	vperm.xlane v26, v20;
	v27 =	vadd.s32 v12, v55;
	s28 =	simm.s32 $0xC000  }
0x742: {  	[tilespmem:s28], [sflag:$0x1] =	stream.indirect_vreg.gather [hbm4b:s16+s8], $0x80, v52, vm0, $0xb8;
	[tilespmem:$0x1C7C8] =	vst v63  }
0x743: {  	v58 =	vperm.xlane v26, v21;
	v57 =	vadd.s32 v12, v56;
	s28 =	simm.s32 $0xC080  }
0x744: {  	[tilespmem:s28], [sflag:$0x1] =	stream.indirect_vreg.gather [hbm4b:s16+s8], $0x80, v54, vm0, $0xb8;
	[tilespmem:$0x1C7C8] =	vst v63  }
0x745: {  	v60 =	vperm.xlane v26, v22;
	v59 =	vadd.s32 v12, v58;
	s28 =	simm.s32 $0xC100  }
0x746: {  	[tilespmem:s28], [sflag:$0x1] =	stream.indirect_vreg.gather [hbm4b:s16+s8], $0x80, v27, vm0, $0xb8;
	[tilespmem:$0x1C7C8] =	vst v63  }
0x747: {  	v61 =	vperm.xlane v26, v23;
	v27 =	vadd.s32 v12, v60;
	s28 =	simm.s32 $0xC180  }
0x748: {  	[tilespmem:s28], [sflag:$0x1] =	stream.indirect_vreg.gather [hbm4b:s16+s8], $0x80, v57, vm0, $0xb8;
	[tilespmem:$0x1C7C8] =	vst v63  }
0x749: {  	v63 =	vperm.xlane v26, v24;
	v62 =	vadd.s32 v12, v61;
	s28 =	simm.s32 $0xC200  }
0x74a: {  	[tilespmem:s28], [sflag:$0x1] =	stream.indirect_vreg.gather [hbm4b:s16+s8], $0x80, v59, vm0, $0xb8;
	[tilespmem:$0x1C7C8] =	vst v63  }
0x74b: {  	v26 =	vperm.xlane v26, v25;
	v33 =	vadd.s32 v12, v63;
	s28 =	simm.s32 $0xC280  }
0x74c: {  	[tilespmem:s28], [sflag:$0x1] =	stream.indirect_vreg.gather [hbm4b:s16+s8], $0x80, v27, vm0, $0xb8;
	[tilespmem:$0x1C7C8] =	vst v63  }
0x74d: {  	v26 =	vadd.s32 v12, v26;
	s28 =	simm.s32 $0xC300  }
0x74e: {  	[tilespmem:s28], [sflag:$0x1] =	stream.indirect_vreg.gather [hbm4b:s16+s8], $0x80, v62, vm0, $0xb8;
	[tilespmem:$0x1C7C8] =	vst v63  }
0x74f: {  	s28 =	simm.s32 $0xC380  }
0x750: {  	[tilespmem:s28], [sflag:$0x1] =	stream.indirect_vreg.gather [hbm4b:s16+s8], $0x80, v33, vm0, $0xb8;
	[tilespmem:$0x1C7C8] =	vst v63  }
0x751: {  	s28 =	simm.s32 $0xC400  }
0x752: {  	[tilespmem:s28], [sflag:$0x1] =	stream.indirect_vreg.gather [hbm4b:s16+s8], $0x80, v26, vm0, $0xb8;
	[tilespmem:$0x1C7C8] =	vst v63  }
0x753: {  	v26 =	vld [tilespmem:s25+$0x50];
	_ =	sdelay $0x4  }
0x754: {  	v27 =	vshll.u32 v26, $0x1  }
0x755: {  	v26 =	vand.u32 $0x7, v26;
	v27 =	vand.u32 $0xFFFFFFF0, v27  }
0x756: {  	v26 =	vor.u32 v26, v27  }
0x757: {  	v27 =	vperm.xlane v26, v9;
	_ =	sdelay $0x1  }
0x758: {  	v34 =	vperm.xlane v26, v11;
	v27 =	vadd.s32 v12, v27;
	_ =	sdelay $0x1  }
0x759: {  	v35 =	vperm.xlane v26, v13;
	v28 =	vadd.s32 v12, v34;
	_ =	sdelay $0x1  }
0x75a: {  	s28 =	simm.s32 $0xC480;
	v36 =	vperm.xlane v26, v14;
	v29 =	vadd.s32 v12, v35  }
0x75b: {  	[tilespmem:s28], [sflag:$0x1] =	stream.indirect_vreg.gather [hbm4b:s16+s8], $0x80, v27, vm0, $0xb8;
	[tilespmem:$0x1C7C8] =	vst v63  }
0x75c: {  	v37 =	vperm.xlane v26, v15;
	v27 =	vadd.s32 v12, v36;
	s28 =	simm.s32 $0xC500  }
0x75d: {  	[tilespmem:s28], [sflag:$0x1] =	stream.indirect_vreg.gather [hbm4b:s16+s8], $0x80, v28, vm0, $0xb8;
	[tilespmem:$0x1C7C8] =	vst v63  }
0x75e: {  	v39 =	vperm.xlane v26, v16;
	v38 =	vadd.s32 v12, v37;
	s28 =	simm.s32 $0xC580  }
0x75f: {  	[tilespmem:s28], [sflag:$0x1] =	stream.indirect_vreg.gather [hbm4b:s16+s8], $0x80, v29, vm0, $0xb8;
	[tilespmem:$0x1C7C8] =	vst v63  }
0x760: {  	v41 =	vperm.xlane v26, v17;
	v40 =	vadd.s32 v12, v39;
	s28 =	simm.s32 $0xC600  }
0x761: {  	[tilespmem:s28], [sflag:$0x1] =	stream.indirect_vreg.gather [hbm4b:s16+s8], $0x80, v27, vm0, $0xb8;
	[tilespmem:$0x1C7C8] =	vst v63  }
0x762: {  	v42 =	vperm.xlane v26, v10;
	v27 =	vadd.s32 v12, v41;
	s28 =	simm.s32 $0xC680  }
0x763: {  	[tilespmem:s28], [sflag:$0x1] =	stream.indirect_vreg.gather [hbm4b:s16+s8], $0x80, v38, vm0, $0xb8;
	[tilespmem:$0x1C7C8] =	vst v63  }
0x764: {  	v44 =	vperm.xlane v26, v18;
	v43 =	vadd.s32 v12, v42;
	s28 =	simm.s32 $0xC700  }
0x765: {  	[tilespmem:s28], [sflag:$0x1] =	stream.indirect_vreg.gather [hbm4b:s16+s8], $0x80, v40, vm0, $0xb8;
	[tilespmem:$0x1C7C8] =	vst v63  }
0x766: {  	v46 =	vperm.xlane v26, v19;
	v45 =	vadd.s32 v12, v44;
	s28 =	simm.s32 $0xC780  }
0x767: {  	[tilespmem:s28], [sflag:$0x1] =	stream.indirect_vreg.gather [hbm4b:s16+s8], $0x80, v27, vm0, $0xb8;
	[tilespmem:$0x1C7C8] =	vst v63  }
0x768: {  	v47 =	vperm.xlane v26, v20;
	v27 =	vadd.s32 v12, v46;
	s28 =	simm.s32 $0xC800  }
0x769: {  	[tilespmem:s28], [sflag:$0x1] =	stream.indirect_vreg.gather [hbm4b:s16+s8], $0x80, v43, vm0, $0xb8;
	[tilespmem:$0x1C7C8] =	vst v63  }
0x76a: {  	v49 =	vperm.xlane v26, v21;
	v48 =	vadd.s32 v12, v47;
	s28 =	simm.s32 $0xC880  }
0x76b: {  	[tilespmem:s28], [sflag:$0x1] =	stream.indirect_vreg.gather [hbm4b:s16+s8], $0x80, v45, vm0, $0xb8;
	[tilespmem:$0x1C7C8] =	vst v63  }
0x76c: {  	v51 =	vperm.xlane v26, v22;
	v50 =	vadd.s32 v12, v49;
	s28 =	simm.s32 $0xC900  }
0x76d: {  	[tilespmem:s28], [sflag:$0x1] =	stream.indirect_vreg.gather [hbm4b:s16+s8], $0x80, v27, vm0, $0xb8;
	[tilespmem:$0x1C7C8] =	vst v63  }
0x76e: {  	v52 =	vperm.xlane v26, v23;
	v27 =	vadd.s32 v12, v51;
	s28 =	simm.s32 $0xC980  }
0x76f: {  	[tilespmem:s28], [sflag:$0x1] =	stream.indirect_vreg.gather [hbm4b:s16+s8], $0x80, v48, vm0, $0xb8;
	[tilespmem:$0x1C7C8] =	vst v63  }
0x770: {  	v54 =	vperm.xlane v26, v24;
	v53 =	vadd.s32 v12, v52;
	s28 =	simm.s32 $0xCA00  }
0x771: {  	[tilespmem:s28], [sflag:$0x1] =	stream.indirect_vreg.gather [hbm4b:s16+s8], $0x80, v50, vm0, $0xb8;
	[tilespmem:$0x1C7C8] =	vst v63  }
0x772: {  	v26 =	vperm.xlane v26, v25;
	v55 =	vadd.s32 v12, v54;
	s28 =	simm.s32 $0xCA80  }
0x773: {  	[tilespmem:s28], [sflag:$0x1] =	stream.indirect_vreg.gather [hbm4b:s16+s8], $0x80, v27, vm0, $0xb8;
	[tilespmem:$0x1C7C8] =	vst v63  }
0x774: {  	v26 =	vadd.s32 v12, v26;
	s28 =	simm.s32 $0xCB00  }
0x775: {  	[tilespmem:s28], [sflag:$0x1] =	stream.indirect_vreg.gather [hbm4b:s16+s8], $0x80, v53, vm0, $0xb8;
	[tilespmem:$0x1C7C8] =	vst v63  }
0x776: {  	s28 =	simm.s32 $0xCB80  }
0x777: {  	[tilespmem:s28], [sflag:$0x1] =	stream.indirect_vreg.gather [hbm4b:s16+s8], $0x80, v55, vm0, $0xb8;
	[tilespmem:$0x1C7C8] =	vst v63  }
0x778: {  	s28 =	simm.s32 $0xCC00  }
0x779: {  	[tilespmem:s28], [sflag:$0x1] =	stream.indirect_vreg.gather [hbm4b:s16+s8], $0x80, v26, vm0, $0xb8;
	[tilespmem:$0x1C7C8] =	vst v63  }
0x77a: {  	v26 =	vld [tilespmem:s25+$0x60];
	_ =	sdelay $0x4  }
0x77b: {  	v27 =	vshll.u32 v26, $0x1  }
0x77c: {  	v26 =	vand.u32 $0x7, v26;
	v27 =	vand.u32 $0xFFFFFFF0, v27  }
0x77d: {  	v26 =	vor.u32 v26, v27  }
0x77e: {  	v27 =	vperm.xlane v26, v9;
	_ =	sdelay $0x1  }
0x77f: {  	v56 =	vperm.xlane v26, v11;
	v27 =	vadd.s32 v12, v27;
	_ =	sdelay $0x1  }
0x780: {  	v57 =	vperm.xlane v26, v13;
	v28 =	vadd.s32 v12, v56;
	_ =	sdelay $0x1  }
0x781: {  	s28 =	simm.s32 $0xCC80;
	v58 =	vperm.xlane v26, v14;
	v29 =	vadd.s32 v12, v57  }
0x782: {  	[tilespmem:s28], [sflag:$0x1] =	stream.indirect_vreg.gather [hbm4b:s16+s8], $0x80, v27, vm0, $0xb8;
	[tilespmem:$0x1C7C8] =	vst v63  }
0x783: {  	v59 =	vperm.xlane v26, v15;
	v27 =	vadd.s32 v12, v58;
	s28 =	simm.s32 $0xCD00  }
0x784: {  	[tilespmem:s28], [sflag:$0x1] =	stream.indirect_vreg.gather [hbm4b:s16+s8], $0x80, v28, vm0, $0xb8;
	[tilespmem:$0x1C7C8] =	vst v63  }
0x785: {  	v61 =	vperm.xlane v26, v16;
	v60 =	vadd.s32 v12, v59;
	s28 =	simm.s32 $0xCD80  }
0x786: {  	[tilespmem:s28], [sflag:$0x1] =	stream.indirect_vreg.gather [hbm4b:s16+s8], $0x80, v29, vm0, $0xb8;
	[tilespmem:$0x1C7C8] =	vst v63  }
0x787: {  	v63 =	vperm.xlane v26, v17;
	v62 =	vadd.s32 v12, v61;
	s28 =	simm.s32 $0xCE00  }
0x788: {  	[tilespmem:s28], [sflag:$0x1] =	stream.indirect_vreg.gather [hbm4b:s16+s8], $0x80, v27, vm0, $0xb8;
	[tilespmem:$0x1C7C8] =	vst v63  }
0x789: {  	v33 =	vperm.xlane v26, v10;
	v27 =	vadd.s32 v12, v63;
	s28 =	simm.s32 $0xCE80  }
0x78a: {  	[tilespmem:s28], [sflag:$0x1] =	stream.indirect_vreg.gather [hbm4b:s16+s8], $0x80, v60, vm0, $0xb8;
	[tilespmem:$0x1C7C8] =	vst v63  }
0x78b: {  	v35 =	vperm.xlane v26, v18;
	v34 =	vadd.s32 v12, v33;
	s28 =	simm.s32 $0xCF00  }
0x78c: {  	[tilespmem:s28], [sflag:$0x1] =	stream.indirect_vreg.gather [hbm4b:s16+s8], $0x80, v62, vm0, $0xb8;
	[tilespmem:$0x1C7C8] =	vst v63  }
0x78d: {  	v37 =	vperm.xlane v26, v19;
	v36 =	vadd.s32 v12, v35;
	s28 =	simm.s32 $0xCF80  }
0x78e: {  	[tilespmem:s28], [sflag:$0x1] =	stream.indirect_vreg.gather [hbm4b:s16+s8], $0x80, v27, vm0, $0xb8;
	[tilespmem:$0x1C7C8] =	vst v63  }
0x78f: {  	v38 =	vperm.xlane v26, v20;
	v27 =	vadd.s32 v12, v37;
	s28 =	simm.s32 $0xD000  }
0x790: {  	[tilespmem:s28], [sflag:$0x1] =	stream.indirect_vreg.gather [hbm4b:s16+s8], $0x80, v34, vm0, $0xb8;
	[tilespmem:$0x1C7C8] =	vst v63  }
0x791: {  	v40 =	vperm.xlane v26, v21;
	v39 =	vadd.s32 v12, v38;
	s28 =	simm.s32 $0xD080  }
0x792: {  	[tilespmem:s28], [sflag:$0x1] =	stream.indirect_vreg.gather [hbm4b:s16+s8], $0x80, v36, vm0, $0xb8;
	[tilespmem:$0x1C7C8] =	vst v63  }
0x793: {  	v42 =	vperm.xlane v26, v22;
	v41 =	vadd.s32 v12, v40;
	s28 =	simm.s32 $0xD100  }
0x794: {  	[tilespmem:s28], [sflag:$0x1] =	stream.indirect_vreg.gather [hbm4b:s16+s8], $0x80, v27, vm0, $0xb8;
	[tilespmem:$0x1C7C8] =	vst v63  }
0x795: {  	v43 =	vperm.xlane v26, v23;
	v27 =	vadd.s32 v12, v42;
	s28 =	simm.s32 $0xD180  }
0x796: {  	[tilespmem:s28], [sflag:$0x1] =	stream.indirect_vreg.gather [hbm4b:s16+s8], $0x80, v39, vm0, $0xb8;
	[tilespmem:$0x1C7C8] =	vst v63  }
0x797: {  	v45 =	vperm.xlane v26, v24;
	v44 =	vadd.s32 v12, v43;
	s28 =	simm.s32 $0xD200  }
0x798: {  	[tilespmem:s28], [sflag:$0x1] =	stream.indirect_vreg.gather [hbm4b:s16+s8], $0x80, v41, vm0, $0xb8;
	[tilespmem:$0x1C7C8] =	vst v63  }
0x799: {  	v26 =	vperm.xlane v26, v25;
	v46 =	vadd.s32 v12, v45;
	s28 =	simm.s32 $0xD280  }
0x79a: {  	[tilespmem:s28], [sflag:$0x1] =	stream.indirect_vreg.gather [hbm4b:s16+s8], $0x80, v27, vm0, $0xb8;
	[tilespmem:$0x1C7C8] =	vst v63  }
0x79b: {  	v26 =	vadd.s32 v12, v26;
	s28 =	simm.s32 $0xD300  }
0x79c: {  	[tilespmem:s28], [sflag:$0x1] =	stream.indirect_vreg.gather [hbm4b:s16+s8], $0x80, v44, vm0, $0xb8;
	[tilespmem:$0x1C7C8] =	vst v63  }
0x79d: {  	s28 =	simm.s32 $0xD380  }
0x79e: {  	[tilespmem:s28], [sflag:$0x1] =	stream.indirect_vreg.gather [hbm4b:s16+s8], $0x80, v46, vm0, $0xb8;
	[tilespmem:$0x1C7C8] =	vst v63  }
0x79f: {  	s28 =	simm.s32 $0xD400  }
0x7a0: {  	[tilespmem:s28], [sflag:$0x1] =	stream.indirect_vreg.gather [hbm4b:s16+s8], $0x80, v26, vm0, $0xb8;
	[tilespmem:$0x1C7C8] =	vst v63  }
0x7a1: {  	v26 =	vld [tilespmem:s25+$0x70];
	_ =	sdelay $0x4  }
0x7a2: {  	v27 =	vshll.u32 v26, $0x1  }
0x7a3: {  	v26 =	vand.u32 $0x7, v26;
	v27 =	vand.u32 $0xFFFFFFF0, v27  }
0x7a4: {  	v26 =	vor.u32 v26, v27  }
0x7a5: {  	v27 =	vperm.xlane v26, v9;
	_ =	sdelay $0x1  }
0x7a6: {  	v47 =	vperm.xlane v26, v11;
	v27 =	vadd.s32 v12, v27;
	_ =	sdelay $0x1  }
0x7a7: {  	v48 =	vperm.xlane v26, v13;
	v28 =	vadd.s32 v12, v47;
	_ =	sdelay $0x1  }
0x7a8: {  	s28 =	simm.s32 $0xD480;
	v49 =	vperm.xlane v26, v14;
	v29 =	vadd.s32 v12, v48  }
0x7a9: {  	[tilespmem:s28], [sflag:$0x1] =	stream.indirect_vreg.gather [hbm4b:s16+s8], $0x80, v27, vm0, $0xb8;
	[tilespmem:$0x1C7C8] =	vst v63  }
0x7aa: {  	v50 =	vperm.xlane v26, v15;
	v27 =	vadd.s32 v12, v49;
	s28 =	simm.s32 $0xD500  }
0x7ab: {  	[tilespmem:s28], [sflag:$0x1] =	stream.indirect_vreg.gather [hbm4b:s16+s8], $0x80, v28, vm0, $0xb8;
	[tilespmem:$0x1C7C8] =	vst v63  }
0x7ac: {  	v52 =	vperm.xlane v26, v16;
	v51 =	vadd.s32 v12, v50;
	s28 =	simm.s32 $0xD580  }
0x7ad: {  	[tilespmem:s28], [sflag:$0x1] =	stream.indirect_vreg.gather [hbm4b:s16+s8], $0x80, v29, vm0, $0xb8;
	[tilespmem:$0x1C7C8] =	vst v63  }
0x7ae: {  	v54 =	vperm.xlane v26, v17;
	v53 =	vadd.s32 v12, v52;
	s28 =	simm.s32 $0xD600  }
0x7af: {  	[tilespmem:s28], [sflag:$0x1] =	stream.indirect_vreg.gather [hbm4b:s16+s8], $0x80, v27, vm0, $0xb8;
	[tilespmem:$0x1C7C8] =	vst v63  }
0x7b0: {  	v55 =	vperm.xlane v26, v10;
	v27 =	vadd.s32 v12, v54;
	s28 =	simm.s32 $0xD680  }
0x7b1: {  	[tilespmem:s28], [sflag:$0x1] =	stream.indirect_vreg.gather [hbm4b:s16+s8], $0x80, v51, vm0, $0xb8;
	[tilespmem:$0x1C7C8] =	vst v63  }
0x7b2: {  	v57 =	vperm.xlane v26, v18;
	v56 =	vadd.s32 v12, v55;
	s28 =	simm.s32 $0xD700  }
0x7b3: {  	[tilespmem:s28], [sflag:$0x1] =	stream.indirect_vreg.gather [hbm4b:s16+s8], $0x80, v53, vm0, $0xb8;
	[tilespmem:$0x1C7C8] =	vst v63  }
0x7b4: {  	v59 =	vperm.xlane v26, v19;
	v58 =	vadd.s32 v12, v57;
	s28 =	simm.s32 $0xD780  }
0x7b5: {  	[tilespmem:s28], [sflag:$0x1] =	stream.indirect_vreg.gather [hbm4b:s16+s8], $0x80, v27, vm0, $0xb8;
	[tilespmem:$0x1C7C8] =	vst v63  }
0x7b6: {  	v60 =	vperm.xlane v26, v20;
	v27 =	vadd.s32 v12, v59;
	s28 =	simm.s32 $0xD800  }
0x7b7: {  	[tilespmem:s28], [sflag:$0x1] =	stream.indirect_vreg.gather [hbm4b:s16+s8], $0x80, v56, vm0, $0xb8;
	[tilespmem:$0x1C7C8] =	vst v63  }
0x7b8: {  	v62 =	vperm.xlane v26, v21;
	v61 =	vadd.s32 v12, v60;
	s28 =	simm.s32 $0xD880  }
0x7b9: {  	[tilespmem:s28], [sflag:$0x1] =	stream.indirect_vreg.gather [hbm4b:s16+s8], $0x80, v58, vm0, $0xb8;
	[tilespmem:$0x1C7C8] =	vst v63  }
0x7ba: {  	v33 =	vperm.xlane v26, v22;
	v63 =	vadd.s32 v12, v62;
	s28 =	simm.s32 $0xD900  }
0x7bb: {  	[tilespmem:s28], [sflag:$0x1] =	stream.indirect_vreg.gather [hbm4b:s16+s8], $0x80, v27, vm0, $0xb8;
	[tilespmem:$0x1C7C8] =	vst v63  }
0x7bc: {  	v34 =	vperm.xlane v26, v23;
	v27 =	vadd.s32 v12, v33;
	s28 =	simm.s32 $0xD980  }
0x7bd: {  	[tilespmem:s28], [sflag:$0x1] =	stream.indirect_vreg.gather [hbm4b:s16+s8], $0x80, v61, vm0, $0xb8;
	[tilespmem:$0x1C7C8] =	vst v63  }
0x7be: {  	v36 =	vperm.xlane v26, v24;
	v35 =	vadd.s32 v12, v34;
	s28 =	simm.s32 $0xDA00  }
0x7bf: {  	[tilespmem:s28], [sflag:$0x1] =	stream.indirect_vreg.gather [hbm4b:s16+s8], $0x80, v63, vm0, $0xb8;
	[tilespmem:$0x1C7C8] =	vst v63  }
0x7c0: {  	v26 =	vperm.xlane v26, v25;
	v37 =	vadd.s32 v12, v36;
	s28 =	simm.s32 $0xDA80  }
0x7c1: {  	[tilespmem:s28], [sflag:$0x1] =	stream.indirect_vreg.gather [hbm4b:s16+s8], $0x80, v27, vm0, $0xb8;
	[tilespmem:$0x1C7C8] =	vst v63  }
0x7c2: {  	v26 =	vadd.s32 v12, v26;
	s28 =	simm.s32 $0xDB00  }
0x7c3: {  	[tilespmem:s28], [sflag:$0x1] =	stream.indirect_vreg.gather [hbm4b:s16+s8], $0x80, v35, vm0, $0xb8;
	[tilespmem:$0x1C7C8] =	vst v63  }
0x7c4: {  	s28 =	simm.s32 $0xDB80  }
0x7c5: {  	[tilespmem:s28], [sflag:$0x1] =	stream.indirect_vreg.gather [hbm4b:s16+s8], $0x80, v37, vm0, $0xb8;
	[tilespmem:$0x1C7C8] =	vst v63  }
0x7c6: {  	s28 =	simm.s32 $0xDC00  }
0x7c7: {  	[tilespmem:s28], [sflag:$0x1] =	stream.indirect_vreg.gather [hbm4b:s16+s8], $0x80, v26, vm0, $0xb8;
	[tilespmem:$0x1C7C8] =	vst v63  }
0x7c8: {  	v26 =	vld [tilespmem:s25+$0x80];
	_ =	sdelay $0x4  }
0x7c9: {  	v27 =	vshll.u32 v26, $0x1  }
0x7ca: {  	v26 =	vand.u32 $0x7, v26;
	v27 =	vand.u32 $0xFFFFFFF0, v27  }
0x7cb: {  	v26 =	vor.u32 v26, v27  }
0x7cc: {  	v27 =	vperm.xlane v26, v9;
	_ =	sdelay $0x1  }
0x7cd: {  	v38 =	vperm.xlane v26, v11;
	v27 =	vadd.s32 v12, v27;
	_ =	sdelay $0x1  }
0x7ce: {  	v39 =	vperm.xlane v26, v13;
	v28 =	vadd.s32 v12, v38;
	_ =	sdelay $0x1  }
0x7cf: {  	s28 =	simm.s32 $0xDC80;
	v40 =	vperm.xlane v26, v14;
	v29 =	vadd.s32 v12, v39  }
0x7d0: {  	[tilespmem:s28], [sflag:$0x1] =	stream.indirect_vreg.gather [hbm4b:s16+s8], $0x80, v27, vm0, $0xb8;
	[tilespmem:$0x1C7C8] =	vst v63  }
0x7d1: {  	v41 =	vperm.xlane v26, v15;
	v27 =	vadd.s32 v12, v40;
	s28 =	simm.s32 $0xDD00  }
0x7d2: {  	[tilespmem:s28], [sflag:$0x1] =	stream.indirect_vreg.gather [hbm4b:s16+s8], $0x80, v28, vm0, $0xb8;
	[tilespmem:$0x1C7C8] =	vst v63  }
0x7d3: {  	v43 =	vperm.xlane v26, v16;
	v42 =	vadd.s32 v12, v41;
	s28 =	simm.s32 $0xDD80  }
0x7d4: {  	[tilespmem:s28], [sflag:$0x1] =	stream.indirect_vreg.gather [hbm4b:s16+s8], $0x80, v29, vm0, $0xb8;
	[tilespmem:$0x1C7C8] =	vst v63  }
0x7d5: {  	v45 =	vperm.xlane v26, v17;
	v44 =	vadd.s32 v12, v43;
	s28 =	simm.s32 $0xDE00  }
0x7d6: {  	[tilespmem:s28], [sflag:$0x1] =	stream.indirect_vreg.gather [hbm4b:s16+s8], $0x80, v27, vm0, $0xb8;
	[tilespmem:$0x1C7C8] =	vst v63  }
0x7d7: {  	v46 =	vperm.xlane v26, v10;
	v27 =	vadd.s32 v12, v45;
	s28 =	simm.s32 $0xDE80  }
0x7d8: {  	[tilespmem:s28], [sflag:$0x1] =	stream.indirect_vreg.gather [hbm4b:s16+s8], $0x80, v42, vm0, $0xb8;
	[tilespmem:$0x1C7C8] =	vst v63  }
0x7d9: {  	v48 =	vperm.xlane v26, v18;
	v47 =	vadd.s32 v12, v46;
	s28 =	simm.s32 $0xDF00  }
0x7da: {  	[tilespmem:s28], [sflag:$0x1] =	stream.indirect_vreg.gather [hbm4b:s16+s8], $0x80, v44, vm0, $0xb8;
	[tilespmem:$0x1C7C8] =	vst v63  }
0x7db: {  	v50 =	vperm.xlane v26, v19;
	v49 =	vadd.s32 v12, v48;
	s28 =	simm.s32 $0xDF80  }
0x7dc: {  	[tilespmem:s28], [sflag:$0x1] =	stream.indirect_vreg.gather [hbm4b:s16+s8], $0x80, v27, vm0, $0xb8;
	[tilespmem:$0x1C7C8] =	vst v63  }
0x7dd: {  	v51 =	vperm.xlane v26, v20;
	v27 =	vadd.s32 v12, v50;
	s28 =	simm.s32 $0xE000  }
0x7de: {  	[tilespmem:s28], [sflag:$0x1] =	stream.indirect_vreg.gather [hbm4b:s16+s8], $0x80, v47, vm0, $0xb8;
	[tilespmem:$0x1C7C8] =	vst v63  }
0x7df: {  	v53 =	vperm.xlane v26, v21;
	v52 =	vadd.s32 v12, v51;
	s28 =	simm.s32 $0xE080  }
0x7e0: {  	[tilespmem:s28], [sflag:$0x1] =	stream.indirect_vreg.gather [hbm4b:s16+s8], $0x80, v49, vm0, $0xb8;
	[tilespmem:$0x1C7C8] =	vst v63  }
0x7e1: {  	v55 =	vperm.xlane v26, v22;
	v54 =	vadd.s32 v12, v53;
	s28 =	simm.s32 $0xE100  }
0x7e2: {  	[tilespmem:s28], [sflag:$0x1] =	stream.indirect_vreg.gather [hbm4b:s16+s8], $0x80, v27, vm0, $0xb8;
	[tilespmem:$0x1C7C8] =	vst v63  }
0x7e3: {  	v56 =	vperm.xlane v26, v23;
	v27 =	vadd.s32 v12, v55;
	s28 =	simm.s32 $0xE180  }
0x7e4: {  	[tilespmem:s28], [sflag:$0x1] =	stream.indirect_vreg.gather [hbm4b:s16+s8], $0x80, v52, vm0, $0xb8;
	[tilespmem:$0x1C7C8] =	vst v63  }
0x7e5: {  	v58 =	vperm.xlane v26, v24;
	v57 =	vadd.s32 v12, v56;
	s28 =	simm.s32 $0xE200  }
0x7e6: {  	[tilespmem:s28], [sflag:$0x1] =	stream.indirect_vreg.gather [hbm4b:s16+s8], $0x80, v54, vm0, $0xb8;
	[tilespmem:$0x1C7C8] =	vst v63  }
0x7e7: {  	v26 =	vperm.xlane v26, v25;
	v59 =	vadd.s32 v12, v58;
	s28 =	simm.s32 $0xE280  }
0x7e8: {  	[tilespmem:s28], [sflag:$0x1] =	stream.indirect_vreg.gather [hbm4b:s16+s8], $0x80, v27, vm0, $0xb8;
	[tilespmem:$0x1C7C8] =	vst v63  }
0x7e9: {  	v26 =	vadd.s32 v12, v26;
	s28 =	simm.s32 $0xE300  }
0x7ea: {  	[tilespmem:s28], [sflag:$0x1] =	stream.indirect_vreg.gather [hbm4b:s16+s8], $0x80, v57, vm0, $0xb8;
	[tilespmem:$0x1C7C8] =	vst v63  }
0x7eb: {  	s28 =	simm.s32 $0xE380  }
0x7ec: {  	[tilespmem:s28], [sflag:$0x1] =	stream.indirect_vreg.gather [hbm4b:s16+s8], $0x80, v59, vm0, $0xb8;
	[tilespmem:$0x1C7C8] =	vst v63  }
0x7ed: {  	s28 =	simm.s32 $0xE400  }
0x7ee: {  	[tilespmem:s28], [sflag:$0x1] =	stream.indirect_vreg.gather [hbm4b:s16+s8], $0x80, v26, vm0, $0xb8;
	[tilespmem:$0x1C7C8] =	vst v63  }
0x7ef: {  	v26 =	vld [tilespmem:s25+$0x90];
	_ =	sdelay $0x4  }
0x7f0: {  	v27 =	vshll.u32 v26, $0x1  }
0x7f1: {  	v26 =	vand.u32 $0x7, v26;
	v27 =	vand.u32 $0xFFFFFFF0, v27  }
0x7f2: {  	v26 =	vor.u32 v26, v27  }
0x7f3: {  	v27 =	vperm.xlane v26, v9;
	_ =	sdelay $0x1  }
0x7f4: {  	v60 =	vperm.xlane v26, v11;
	v27 =	vadd.s32 v12, v27;
	_ =	sdelay $0x1  }
0x7f5: {  	v61 =	vperm.xlane v26, v13;
	v28 =	vadd.s32 v12, v60;
	_ =	sdelay $0x1  }
0x7f6: {  	s28 =	simm.s32 $0xE480;
	v62 =	vperm.xlane v26, v14;
	v29 =	vadd.s32 v12, v61  }
0x7f7: {  	[tilespmem:s28], [sflag:$0x1] =	stream.indirect_vreg.gather [hbm4b:s16+s8], $0x80, v27, vm0, $0xb8;
	[tilespmem:$0x1C7C8] =	vst v63  }
0x7f8: {  	v63 =	vperm.xlane v26, v15;
	v27 =	vadd.s32 v12, v62;
	s28 =	simm.s32 $0xE500  }
0x7f9: {  	[tilespmem:s28], [sflag:$0x1] =	stream.indirect_vreg.gather [hbm4b:s16+s8], $0x80, v28, vm0, $0xb8;
	[tilespmem:$0x1C7C8] =	vst v63  }
0x7fa: {  	v34 =	vperm.xlane v26, v16;
	v33 =	vadd.s32 v12, v63;
	s28 =	simm.s32 $0xE580  }
0x7fb: {  	[tilespmem:s28], [sflag:$0x1] =	stream.indirect_vreg.gather [hbm4b:s16+s8], $0x80, v29, vm0, $0xb8;
	[tilespmem:$0x1C7C8] =	vst v63  }
0x7fc: {  	v36 =	vperm.xlane v26, v17;
	v35 =	vadd.s32 v12, v34;
	s28 =	simm.s32 $0xE600  }
0x7fd: {  	[tilespmem:s28], [sflag:$0x1] =	stream.indirect_vreg.gather [hbm4b:s16+s8], $0x80, v27, vm0, $0xb8;
	[tilespmem:$0x1C7C8] =	vst v63  }
0x7fe: {  	v37 =	vperm.xlane v26, v10;
	v27 =	vadd.s32 v12, v36;
	s28 =	simm.s32 $0xE680  }
0x7ff: {  	[tilespmem:s28], [sflag:$0x1] =	stream.indirect_vreg.gather [hbm4b:s16+s8], $0x80, v33, vm0, $0xb8;
	[tilespmem:$0x1C7C8] =	vst v63  }
0x800: {  	v39 =	vperm.xlane v26, v18;
	v38 =	vadd.s32 v12, v37;
	s28 =	simm.s32 $0xE700  }
0x801: {  	[tilespmem:s28], [sflag:$0x1] =	stream.indirect_vreg.gather [hbm4b:s16+s8], $0x80, v35, vm0, $0xb8;
	[tilespmem:$0x1C7C8] =	vst v63  }
0x802: {  	v41 =	vperm.xlane v26, v19;
	v40 =	vadd.s32 v12, v39;
	s28 =	simm.s32 $0xE780  }
0x803: {  	[tilespmem:s28], [sflag:$0x1] =	stream.indirect_vreg.gather [hbm4b:s16+s8], $0x80, v27, vm0, $0xb8;
	[tilespmem:$0x1C7C8] =	vst v63  }
0x804: {  	v42 =	vperm.xlane v26, v20;
	v27 =	vadd.s32 v12, v41;
	s28 =	simm.s32 $0xE800  }
0x805: {  	[tilespmem:s28], [sflag:$0x1] =	stream.indirect_vreg.gather [hbm4b:s16+s8], $0x80, v38, vm0, $0xb8;
	[tilespmem:$0x1C7C8] =	vst v63  }
0x806: {  	v44 =	vperm.xlane v26, v21;
	v43 =	vadd.s32 v12, v42;
	s28 =	simm.s32 $0xE880  }
0x807: {  	[tilespmem:s28], [sflag:$0x1] =	stream.indirect_vreg.gather [hbm4b:s16+s8], $0x80, v40, vm0, $0xb8;
	[tilespmem:$0x1C7C8] =	vst v63  }
0x808: {  	v46 =	vperm.xlane v26, v22;
	v45 =	vadd.s32 v12, v44;
	s28 =	simm.s32 $0xE900  }
0x809: {  	[tilespmem:s28], [sflag:$0x1] =	stream.indirect_vreg.gather [hbm4b:s16+s8], $0x80, v27, vm0, $0xb8;
	[tilespmem:$0x1C7C8] =	vst v63  }
0x80a: {  	v47 =	vperm.xlane v26, v23;
	v27 =	vadd.s32 v12, v46;
	s28 =	simm.s32 $0xE980  }
0x80b: {  	[tilespmem:s28], [sflag:$0x1] =	stream.indirect_vreg.gather [hbm4b:s16+s8], $0x80, v43, vm0, $0xb8;
	[tilespmem:$0x1C7C8] =	vst v63  }
0x80c: {  	v49 =	vperm.xlane v26, v24;
	v48 =	vadd.s32 v12, v47;
	s28 =	simm.s32 $0xEA00  }
0x80d: {  	[tilespmem:s28], [sflag:$0x1] =	stream.indirect_vreg.gather [hbm4b:s16+s8], $0x80, v45, vm0, $0xb8;
	[tilespmem:$0x1C7C8] =	vst v63  }
0x80e: {  	v26 =	vperm.xlane v26, v25;
	v50 =	vadd.s32 v12, v49;
	s28 =	simm.s32 $0xEA80  }
0x80f: {  	[tilespmem:s28], [sflag:$0x1] =	stream.indirect_vreg.gather [hbm4b:s16+s8], $0x80, v27, vm0, $0xb8;
	[tilespmem:$0x1C7C8] =	vst v63  }
0x810: {  	v26 =	vadd.s32 v12, v26;
	s28 =	simm.s32 $0xEB00  }
0x811: {  	[tilespmem:s28], [sflag:$0x1] =	stream.indirect_vreg.gather [hbm4b:s16+s8], $0x80, v48, vm0, $0xb8;
	[tilespmem:$0x1C7C8] =	vst v63  }
0x812: {  	s28 =	simm.s32 $0xEB80  }
0x813: {  	[tilespmem:s28], [sflag:$0x1] =	stream.indirect_vreg.gather [hbm4b:s16+s8], $0x80, v50, vm0, $0xb8;
	[tilespmem:$0x1C7C8] =	vst v63  }
0x814: {  	s28 =	simm.s32 $0xEC00  }
0x815: {  	[tilespmem:s28], [sflag:$0x1] =	stream.indirect_vreg.gather [hbm4b:s16+s8], $0x80, v26, vm0, $0xb8;
	[tilespmem:$0x1C7C8] =	vst v63  }
0x816: {  	v26 =	vld [tilespmem:s25+$0xA0];
	_ =	sdelay $0x4  }
0x817: {  	v27 =	vshll.u32 v26, $0x1  }
0x818: {  	v26 =	vand.u32 $0x7, v26;
	v27 =	vand.u32 $0xFFFFFFF0, v27  }
0x819: {  	v26 =	vor.u32 v26, v27  }
0x81a: {  	v27 =	vperm.xlane v26, v9;
	_ =	sdelay $0x1  }
0x81b: {  	v51 =	vperm.xlane v26, v11;
	v27 =	vadd.s32 v12, v27;
	_ =	sdelay $0x1  }
0x81c: {  	v52 =	vperm.xlane v26, v13;
	v28 =	vadd.s32 v12, v51;
	_ =	sdelay $0x1  }
0x81d: {  	s28 =	simm.s32 $0xEC80;
	v53 =	vperm.xlane v26, v14;
	v29 =	vadd.s32 v12, v52  }
0x81e: {  	[tilespmem:s28], [sflag:$0x1] =	stream.indirect_vreg.gather [hbm4b:s16+s8], $0x80, v27, vm0, $0xb8;
	[tilespmem:$0x1C7C8] =	vst v63  }
0x81f: {  	v54 =	vperm.xlane v26, v15;
	v27 =	vadd.s32 v12, v53;
	s28 =	simm.s32 $0xED00  }
0x820: {  	[tilespmem:s28], [sflag:$0x1] =	stream.indirect_vreg.gather [hbm4b:s16+s8], $0x80, v28, vm0, $0xb8;
	[tilespmem:$0x1C7C8] =	vst v63  }
0x821: {  	v56 =	vperm.xlane v26, v16;
	v55 =	vadd.s32 v12, v54;
	s28 =	simm.s32 $0xED80  }
0x822: {  	[tilespmem:s28], [sflag:$0x1] =	stream.indirect_vreg.gather [hbm4b:s16+s8], $0x80, v29, vm0, $0xb8;
	[tilespmem:$0x1C7C8] =	vst v63  }
0x823: {  	v58 =	vperm.xlane v26, v17;
	v57 =	vadd.s32 v12, v56;
	s28 =	simm.s32 $0xEE00  }
0x824: {  	[tilespmem:s28], [sflag:$0x1] =	stream.indirect_vreg.gather [hbm4b:s16+s8], $0x80, v27, vm0, $0xb8;
	[tilespmem:$0x1C7C8] =	vst v63  }
0x825: {  	v59 =	vperm.xlane v26, v10;
	v27 =	vadd.s32 v12, v58;
	s28 =	simm.s32 $0xEE80  }
0x826: {  	[tilespmem:s28], [sflag:$0x1] =	stream.indirect_vreg.gather [hbm4b:s16+s8], $0x80, v55, vm0, $0xb8;
	[tilespmem:$0x1C7C8] =	vst v63  }
0x827: {  	v61 =	vperm.xlane v26, v18;
	v60 =	vadd.s32 v12, v59;
	s28 =	simm.s32 $0xEF00  }
0x828: {  	[tilespmem:s28], [sflag:$0x1] =	stream.indirect_vreg.gather [hbm4b:s16+s8], $0x80, v57, vm0, $0xb8;
	[tilespmem:$0x1C7C8] =	vst v63  }
0x829: {  	v63 =	vperm.xlane v26, v19;
	v62 =	vadd.s32 v12, v61;
	s28 =	simm.s32 $0xEF80  }
0x82a: {  	[tilespmem:s28], [sflag:$0x1] =	stream.indirect_vreg.gather [hbm4b:s16+s8], $0x80, v27, vm0, $0xb8;
	[tilespmem:$0x1C7C8] =	vst v63  }
0x82b: {  	v33 =	vperm.xlane v26, v20;
	v27 =	vadd.s32 v12, v63;
	s28 =	simm.s32 $0xF000  }
0x82c: {  	[tilespmem:s28], [sflag:$0x1] =	stream.indirect_vreg.gather [hbm4b:s16+s8], $0x80, v60, vm0, $0xb8;
	[tilespmem:$0x1C7C8] =	vst v63  }
0x82d: {  	v35 =	vperm.xlane v26, v21;
	v34 =	vadd.s32 v12, v33;
	s28 =	simm.s32 $0xF080  }
0x82e: {  	[tilespmem:s28], [sflag:$0x1] =	stream.indirect_vreg.gather [hbm4b:s16+s8], $0x80, v62, vm0, $0xb8;
	[tilespmem:$0x1C7C8] =	vst v63  }
0x82f: {  	v37 =	vperm.xlane v26, v22;
	v36 =	vadd.s32 v12, v35;
	s28 =	simm.s32 $0xF100  }
0x830: {  	[tilespmem:s28], [sflag:$0x1] =	stream.indirect_vreg.gather [hbm4b:s16+s8], $0x80, v27, vm0, $0xb8;
	[tilespmem:$0x1C7C8] =	vst v63  }
0x831: {  	v38 =	vperm.xlane v26, v23;
	v27 =	vadd.s32 v12, v37;
	s28 =	simm.s32 $0xF180  }
0x832: {  	[tilespmem:s28], [sflag:$0x1] =	stream.indirect_vreg.gather [hbm4b:s16+s8], $0x80, v34, vm0, $0xb8;
	[tilespmem:$0x1C7C8] =	vst v63  }
0x833: {  	v40 =	vperm.xlane v26, v24;
	v39 =	vadd.s32 v12, v38;
	s28 =	simm.s32 $0xF200  }
0x834: {  	[tilespmem:s28], [sflag:$0x1] =	stream.indirect_vreg.gather [hbm4b:s16+s8], $0x80, v36, vm0, $0xb8;
	[tilespmem:$0x1C7C8] =	vst v63  }
0x835: {  	v26 =	vperm.xlane v26, v25;
	v41 =	vadd.s32 v12, v40;
	s28 =	simm.s32 $0xF280  }
0x836: {  	[tilespmem:s28], [sflag:$0x1] =	stream.indirect_vreg.gather [hbm4b:s16+s8], $0x80, v27, vm0, $0xb8;
	[tilespmem:$0x1C7C8] =	vst v63  }
0x837: {  	v26 =	vadd.s32 v12, v26;
	s28 =	simm.s32 $0xF300  }
0x838: {  	[tilespmem:s28], [sflag:$0x1] =	stream.indirect_vreg.gather [hbm4b:s16+s8], $0x80, v39, vm0, $0xb8;
	[tilespmem:$0x1C7C8] =	vst v63  }
0x839: {  	s28 =	simm.s32 $0xF380  }
0x83a: {  	[tilespmem:s28], [sflag:$0x1] =	stream.indirect_vreg.gather [hbm4b:s16+s8], $0x80, v41, vm0, $0xb8;
	[tilespmem:$0x1C7C8] =	vst v63  }
0x83b: {  	s28 =	simm.s32 $0xF400  }
0x83c: {  	[tilespmem:s28], [sflag:$0x1] =	stream.indirect_vreg.gather [hbm4b:s16+s8], $0x80, v26, vm0, $0xb8;
	[tilespmem:$0x1C7C8] =	vst v63  }
0x83d: {  	v26 =	vld [tilespmem:s25+$0xB0];
	_ =	sdelay $0x4  }
0x83e: {  	v27 =	vshll.u32 v26, $0x1  }
0x83f: {  	v26 =	vand.u32 $0x7, v26;
	v27 =	vand.u32 $0xFFFFFFF0, v27  }
0x840: {  	v26 =	vor.u32 v26, v27  }
0x841: {  	v27 =	vperm.xlane v26, v9;
	_ =	sdelay $0x1  }
0x842: {  	v42 =	vperm.xlane v26, v11;
	v27 =	vadd.s32 v12, v27;
	_ =	sdelay $0x1  }
0x843: {  	v43 =	vperm.xlane v26, v13;
	v28 =	vadd.s32 v12, v42;
	_ =	sdelay $0x1  }
0x844: {  	s28 =	simm.s32 $0xF480;
	v44 =	vperm.xlane v26, v14;
	v29 =	vadd.s32 v12, v43  }
0x845: {  	[tilespmem:s28], [sflag:$0x1] =	stream.indirect_vreg.gather [hbm4b:s16+s8], $0x80, v27, vm0, $0xb8;
	[tilespmem:$0x1C7C8] =	vst v63  }
0x846: {  	v45 =	vperm.xlane v26, v15;
	v27 =	vadd.s32 v12, v44;
	s28 =	simm.s32 $0xF500  }
0x847: {  	[tilespmem:s28], [sflag:$0x1] =	stream.indirect_vreg.gather [hbm4b:s16+s8], $0x80, v28, vm0, $0xb8;
	[tilespmem:$0x1C7C8] =	vst v63  }
0x848: {  	v47 =	vperm.xlane v26, v16;
	v46 =	vadd.s32 v12, v45;
	s28 =	simm.s32 $0xF580  }
0x849: {  	[tilespmem:s28], [sflag:$0x1] =	stream.indirect_vreg.gather [hbm4b:s16+s8], $0x80, v29, vm0, $0xb8;
	[tilespmem:$0x1C7C8] =	vst v63  }
0x84a: {  	v49 =	vperm.xlane v26, v17;
	v48 =	vadd.s32 v12, v47;
	s28 =	simm.s32 $0xF600  }
0x84b: {  	[tilespmem:s28], [sflag:$0x1] =	stream.indirect_vreg.gather [hbm4b:s16+s8], $0x80, v27, vm0, $0xb8;
	[tilespmem:$0x1C7C8] =	vst v63  }
0x84c: {  	v50 =	vperm.xlane v26, v10;
	v27 =	vadd.s32 v12, v49;
	s28 =	simm.s32 $0xF680  }
0x84d: {  	[tilespmem:s28], [sflag:$0x1] =	stream.indirect_vreg.gather [hbm4b:s16+s8], $0x80, v46, vm0, $0xb8;
	[tilespmem:$0x1C7C8] =	vst v63  }
0x84e: {  	v52 =	vperm.xlane v26, v18;
	v51 =	vadd.s32 v12, v50;
	s28 =	simm.s32 $0xF700  }
0x84f: {  	[tilespmem:s28], [sflag:$0x1] =	stream.indirect_vreg.gather [hbm4b:s16+s8], $0x80, v48, vm0, $0xb8;
	[tilespmem:$0x1C7C8] =	vst v63  }
0x850: {  	v54 =	vperm.xlane v26, v19;
	v53 =	vadd.s32 v12, v52;
	s28 =	simm.s32 $0xF780  }
0x851: {  	[tilespmem:s28], [sflag:$0x1] =	stream.indirect_vreg.gather [hbm4b:s16+s8], $0x80, v27, vm0, $0xb8;
	[tilespmem:$0x1C7C8] =	vst v63  }
0x852: {  	v55 =	vperm.xlane v26, v20;
	v27 =	vadd.s32 v12, v54;
	s28 =	simm.s32 $0xF800  }
0x853: {  	[tilespmem:s28], [sflag:$0x1] =	stream.indirect_vreg.gather [hbm4b:s16+s8], $0x80, v51, vm0, $0xb8;
	[tilespmem:$0x1C7C8] =	vst v63  }
0x854: {  	v57 =	vperm.xlane v26, v21;
	v56 =	vadd.s32 v12, v55;
	s28 =	simm.s32 $0xF880  }
0x855: {  	[tilespmem:s28], [sflag:$0x1] =	stream.indirect_vreg.gather [hbm4b:s16+s8], $0x80, v53, vm0, $0xb8;
	[tilespmem:$0x1C7C8] =	vst v63  }
0x856: {  	v59 =	vperm.xlane v26, v22;
	v58 =	vadd.s32 v12, v57;
	s28 =	simm.s32 $0xF900  }
0x857: {  	[tilespmem:s28], [sflag:$0x1] =	stream.indirect_vreg.gather [hbm4b:s16+s8], $0x80, v27, vm0, $0xb8;
	[tilespmem:$0x1C7C8] =	vst v63  }
0x858: {  	v60 =	vperm.xlane v26, v23;
	v27 =	vadd.s32 v12, v59;
	s28 =	simm.s32 $0xF980  }
0x859: {  	[tilespmem:s28], [sflag:$0x1] =	stream.indirect_vreg.gather [hbm4b:s16+s8], $0x80, v56, vm0, $0xb8;
	[tilespmem:$0x1C7C8] =	vst v63  }
0x85a: {  	v61 =	vadd.s32 v12, v60;
	s28 =	simm.s32 $0xFA00  }
0x85b: {  	v62 =	vperm.xlane v26, v24;
	[tilespmem:s28], [sflag:$0x1] =	stream.indirect_vreg.gather [hbm4b:s16+s8], $0x80, v58, vm0, $0xb8;
	[tilespmem:$0x1C7C8] =	vst v63  }
0x85c: {  	s28 =	simm.s32 $0xFA80  }
0x85d: {  	v26 =	vperm.xlane v26, v25;
	v63 =	vadd.s32 v12, v62;
	[tilespmem:s28], [sflag:$0x1] =	stream.indirect_vreg.gather [hbm4b:s16+s8], $0x80, v27, vm0, $0xb8;
	[tilespmem:$0x1C7C8] =	vst v63  }
0x85e: {  	s28 =	simm.s32 $0xFB00  }
0x85f: {  	v26 =	vadd.s32 v12, v26;
	[tilespmem:s28], [sflag:$0x1] =	stream.indirect_vreg.gather [hbm4b:s16+s8], $0x80, v61, vm0, $0xb8;
	[tilespmem:$0x1C7C8] =	vst v63  }
.Ltmp12:
0x860: {  	_ = 	snop;
	(pc) =	sbr.rel .LBB2_16-.Ltmp12, $4  }
0x861: {  	s28 =	simm.s32 $0xFB80  }
0x862: {  	[tilespmem:s28], [sflag:$0x1] =	stream.indirect_vreg.gather [hbm4b:s16+s8], $0x80, v63, vm0, $0xb8;
	[tilespmem:$0x1C7C8] =	vst v63  }
0x863: {  	s28 =	simm.s32 $0xFC00  }
0x864: {  	[tilespmem:s28], [sflag:$0x1] =	stream.indirect_vreg.gather [hbm4b:s16+s8], $0x80, v26, vm0, $0xb8;
	[tilespmem:$0x1C7C8] =	vst v63  }
.LBB2_18:
0x865: {  	s18 =	simm.s32 @!p1 $0x3  }
0x866: {  	_ =	swait.ge @!p1 [sflag:s18], $0x4000  }
0x867: {  	[sflag:s18] =	ssyncset.done @!p1 $0x0  }
0x868: {  	[sflag:s18] =	ssyncadd.s32 @!p1 $0xFFFFC000;
	s18 =	simm.s32 @!p1 $0x4  }
0x869: {  	_ =	swait.ge @!p1 [sflag:s18], $0x4000  }
0x86a: {  	[sflag:s18] =	ssyncset.done @!p1 $0x0  }
0x86b: {  	[sflag:s18] =	ssyncadd.s32 @!p1 $0xFFFFC000;
	s18 =	simm.s32 @!p1 $0x5  }
0x86c: {  	_ =	swait.ge @!p1 [sflag:s18], $0x80  }
0x86d: {  	[sflag:s18] =	ssyncset.done @!p1 $0x0  }
0x86e: {  	[sflag:s18] =	ssyncadd.s32 @!p1 $0xFFFFFF80  }
0x86f: {  	[bflag:$0x0] =	sbarrier.arrive $0xFFFF  }
0x870: {  	v26 =	vld [tilespmem:s9+$0x2780];
	_ =	sdelay $0x7  }
0x871: {  	v27 =	vld.idx.msk [tilespmem:v26+s8+$0x0], $0xffff;
	_ =	sdelay $0x2  }
0x872: {  	[tilespmem:$0x17D80] =	vst v26  }
0x873: {  	[tilespmem:$0x17D00] =	vst v1  }
0x874: {  	[tilespmem:$0x17C80] =	vst v27  }
0x875: {  	v26 =	vld [tilespmem:s9+$0x2790];
	_ =	sdelay $0x7  }
0x876: {  	v27 =	vld.idx.msk [tilespmem:v26+s8+$0x0], $0xffff;
	_ =	sdelay $0x2  }
0x877: {  	[tilespmem:$0x17D90] =	vst v26  }
0x878: {  	[tilespmem:$0x17D10] =	vst v2  }
0x879: {  	[tilespmem:$0x17C90] =	vst v27  }
0x87a: {  	v26 =	vld [tilespmem:s9+$0x27A0];
	_ =	sdelay $0x7  }
0x87b: {  	v27 =	vld.idx.msk [tilespmem:v26+s8+$0x0], $0xffff;
	_ =	sdelay $0x2  }
0x87c: {  	[tilespmem:$0x17DA0] =	vst v26  }
0x87d: {  	[tilespmem:$0x17D20] =	vst v3  }
0x87e: {  	[tilespmem:$0x17CA0] =	vst v27  }
0x87f: {  	v26 =	vld [tilespmem:s9+$0x27B0];
	_ =	sdelay $0x7  }
0x880: {  	v27 =	vld.idx.msk [tilespmem:v26+s8+$0x0], $0xffff;
	_ =	sdelay $0x2  }
0x881: {  	[tilespmem:$0x17DB0] =	vst v26  }
0x882: {  	[tilespmem:$0x17D30] =	vst v4  }
0x883: {  	s21 =	simm.s32 $0x17C80;
	s23 =	simm.s32 $0x40;
	[tilespmem:$0x17CB0] =	vst v27  }
0x884: {  	[tilespmem:s24], [sflag:$0x1] =	stream.indirect.gather [spmem:s4], $0x80, s21, s23, $0xb8;
	[tilespmem:$0x1C7C8] =	vst v63  }
0x885: {  	_ = 	snop  }
0x886: {  	[tilespmem:s10], [sflag:$0x2] =	stream.indirect.gather [spmem:s5], $0x80, s21, s23, $0xb8;
	[tilespmem:$0x1C7C8] =	vst v63  }
0x887: {  	s22 =	simm.s32 $0x17E80  }
0x888: {  	[tilespmem:s22], [sflag:$0x5] =	stream.indirect.gather [spmem:s6], $0x1, s21, s23, $0xb8;
	[tilespmem:$0x1C7C8] =	vst v63  }
0x889: {  	_ =	swait.ge [sflag:s30], $0x2000  }
0x88a: {  	[sflag:s30] =	ssyncset.done $0x0  }
0x88b: {  	s25 =	rddreg [dreg:$0xe];
	[sflag:s30] =	ssyncadd.s32 $0xFFFFE000  }
0x88c: {  	[hbm4b:s25+s8] =	stream.linear.scatter [tilespmem:s24], [sflag:$0x6], $0x2000, $0x38;
	[tilespmem:$0x1C7C8] =	vst v63  }
0x88d: {  	_ =	swait.ge [sflag:s2], $0x2000  }
0x88e: {  	[sflag:s2] =	ssyncset.done $0x0  }
0x88f: {  	s26 =	rddreg [dreg:$0xf];
	[sflag:s2] =	ssyncadd.s32 $0xFFFFE000  }
0x890: {  	[hbm4b:s26+s8] =	stream.linear.scatter [tilespmem:s10], [sflag:$0x7], $0x2000, $0x38;
	[tilespmem:$0x1C7C8] =	vst v63  }
.Ltmp13:
0x891: {  	_ = 	snop;
	(pc) =	sbr.rel @p0 .LBB2_20-.Ltmp13, $4  }
0x892: {  	_ =	swait.ge [sflag:s1], $0x40  }
0x893: {  	[sflag:s1] =	ssyncset.done $0x0  }
0x894: {  	s21 =	simm.s32 $0x17D00;
	s28 =	rddreg [dreg:$0x9];
	[sflag:s1] =	ssyncadd.s32 $0xFFFFFFC0  }
0x895: {  	[hbm4b:s28+s23] =	stream.indirect.scatter [tilespmem:s22], [sflag:$0x8], $0x1, s21, s23, $0xb8;
	[tilespmem:$0x1C7C8] =	vst v63  }
0x896: {  	v26 =	vld [tilespmem:$0x17D80];
	_ =	sdelay $0x4  }
0x897: {  	v27 =	vshll.u32 v26, $0x1  }
0x898: {  	v26 =	vand.u32 $0x7, v26;
	v27 =	vand.u32 $0xFFFFFFF0, v27  }
0x899: {  	v26 =	vor.u32 v26, v27  }
0x89a: {  	v27 =	vperm.xlane v26, v9;
	_ =	sdelay $0x1  }
0x89b: {  	v28 =	vperm.xlane v26, v11;
	v27 =	vadd.s32 v12, v27;
	_ =	sdelay $0x1  }
0x89c: {  	v29 =	vperm.xlane v26, v13;
	v28 =	vadd.s32 v12, v28;
	_ =	sdelay $0x1  }
0x89d: {  	v30 =	vperm.xlane v26, v14;
	v29 =	vadd.s32 v12, v29  }
0x89e: {  	[tilespmem:s12], [sflag:$0x3] =	stream.indirect_vreg.gather [hbm4b:s0+s8], $0x80, v27, vm0, $0xb8;
	[tilespmem:$0x1C7C8] =	vst v63  }
0x89f: {  	s18 =	simm.s32 $0xFD00;
	v46 =	vperm.xlane v26, v15;
	v27 =	vadd.s32 v12, v30  }
0x8a0: {  	[tilespmem:s18], [sflag:$0x3] =	stream.indirect_vreg.gather [hbm4b:s0+s8], $0x80, v28, vm0, $0xb8;
	[tilespmem:$0x1C7C8] =	vst v63  }
0x8a1: {  	s23 =	simm.s32 $0xFD80;
	v48 =	vperm.xlane v26, v16;
	v47 =	vadd.s32 v12, v46  }
0x8a2: {  	[tilespmem:s23], [sflag:$0x3] =	stream.indirect_vreg.gather [hbm4b:s0+s8], $0x80, v29, vm0, $0xb8;
	[tilespmem:$0x1C7C8] =	vst v63  }
0x8a3: {  	s25 =	simm.s32 $0xFE00;
	v50 =	vperm.xlane v26, v17;
	v49 =	vadd.s32 v12, v48  }
0x8a4: {  	[tilespmem:s25], [sflag:$0x3] =	stream.indirect_vreg.gather [hbm4b:s0+s8], $0x80, v27, vm0, $0xb8;
	[tilespmem:$0x1C7C8] =	vst v63  }
0x8a5: {  	s26 =	simm.s32 $0xFE80;
	v51 =	vperm.xlane v26, v10;
	v27 =	vadd.s32 v12, v50  }
0x8a6: {  	[tilespmem:s26], [sflag:$0x3] =	stream.indirect_vreg.gather [hbm4b:s0+s8], $0x80, v47, vm0, $0xb8;
	[tilespmem:$0x1C7C8] =	vst v63  }
0x8a7: {  	s28 =	simm.s32 $0xFF00;
	v53 =	vperm.xlane v26, v18;
	v52 =	vadd.s32 v12, v51  }
0x8a8: {  	[tilespmem:s28], [sflag:$0x3] =	stream.indirect_vreg.gather [hbm4b:s0+s8], $0x80, v49, vm0, $0xb8;
	[tilespmem:$0x1C7C8] =	vst v63  }
0x8a9: {  	s21 =	simm.s32 $0xFF80;
	v55 =	vperm.xlane v26, v19;
	v54 =	vadd.s32 v12, v53  }
0x8aa: {  	[tilespmem:s21], [sflag:$0x3] =	stream.indirect_vreg.gather [hbm4b:s0+s8], $0x80, v27, vm0, $0xb8;
	[tilespmem:$0x1C7C8] =	vst v63  }
0x8ab: {  	s22 =	simm.s32 $0x10000;
	v56 =	vperm.xlane v26, v20;
	v27 =	vadd.s32 v12, v55  }
0x8ac: {  	[tilespmem:s22], [sflag:$0x3] =	stream.indirect_vreg.gather [hbm4b:s0+s8], $0x80, v52, vm0, $0xb8;
	[tilespmem:$0x1C7C8] =	vst v63  }
0x8ad: {  	v58 =	vperm.xlane v26, v21;
	v57 =	vadd.s32 v12, v56;
	s23 =	simm.s32 $0x10080  }
0x8ae: {  	[tilespmem:s23], [sflag:$0x3] =	stream.indirect_vreg.gather [hbm4b:s0+s8], $0x80, v54, vm0, $0xb8;
	[tilespmem:$0x1C7C8] =	vst v63  }
0x8af: {  	v60 =	vperm.xlane v26, v22;
	v59 =	vadd.s32 v12, v58;
	s25 =	simm.s32 $0x10100  }
0x8b0: {  	[tilespmem:s25], [sflag:$0x3] =	stream.indirect_vreg.gather [hbm4b:s0+s8], $0x80, v27, vm0, $0xb8;
	[tilespmem:$0x1C7C8] =	vst v63  }
0x8b1: {  	v61 =	vperm.xlane v26, v23;
	s26 =	simm.s32 $0x10180;
	v27 =	vadd.s32 v12, v60  }
0x8b2: {  	[tilespmem:s26], [sflag:$0x3] =	stream.indirect_vreg.gather [hbm4b:s0+s8], $0x80, v57, vm0, $0xb8;
	[tilespmem:$0x1C7C8] =	vst v63  }
0x8b3: {  	v63 =	vperm.xlane v26, v24;
	v62 =	vadd.s32 v12, v61;
	s28 =	simm.s32 $0x10200  }
0x8b4: {  	[tilespmem:s28], [sflag:$0x3] =	stream.indirect_vreg.gather [hbm4b:s0+s8], $0x80, v59, vm0, $0xb8;
	[tilespmem:$0x1C7C8] =	vst v63  }
0x8b5: {  	v26 =	vperm.xlane v26, v25;
	v33 =	vadd.s32 v12, v63;
	s21 =	simm.s32 $0x10280  }
0x8b6: {  	[tilespmem:s21], [sflag:$0x3] =	stream.indirect_vreg.gather [hbm4b:s0+s8], $0x80, v27, vm0, $0xb8;
	[tilespmem:$0x1C7C8] =	vst v63  }
0x8b7: {  	v26 =	vadd.s32 v12, v26;
	s22 =	simm.s32 $0x10300  }
0x8b8: {  	[tilespmem:s22], [sflag:$0x3] =	stream.indirect_vreg.gather [hbm4b:s0+s8], $0x80, v62, vm0, $0xb8;
	[tilespmem:$0x1C7C8] =	vst v63  }
0x8b9: {  	s23 =	simm.s32 $0x10380  }
0x8ba: {  	[tilespmem:s23], [sflag:$0x3] =	stream.indirect_vreg.gather [hbm4b:s0+s8], $0x80, v33, vm0, $0xb8;
	[tilespmem:$0x1C7C8] =	vst v63  }
0x8bb: {  	s25 =	simm.s32 $0x10400  }
0x8bc: {  	[tilespmem:s25], [sflag:$0x3] =	stream.indirect_vreg.gather [hbm4b:s0+s8], $0x80, v26, vm0, $0xb8;
	[tilespmem:$0x1C7C8] =	vst v63  }
0x8bd: {  	v26 =	vld [tilespmem:$0x17D90];
	_ =	sdelay $0x4  }
0x8be: {  	v27 =	vshll.u32 v26, $0x1  }
0x8bf: {  	v26 =	vand.u32 $0x7, v26;
	v27 =	vand.u32 $0xFFFFFFF0, v27  }
0x8c0: {  	v26 =	vor.u32 v26, v27  }
0x8c1: {  	v27 =	vperm.xlane v26, v9;
	_ =	sdelay $0x1  }
0x8c2: {  	v34 =	vperm.xlane v26, v11;
	v27 =	vadd.s32 v12, v27;
	_ =	sdelay $0x1  }
0x8c3: {  	v35 =	vperm.xlane v26, v13;
	v28 =	vadd.s32 v12, v34;
	_ =	sdelay $0x1  }
0x8c4: {  	s26 =	simm.s32 $0x10480;
	v36 =	vperm.xlane v26, v14;
	v29 =	vadd.s32 v12, v35  }
0x8c5: {  	[tilespmem:s26], [sflag:$0x3] =	stream.indirect_vreg.gather [hbm4b:s0+s8], $0x80, v27, vm0, $0xb8;
	[tilespmem:$0x1C7C8] =	vst v63  }
0x8c6: {  	s28 =	simm.s32 $0x10500;
	v37 =	vperm.xlane v26, v15;
	v27 =	vadd.s32 v12, v36  }
0x8c7: {  	[tilespmem:s28], [sflag:$0x3] =	stream.indirect_vreg.gather [hbm4b:s0+s8], $0x80, v28, vm0, $0xb8;
	[tilespmem:$0x1C7C8] =	vst v63  }
0x8c8: {  	s21 =	simm.s32 $0x10580;
	v39 =	vperm.xlane v26, v16;
	v38 =	vadd.s32 v12, v37  }
0x8c9: {  	[tilespmem:s21], [sflag:$0x3] =	stream.indirect_vreg.gather [hbm4b:s0+s8], $0x80, v29, vm0, $0xb8;
	[tilespmem:$0x1C7C8] =	vst v63  }
0x8ca: {  	s22 =	simm.s32 $0x10600;
	v41 =	vperm.xlane v26, v17;
	v40 =	vadd.s32 v12, v39  }
0x8cb: {  	[tilespmem:s22], [sflag:$0x3] =	stream.indirect_vreg.gather [hbm4b:s0+s8], $0x80, v27, vm0, $0xb8;
	[tilespmem:$0x1C7C8] =	vst v63  }
0x8cc: {  	s23 =	simm.s32 $0x10680;
	v42 =	vperm.xlane v26, v10;
	v27 =	vadd.s32 v12, v41  }
0x8cd: {  	[tilespmem:s23], [sflag:$0x3] =	stream.indirect_vreg.gather [hbm4b:s0+s8], $0x80, v38, vm0, $0xb8;
	[tilespmem:$0x1C7C8] =	vst v63  }
0x8ce: {  	s25 =	simm.s32 $0x10700;
	v44 =	vperm.xlane v26, v18;
	v43 =	vadd.s32 v12, v42  }
0x8cf: {  	[tilespmem:s25], [sflag:$0x3] =	stream.indirect_vreg.gather [hbm4b:s0+s8], $0x80, v40, vm0, $0xb8;
	[tilespmem:$0x1C7C8] =	vst v63  }
0x8d0: {  	v46 =	vperm.xlane v26, v19;
	v45 =	vadd.s32 v12, v44;
	s26 =	simm.s32 $0x10780  }
0x8d1: {  	[tilespmem:s26], [sflag:$0x3] =	stream.indirect_vreg.gather [hbm4b:s0+s8], $0x80, v27, vm0, $0xb8;
	[tilespmem:$0x1C7C8] =	vst v63  }
0x8d2: {  	v47 =	vperm.xlane v26, v20;
	s28 =	simm.s32 $0x10800;
	v27 =	vadd.s32 v12, v46  }
0x8d3: {  	[tilespmem:s28], [sflag:$0x3] =	stream.indirect_vreg.gather [hbm4b:s0+s8], $0x80, v43, vm0, $0xb8;
	[tilespmem:$0x1C7C8] =	vst v63  }
0x8d4: {  	v49 =	vperm.xlane v26, v21;
	v48 =	vadd.s32 v12, v47;
	s21 =	simm.s32 $0x10880  }
0x8d5: {  	[tilespmem:s21], [sflag:$0x3] =	stream.indirect_vreg.gather [hbm4b:s0+s8], $0x80, v45, vm0, $0xb8;
	[tilespmem:$0x1C7C8] =	vst v63  }
0x8d6: {  	v51 =	vperm.xlane v26, v22;
	v50 =	vadd.s32 v12, v49;
	s22 =	simm.s32 $0x10900  }
0x8d7: {  	[tilespmem:s22], [sflag:$0x3] =	stream.indirect_vreg.gather [hbm4b:s0+s8], $0x80, v27, vm0, $0xb8;
	[tilespmem:$0x1C7C8] =	vst v63  }
0x8d8: {  	v52 =	vperm.xlane v26, v23;
	s23 =	simm.s32 $0x10980;
	v27 =	vadd.s32 v12, v51  }
0x8d9: {  	[tilespmem:s23], [sflag:$0x3] =	stream.indirect_vreg.gather [hbm4b:s0+s8], $0x80, v48, vm0, $0xb8;
	[tilespmem:$0x1C7C8] =	vst v63  }
0x8da: {  	v54 =	vperm.xlane v26, v24;
	v53 =	vadd.s32 v12, v52;
	s25 =	simm.s32 $0x10A00  }
0x8db: {  	[tilespmem:s25], [sflag:$0x3] =	stream.indirect_vreg.gather [hbm4b:s0+s8], $0x80, v50, vm0, $0xb8;
	[tilespmem:$0x1C7C8] =	vst v63  }
0x8dc: {  	v26 =	vperm.xlane v26, v25;
	v55 =	vadd.s32 v12, v54;
	s26 =	simm.s32 $0x10A80  }
0x8dd: {  	[tilespmem:s26], [sflag:$0x3] =	stream.indirect_vreg.gather [hbm4b:s0+s8], $0x80, v27, vm0, $0xb8;
	[tilespmem:$0x1C7C8] =	vst v63  }
0x8de: {  	v26 =	vadd.s32 v12, v26;
	s28 =	simm.s32 $0x10B00  }
0x8df: {  	[tilespmem:s28], [sflag:$0x3] =	stream.indirect_vreg.gather [hbm4b:s0+s8], $0x80, v53, vm0, $0xb8;
	[tilespmem:$0x1C7C8] =	vst v63  }
0x8e0: {  	s21 =	simm.s32 $0x10B80  }
0x8e1: {  	[tilespmem:s21], [sflag:$0x3] =	stream.indirect_vreg.gather [hbm4b:s0+s8], $0x80, v55, vm0, $0xb8;
	[tilespmem:$0x1C7C8] =	vst v63  }
0x8e2: {  	s22 =	simm.s32 $0x10C00  }
0x8e3: {  	[tilespmem:s22], [sflag:$0x3] =	stream.indirect_vreg.gather [hbm4b:s0+s8], $0x80, v26, vm0, $0xb8;
	[tilespmem:$0x1C7C8] =	vst v63  }
0x8e4: {  	v26 =	vld [tilespmem:$0x17DA0];
	_ =	sdelay $0x4  }
0x8e5: {  	v27 =	vshll.u32 v26, $0x1  }
0x8e6: {  	v26 =	vand.u32 $0x7, v26;
	v27 =	vand.u32 $0xFFFFFFF0, v27  }
0x8e7: {  	v26 =	vor.u32 v26, v27  }
0x8e8: {  	v27 =	vperm.xlane v26, v9;
	_ =	sdelay $0x1  }
0x8e9: {  	v56 =	vperm.xlane v26, v11;
	v27 =	vadd.s32 v12, v27;
	_ =	sdelay $0x1  }
0x8ea: {  	v57 =	vperm.xlane v26, v13;
	v28 =	vadd.s32 v12, v56;
	_ =	sdelay $0x1  }
0x8eb: {  	s23 =	simm.s32 $0x10C80;
	v58 =	vperm.xlane v26, v14;
	v29 =	vadd.s32 v12, v57  }
0x8ec: {  	[tilespmem:s23], [sflag:$0x3] =	stream.indirect_vreg.gather [hbm4b:s0+s8], $0x80, v27, vm0, $0xb8;
	[tilespmem:$0x1C7C8] =	vst v63  }
0x8ed: {  	s25 =	simm.s32 $0x10D00;
	v59 =	vperm.xlane v26, v15;
	v27 =	vadd.s32 v12, v58  }
0x8ee: {  	[tilespmem:s25], [sflag:$0x3] =	stream.indirect_vreg.gather [hbm4b:s0+s8], $0x80, v28, vm0, $0xb8;
	[tilespmem:$0x1C7C8] =	vst v63  }
0x8ef: {  	s26 =	simm.s32 $0x10D80;
	v61 =	vperm.xlane v26, v16;
	v60 =	vadd.s32 v12, v59  }
0x8f0: {  	[tilespmem:s26], [sflag:$0x3] =	stream.indirect_vreg.gather [hbm4b:s0+s8], $0x80, v29, vm0, $0xb8;
	[tilespmem:$0x1C7C8] =	vst v63  }
0x8f1: {  	s28 =	simm.s32 $0x10E00;
	v63 =	vperm.xlane v26, v17;
	v62 =	vadd.s32 v12, v61  }
0x8f2: {  	[tilespmem:s28], [sflag:$0x3] =	stream.indirect_vreg.gather [hbm4b:s0+s8], $0x80, v27, vm0, $0xb8;
	[tilespmem:$0x1C7C8] =	vst v63  }
0x8f3: {  	s21 =	simm.s32 $0x10E80;
	v33 =	vperm.xlane v26, v10;
	v27 =	vadd.s32 v12, v63  }
0x8f4: {  	[tilespmem:s21], [sflag:$0x3] =	stream.indirect_vreg.gather [hbm4b:s0+s8], $0x80, v60, vm0, $0xb8;
	[tilespmem:$0x1C7C8] =	vst v63  }
0x8f5: {  	s22 =	simm.s32 $0x10F00;
	v35 =	vperm.xlane v26, v18;
	v34 =	vadd.s32 v12, v33  }
0x8f6: {  	[tilespmem:s22], [sflag:$0x3] =	stream.indirect_vreg.gather [hbm4b:s0+s8], $0x80, v62, vm0, $0xb8;
	[tilespmem:$0x1C7C8] =	vst v63  }
0x8f7: {  	v37 =	vperm.xlane v26, v19;
	v36 =	vadd.s32 v12, v35;
	s23 =	simm.s32 $0x10F80  }
0x8f8: {  	[tilespmem:s23], [sflag:$0x3] =	stream.indirect_vreg.gather [hbm4b:s0+s8], $0x80, v27, vm0, $0xb8;
	[tilespmem:$0x1C7C8] =	vst v63  }
0x8f9: {  	v38 =	vperm.xlane v26, v20;
	s25 =	simm.s32 $0x11000;
	v27 =	vadd.s32 v12, v37  }
0x8fa: {  	[tilespmem:s25], [sflag:$0x3] =	stream.indirect_vreg.gather [hbm4b:s0+s8], $0x80, v34, vm0, $0xb8;
	[tilespmem:$0x1C7C8] =	vst v63  }
0x8fb: {  	v40 =	vperm.xlane v26, v21;
	v39 =	vadd.s32 v12, v38;
	s26 =	simm.s32 $0x11080  }
0x8fc: {  	[tilespmem:s26], [sflag:$0x3] =	stream.indirect_vreg.gather [hbm4b:s0+s8], $0x80, v36, vm0, $0xb8;
	[tilespmem:$0x1C7C8] =	vst v63  }
0x8fd: {  	v42 =	vperm.xlane v26, v22;
	v41 =	vadd.s32 v12, v40;
	s28 =	simm.s32 $0x11100  }
0x8fe: {  	[tilespmem:s28], [sflag:$0x3] =	stream.indirect_vreg.gather [hbm4b:s0+s8], $0x80, v27, vm0, $0xb8;
	[tilespmem:$0x1C7C8] =	vst v63  }
0x8ff: {  	v43 =	vperm.xlane v26, v23;
	s21 =	simm.s32 $0x11180;
	v27 =	vadd.s32 v12, v42  }
0x900: {  	[tilespmem:s21], [sflag:$0x3] =	stream.indirect_vreg.gather [hbm4b:s0+s8], $0x80, v39, vm0, $0xb8;
	[tilespmem:$0x1C7C8] =	vst v63  }
0x901: {  	v45 =	vperm.xlane v26, v24;
	v44 =	vadd.s32 v12, v43;
	s22 =	simm.s32 $0x11200  }
0x902: {  	[tilespmem:s22], [sflag:$0x3] =	stream.indirect_vreg.gather [hbm4b:s0+s8], $0x80, v41, vm0, $0xb8;
	[tilespmem:$0x1C7C8] =	vst v63  }
0x903: {  	v26 =	vperm.xlane v26, v25;
	v46 =	vadd.s32 v12, v45;
	s23 =	simm.s32 $0x11280  }
0x904: {  	[tilespmem:s23], [sflag:$0x3] =	stream.indirect_vreg.gather [hbm4b:s0+s8], $0x80, v27, vm0, $0xb8;
	[tilespmem:$0x1C7C8] =	vst v63  }
0x905: {  	v26 =	vadd.s32 v12, v26;
	s25 =	simm.s32 $0x11300  }
0x906: {  	[tilespmem:s25], [sflag:$0x3] =	stream.indirect_vreg.gather [hbm4b:s0+s8], $0x80, v44, vm0, $0xb8;
	[tilespmem:$0x1C7C8] =	vst v63  }
0x907: {  	s26 =	simm.s32 $0x11380  }
0x908: {  	[tilespmem:s26], [sflag:$0x3] =	stream.indirect_vreg.gather [hbm4b:s0+s8], $0x80, v46, vm0, $0xb8;
	[tilespmem:$0x1C7C8] =	vst v63  }
0x909: {  	s28 =	simm.s32 $0x11400  }
0x90a: {  	[tilespmem:s28], [sflag:$0x3] =	stream.indirect_vreg.gather [hbm4b:s0+s8], $0x80, v26, vm0, $0xb8;
	[tilespmem:$0x1C7C8] =	vst v63  }
0x90b: {  	v26 =	vld [tilespmem:$0x17DB0];
	_ =	sdelay $0x4  }
0x90c: {  	v27 =	vshll.u32 v26, $0x1  }
0x90d: {  	v26 =	vand.u32 $0x7, v26;
	v27 =	vand.u32 $0xFFFFFFF0, v27  }
0x90e: {  	v26 =	vor.u32 v26, v27  }
0x90f: {  	v27 =	vperm.xlane v26, v9;
	_ =	sdelay $0x1  }
0x910: {  	v47 =	vperm.xlane v26, v11;
	v27 =	vadd.s32 v12, v27;
	_ =	sdelay $0x1  }
0x911: {  	v48 =	vperm.xlane v26, v13;
	v28 =	vadd.s32 v12, v47;
	_ =	sdelay $0x1  }
0x912: {  	s21 =	simm.s32 $0x11480;
	v49 =	vperm.xlane v26, v14;
	v29 =	vadd.s32 v12, v48  }
0x913: {  	[tilespmem:s21], [sflag:$0x3] =	stream.indirect_vreg.gather [hbm4b:s0+s8], $0x80, v27, vm0, $0xb8;
	[tilespmem:$0x1C7C8] =	vst v63  }
0x914: {  	s22 =	simm.s32 $0x11500;
	v50 =	vperm.xlane v26, v15;
	v27 =	vadd.s32 v12, v49  }
0x915: {  	[tilespmem:s22], [sflag:$0x3] =	stream.indirect_vreg.gather [hbm4b:s0+s8], $0x80, v28, vm0, $0xb8;
	[tilespmem:$0x1C7C8] =	vst v63  }
0x916: {  	s23 =	simm.s32 $0x11580;
	v52 =	vperm.xlane v26, v16;
	v51 =	vadd.s32 v12, v50  }
0x917: {  	[tilespmem:s23], [sflag:$0x3] =	stream.indirect_vreg.gather [hbm4b:s0+s8], $0x80, v29, vm0, $0xb8;
	[tilespmem:$0x1C7C8] =	vst v63  }
0x918: {  	s25 =	simm.s32 $0x11600;
	v54 =	vperm.xlane v26, v17;
	v53 =	vadd.s32 v12, v52  }
0x919: {  	[tilespmem:s25], [sflag:$0x3] =	stream.indirect_vreg.gather [hbm4b:s0+s8], $0x80, v27, vm0, $0xb8;
	[tilespmem:$0x1C7C8] =	vst v63  }
0x91a: {  	s26 =	simm.s32 $0x11680;
	v55 =	vperm.xlane v26, v10;
	v27 =	vadd.s32 v12, v54  }
0x91b: {  	[tilespmem:s26], [sflag:$0x3] =	stream.indirect_vreg.gather [hbm4b:s0+s8], $0x80, v51, vm0, $0xb8;
	[tilespmem:$0x1C7C8] =	vst v63  }
0x91c: {  	s28 =	simm.s32 $0x11700;
	v57 =	vperm.xlane v26, v18;
	v56 =	vadd.s32 v12, v55  }
0x91d: {  	[tilespmem:s28], [sflag:$0x3] =	stream.indirect_vreg.gather [hbm4b:s0+s8], $0x80, v53, vm0, $0xb8;
	[tilespmem:$0x1C7C8] =	vst v63  }
0x91e: {  	v59 =	vperm.xlane v26, v19;
	v58 =	vadd.s32 v12, v57;
	s21 =	simm.s32 $0x11780  }
0x91f: {  	[tilespmem:s21], [sflag:$0x3] =	stream.indirect_vreg.gather [hbm4b:s0+s8], $0x80, v27, vm0, $0xb8;
	[tilespmem:$0x1C7C8] =	vst v63  }
0x920: {  	v60 =	vperm.xlane v26, v20;
	s22 =	simm.s32 $0x11800;
	v27 =	vadd.s32 v12, v59  }
0x921: {  	[tilespmem:s22], [sflag:$0x3] =	stream.indirect_vreg.gather [hbm4b:s0+s8], $0x80, v56, vm0, $0xb8;
	[tilespmem:$0x1C7C8] =	vst v63  }
0x922: {  	v62 =	vperm.xlane v26, v21;
	v61 =	vadd.s32 v12, v60;
	s23 =	simm.s32 $0x11880  }
0x923: {  	[tilespmem:s23], [sflag:$0x3] =	stream.indirect_vreg.gather [hbm4b:s0+s8], $0x80, v58, vm0, $0xb8;
	[tilespmem:$0x1C7C8] =	vst v63  }
0x924: {  	v33 =	vperm.xlane v26, v22;
	v63 =	vadd.s32 v12, v62;
	s25 =	simm.s32 $0x11900  }
0x925: {  	[tilespmem:s25], [sflag:$0x3] =	stream.indirect_vreg.gather [hbm4b:s0+s8], $0x80, v27, vm0, $0xb8;
	[tilespmem:$0x1C7C8] =	vst v63  }
0x926: {  	v34 =	vperm.xlane v26, v23;
	s26 =	simm.s32 $0x11980;
	v27 =	vadd.s32 v12, v33  }
0x927: {  	[tilespmem:s26], [sflag:$0x3] =	stream.indirect_vreg.gather [hbm4b:s0+s8], $0x80, v61, vm0, $0xb8;
	[tilespmem:$0x1C7C8] =	vst v63  }
0x928: {  	v36 =	vperm.xlane v26, v24;
	v35 =	vadd.s32 v12, v34;
	s28 =	simm.s32 $0x11A00  }
0x929: {  	[tilespmem:s28], [sflag:$0x3] =	stream.indirect_vreg.gather [hbm4b:s0+s8], $0x80, v63, vm0, $0xb8;
	[tilespmem:$0x1C7C8] =	vst v63  }
0x92a: {  	v26 =	vperm.xlane v26, v25;
	v37 =	vadd.s32 v12, v36;
	s21 =	simm.s32 $0x11A80  }
0x92b: {  	[tilespmem:s21], [sflag:$0x3] =	stream.indirect_vreg.gather [hbm4b:s0+s8], $0x80, v27, vm0, $0xb8;
	[tilespmem:$0x1C7C8] =	vst v63  }
0x92c: {  	v26 =	vadd.s32 v12, v26;
	s22 =	simm.s32 $0x11B00  }
0x92d: {  	[tilespmem:s22], [sflag:$0x3] =	stream.indirect_vreg.gather [hbm4b:s0+s8], $0x80, v35, vm0, $0xb8;
	[tilespmem:$0x1C7C8] =	vst v63  }
0x92e: {  	s23 =	simm.s32 $0x11B80  }
0x92f: {  	[tilespmem:s23], [sflag:$0x3] =	stream.indirect_vreg.gather [hbm4b:s0+s8], $0x80, v37, vm0, $0xb8;
	[tilespmem:$0x1C7C8] =	vst v63  }
0x930: {  	s25 =	simm.s32 $0x11C00  }
0x931: {  	[tilespmem:s25], [sflag:$0x3] =	stream.indirect_vreg.gather [hbm4b:s0+s8], $0x80, v26, vm0, $0xb8;
	[tilespmem:$0x1C7C8] =	vst v63  }
0x932: {  	v26 =	vld [tilespmem:$0x17D80];
	_ =	sdelay $0x4  }
0x933: {  	v27 =	vshll.u32 v26, $0x1  }
0x934: {  	v26 =	vand.u32 $0x7, v26;
	v27 =	vand.u32 $0xFFFFFFF0, v27  }
0x935: {  	v26 =	vor.u32 v26, v27  }
0x936: {  	v27 =	vperm.xlane v26, v9;
	_ =	sdelay $0x1  }
0x937: {  	v38 =	vperm.xlane v26, v11;
	v27 =	vadd.s32 v12, v27;
	_ =	sdelay $0x1  }
0x938: {  	v39 =	vperm.xlane v26, v13;
	v28 =	vadd.s32 v12, v38;
	_ =	sdelay $0x1  }
0x939: {  	v40 =	vperm.xlane v26, v14;
	v29 =	vadd.s32 v12, v39  }
0x93a: {  	[tilespmem:s13], [sflag:$0x4] =	stream.indirect_vreg.gather [hbm4b:s16+s8], $0x80, v27, vm0, $0xb8;
	[tilespmem:$0x1C7C8] =	vst v63  }
0x93b: {  	s26 =	simm.s32 $0x13D00;
	v41 =	vperm.xlane v26, v15;
	v27 =	vadd.s32 v12, v40  }
0x93c: {  	[tilespmem:s26], [sflag:$0x4] =	stream.indirect_vreg.gather [hbm4b:s16+s8], $0x80, v28, vm0, $0xb8;
	[tilespmem:$0x1C7C8] =	vst v63  }
0x93d: {  	s28 =	simm.s32 $0x13D80;
	v43 =	vperm.xlane v26, v16;
	v42 =	vadd.s32 v12, v41  }
0x93e: {  	[tilespmem:s28], [sflag:$0x4] =	stream.indirect_vreg.gather [hbm4b:s16+s8], $0x80, v29, vm0, $0xb8;
	[tilespmem:$0x1C7C8] =	vst v63  }
0x93f: {  	s21 =	simm.s32 $0x13E00;
	v45 =	vperm.xlane v26, v17;
	v44 =	vadd.s32 v12, v43  }
0x940: {  	[tilespmem:s21], [sflag:$0x4] =	stream.indirect_vreg.gather [hbm4b:s16+s8], $0x80, v27, vm0, $0xb8;
	[tilespmem:$0x1C7C8] =	vst v63  }
0x941: {  	s22 =	simm.s32 $0x13E80;
	v46 =	vperm.xlane v26, v10;
	v27 =	vadd.s32 v12, v45  }
0x942: {  	[tilespmem:s22], [sflag:$0x4] =	stream.indirect_vreg.gather [hbm4b:s16+s8], $0x80, v42, vm0, $0xb8;
	[tilespmem:$0x1C7C8] =	vst v63  }
0x943: {  	s23 =	simm.s32 $0x13F00;
	v48 =	vperm.xlane v26, v18;
	v47 =	vadd.s32 v12, v46  }
0x944: {  	[tilespmem:s23], [sflag:$0x4] =	stream.indirect_vreg.gather [hbm4b:s16+s8], $0x80, v44, vm0, $0xb8;
	[tilespmem:$0x1C7C8] =	vst v63  }
0x945: {  	s25 =	simm.s32 $0x13F80;
	v50 =	vperm.xlane v26, v19;
	v49 =	vadd.s32 v12, v48  }
0x946: {  	[tilespmem:s25], [sflag:$0x4] =	stream.indirect_vreg.gather [hbm4b:s16+s8], $0x80, v27, vm0, $0xb8;
	[tilespmem:$0x1C7C8] =	vst v63  }
0x947: {  	v51 =	vperm.xlane v26, v20;
	s26 =	simm.s32 $0x14000;
	v27 =	vadd.s32 v12, v50  }
0x948: {  	[tilespmem:s26], [sflag:$0x4] =	stream.indirect_vreg.gather [hbm4b:s16+s8], $0x80, v47, vm0, $0xb8;
	[tilespmem:$0x1C7C8] =	vst v63  }
0x949: {  	v53 =	vperm.xlane v26, v21;
	v52 =	vadd.s32 v12, v51;
	s28 =	simm.s32 $0x14080  }
0x94a: {  	[tilespmem:s28], [sflag:$0x4] =	stream.indirect_vreg.gather [hbm4b:s16+s8], $0x80, v49, vm0, $0xb8;
	[tilespmem:$0x1C7C8] =	vst v63  }
0x94b: {  	v55 =	vperm.xlane v26, v22;
	v54 =	vadd.s32 v12, v53;
	s21 =	simm.s32 $0x14100  }
0x94c: {  	[tilespmem:s21], [sflag:$0x4] =	stream.indirect_vreg.gather [hbm4b:s16+s8], $0x80, v27, vm0, $0xb8;
	[tilespmem:$0x1C7C8] =	vst v63  }
0x94d: {  	v56 =	vperm.xlane v26, v23;
	s22 =	simm.s32 $0x14180;
	v27 =	vadd.s32 v12, v55  }
0x94e: {  	[tilespmem:s22], [sflag:$0x4] =	stream.indirect_vreg.gather [hbm4b:s16+s8], $0x80, v52, vm0, $0xb8;
	[tilespmem:$0x1C7C8] =	vst v63  }
0x94f: {  	v58 =	vperm.xlane v26, v24;
	v57 =	vadd.s32 v12, v56;
	s23 =	simm.s32 $0x14200  }
0x950: {  	[tilespmem:s23], [sflag:$0x4] =	stream.indirect_vreg.gather [hbm4b:s16+s8], $0x80, v54, vm0, $0xb8;
	[tilespmem:$0x1C7C8] =	vst v63  }
0x951: {  	v26 =	vperm.xlane v26, v25;
	v59 =	vadd.s32 v12, v58;
	s25 =	simm.s32 $0x14280  }
0x952: {  	[tilespmem:s25], [sflag:$0x4] =	stream.indirect_vreg.gather [hbm4b:s16+s8], $0x80, v27, vm0, $0xb8;
	[tilespmem:$0x1C7C8] =	vst v63  }
0x953: {  	v26 =	vadd.s32 v12, v26;
	s26 =	simm.s32 $0x14300  }
0x954: {  	[tilespmem:s26], [sflag:$0x4] =	stream.indirect_vreg.gather [hbm4b:s16+s8], $0x80, v57, vm0, $0xb8;
	[tilespmem:$0x1C7C8] =	vst v63  }
0x955: {  	s28 =	simm.s32 $0x14380  }
0x956: {  	[tilespmem:s28], [sflag:$0x4] =	stream.indirect_vreg.gather [hbm4b:s16+s8], $0x80, v59, vm0, $0xb8;
	[tilespmem:$0x1C7C8] =	vst v63  }
0x957: {  	s21 =	simm.s32 $0x14400  }
0x958: {  	[tilespmem:s21], [sflag:$0x4] =	stream.indirect_vreg.gather [hbm4b:s16+s8], $0x80, v26, vm0, $0xb8;
	[tilespmem:$0x1C7C8] =	vst v63  }
0x959: {  	v26 =	vld [tilespmem:$0x17D90];
	_ =	sdelay $0x4  }
0x95a: {  	v27 =	vshll.u32 v26, $0x1  }
0x95b: {  	v26 =	vand.u32 $0x7, v26;
	v27 =	vand.u32 $0xFFFFFFF0, v27  }
0x95c: {  	v26 =	vor.u32 v26, v27  }
0x95d: {  	v27 =	vperm.xlane v26, v9;
	_ =	sdelay $0x1  }
0x95e: {  	v60 =	vperm.xlane v26, v11;
	v27 =	vadd.s32 v12, v27;
	_ =	sdelay $0x1  }
0x95f: {  	v61 =	vperm.xlane v26, v13;
	v28 =	vadd.s32 v12, v60;
	_ =	sdelay $0x1  }
0x960: {  	s22 =	simm.s32 $0x14480;
	v62 =	vperm.xlane v26, v14;
	v29 =	vadd.s32 v12, v61  }
0x961: {  	[tilespmem:s22], [sflag:$0x4] =	stream.indirect_vreg.gather [hbm4b:s16+s8], $0x80, v27, vm0, $0xb8;
	[tilespmem:$0x1C7C8] =	vst v63  }
0x962: {  	s23 =	simm.s32 $0x14500;
	v63 =	vperm.xlane v26, v15;
	v27 =	vadd.s32 v12, v62  }
0x963: {  	[tilespmem:s23], [sflag:$0x4] =	stream.indirect_vreg.gather [hbm4b:s16+s8], $0x80, v28, vm0, $0xb8;
	[tilespmem:$0x1C7C8] =	vst v63  }
0x964: {  	s25 =	simm.s32 $0x14580;
	v34 =	vperm.xlane v26, v16;
	v33 =	vadd.s32 v12, v63  }
0x965: {  	[tilespmem:s25], [sflag:$0x4] =	stream.indirect_vreg.gather [hbm4b:s16+s8], $0x80, v29, vm0, $0xb8;
	[tilespmem:$0x1C7C8] =	vst v63  }
0x966: {  	s26 =	simm.s32 $0x14600;
	v36 =	vperm.xlane v26, v17;
	v35 =	vadd.s32 v12, v34  }
0x967: {  	[tilespmem:s26], [sflag:$0x4] =	stream.indirect_vreg.gather [hbm4b:s16+s8], $0x80, v27, vm0, $0xb8;
	[tilespmem:$0x1C7C8] =	vst v63  }
0x968: {  	s28 =	simm.s32 $0x14680;
	v37 =	vperm.xlane v26, v10;
	v27 =	vadd.s32 v12, v36  }
0x969: {  	[tilespmem:s28], [sflag:$0x4] =	stream.indirect_vreg.gather [hbm4b:s16+s8], $0x80, v33, vm0, $0xb8;
	[tilespmem:$0x1C7C8] =	vst v63  }
0x96a: {  	s21 =	simm.s32 $0x14700;
	v39 =	vperm.xlane v26, v18;
	v38 =	vadd.s32 v12, v37  }
0x96b: {  	[tilespmem:s21], [sflag:$0x4] =	stream.indirect_vreg.gather [hbm4b:s16+s8], $0x80, v35, vm0, $0xb8;
	[tilespmem:$0x1C7C8] =	vst v63  }
0x96c: {  	v41 =	vperm.xlane v26, v19;
	v40 =	vadd.s32 v12, v39;
	s22 =	simm.s32 $0x14780  }
0x96d: {  	[tilespmem:s22], [sflag:$0x4] =	stream.indirect_vreg.gather [hbm4b:s16+s8], $0x80, v27, vm0, $0xb8;
	[tilespmem:$0x1C7C8] =	vst v63  }
0x96e: {  	v42 =	vperm.xlane v26, v20;
	s23 =	simm.s32 $0x14800;
	v27 =	vadd.s32 v12, v41  }
0x96f: {  	[tilespmem:s23], [sflag:$0x4] =	stream.indirect_vreg.gather [hbm4b:s16+s8], $0x80, v38, vm0, $0xb8;
	[tilespmem:$0x1C7C8] =	vst v63  }
0x970: {  	v44 =	vperm.xlane v26, v21;
	v43 =	vadd.s32 v12, v42;
	s25 =	simm.s32 $0x14880  }
0x971: {  	[tilespmem:s25], [sflag:$0x4] =	stream.indirect_vreg.gather [hbm4b:s16+s8], $0x80, v40, vm0, $0xb8;
	[tilespmem:$0x1C7C8] =	vst v63  }
0x972: {  	v46 =	vperm.xlane v26, v22;
	v45 =	vadd.s32 v12, v44;
	s26 =	simm.s32 $0x14900  }
0x973: {  	[tilespmem:s26], [sflag:$0x4] =	stream.indirect_vreg.gather [hbm4b:s16+s8], $0x80, v27, vm0, $0xb8;
	[tilespmem:$0x1C7C8] =	vst v63  }
0x974: {  	v47 =	vperm.xlane v26, v23;
	s28 =	simm.s32 $0x14980;
	v27 =	vadd.s32 v12, v46  }
0x975: {  	[tilespmem:s28], [sflag:$0x4] =	stream.indirect_vreg.gather [hbm4b:s16+s8], $0x80, v43, vm0, $0xb8;
	[tilespmem:$0x1C7C8] =	vst v63  }
0x976: {  	v49 =	vperm.xlane v26, v24;
	v48 =	vadd.s32 v12, v47;
	s21 =	simm.s32 $0x14A00  }
0x977: {  	[tilespmem:s21], [sflag:$0x4] =	stream.indirect_vreg.gather [hbm4b:s16+s8], $0x80, v45, vm0, $0xb8;
	[tilespmem:$0x1C7C8] =	vst v63  }
0x978: {  	v26 =	vperm.xlane v26, v25;
	v50 =	vadd.s32 v12, v49;
	s22 =	simm.s32 $0x14A80  }
0x979: {  	[tilespmem:s22], [sflag:$0x4] =	stream.indirect_vreg.gather [hbm4b:s16+s8], $0x80, v27, vm0, $0xb8;
	[tilespmem:$0x1C7C8] =	vst v63  }
0x97a: {  	v26 =	vadd.s32 v12, v26;
	s23 =	simm.s32 $0x14B00  }
0x97b: {  	[tilespmem:s23], [sflag:$0x4] =	stream.indirect_vreg.gather [hbm4b:s16+s8], $0x80, v48, vm0, $0xb8;
	[tilespmem:$0x1C7C8] =	vst v63  }
0x97c: {  	s25 =	simm.s32 $0x14B80  }
0x97d: {  	[tilespmem:s25], [sflag:$0x4] =	stream.indirect_vreg.gather [hbm4b:s16+s8], $0x80, v50, vm0, $0xb8;
	[tilespmem:$0x1C7C8] =	vst v63  }
0x97e: {  	s26 =	simm.s32 $0x14C00  }
0x97f: {  	[tilespmem:s26], [sflag:$0x4] =	stream.indirect_vreg.gather [hbm4b:s16+s8], $0x80, v26, vm0, $0xb8;
	[tilespmem:$0x1C7C8] =	vst v63  }
0x980: {  	v26 =	vld [tilespmem:$0x17DA0];
	_ =	sdelay $0x4  }
0x981: {  	v27 =	vshll.u32 v26, $0x1  }
0x982: {  	v26 =	vand.u32 $0x7, v26;
	v27 =	vand.u32 $0xFFFFFFF0, v27  }
0x983: {  	v26 =	vor.u32 v26, v27  }
0x984: {  	v27 =	vperm.xlane v26, v9;
	_ =	sdelay $0x1  }
0x985: {  	v51 =	vperm.xlane v26, v11;
	v27 =	vadd.s32 v12, v27;
	_ =	sdelay $0x1  }
0x986: {  	v52 =	vperm.xlane v26, v13;
	v28 =	vadd.s32 v12, v51;
	_ =	sdelay $0x1  }
0x987: {  	s28 =	simm.s32 $0x14C80;
	v53 =	vperm.xlane v26, v14;
	v29 =	vadd.s32 v12, v52  }
0x988: {  	[tilespmem:s28], [sflag:$0x4] =	stream.indirect_vreg.gather [hbm4b:s16+s8], $0x80, v27, vm0, $0xb8;
	[tilespmem:$0x1C7C8] =	vst v63  }
0x989: {  	s21 =	simm.s32 $0x14D00;
	v54 =	vperm.xlane v26, v15;
	v27 =	vadd.s32 v12, v53  }
0x98a: {  	[tilespmem:s21], [sflag:$0x4] =	stream.indirect_vreg.gather [hbm4b:s16+s8], $0x80, v28, vm0, $0xb8;
	[tilespmem:$0x1C7C8] =	vst v63  }
0x98b: {  	s22 =	simm.s32 $0x14D80;
	v56 =	vperm.xlane v26, v16;
	v55 =	vadd.s32 v12, v54  }
0x98c: {  	[tilespmem:s22], [sflag:$0x4] =	stream.indirect_vreg.gather [hbm4b:s16+s8], $0x80, v29, vm0, $0xb8;
	[tilespmem:$0x1C7C8] =	vst v63  }
0x98d: {  	s23 =	simm.s32 $0x14E00;
	v58 =	vperm.xlane v26, v17;
	v57 =	vadd.s32 v12, v56  }
0x98e: {  	[tilespmem:s23], [sflag:$0x4] =	stream.indirect_vreg.gather [hbm4b:s16+s8], $0x80, v27, vm0, $0xb8;
	[tilespmem:$0x1C7C8] =	vst v63  }
0x98f: {  	s25 =	simm.s32 $0x14E80;
	v59 =	vperm.xlane v26, v10;
	v27 =	vadd.s32 v12, v58  }
0x990: {  	[tilespmem:s25], [sflag:$0x4] =	stream.indirect_vreg.gather [hbm4b:s16+s8], $0x80, v55, vm0, $0xb8;
	[tilespmem:$0x1C7C8] =	vst v63  }
0x991: {  	s26 =	simm.s32 $0x14F00;
	v61 =	vperm.xlane v26, v18;
	v60 =	vadd.s32 v12, v59  }
0x992: {  	[tilespmem:s26], [sflag:$0x4] =	stream.indirect_vreg.gather [hbm4b:s16+s8], $0x80, v57, vm0, $0xb8;
	[tilespmem:$0x1C7C8] =	vst v63  }
0x993: {  	v63 =	vperm.xlane v26, v19;
	v62 =	vadd.s32 v12, v61;
	s28 =	simm.s32 $0x14F80  }
0x994: {  	[tilespmem:s28], [sflag:$0x4] =	stream.indirect_vreg.gather [hbm4b:s16+s8], $0x80, v27, vm0, $0xb8;
	[tilespmem:$0x1C7C8] =	vst v63  }
0x995: {  	v33 =	vperm.xlane v26, v20;
	s21 =	simm.s32 $0x15000;
	v27 =	vadd.s32 v12, v63  }
0x996: {  	[tilespmem:s21], [sflag:$0x4] =	stream.indirect_vreg.gather [hbm4b:s16+s8], $0x80, v60, vm0, $0xb8;
	[tilespmem:$0x1C7C8] =	vst v63  }
0x997: {  	v35 =	vperm.xlane v26, v21;
	v34 =	vadd.s32 v12, v33;
	s22 =	simm.s32 $0x15080  }
0x998: {  	[tilespmem:s22], [sflag:$0x4] =	stream.indirect_vreg.gather [hbm4b:s16+s8], $0x80, v62, vm0, $0xb8;
	[tilespmem:$0x1C7C8] =	vst v63  }
0x999: {  	v37 =	vperm.xlane v26, v22;
	v36 =	vadd.s32 v12, v35;
	s23 =	simm.s32 $0x15100  }
0x99a: {  	[tilespmem:s23], [sflag:$0x4] =	stream.indirect_vreg.gather [hbm4b:s16+s8], $0x80, v27, vm0, $0xb8;
	[tilespmem:$0x1C7C8] =	vst v63  }
0x99b: {  	v38 =	vperm.xlane v26, v23;
	s25 =	simm.s32 $0x15180;
	v27 =	vadd.s32 v12, v37  }
0x99c: {  	[tilespmem:s25], [sflag:$0x4] =	stream.indirect_vreg.gather [hbm4b:s16+s8], $0x80, v34, vm0, $0xb8;
	[tilespmem:$0x1C7C8] =	vst v63  }
0x99d: {  	v40 =	vperm.xlane v26, v24;
	v39 =	vadd.s32 v12, v38;
	s26 =	simm.s32 $0x15200  }
0x99e: {  	[tilespmem:s26], [sflag:$0x4] =	stream.indirect_vreg.gather [hbm4b:s16+s8], $0x80, v36, vm0, $0xb8;
	[tilespmem:$0x1C7C8] =	vst v63  }
0x99f: {  	v26 =	vperm.xlane v26, v25;
	v41 =	vadd.s32 v12, v40;
	s28 =	simm.s32 $0x15280  }
0x9a0: {  	[tilespmem:s28], [sflag:$0x4] =	stream.indirect_vreg.gather [hbm4b:s16+s8], $0x80, v27, vm0, $0xb8;
	[tilespmem:$0x1C7C8] =	vst v63  }
0x9a1: {  	v26 =	vadd.s32 v12, v26;
	s21 =	simm.s32 $0x15300  }
0x9a2: {  	[tilespmem:s21], [sflag:$0x4] =	stream.indirect_vreg.gather [hbm4b:s16+s8], $0x80, v39, vm0, $0xb8;
	[tilespmem:$0x1C7C8] =	vst v63  }
0x9a3: {  	s22 =	simm.s32 $0x15380  }
0x9a4: {  	[tilespmem:s22], [sflag:$0x4] =	stream.indirect_vreg.gather [hbm4b:s16+s8], $0x80, v41, vm0, $0xb8;
	[tilespmem:$0x1C7C8] =	vst v63  }
0x9a5: {  	s23 =	simm.s32 $0x15400  }
0x9a6: {  	[tilespmem:s23], [sflag:$0x4] =	stream.indirect_vreg.gather [hbm4b:s16+s8], $0x80, v26, vm0, $0xb8;
	[tilespmem:$0x1C7C8] =	vst v63  }
0x9a7: {  	v26 =	vld [tilespmem:$0x17DB0];
	_ =	sdelay $0x4  }
0x9a8: {  	v27 =	vshll.u32 v26, $0x1  }
0x9a9: {  	v26 =	vand.u32 $0x7, v26;
	v27 =	vand.u32 $0xFFFFFFF0, v27  }
0x9aa: {  	v26 =	vor.u32 v26, v27  }
0x9ab: {  	v27 =	vperm.xlane v26, v9;
	_ =	sdelay $0x1  }
0x9ac: {  	v42 =	vperm.xlane v26, v11;
	v27 =	vadd.s32 v12, v27;
	_ =	sdelay $0x1  }
0x9ad: {  	v43 =	vperm.xlane v26, v13;
	v28 =	vadd.s32 v12, v42;
	_ =	sdelay $0x1  }
0x9ae: {  	s25 =	simm.s32 $0x15480;
	v44 =	vperm.xlane v26, v14;
	v29 =	vadd.s32 v12, v43  }
0x9af: {  	[tilespmem:s25], [sflag:$0x4] =	stream.indirect_vreg.gather [hbm4b:s16+s8], $0x80, v27, vm0, $0xb8;
	[tilespmem:$0x1C7C8] =	vst v63  }
0x9b0: {  	s26 =	simm.s32 $0x15500;
	v45 =	vperm.xlane v26, v15;
	v27 =	vadd.s32 v12, v44  }
0x9b1: {  	[tilespmem:s26], [sflag:$0x4] =	stream.indirect_vreg.gather [hbm4b:s16+s8], $0x80, v28, vm0, $0xb8;
	[tilespmem:$0x1C7C8] =	vst v63  }
0x9b2: {  	s28 =	simm.s32 $0x15580;
	v47 =	vperm.xlane v26, v16;
	v46 =	vadd.s32 v12, v45  }
0x9b3: {  	[tilespmem:s28], [sflag:$0x4] =	stream.indirect_vreg.gather [hbm4b:s16+s8], $0x80, v29, vm0, $0xb8;
	[tilespmem:$0x1C7C8] =	vst v63  }
0x9b4: {  	s21 =	simm.s32 $0x15600;
	v49 =	vperm.xlane v26, v17;
	v48 =	vadd.s32 v12, v47  }
0x9b5: {  	[tilespmem:s21], [sflag:$0x4] =	stream.indirect_vreg.gather [hbm4b:s16+s8], $0x80, v27, vm0, $0xb8;
	[tilespmem:$0x1C7C8] =	vst v63  }
0x9b6: {  	s22 =	simm.s32 $0x15680;
	v50 =	vperm.xlane v26, v10;
	v27 =	vadd.s32 v12, v49  }
0x9b7: {  	[tilespmem:s22], [sflag:$0x4] =	stream.indirect_vreg.gather [hbm4b:s16+s8], $0x80, v46, vm0, $0xb8;
	[tilespmem:$0x1C7C8] =	vst v63  }
0x9b8: {  	s23 =	simm.s32 $0x15700;
	v52 =	vperm.xlane v26, v18;
	v51 =	vadd.s32 v12, v50  }
0x9b9: {  	[tilespmem:s23], [sflag:$0x4] =	stream.indirect_vreg.gather [hbm4b:s16+s8], $0x80, v48, vm0, $0xb8;
	[tilespmem:$0x1C7C8] =	vst v63  }
0x9ba: {  	v54 =	vperm.xlane v26, v19;
	v53 =	vadd.s32 v12, v52;
	s25 =	simm.s32 $0x15780  }
0x9bb: {  	[tilespmem:s25], [sflag:$0x4] =	stream.indirect_vreg.gather [hbm4b:s16+s8], $0x80, v27, vm0, $0xb8;
	[tilespmem:$0x1C7C8] =	vst v63  }
0x9bc: {  	v55 =	vperm.xlane v26, v20;
	s26 =	simm.s32 $0x15800;
	v27 =	vadd.s32 v12, v54  }
0x9bd: {  	[tilespmem:s26], [sflag:$0x4] =	stream.indirect_vreg.gather [hbm4b:s16+s8], $0x80, v51, vm0, $0xb8;
	[tilespmem:$0x1C7C8] =	vst v63  }
0x9be: {  	v57 =	vperm.xlane v26, v21;
	v56 =	vadd.s32 v12, v55;
	s28 =	simm.s32 $0x15880  }
0x9bf: {  	[tilespmem:s28], [sflag:$0x4] =	stream.indirect_vreg.gather [hbm4b:s16+s8], $0x80, v53, vm0, $0xb8;
	[tilespmem:$0x1C7C8] =	vst v63  }
0x9c0: {  	v59 =	vperm.xlane v26, v22;
	v58 =	vadd.s32 v12, v57;
	s21 =	simm.s32 $0x15900  }
0x9c1: {  	[tilespmem:s21], [sflag:$0x4] =	stream.indirect_vreg.gather [hbm4b:s16+s8], $0x80, v27, vm0, $0xb8;
	[tilespmem:$0x1C7C8] =	vst v63  }
0x9c2: {  	v60 =	vperm.xlane v26, v23;
	s22 =	simm.s32 $0x15980;
	v27 =	vadd.s32 v12, v59  }
0x9c3: {  	[tilespmem:s22], [sflag:$0x4] =	stream.indirect_vreg.gather [hbm4b:s16+s8], $0x80, v56, vm0, $0xb8;
	[tilespmem:$0x1C7C8] =	vst v63  }
0x9c4: {  	v62 =	vperm.xlane v26, v24;
	v61 =	vadd.s32 v12, v60;
	s23 =	simm.s32 $0x15A00  }
0x9c5: {  	[tilespmem:s23], [sflag:$0x4] =	stream.indirect_vreg.gather [hbm4b:s16+s8], $0x80, v58, vm0, $0xb8;
	[tilespmem:$0x1C7C8] =	vst v63  }
0x9c6: {  	v26 =	vperm.xlane v26, v25;
	v63 =	vadd.s32 v12, v62  }
0x9c7: {  	[tilespmem:s19], [sflag:$0x4] =	stream.indirect_vreg.gather [hbm4b:s16+s8], $0x80, v27, vm0, $0xb8;
	[tilespmem:$0x1C7C8] =	vst v63  }
0x9c8: {  	v26 =	vadd.s32 v12, v26  }
0x9c9: {  	[tilespmem:s20], [sflag:$0x4] =	stream.indirect_vreg.gather [hbm4b:s16+s8], $0x80, v61, vm0, $0xb8;
	[tilespmem:$0x1C7C8] =	vst v63  }
0x9ca: {  	_ = 	snop  }
0x9cb: {  	[tilespmem:s31], [sflag:$0x4] =	stream.indirect_vreg.gather [hbm4b:s16+s8], $0x80, v63, vm0, $0xb8;
	[tilespmem:$0x1C7C8] =	vst v63  }
0x9cc: {  	_ = 	snop  }
0x9cd: {  	[tilespmem:s11], [sflag:$0x4] =	stream.indirect_vreg.gather [hbm4b:s16+s8], $0x80, v26, vm0, $0xb8;
	[tilespmem:$0x1C7C8] =	vst v63  }
0x9ce: {  	_ =	swait.ge [sflag:s3], $0x2000  }
0x9cf: {  	s21 =	simm.s32 $0x400;
	[sflag:s3] =	ssyncset.done $0x0  }
0x9d0: {  	s22 =	simm.s32 $0x800;
	s25 =	rddreg [dreg:$0x10];
	[sflag:s3] =	ssyncadd.s32 $0xFFFFE000  }
0x9d1: {  	[hbm4b:s25+s21] =	stream.strided.scatter [tilespmem:s12], [sflag:$0x3], $0x2000, s22, s21, $0x38;
	[tilespmem:$0x1C7C8] =	vst v63  }
0x9d2: {  	_ =	swait.ge [sflag:s7], $0x2000  }
0x9d3: {  	[sflag:s7] =	ssyncset.done $0x0  }
0x9d4: {  	s28 =	simm.s32 $0x9;
	s26 =	rddreg [dreg:$0x11];
	[sflag:s7] =	ssyncadd.s32 $0xFFFFE000  }
0x9d5: {  	[hbm4b:s26+s21] =	stream.strided.scatter [tilespmem:s13], [sflag:$0x9], $0x2000, s22, s21, $0x38;
	[tilespmem:$0x1C7C8] =	vst v63  }
0x9d6: {  	_ =	swait.ge [sflag:s28], $0x2000  }
.Ltmp14:
0x9d7: {  	[sflag:s28] =	ssyncset.done $0x0;
	(pc) =	sbr.rel .LBB2_20-.Ltmp14, $4  }
0x9d8: {  	[sflag:s28] =	ssyncadd.s32 $0xFFFFE000  }
0x9d9: {  	_ =	swait.ge [sflag:s3], $0x2000  }
0x9da: {  	[sflag:s3] =	ssyncset.done $0x0  }
0x9db: {  	[sflag:s3] =	ssyncadd.s32 $0xFFFFE000  }
.LBB2_21:
0x9dc: {  	_ =	sfence.sel $0x180000  }
0x9dd: {  	[bflag:$0x0] =	sbarrier.arrive $0xFFFF  }
0x9de: {  	_ =	strace $0x90000047  }
0x9df: {  	s0 =	stileid.u32;
	[bflag:$0x2] =	sbarrier.arrive $0xFFFF  }
0x9e0: {  	p0 =	sne.s32 s0, $0x0;
	s0 =	rddreg [dreg:$0x7]  }
0x9e1: {  	s0 =	sadd.s32 @!p0 $0x100000, s0  }
0x9e2: {  	[sflag:s0] =	ssyncadd.tile.s32 @!p0 $0x1;
	_ =	shalt  }
.Lfunc_end2:
_tile_overlayer_lowered:
.L_overlay_start_2:
0x9e3: {  	(tag) =	ssettag $0x2  }
0x9e4: {  	s0 =	rddreg [dreg:$0x0];
	s2 =	stileid.u32  }
0x9e5: {  	s1 =	rddreg [dreg:$0x1];
	p0 =	sne.s32 s2, $0x0  }
0x9e6: {  	s3 =	rddreg [dreg:$0x2];
	[bflag:$0x3] =	sbarrier.arrive $0xFFFF;
	s2 =	simm.s32 @!p0 $0x1C09  }
0x9e7: {  	[timem:s3], [sflag:s2] =	dma.local @!p0 [hbm:s0], s1  }
0x9e8: {  	s0 =	simm.s32 @!p0 $0x9  }
0x9e9: {  	_ =	swait.ge @!p0 [sflag:s0], s1  }
0x9ea: {  	s1 =	ssub.s32 @!p0 $0x0, s1;
	[sflag:s0] =	ssyncset.done @!p0 $0x0  }
0x9eb: {  	[sflag:s0] =	ssyncadd.s32 @!p0 s1  }
0x9ec: {  	[bflag:$0x3] =	sbarrier.arrive $0xFFFF  }
0x9ed: {  	_ =	shalt  }

</sc_bundles>
